<compile_context>
chip_gen: v7x
topology: tpu7x:2x2x1
jax: 0.10.2.dev20260603
libtpu: 0.0.44.dev20260713+nightly
codegen_flags: <defaults>
</compile_context>

<pallas_src>
import functools

import jax
import jax.numpy as jnp
from jax import lax
from jax.experimental import pallas as pl
from jax.experimental.pallas import tpu as pltpu
from jax.experimental.pallas import tpu_sc as plsc

_N = 10000
_E = 320000
_D = 128
_NSUB = 16
_NW = 32
_K = 40
_EPW = _E // _NW
_NCH = _EPW // _K
_RS = 624
_R = 1000



def _each_slice(s, fn):
    fn(pl.ds(s * _RS, _RS))
    @pl.when(s == _NSUB - 1)
    def _():
        fn(pl.ds(_NSUB * _RS, _N - _NSUB * _RS))


def _make_sc_agg(nt):
    out_type = [jax.ShapeDtypeStruct((2, _N, _D), jnp.float32)
                for _ in range(nt)]
    scratch = [
        pltpu.VMEM((_NCH, _K), jnp.int32),
        pltpu.VMEM((_NCH, _K), jnp.int32),
        pltpu.VMEM((_K, _D), jnp.float32),
        pltpu.VMEM((_K, _D), jnp.float32),
        pltpu.VMEM((_K, _D), jnp.float32),
        pltpu.SemaphoreType.DMA,
        pltpu.SemaphoreType.DMA,
        pltpu.SemaphoreType.DMA,
        pltpu.SemaphoreType.DMA,
        pltpu.SemaphoreType.DMA,
        pltpu.SemaphoreType.DMA,
        pltpu.VMEM_SHARED((_N, _D), jnp.float32),
    ]

    def body(*refs):
        tables = refs[:nt]
        er, z128 = refs[nt:nt + 2]
        outs = refs[nt + 2:2 * nt + 2]
        (src_v, dst_v, b0, b1, b2,
         g0, g1, g2, x0, x1, x2, acc) = refs[2 * nt + 2:]
        c = lax.axis_index("c")
        s = lax.axis_index("s")
        w = c * _NSUB + s
        bufs = (b0, b1, b2)
        gsem = (g0, g1, g2)
        xsem = (x0, x1, x2)

        pltpu.sync_copy(er.at[0, w], src_v)
        pltpu.sync_copy(er.at[1, w], dst_v)
        _each_slice(s, lambda sl: pltpu.sync_copy(z128.at[sl], acc.at[sl]))
        plsc.subcore_barrier()

        for t in range(nt):
            table, out = tables[t], outs[t]

            def gather(j, o):
                pltpu.async_copy(table.at[src_v.at[j]], bufs[o], gsem[o])

            def gwait(o):
                pltpu.make_async_copy(table.at[src_v.at[0]], bufs[o],
                                      gsem[o]).wait()

            def scat(j, o):
                pltpu.async_copy(bufs[o], acc.at[dst_v.at[j]], xsem[o],
                                 add=True)

            def swait(o):
                pltpu.make_async_copy(bufs[o], acc.at[dst_v.at[0]],
                                      xsem[o]).wait()

            gather(0, 0)
            gather(1, 1)
            gwait(0)
            scat(0, 0)
            gather(2, 2)

            def steady(i, carry):
                for o_idx in range(3):
                    j = 3 * i + 1 + o_idx
                    o = (1 + o_idx) % 3
                    nslot = (o + 2) % 3
                    gwait(o)
                    scat(j, o)
                    @pl.when(j + 2 < _NCH)
                    def _():
                        swait(nslot)
                        gather(j + 2, nslot)
                return carry

            nst = (_NCH - 1) // 3
            lax.fori_loop(0, nst, steady, 0)
            for j in range(3 * nst + 1, _NCH):
                gwait(j % 3)
                scat(j, j % 3)
            for o in range(3):
                swait(o)
            plsc.subcore_barrier()

            def writeout(sl):
                pltpu.sync_copy(acc.at[sl], out.at[c, sl])
                if t < nt - 1:
                    pltpu.sync_copy(z128.at[sl], acc.at[sl])

            _each_slice(s, writeout)
            if t < nt - 1:
                plsc.subcore_barrier()

    mesh = plsc.VectorSubcoreMesh(core_axis_name="c", subcore_axis_name="s")
    return pl.kernel(
        body, out_type=out_type, mesh=mesh, scratch_types=scratch,
        compiler_params=pltpu.CompilerParams(use_tc_tiling_on_sc=False))


def _make_sc_deg():
    out_type = jax.ShapeDtypeStruct((2, _N, 16), jnp.float32)
    scratch = [
        pltpu.VMEM((_NCH, _K), jnp.int32),
        pltpu.VMEM((_K, 16), jnp.float32),
        pltpu.VMEM_SHARED((_N, 16), jnp.float32),
    ]

    def body(er, z16, degp, dst_v, ones_v, dega):
        c = lax.axis_index("c")
        s = lax.axis_index("s")
        w = c * _NSUB + s
        pltpu.sync_copy(er.at[1, w], dst_v)
        _each_slice(s, lambda sl: pltpu.sync_copy(z16.at[sl], dega.at[sl]))
        for i in range(_K):
            ones_v[i, :] = jnp.ones((16,), jnp.float32)
        plsc.subcore_barrier()

        def chunk(j, carry):
            pltpu.sync_copy(ones_v, dega.at[dst_v.at[j]], add=True)
            return carry

        lax.fori_loop(0, _NCH, chunk, 0)
        plsc.subcore_barrier()
        _each_slice(s, lambda sl: pltpu.sync_copy(dega.at[sl],
                                                  degp.at[c, sl]))

    mesh = plsc.VectorSubcoreMesh(core_axis_name="c", subcore_axis_name="s")
    return pl.kernel(
        body, out_type=out_type, mesh=mesh, scratch_types=scratch,
        compiler_params=pltpu.CompilerParams(use_tc_tiling_on_sc=False))


@functools.cache
def _get_agg(nt):
    return _make_sc_agg(nt)


@functools.cache
def _get_deg():
    return _make_sc_deg()



def _dot(a, b):
    return jnp.dot(a, b, preferred_element_type=jnp.float32)


def _enc_lt_body(lref, tref, wl, bl, wt, bt, o1, o2):
    o1[...] = jnp.maximum(_dot(lref[...], wl[...]) + bl[...], 0.0)
    o2[...] = jnp.maximum(_dot(tref[...], wt[...]) + bt[...], 0.0)


def _enc_lt_call(logx, tracex, wl, bl, wt, bt):
    grid = (_N // _R,)
    row = lambda i: (i, 0)
    full = lambda i: (0, 0)
    return pl.pallas_call(
        _enc_lt_body,
        grid=grid,
        in_specs=[
            pl.BlockSpec((_R, 64), row),
            pl.BlockSpec((_R, 64), row),
            pl.BlockSpec((64, _D), full),
            pl.BlockSpec((1, _D), full),
            pl.BlockSpec((64, _D), full),
            pl.BlockSpec((1, _D), full),
        ],
        out_specs=[pl.BlockSpec((_R, _D), row)] * 2,
        out_shape=[jax.ShapeDtypeStruct((_N, _D), jnp.float32)] * 2,
    )(logx, tracex, wl, bl, wt, bt)


def _enc_m_body(mref, wm, bm, o0):
    o0[...] = jnp.maximum(_dot(mref[...], wm[...]) + bm[...], 0.0)


def _enc_m_call(metric2, wm, bm):
    grid = (_N // _R,)
    row = lambda i: (i, 0)
    full = lambda i: (0, 0)
    return pl.pallas_call(
        _enc_m_body,
        grid=grid,
        in_specs=[
            pl.BlockSpec((_R, 512), row),
            pl.BlockSpec((512, _D), full),
            pl.BlockSpec((1, _D), full),
        ],
        out_specs=pl.BlockSpec((_R, _D), row),
        out_shape=jax.ShapeDtypeStruct((_N, _D), jnp.float32),
    )(metric2, wm, bm)


def _upd_body(degref, ws, wn, b, *hso):
    nm = len(hso) // 3
    hs, sps, os = hso[:nm], hso[nm:2 * nm], hso[2 * nm:]
    deg = degref[0, :, 0:1] + degref[1, :, 0:1]
    inv = 1.0 / jnp.maximum(deg, 1.0)
    for mi in range(nm):
        neigh = (sps[mi][0] + sps[mi][1]) * inv
        os[mi][...] = jnp.maximum(
            _dot(hs[mi][...], ws[mi]) + _dot(neigh, wn[mi]) + b[mi, :], 0.0)


def _upd_call(hs, sps, degp, ws, wn, bgl):
    nm = len(hs)
    grid = (_N // _R,)
    row = lambda i: (i, 0)
    prow = lambda i: (0, i, 0)
    full2 = lambda i: (0, 0)
    full3 = lambda i: (0, 0, 0)
    out = pl.pallas_call(
        _upd_body,
        grid=grid,
        in_specs=(
            [pl.BlockSpec((2, _R, 16), prow),
             pl.BlockSpec((nm, _D, _D), full3),
             pl.BlockSpec((nm, _D, _D), full3),
             pl.BlockSpec((nm, _D), full2)]
            + [pl.BlockSpec((_R, _D), row)] * nm
            + [pl.BlockSpec((2, _R, _D), prow)] * nm
        ),
        out_specs=[pl.BlockSpec((_R, _D), row)] * nm,
        out_shape=[jax.ShapeDtypeStruct((_N, _D), jnp.float32)] * nm,
    )(degp, ws, wn, bgl, *hs, *sps)
    return out


def _fusion_body(h0, h1, h2, s0, degref, ws, wn, b,
                 aw, av, wc1, bc1, wc2, bc2, wv1, bv1, wv2, bv2,
                 eref, rootref, fref, typeref, sums):
    i = pl.program_id(0)

    @pl.when(i == 0)
    def _():
        sums[...] = jnp.zeros_like(sums)

    deg = degref[0, :, 0:1] + degref[1, :, 0:1]
    inv = 1.0 / jnp.maximum(deg, 1.0)
    neigh = (s0[0] + s0[1]) * inv
    m = jnp.maximum(_dot(h0[...], ws[...]) + _dot(neigh, wn[...]) + b[...],
                    0.0)
    l, t = h1[...], h2[...]
    sums[0:1, :] = sums[0:1, :] + jnp.sum(m, axis=0, keepdims=True)
    sums[1:2, :] = sums[1:2, :] + jnp.sum(l, axis=0, keepdims=True)
    sums[2:3, :] = sums[2:3, :] + jnp.sum(t, axis=0, keepdims=True)

    def score(h):
        return jnp.sum(jnp.tanh(_dot(h, aw[...])) * av[...],
                       axis=1, keepdims=True)

    scm, scl, sct = score(m), score(l), score(t)
    mx = jnp.maximum(jnp.maximum(scm, scl), sct)
    em = jnp.exp(scm - mx)
    el = jnp.exp(scl - mx)
    et = jnp.exp(sct - mx)
    den = em + el + et
    e = (em * m + el * l + et * t) / den
    eref[...] = e
    ea = jnp.maximum(_dot(e, wv1[...]) + bv1[...], 0.0)
    rootref[...] = _dot(ea, wv2[...]) + bv2[...]

    @pl.when(i == (_N // _R) - 1)
    def _():
        fs = sums[0:3, :] * (1.0 / _N)
        fsc = jnp.sum(jnp.tanh(_dot(fs, aw[...])) * av[...],
                      axis=1, keepdims=True)
        fmx = jnp.max(fsc)
        fe = jnp.exp(fsc - fmx)
        fa = fe / jnp.sum(fe)
        f = jnp.sum(fa * fs, axis=0, keepdims=True)
        fref[...] = f
        fact = jnp.maximum(_dot(f, wc1[...]) + bc1[...], 0.0)
        typeref[...] = _dot(fact, wc2[...]) + bc2[...]


def _fusion_call(h0, h1, h2, s0, degp, ws, wn, bgl,
                 aw, av, wc1, bc1, wc2p, bc2p, wv1, bv1, wv2p, bv2p):
    grid = (_N // _R,)
    row = lambda i: (i, 0)
    prow = lambda i: (0, i, 0)
    full = lambda i: (0, 0)
    return pl.pallas_call(
        _fusion_body,
        grid=grid,
        in_specs=[
            pl.BlockSpec((_R, _D), row),
            pl.BlockSpec((_R, _D), row),
            pl.BlockSpec((_R, _D), row),
            pl.BlockSpec((2, _R, _D), prow),
            pl.BlockSpec((2, _R, 16), prow),
            pl.BlockSpec((_D, _D), full),
            pl.BlockSpec((_D, _D), full),
            pl.BlockSpec((1, _D), full),
            pl.BlockSpec((_D, 64), full),
            pl.BlockSpec((1, 64), full),
            pl.BlockSpec((_D, _D), full),
            pl.BlockSpec((1, _D), full),
            pl.BlockSpec((_D, _D), full),
            pl.BlockSpec((1, _D), full),
            pl.BlockSpec((_D, _D), full),
            pl.BlockSpec((1, _D), full),
            pl.BlockSpec((_D, _D), full),
            pl.BlockSpec((1, _D), full),
        ],
        out_specs=[
            pl.BlockSpec((_R, _D), row),
            pl.BlockSpec((_R, _D), row),
            pl.BlockSpec((1, _D), full),
            pl.BlockSpec((1, _D), full),
        ],
        out_shape=[
            jax.ShapeDtypeStruct((_N, _D), jnp.float32),
            jax.ShapeDtypeStruct((_N, _D), jnp.float32),
            jax.ShapeDtypeStruct((1, _D), jnp.float32),
            jax.ShapeDtypeStruct((1, _D), jnp.float32),
        ],
        scratch_shapes=[pltpu.VMEM((8, _D), jnp.float32)],
    )(h0, h1, h2, s0, degp, ws, wn, bgl,
      aw, av, wc1, bc1, wc2p, bc2p, wv1, bv1, wv2p, bv2p)



def kernel(metric, log, trace, edge_index, W_metric, b_metric, W_log, b_log,
           W_trace, b_trace, Wg_self, Wg_neigh, bg, att_W, att_v,
           Wc1, bc1, Wc2, bc2, Wv1, bv1, Wv2, bv2):
    n = metric.shape[0]
    er = edge_index.reshape(2, _NW, _NCH, _K)
    z128 = jnp.zeros((n, _D), jnp.float32)
    z16 = jnp.zeros((n, 16), jnp.float32)
    degp = _get_deg()(er, z16)

    h1, h2 = _enc_lt_call(log, trace, W_log, b_log.reshape(1, -1),
                          W_trace, b_trace.reshape(1, -1))
    s1a, s2a = _get_agg(2)(h1, h2, er, z128)
    metric_b, _ = lax.optimization_barrier((metric, h1))
    h0 = _enc_m_call(metric_b.reshape(n, -1), W_metric,
                     b_metric.reshape(1, -1))
    (s0a,) = _get_agg(1)(h0, er, z128)
    h1, h2 = _upd_call([h1, h2], [s1a, s2a], degp,
                       Wg_self[1:, 0], Wg_neigh[1:, 0], bg[1:, 0])
    s1, s2 = _get_agg(2)(h1, h2, er, z128)
    (h0,) = _upd_call([h0], [s0a], degp,
                      Wg_self[0:1, 0], Wg_neigh[0:1, 0], bg[0:1, 0])
    (s0,) = _get_agg(1)(h0, er, z128)
    h1, h2 = _upd_call([h1, h2], [s1, s2], degp,
                       Wg_self[1:, 1], Wg_neigh[1:, 1], bg[1:, 1])

    wc2p = jnp.zeros((_D, _D), jnp.float32).at[:, :Wc2.shape[1]].set(Wc2)
    bc2p = jnp.zeros((1, _D), jnp.float32).at[0, :bc2.shape[0]].set(bc2)
    wv2p = jnp.zeros((_D, _D), jnp.float32).at[:, :Wv2.shape[1]].set(Wv2)
    bv2p = jnp.zeros((1, _D), jnp.float32).at[0, :bv2.shape[0]].set(bv2)

    e, root128, f1, type1 = _fusion_call(
        h0, h1, h2, s0, degp,
        Wg_self[0, 1], Wg_neigh[0, 1], bg[0, 1].reshape(1, -1),
        att_W, att_v.reshape(1, -1),
        Wc1, bc1.reshape(1, -1), wc2p, bc2p,
        Wv1, bv1.reshape(1, -1), wv2p, bv2p)

    root_logit = root128[:, :1]
    type_logit = type1[0, :Wc2.shape[1]]
    return (root_logit, type_logit, f1[0], e)

# --- scband reference (transcript-rebuilt; emitter-appended) ---
"""Pipeline reference for scband-main-model-72808285602380 (READ-ONLY COPY).

The authoritative reference and input builder live on the scoring server;
editing this copy changes nothing except your own understanding.
"""

import jax, jax.numpy as jnp
import numpy as np

N = 10000
E = 320000
D = 128
METRIC_C = 8
SEQ_LEN = 64
LOG_DIM = 64
TRACE_DIM = 64
HID = 64
FT_NUM = 10
LAYERS = 2
MODS = 3


def setup_inputs(seed: int = 0) -> dict:
    key = jax.random.key(seed)
    ks = jax.random.split(key, 24)
    s = 0.05
    inp = {}
    # forward inputs (node features per modality + graph structure)
    inp["metric"] = jax.random.normal(ks[0], (N, METRIC_C, SEQ_LEN), dtype=jnp.float32)
    inp["log"] = jax.random.normal(ks[1], (N, LOG_DIM), dtype=jnp.float32)
    inp["trace"] = jax.random.normal(ks[2], (N, TRACE_DIM), dtype=jnp.float32)
    inp["edge_index"] = jax.random.randint(ks[3], (2, E), 0, N, dtype=jnp.int32)
    # MultiModalEncoder params
    inp["W_metric"] = jax.random.normal(ks[4], (METRIC_C * SEQ_LEN, D), dtype=jnp.float32) * s
    inp["b_metric"] = jnp.zeros((D,), dtype=jnp.float32)
    inp["W_log"] = jax.random.normal(ks[5], (LOG_DIM, D), dtype=jnp.float32) * s
    inp["b_log"] = jnp.zeros((D,), dtype=jnp.float32)
    inp["W_trace"] = jax.random.normal(ks[6], (TRACE_DIM, D), dtype=jnp.float32) * s
    inp["b_trace"] = jnp.zeros((D,), dtype=jnp.float32)
    # per-modality GraphSAGE (mean aggregator) params, stacked [modality, layer, D, D]
    inp["Wg_self"] = jax.random.normal(ks[7], (MODS, LAYERS, D, D), dtype=jnp.float32) * s
    inp["Wg_neigh"] = jax.random.normal(ks[8], (MODS, LAYERS, D, D), dtype=jnp.float32) * s
    inp["bg"] = jnp.zeros((MODS, LAYERS, D), dtype=jnp.float32)
    # adaptive modal fusion (attention) params
    inp["att_W"] = jax.random.normal(ks[9], (D, HID), dtype=jnp.float32) * s
    inp["att_v"] = jax.random.normal(ks[10], (HID,), dtype=jnp.float32) * s
    # type classifier (graph-level FTI head)
    inp["Wc1"] = jax.random.normal(ks[11], (D, D), dtype=jnp.float32) * s
    inp["bc1"] = jnp.zeros((D,), dtype=jnp.float32)
    inp["Wc2"] = jax.random.normal(ks[12], (D, FT_NUM), dtype=jnp.float32) * s
    inp["bc2"] = jnp.zeros((FT_NUM,), dtype=jnp.float32)
    # locator / voter (node-level RCL head)
    inp["Wv1"] = jax.random.normal(ks[13], (D, D), dtype=jnp.float32) * s
    inp["bv1"] = jnp.zeros((D,), dtype=jnp.float32)
    inp["Wv2"] = jax.random.normal(ks[14], (D, 1), dtype=jnp.float32) * s
    inp["bv2"] = jnp.zeros((1,), dtype=jnp.float32)
    return inp


def reference(metric, log, trace, edge_index, W_metric, b_metric, W_log, b_log,
              W_trace, b_trace, Wg_self, Wg_neigh, bg, att_W, att_v,
              Wc1, bc1, Wc2, bc2, Wv1, bv1, Wv2, bv2):
    n = metric.shape[0]
    # --- MultiModalEncoder: raw modality signals -> shared embedding dim ---
    m_emb = jax.nn.relu(metric.reshape(n, -1) @ W_metric + b_metric)
    l_emb = jax.nn.relu(log @ W_log + b_log)
    t_emb = jax.nn.relu(trace @ W_trace + b_trace)
    embs = [m_emb, l_emb, t_emb]
    # --- per-modality GraphEncoder: GraphSAGE with mean aggregator ---
    src = edge_index[0]
    dst = edge_index[1]
    deg = jax.ops.segment_sum(jnp.ones_like(src, dtype=jnp.float32), dst, num_segments=n)
    deg = jnp.clip(deg, 1.0)[:, None]
    es = []  # node-level embeddings per modality
    fs = []  # graph-level readout per modality
    for mi in range(MODS):
        h = embs[mi]
        for li in range(Wg_self.shape[1]):
            neigh = jax.ops.segment_sum(h[src], dst, num_segments=n) / deg
            h = jax.nn.relu(h @ Wg_self[mi, li] + neigh @ Wg_neigh[mi, li] + bg[mi, li])
        es.append(h)
        fs.append(jnp.mean(h, axis=0))
    # --- AdaptiveModalFusion: attention-weighted fusion over modalities ---
    e_stack = jnp.stack(es)              # [MODS, N, D]
    f_stack = jnp.stack(fs)              # [MODS, D]
    e_scores = jnp.tanh(e_stack @ att_W) @ att_v   # [MODS, N] (RCL attention)
    e_alpha = jax.nn.softmax(e_scores, axis=0)
    e = jnp.sum(e_alpha[:, :, None] * e_stack, axis=0)  # [N, D]
    f_scores = jnp.tanh(f_stack @ att_W) @ att_v   # [MODS]  (FTI attention)
    f_alpha = jax.nn.softmax(f_scores, axis=0)
    f = jnp.sum(f_alpha[:, None] * f_stack, axis=0)      # [D]
    # --- heads ---
    type_logit = jax.nn.relu(f @ Wc1 + bc1) @ Wc2 + bc2   # [FT_NUM]
    root_logit = jax.nn.relu(e @ Wv1 + bv1) @ Wv2 + bv2   # [N, 1]
    return (root_logit, type_logit, f, e)

if __name__ == "__main__":
    import jax
    _d = setup_inputs()
    print(jax.jit(kernel)(*tuple(_d.values())))

</pallas_src>

<mosaic_0001>
#map = affine_map<(d0, d1) -> (0, 0)>
#map1 = affine_map<(d0, d1) -> (0, 0, 0, 0)>
#map2 = affine_map<(d0, d1) -> (0, 0, 0)>
module attributes {stable_mosaic.version = 14 : i64} {
  func.func @body(%arg0: i32, %arg1: i32, %arg2: memref<10000x128xf32, #tpu.memory_space<hbm>>, %arg3: memref<10000x128xf32, #tpu.memory_space<hbm>>, %arg4: memref<2x32x250x40xi32, #tpu.memory_space<hbm>>, %arg5: memref<10000x128xf32, #tpu.memory_space<hbm>>, %arg6: memref<2x10000x128xf32, #tpu.memory_space<hbm>>, %arg7: memref<2x10000x128xf32, #tpu.memory_space<hbm>>, %arg8: memref<250x40xi32, #tpu.memory_space<vmem>>, %arg9: memref<250x40xi32, #tpu.memory_space<vmem>>, %arg10: memref<40x128xf32, #tpu.memory_space<vmem>>, %arg11: memref<40x128xf32, #tpu.memory_space<vmem>>, %arg12: memref<40x128xf32, #tpu.memory_space<vmem>>, %arg13: memref<!tpu.dma_semaphore, #tpu.memory_space<semaphore_mem>>, %arg14: memref<!tpu.dma_semaphore, #tpu.memory_space<semaphore_mem>>, %arg15: memref<!tpu.dma_semaphore, #tpu.memory_space<semaphore_mem>>, %arg16: memref<!tpu.dma_semaphore, #tpu.memory_space<semaphore_mem>>, %arg17: memref<!tpu.dma_semaphore, #tpu.memory_space<semaphore_mem>>, %arg18: memref<!tpu.dma_semaphore, #tpu.memory_space<semaphore_mem>>, %arg19: memref<10000x128xf32, #tpu.memory_space<vmem_shared>>) attributes {dimension_semantics = [#tpu.dimension_semantics<core_parallel>, #tpu.dimension_semantics<subcore_parallel>], iteration_bounds = array<i64: 2, 16>, scalar_prefetch = 0 : i64, scratch_operands = 12 : i64, tpu.core_type = #tpu.core_type<sc_vector_subcore>, window_params = [{transform_indices = #map}, {transform_indices = #map}, {transform_indices = #map1}, {transform_indices = #map}, {transform_indices = #map2}, {transform_indices = #map2}]} {
    %mul3A = arith.constant 16 : i32
    %mul3A_0 = arith.muli %arg0, %mul3A : i32
    %add3A = arith.addi %mul3A_0, %arg1 : i32
    %run_scoped3A = arith.constant 0 : i32
    "tpu.region"() ({
      %run_scoped3A_144 = tpu.sem_alloc : memref<!tpu.dma_semaphore, #tpu.memory_space<semaphore_mem>>
      %dma_start3A_145 = arith.constant 0 : i32
      %dma_start3A_146 = arith.constant 0 : i32
      %dma_start3A_147 = tpu.memref_slice %arg4[%run_scoped3A, %add3A, %dma_start3A_145, %dma_start3A_146] : memref<2x32x250x40xi32, #tpu.memory_space<hbm>> -> memref<1x1x250x40xi32, #tpu.memory_space<hbm>>
      %dma_start3A_148 = tpu.memref_squeeze %dma_start3A_147 : memref<1x1x250x40xi32, #tpu.memory_space<hbm>> -> memref<250x40xi32, #tpu.memory_space<hbm>>
      %dma_start3A_149 = arith.constant 0 : i32
      %dma_start3A_150 = arith.constant 0 : i32
      %dma_start3A_151 = tpu.memref_slice %arg4[%run_scoped3A, %add3A, %dma_start3A_149, %dma_start3A_150] : memref<2x32x250x40xi32, #tpu.memory_space<hbm>> -> memref<1x1x250x40xi32, #tpu.memory_space<hbm>>
      %dma_start3A_152 = tpu.memref_squeeze %dma_start3A_151 : memref<1x1x250x40xi32, #tpu.memory_space<hbm>> -> memref<250x40xi32, #tpu.memory_space<hbm>>
      tpu.enqueue_dma source(%dma_start3A_152 : memref<250x40xi32, #tpu.memory_space<hbm>>) target(%arg8 : memref<250x40xi32, #tpu.memory_space<vmem>>) target_semaphore(%run_scoped3A_144 : memref<!tpu.dma_semaphore, #tpu.memory_space<semaphore_mem>>)
      %dma_wait3A_153 = arith.constant 0 : i32
      %dma_wait3A_154 = arith.constant 0 : i32
      %dma_wait3A_155 = tpu.memref_slice %arg4[%run_scoped3A, %add3A, %dma_wait3A_153, %dma_wait3A_154] : memref<2x32x250x40xi32, #tpu.memory_space<hbm>> -> memref<1x1x250x40xi32, #tpu.memory_space<hbm>>
      %dma_wait3A_156 = tpu.memref_squeeze %dma_wait3A_155 : memref<1x1x250x40xi32, #tpu.memory_space<hbm>> -> memref<250x40xi32, #tpu.memory_space<hbm>>
      %dma_wait3A_157 = arith.constant 0 : i32
      %dma_wait3A_158 = arith.constant 0 : i32
      %dma_wait3A_159 = tpu.memref_slice %arg4[%run_scoped3A, %add3A, %dma_wait3A_157, %dma_wait3A_158] : memref<2x32x250x40xi32, #tpu.memory_space<hbm>> -> memref<1x1x250x40xi32, #tpu.memory_space<hbm>>
      %dma_wait3A_160 = tpu.memref_squeeze %dma_wait3A_159 : memref<1x1x250x40xi32, #tpu.memory_space<hbm>> -> memref<250x40xi32, #tpu.memory_space<hbm>>
      tpu.wait_dma2 semaphore(%run_scoped3A_144 : memref<!tpu.dma_semaphore, #tpu.memory_space<semaphore_mem>>) src(%dma_wait3A_160 : memref<250x40xi32, #tpu.memory_space<hbm>>) dst(%arg8 : memref<250x40xi32, #tpu.memory_space<vmem>>)
      tpu.yield
    }) : () -> ()
    %run_scoped3A_1 = arith.constant 1 : i32
    "tpu.region"() ({
      %run_scoped3A_144 = tpu.sem_alloc : memref<!tpu.dma_semaphore, #tpu.memory_space<semaphore_mem>>
      %dma_start3A_145 = arith.constant 0 : i32
      %dma_start3A_146 = arith.constant 0 : i32
      %dma_start3A_147 = tpu.memref_slice %arg4[%run_scoped3A_1, %add3A, %dma_start3A_145, %dma_start3A_146] : memref<2x32x250x40xi32, #tpu.memory_space<hbm>> -> memref<1x1x250x40xi32, #tpu.memory_space<hbm>>
      %dma_start3A_148 = tpu.memref_squeeze %dma_start3A_147 : memref<1x1x250x40xi32, #tpu.memory_space<hbm>> -> memref<250x40xi32, #tpu.memory_space<hbm>>
      %dma_start3A_149 = arith.constant 0 : i32
      %dma_start3A_150 = arith.constant 0 : i32
      %dma_start3A_151 = tpu.memref_slice %arg4[%run_scoped3A_1, %add3A, %dma_start3A_149, %dma_start3A_150] : memref<2x32x250x40xi32, #tpu.memory_space<hbm>> -> memref<1x1x250x40xi32, #tpu.memory_space<hbm>>
      %dma_start3A_152 = tpu.memref_squeeze %dma_start3A_151 : memref<1x1x250x40xi32, #tpu.memory_space<hbm>> -> memref<250x40xi32, #tpu.memory_space<hbm>>
      tpu.enqueue_dma source(%dma_start3A_152 : memref<250x40xi32, #tpu.memory_space<hbm>>) target(%arg9 : memref<250x40xi32, #tpu.memory_space<vmem>>) target_semaphore(%run_scoped3A_144 : memref<!tpu.dma_semaphore, #tpu.memory_space<semaphore_mem>>)
      %dma_wait3A_153 = arith.constant 0 : i32
      %dma_wait3A_154 = arith.constant 0 : i32
      %dma_wait3A_155 = tpu.memref_slice %arg4[%run_scoped3A_1, %add3A, %dma_wait3A_153, %dma_wait3A_154] : memref<2x32x250x40xi32, #tpu.memory_space<hbm>> -> memref<1x1x250x40xi32, #tpu.memory_space<hbm>>
      %dma_wait3A_156 = tpu.memref_squeeze %dma_wait3A_155 : memref<1x1x250x40xi32, #tpu.memory_space<hbm>> -> memref<250x40xi32, #tpu.memory_space<hbm>>
      %dma_wait3A_157 = arith.constant 0 : i32
      %dma_wait3A_158 = arith.constant 0 : i32
      %dma_wait3A_159 = tpu.memref_slice %arg4[%run_scoped3A_1, %add3A, %dma_wait3A_157, %dma_wait3A_158] : memref<2x32x250x40xi32, #tpu.memory_space<hbm>> -> memref<1x1x250x40xi32, #tpu.memory_space<hbm>>
      %dma_wait3A_160 = tpu.memref_squeeze %dma_wait3A_159 : memref<1x1x250x40xi32, #tpu.memory_space<hbm>> -> memref<250x40xi32, #tpu.memory_space<hbm>>
      tpu.wait_dma2 semaphore(%run_scoped3A_144 : memref<!tpu.dma_semaphore, #tpu.memory_space<semaphore_mem>>) src(%dma_wait3A_160 : memref<250x40xi32, #tpu.memory_space<hbm>>) dst(%arg9 : memref<250x40xi32, #tpu.memory_space<vmem>>)
      tpu.yield
    }) : () -> ()
    %mul3A_2 = arith.constant 624 : i32
    %mul3A_3 = arith.muli %arg1, %mul3A_2 : i32
    "tpu.region"() ({
      %run_scoped3A_144 = tpu.sem_alloc : memref<!tpu.dma_semaphore, #tpu.memory_space<semaphore_mem>>
      %dma_start3A_145 = arith.constant 0 : i32
      %dma_start3A_146 = tpu.memref_slice %arg19[%mul3A_3, %dma_start3A_145] : memref<10000x128xf32, #tpu.memory_space<vmem_shared>> -> memref<624x128xf32, #tpu.memory_space<vmem_shared>>
      %dma_start3A_147 = arith.constant 0 : i32
      %dma_start3A_148 = tpu.memref_slice %arg5[%mul3A_3, %dma_start3A_147] : memref<10000x128xf32, #tpu.memory_space<hbm>> -> memref<624x128xf32, #tpu.memory_space<hbm>>
      tpu.enqueue_dma source(%dma_start3A_148 : memref<624x128xf32, #tpu.memory_space<hbm>>) target(%dma_start3A_146 : memref<624x128xf32, #tpu.memory_space<vmem_shared>>) target_semaphore(%run_scoped3A_144 : memref<!tpu.dma_semaphore, #tpu.memory_space<semaphore_mem>>)
      %dma_wait3A_149 = arith.constant 0 : i32
      %dma_wait3A_150 = tpu.memref_slice %arg19[%mul3A_3, %dma_wait3A_149] : memref<10000x128xf32, #tpu.memory_space<vmem_shared>> -> memref<624x128xf32, #tpu.memory_space<vmem_shared>>
      %dma_wait3A_151 = arith.constant 0 : i32
      %dma_wait3A_152 = tpu.memref_slice %arg5[%mul3A_3, %dma_wait3A_151] : memref<10000x128xf32, #tpu.memory_space<hbm>> -> memref<624x128xf32, #tpu.memory_space<hbm>>
      tpu.wait_dma2 semaphore(%run_scoped3A_144 : memref<!tpu.dma_semaphore, #tpu.memory_space<semaphore_mem>>) src(%dma_wait3A_152 : memref<624x128xf32, #tpu.memory_space<hbm>>) dst(%dma_wait3A_150 : memref<624x128xf32, #tpu.memory_space<vmem_shared>>)
      tpu.yield
    }) : () -> ()
    %eq3A = arith.constant 15 : i32
    %eq3A_4 = arith.cmpi eq, %arg1, %eq3A : i32
    %convert_element_type3A = arith.extui %eq3A_4 : i1 to i32
    %cond3A = arith.constant 0 : i32
    %cond3A_5 = arith.cmpi ne, %convert_element_type3A, %cond3A : i32
    scf.if %cond3A_5 {
      "tpu.region"() ({
        %run_scoped3A_144 = tpu.sem_alloc : memref<!tpu.dma_semaphore, #tpu.memory_space<semaphore_mem>>
        %dma_start3A_145 = arith.constant 9984 : i32
        %dma_start3A_146 = arith.constant 0 : i32
        %dma_start3A_147 = tpu.memref_slice %arg19[%dma_start3A_145, %dma_start3A_146] : memref<10000x128xf32, #tpu.memory_space<vmem_shared>> -> memref<16x128xf32, #tpu.memory_space<vmem_shared>>
        %dma_start3A_148 = arith.constant 9984 : i32
        %dma_start3A_149 = arith.constant 0 : i32
        %dma_start3A_150 = tpu.memref_slice %arg5[%dma_start3A_148, %dma_start3A_149] : memref<10000x128xf32, #tpu.memory_space<hbm>> -> memref<16x128xf32, #tpu.memory_space<hbm>>
        tpu.enqueue_dma source(%dma_start3A_150 : memref<16x128xf32, #tpu.memory_space<hbm>>) target(%dma_start3A_147 : memref<16x128xf32, #tpu.memory_space<vmem_shared>>) target_semaphore(%run_scoped3A_144 : memref<!tpu.dma_semaphore, #tpu.memory_space<semaphore_mem>>)
        %dma_wait3A_151 = arith.constant 9984 : i32
        %dma_wait3A_152 = arith.constant 0 : i32
        %dma_wait3A_153 = tpu.memref_slice %arg19[%dma_wait3A_151, %dma_wait3A_152] : memref<10000x128xf32, #tpu.memory_space<vmem_shared>> -> memref<16x128xf32, #tpu.memory_space<vmem_shared>>
        %dma_wait3A_154 = arith.constant 9984 : i32
        %dma_wait3A_155 = arith.constant 0 : i32
        %dma_wait3A_156 = tpu.memref_slice %arg5[%dma_wait3A_154, %dma_wait3A_155] : memref<10000x128xf32, #tpu.memory_space<hbm>> -> memref<16x128xf32, #tpu.memory_space<hbm>>
        tpu.wait_dma2 semaphore(%run_scoped3A_144 : memref<!tpu.dma_semaphore, #tpu.memory_space<semaphore_mem>>) src(%dma_wait3A_156 : memref<16x128xf32, #tpu.memory_space<hbm>>) dst(%dma_wait3A_153 : memref<16x128xf32, #tpu.memory_space<vmem_shared>>)
        tpu.yield
      }) : () -> ()
    } else {
    }
    %barrier3A = arith.constant 0 : index
    tpu.barrier barrier_id(%barrier3A)
    %dma_start3A = arith.constant 0 : i32
    %dma_start3A_6 = arith.constant 0 : i32
    %dma_start3A_7 = tpu.memref_slice %arg8[%dma_start3A, %dma_start3A_6] : memref<250x40xi32, #tpu.memory_space<vmem>> -> memref<1x40xi32, #tpu.memory_space<vmem>>
    %dma_start3A_8 = tpu.memref_squeeze %dma_start3A_7 : memref<1x40xi32, #tpu.memory_space<vmem>> -> memref<40xi32, #tpu.memory_space<vmem>>
    %dma_start3A_9 = arith.constant 0 : i32
    %dma_start3A_10 = arith.constant 0 : i32
    %dma_start3A_11 = tpu.memref_slice %arg2[%dma_start3A_9, %dma_start3A_10] : memref<10000x128xf32, #tpu.memory_space<hbm>> -> memref<10000x128xf32, #tpu.memory_space<hbm>>
    tpu.enqueue_indirect_dma source(%dma_start3A_11 : memref<10000x128xf32, #tpu.memory_space<hbm>>) target(%arg10 : memref<40x128xf32, #tpu.memory_space<vmem>>) offsets(%dma_start3A_8 : memref<40xi32, #tpu.memory_space<vmem>>) semaphore(%arg13 : memref<!tpu.dma_semaphore, #tpu.memory_space<semaphore_mem>>)
    %dma_start3A_12 = arith.constant 1 : i32
    %dma_start3A_13 = arith.constant 0 : i32
    %dma_start3A_14 = tpu.memref_slice %arg8[%dma_start3A_12, %dma_start3A_13] : memref<250x40xi32, #tpu.memory_space<vmem>> -> memref<1x40xi32, #tpu.memory_space<vmem>>
    %dma_start3A_15 = tpu.memref_squeeze %dma_start3A_14 : memref<1x40xi32, #tpu.memory_space<vmem>> -> memref<40xi32, #tpu.memory_space<vmem>>
    %dma_start3A_16 = arith.constant 0 : i32
    %dma_start3A_17 = arith.constant 0 : i32
    %dma_start3A_18 = tpu.memref_slice %arg2[%dma_start3A_16, %dma_start3A_17] : memref<10000x128xf32, #tpu.memory_space<hbm>> -> memref<10000x128xf32, #tpu.memory_space<hbm>>
    tpu.enqueue_indirect_dma source(%dma_start3A_18 : memref<10000x128xf32, #tpu.memory_space<hbm>>) target(%arg11 : memref<40x128xf32, #tpu.memory_space<vmem>>) offsets(%dma_start3A_15 : memref<40xi32, #tpu.memory_space<vmem>>) semaphore(%arg14 : memref<!tpu.dma_semaphore, #tpu.memory_space<semaphore_mem>>)
    %dma_wait3A = arith.constant 0 : i32
    %dma_wait3A_19 = arith.constant 0 : i32
    %dma_wait3A_20 = tpu.memref_slice %arg8[%dma_wait3A, %dma_wait3A_19] : memref<250x40xi32, #tpu.memory_space<vmem>> -> memref<1x40xi32, #tpu.memory_space<vmem>>
    %dma_wait3A_21 = tpu.memref_squeeze %dma_wait3A_20 : memref<1x40xi32, #tpu.memory_space<vmem>> -> memref<40xi32, #tpu.memory_space<vmem>>
    %dma_wait3A_22 = arith.constant 0 : i32
    %dma_wait3A_23 = arith.constant 0 : i32
    %dma_wait3A_24 = tpu.memref_slice %arg2[%dma_wait3A_22, %dma_wait3A_23] : memref<10000x128xf32, #tpu.memory_space<hbm>> -> memref<10000x128xf32, #tpu.memory_space<hbm>>
    tpu.wait_indirect_dma semaphore(%arg13 : memref<!tpu.dma_semaphore, #tpu.memory_space<semaphore_mem>>) src(%dma_wait3A_24 : memref<10000x128xf32, #tpu.memory_space<hbm>>) dst(%arg10 : memref<40x128xf32, #tpu.memory_space<vmem>>)
    %dma_start3A_25 = arith.constant 0 : i32
    %dma_start3A_26 = arith.constant 0 : i32
    %dma_start3A_27 = tpu.memref_slice %arg9[%dma_start3A_25, %dma_start3A_26] : memref<250x40xi32, #tpu.memory_space<vmem>> -> memref<1x40xi32, #tpu.memory_space<vmem>>
    %dma_start3A_28 = tpu.memref_squeeze %dma_start3A_27 : memref<1x40xi32, #tpu.memory_space<vmem>> -> memref<40xi32, #tpu.memory_space<vmem>>
    %dma_start3A_29 = arith.constant 0 : i32
    %dma_start3A_30 = arith.constant 0 : i32
    %dma_start3A_31 = tpu.memref_slice %arg19[%dma_start3A_29, %dma_start3A_30] : memref<10000x128xf32, #tpu.memory_space<vmem_shared>> -> memref<10000x128xf32, #tpu.memory_space<vmem_shared>>
    tpu.enqueue_indirect_dma source(%arg10 : memref<40x128xf32, #tpu.memory_space<vmem>>) target(%dma_start3A_31 : memref<10000x128xf32, #tpu.memory_space<vmem_shared>>) offsets(%dma_start3A_28 : memref<40xi32, #tpu.memory_space<vmem>>) semaphore(%arg16 : memref<!tpu.dma_semaphore, #tpu.memory_space<semaphore_mem>>) {add = true}
    %dma_start3A_32 = arith.constant 2 : i32
    %dma_start3A_33 = arith.constant 0 : i32
    %dma_start3A_34 = tpu.memref_slice %arg8[%dma_start3A_32, %dma_start3A_33] : memref<250x40xi32, #tpu.memory_space<vmem>> -> memref<1x40xi32, #tpu.memory_space<vmem>>
    %dma_start3A_35 = tpu.memref_squeeze %dma_start3A_34 : memref<1x40xi32, #tpu.memory_space<vmem>> -> memref<40xi32, #tpu.memory_space<vmem>>
    %dma_start3A_36 = arith.constant 0 : i32
    %dma_start3A_37 = arith.constant 0 : i32
    %dma_start3A_38 = tpu.memref_slice %arg2[%dma_start3A_36, %dma_start3A_37] : memref<10000x128xf32, #tpu.memory_space<hbm>> -> memref<10000x128xf32, #tpu.memory_space<hbm>>
    tpu.enqueue_indirect_dma source(%dma_start3A_38 : memref<10000x128xf32, #tpu.memory_space<hbm>>) target(%arg12 : memref<40x128xf32, #tpu.memory_space<vmem>>) offsets(%dma_start3A_35 : memref<40xi32, #tpu.memory_space<vmem>>) semaphore(%arg15 : memref<!tpu.dma_semaphore, #tpu.memory_space<semaphore_mem>>)
    %scan3A = arith.constant 0 : i32
    %scan3A_39 = arith.constant 0 : i32
    %scan3A_40 = arith.constant 83 : i32
    %scan3A_41 = arith.addi %scan3A_39, %scan3A_40 : i32
    %scan3A_42 = arith.constant 1 : i32
    scf.for %scan3A_144 = %scan3A_39 to %scan3A_41 step %scan3A_42  : i32 {
      %mul3A_145 = arith.constant 3 : i32
      %mul3A_146 = arith.muli %mul3A_145, %scan3A_144 : i32
      %add3A_147 = arith.constant 1 : i32
      %add3A_148 = arith.addi %mul3A_146, %add3A_147 : i32
      %add3A_149 = arith.constant 0 : i32
      %add3A_150 = arith.addi %add3A_148, %add3A_149 : i32
      %dma_wait3A_151 = arith.constant 0 : i32
      %dma_wait3A_152 = arith.constant 0 : i32
      %dma_wait3A_153 = tpu.memref_slice %arg8[%dma_wait3A_151, %dma_wait3A_152] : memref<250x40xi32, #tpu.memory_space<vmem>> -> memref<1x40xi32, #tpu.memory_space<vmem>>
      %dma_wait3A_154 = tpu.memref_squeeze %dma_wait3A_153 : memref<1x40xi32, #tpu.memory_space<vmem>> -> memref<40xi32, #tpu.memory_space<vmem>>
      %dma_wait3A_155 = arith.constant 0 : i32
      %dma_wait3A_156 = arith.constant 0 : i32
      %dma_wait3A_157 = tpu.memref_slice %arg2[%dma_wait3A_155, %dma_wait3A_156] : memref<10000x128xf32, #tpu.memory_space<hbm>> -> memref<10000x128xf32, #tpu.memory_space<hbm>>
      tpu.wait_indirect_dma semaphore(%arg14 : memref<!tpu.dma_semaphore, #tpu.memory_space<semaphore_mem>>) src(%dma_wait3A_157 : memref<10000x128xf32, #tpu.memory_space<hbm>>) dst(%arg11 : memref<40x128xf32, #tpu.memory_space<vmem>>)
      %dma_start3A_158 = arith.constant 0 : i32
      %dma_start3A_159 = tpu.memref_slice %arg9[%add3A_150, %dma_start3A_158] : memref<250x40xi32, #tpu.memory_space<vmem>> -> memref<1x40xi32, #tpu.memory_space<vmem>>
      %dma_start3A_160 = tpu.memref_squeeze %dma_start3A_159 : memref<1x40xi32, #tpu.memory_space<vmem>> -> memref<40xi32, #tpu.memory_space<vmem>>
      %dma_start3A_161 = arith.constant 0 : i32
      %dma_start3A_162 = arith.constant 0 : i32
      %dma_start3A_163 = tpu.memref_slice %arg19[%dma_start3A_161, %dma_start3A_162] : memref<10000x128xf32, #tpu.memory_space<vmem_shared>> -> memref<10000x128xf32, #tpu.memory_space<vmem_shared>>
      tpu.enqueue_indirect_dma source(%arg11 : memref<40x128xf32, #tpu.memory_space<vmem>>) target(%dma_start3A_163 : memref<10000x128xf32, #tpu.memory_space<vmem_shared>>) offsets(%dma_start3A_160 : memref<40xi32, #tpu.memory_space<vmem>>) semaphore(%arg17 : memref<!tpu.dma_semaphore, #tpu.memory_space<semaphore_mem>>) {add = true}
      %add3A_164 = arith.constant 2 : i32
      %add3A_165 = arith.addi %add3A_150, %add3A_164 : i32
      %lt3A = arith.constant 250 : i32
      %lt3A_166 = arith.cmpi slt, %add3A_165, %lt3A : i32
      %convert_element_type3A_167 = arith.extui %lt3A_166 : i1 to i32
      %cond3A_168 = arith.constant 0 : i32
      %cond3A_169 = arith.cmpi ne, %convert_element_type3A_167, %cond3A_168 : i32
      scf.if %cond3A_169 {
        %dma_wait3A_222 = arith.constant 0 : i32
        %dma_wait3A_223 = arith.constant 0 : i32
        %dma_wait3A_224 = tpu.memref_slice %arg9[%dma_wait3A_222, %dma_wait3A_223] : memref<250x40xi32, #tpu.memory_space<vmem>> -> memref<1x40xi32, #tpu.memory_space<vmem>>
        %dma_wait3A_225 = tpu.memref_squeeze %dma_wait3A_224 : memref<1x40xi32, #tpu.memory_space<vmem>> -> memref<40xi32, #tpu.memory_space<vmem>>
        %dma_wait3A_226 = arith.constant 0 : i32
        %dma_wait3A_227 = arith.constant 0 : i32
        %dma_wait3A_228 = tpu.memref_slice %arg19[%dma_wait3A_226, %dma_wait3A_227] : memref<10000x128xf32, #tpu.memory_space<vmem_shared>> -> memref<10000x128xf32, #tpu.memory_space<vmem_shared>>
        tpu.wait_indirect_dma semaphore(%arg16 : memref<!tpu.dma_semaphore, #tpu.memory_space<semaphore_mem>>) src(%arg10 : memref<40x128xf32, #tpu.memory_space<vmem>>) dst(%dma_wait3A_228 : memref<10000x128xf32, #tpu.memory_space<vmem_shared>>)
        %add3A_229 = arith.constant 2 : i32
        %add3A_230 = arith.addi %add3A_150, %add3A_229 : i32
        %dma_start3A_231 = arith.constant 0 : i32
        %dma_start3A_232 = tpu.memref_slice %arg8[%add3A_230, %dma_start3A_231] : memref<250x40xi32, #tpu.memory_space<vmem>> -> memref<1x40xi32, #tpu.memory_space<vmem>>
        %dma_start3A_233 = tpu.memref_squeeze %dma_start3A_232 : memref<1x40xi32, #tpu.memory_space<vmem>> -> memref<40xi32, #tpu.memory_space<vmem>>
        %dma_start3A_234 = arith.constant 0 : i32
        %dma_start3A_235 = arith.constant 0 : i32
        %dma_start3A_236 = tpu.memref_slice %arg2[%dma_start3A_234, %dma_start3A_235] : memref<10000x128xf32, #tpu.memory_space<hbm>> -> memref<10000x128xf32, #tpu.memory_space<hbm>>
        tpu.enqueue_indirect_dma source(%dma_start3A_236 : memref<10000x128xf32, #tpu.memory_space<hbm>>) target(%arg10 : memref<40x128xf32, #tpu.memory_space<vmem>>) offsets(%dma_start3A_233 : memref<40xi32, #tpu.memory_space<vmem>>) semaphore(%arg13 : memref<!tpu.dma_semaphore, #tpu.memory_space<semaphore_mem>>)
      } else {
      }
      %mul3A_170 = arith.constant 3 : i32
      %mul3A_171 = arith.muli %mul3A_170, %scan3A_144 : i32
      %add3A_172 = arith.constant 1 : i32
      %add3A_173 = arith.addi %mul3A_171, %add3A_172 : i32
      %add3A_174 = arith.constant 1 : i32
      %add3A_175 = arith.addi %add3A_173, %add3A_174 : i32
      %dma_wait3A_176 = arith.constant 0 : i32
      %dma_wait3A_177 = arith.constant 0 : i32
      %dma_wait3A_178 = tpu.memref_slice %arg8[%dma_wait3A_176, %dma_wait3A_177] : memref<250x40xi32, #tpu.memory_space<vmem>> -> memref<1x40xi32, #tpu.memory_space<vmem>>
      %dma_wait3A_179 = tpu.memref_squeeze %dma_wait3A_178 : memref<1x40xi32, #tpu.memory_space<vmem>> -> memref<40xi32, #tpu.memory_space<vmem>>
      %dma_wait3A_180 = arith.constant 0 : i32
      %dma_wait3A_181 = arith.constant 0 : i32
      %dma_wait3A_182 = tpu.memref_slice %arg2[%dma_wait3A_180, %dma_wait3A_181] : memref<10000x128xf32, #tpu.memory_space<hbm>> -> memref<10000x128xf32, #tpu.memory_space<hbm>>
      tpu.wait_indirect_dma semaphore(%arg15 : memref<!tpu.dma_semaphore, #tpu.memory_space<semaphore_mem>>) src(%dma_wait3A_182 : memref<10000x128xf32, #tpu.memory_space<hbm>>) dst(%arg12 : memref<40x128xf32, #tpu.memory_space<vmem>>)
      %dma_start3A_183 = arith.constant 0 : i32
      %dma_start3A_184 = tpu.memref_slice %arg9[%add3A_175, %dma_start3A_183] : memref<250x40xi32, #tpu.memory_space<vmem>> -> memref<1x40xi32, #tpu.memory_space<vmem>>
      %dma_start3A_185 = tpu.memref_squeeze %dma_start3A_184 : memref<1x40xi32, #tpu.memory_space<vmem>> -> memref<40xi32, #tpu.memory_space<vmem>>
      %dma_start3A_186 = arith.constant 0 : i32
      %dma_start3A_187 = arith.constant 0 : i32
      %dma_start3A_188 = tpu.memref_slice %arg19[%dma_start3A_186, %dma_start3A_187] : memref<10000x128xf32, #tpu.memory_space<vmem_shared>> -> memref<10000x128xf32, #tpu.memory_space<vmem_shared>>
      tpu.enqueue_indirect_dma source(%arg12 : memref<40x128xf32, #tpu.memory_space<vmem>>) target(%dma_start3A_188 : memref<10000x128xf32, #tpu.memory_space<vmem_shared>>) offsets(%dma_start3A_185 : memref<40xi32, #tpu.memory_space<vmem>>) semaphore(%arg18 : memref<!tpu.dma_semaphore, #tpu.memory_space<semaphore_mem>>) {add = true}
      %add3A_189 = arith.constant 2 : i32
      %add3A_190 = arith.addi %add3A_175, %add3A_189 : i32
      %lt3A_191 = arith.constant 250 : i32
      %lt3A_192 = arith.cmpi slt, %add3A_190, %lt3A_191 : i32
      %convert_element_type3A_193 = arith.extui %lt3A_192 : i1 to i32
      %cond3A_194 = arith.constant 0 : i32
      %cond3A_195 = arith.cmpi ne, %convert_element_type3A_193, %cond3A_194 : i32
      scf.if %cond3A_195 {
        %dma_wait3A_222 = arith.constant 0 : i32
        %dma_wait3A_223 = arith.constant 0 : i32
        %dma_wait3A_224 = tpu.memref_slice %arg9[%dma_wait3A_222, %dma_wait3A_223] : memref<250x40xi32, #tpu.memory_space<vmem>> -> memref<1x40xi32, #tpu.memory_space<vmem>>
        %dma_wait3A_225 = tpu.memref_squeeze %dma_wait3A_224 : memref<1x40xi32, #tpu.memory_space<vmem>> -> memref<40xi32, #tpu.memory_space<vmem>>
        %dma_wait3A_226 = arith.constant 0 : i32
        %dma_wait3A_227 = arith.constant 0 : i32
        %dma_wait3A_228 = tpu.memref_slice %arg19[%dma_wait3A_226, %dma_wait3A_227] : memref<10000x128xf32, #tpu.memory_space<vmem_shared>> -> memref<10000x128xf32, #tpu.memory_space<vmem_shared>>
        tpu.wait_indirect_dma semaphore(%arg17 : memref<!tpu.dma_semaphore, #tpu.memory_space<semaphore_mem>>) src(%arg11 : memref<40x128xf32, #tpu.memory_space<vmem>>) dst(%dma_wait3A_228 : memref<10000x128xf32, #tpu.memory_space<vmem_shared>>)
        %add3A_229 = arith.constant 2 : i32
        %add3A_230 = arith.addi %add3A_175, %add3A_229 : i32
        %dma_start3A_231 = arith.constant 0 : i32
        %dma_start3A_232 = tpu.memref_slice %arg8[%add3A_230, %dma_start3A_231] : memref<250x40xi32, #tpu.memory_space<vmem>> -> memref<1x40xi32, #tpu.memory_space<vmem>>
        %dma_start3A_233 = tpu.memref_squeeze %dma_start3A_232 : memref<1x40xi32, #tpu.memory_space<vmem>> -> memref<40xi32, #tpu.memory_space<vmem>>
        %dma_start3A_234 = arith.constant 0 : i32
        %dma_start3A_235 = arith.constant 0 : i32
        %dma_start3A_236 = tpu.memref_slice %arg2[%dma_start3A_234, %dma_start3A_235] : memref<10000x128xf32, #tpu.memory_space<hbm>> -> memref<10000x128xf32, #tpu.memory_space<hbm>>
        tpu.enqueue_indirect_dma source(%dma_start3A_236 : memref<10000x128xf32, #tpu.memory_space<hbm>>) target(%arg11 : memref<40x128xf32, #tpu.memory_space<vmem>>) offsets(%dma_start3A_233 : memref<40xi32, #tpu.memory_space<vmem>>) semaphore(%arg14 : memref<!tpu.dma_semaphore, #tpu.memory_space<semaphore_mem>>)
      } else {
      }
      %mul3A_196 = arith.constant 3 : i32
      %mul3A_197 = arith.muli %mul3A_196, %scan3A_144 : i32
      %add3A_198 = arith.constant 1 : i32
      %add3A_199 = arith.addi %mul3A_197, %add3A_198 : i32
      %add3A_200 = arith.constant 2 : i32
      %add3A_201 = arith.addi %add3A_199, %add3A_200 : i32
      %dma_wait3A_202 = arith.constant 0 : i32
      %dma_wait3A_203 = arith.constant 0 : i32
      %dma_wait3A_204 = tpu.memref_slice %arg8[%dma_wait3A_202, %dma_wait3A_203] : memref<250x40xi32, #tpu.memory_space<vmem>> -> memref<1x40xi32, #tpu.memory_space<vmem>>
      %dma_wait3A_205 = tpu.memref_squeeze %dma_wait3A_204 : memref<1x40xi32, #tpu.memory_space<vmem>> -> memref<40xi32, #tpu.memory_space<vmem>>
      %dma_wait3A_206 = arith.constant 0 : i32
      %dma_wait3A_207 = arith.constant 0 : i32
      %dma_wait3A_208 = tpu.memref_slice %arg2[%dma_wait3A_206, %dma_wait3A_207] : memref<10000x128xf32, #tpu.memory_space<hbm>> -> memref<10000x128xf32, #tpu.memory_space<hbm>>
      tpu.wait_indirect_dma semaphore(%arg13 : memref<!tpu.dma_semaphore, #tpu.memory_space<semaphore_mem>>) src(%dma_wait3A_208 : memref<10000x128xf32, #tpu.memory_space<hbm>>) dst(%arg10 : memref<40x128xf32, #tpu.memory_space<vmem>>)
      %dma_start3A_209 = arith.constant 0 : i32
      %dma_start3A_210 = tpu.memref_slice %arg9[%add3A_201, %dma_start3A_209] : memref<250x40xi32, #tpu.memory_space<vmem>> -> memref<1x40xi32, #tpu.memory_space<vmem>>
      %dma_start3A_211 = tpu.memref_squeeze %dma_start3A_210 : memref<1x40xi32, #tpu.memory_space<vmem>> -> memref<40xi32, #tpu.memory_space<vmem>>
      %dma_start3A_212 = arith.constant 0 : i32
      %dma_start3A_213 = arith.constant 0 : i32
      %dma_start3A_214 = tpu.memref_slice %arg19[%dma_start3A_212, %dma_start3A_213] : memref<10000x128xf32, #tpu.memory_space<vmem_shared>> -> memref<10000x128xf32, #tpu.memory_space<vmem_shared>>
      tpu.enqueue_indirect_dma source(%arg10 : memref<40x128xf32, #tpu.memory_space<vmem>>) target(%dma_start3A_214 : memref<10000x128xf32, #tpu.memory_space<vmem_shared>>) offsets(%dma_start3A_211 : memref<40xi32, #tpu.memory_space<vmem>>) semaphore(%arg16 : memref<!tpu.dma_semaphore, #tpu.memory_space<semaphore_mem>>) {add = true}
      %add3A_215 = arith.constant 2 : i32
      %add3A_216 = arith.addi %add3A_201, %add3A_215 : i32
      %lt3A_217 = arith.constant 250 : i32
      %lt3A_218 = arith.cmpi slt, %add3A_216, %lt3A_217 : i32
      %convert_element_type3A_219 = arith.extui %lt3A_218 : i1 to i32
      %cond3A_220 = arith.constant 0 : i32
      %cond3A_221 = arith.cmpi ne, %convert_element_type3A_219, %cond3A_220 : i32
      scf.if %cond3A_221 {
        %dma_wait3A_222 = arith.constant 0 : i32
        %dma_wait3A_223 = arith.constant 0 : i32
        %dma_wait3A_224 = tpu.memref_slice %arg9[%dma_wait3A_222, %dma_wait3A_223] : memref<250x40xi32, #tpu.memory_space<vmem>> -> memref<1x40xi32, #tpu.memory_space<vmem>>
        %dma_wait3A_225 = tpu.memref_squeeze %dma_wait3A_224 : memref<1x40xi32, #tpu.memory_space<vmem>> -> memref<40xi32, #tpu.memory_space<vmem>>
        %dma_wait3A_226 = arith.constant 0 : i32
        %dma_wait3A_227 = arith.constant 0 : i32
        %dma_wait3A_228 = tpu.memref_slice %arg19[%dma_wait3A_226, %dma_wait3A_227] : memref<10000x128xf32, #tpu.memory_space<vmem_shared>> -> memref<10000x128xf32, #tpu.memory_space<vmem_shared>>
        tpu.wait_indirect_dma semaphore(%arg18 : memref<!tpu.dma_semaphore, #tpu.memory_space<semaphore_mem>>) src(%arg12 : memref<40x128xf32, #tpu.memory_space<vmem>>) dst(%dma_wait3A_228 : memref<10000x128xf32, #tpu.memory_space<vmem_shared>>)
        %add3A_229 = arith.constant 2 : i32
        %add3A_230 = arith.addi %add3A_201, %add3A_229 : i32
        %dma_start3A_231 = arith.constant 0 : i32
        %dma_start3A_232 = tpu.memref_slice %arg8[%add3A_230, %dma_start3A_231] : memref<250x40xi32, #tpu.memory_space<vmem>> -> memref<1x40xi32, #tpu.memory_space<vmem>>
        %dma_start3A_233 = tpu.memref_squeeze %dma_start3A_232 : memref<1x40xi32, #tpu.memory_space<vmem>> -> memref<40xi32, #tpu.memory_space<vmem>>
        %dma_start3A_234 = arith.constant 0 : i32
        %dma_start3A_235 = arith.constant 0 : i32
        %dma_start3A_236 = tpu.memref_slice %arg2[%dma_start3A_234, %dma_start3A_235] : memref<10000x128xf32, #tpu.memory_space<hbm>> -> memref<10000x128xf32, #tpu.memory_space<hbm>>
        tpu.enqueue_indirect_dma source(%dma_start3A_236 : memref<10000x128xf32, #tpu.memory_space<hbm>>) target(%arg12 : memref<40x128xf32, #tpu.memory_space<vmem>>) offsets(%dma_start3A_233 : memref<40xi32, #tpu.memory_space<vmem>>) semaphore(%arg15 : memref<!tpu.dma_semaphore, #tpu.memory_space<semaphore_mem>>)
      } else {
      }
    }
    %scan3A_43 = arith.constant 83 : i32
    %dma_wait3A_44 = arith.constant 0 : i32
    %dma_wait3A_45 = arith.constant 0 : i32
    %dma_wait3A_46 = tpu.memref_slice %arg9[%dma_wait3A_44, %dma_wait3A_45] : memref<250x40xi32, #tpu.memory_space<vmem>> -> memref<1x40xi32, #tpu.memory_space<vmem>>
    %dma_wait3A_47 = tpu.memref_squeeze %dma_wait3A_46 : memref<1x40xi32, #tpu.memory_space<vmem>> -> memref<40xi32, #tpu.memory_space<vmem>>
    %dma_wait3A_48 = arith.constant 0 : i32
    %dma_wait3A_49 = arith.constant 0 : i32
    %dma_wait3A_50 = tpu.memref_slice %arg19[%dma_wait3A_48, %dma_wait3A_49] : memref<10000x128xf32, #tpu.memory_space<vmem_shared>> -> memref<10000x128xf32, #tpu.memory_space<vmem_shared>>
    tpu.wait_indirect_dma semaphore(%arg16 : memref<!tpu.dma_semaphore, #tpu.memory_space<semaphore_mem>>) src(%arg10 : memref<40x128xf32, #tpu.memory_space<vmem>>) dst(%dma_wait3A_50 : memref<10000x128xf32, #tpu.memory_space<vmem_shared>>)
    %dma_wait3A_51 = arith.constant 0 : i32
    %dma_wait3A_52 = arith.constant 0 : i32
    %dma_wait3A_53 = tpu.memref_slice %arg9[%dma_wait3A_51, %dma_wait3A_52] : memref<250x40xi32, #tpu.memory_space<vmem>> -> memref<1x40xi32, #tpu.memory_space<vmem>>
    %dma_wait3A_54 = tpu.memref_squeeze %dma_wait3A_53 : memref<1x40xi32, #tpu.memory_space<vmem>> -> memref<40xi32, #tpu.memory_space<vmem>>
    %dma_wait3A_55 = arith.constant 0 : i32
    %dma_wait3A_56 = arith.constant 0 : i32
    %dma_wait3A_57 = tpu.memref_slice %arg19[%dma_wait3A_55, %dma_wait3A_56] : memref<10000x128xf32, #tpu.memory_space<vmem_shared>> -> memref<10000x128xf32, #tpu.memory_space<vmem_shared>>
    tpu.wait_indirect_dma semaphore(%arg17 : memref<!tpu.dma_semaphore, #tpu.memory_space<semaphore_mem>>) src(%arg11 : memref<40x128xf32, #tpu.memory_space<vmem>>) dst(%dma_wait3A_57 : memref<10000x128xf32, #tpu.memory_space<vmem_shared>>)
    %dma_wait3A_58 = arith.constant 0 : i32
    %dma_wait3A_59 = arith.constant 0 : i32
    %dma_wait3A_60 = tpu.memref_slice %arg9[%dma_wait3A_58, %dma_wait3A_59] : memref<250x40xi32, #tpu.memory_space<vmem>> -> memref<1x40xi32, #tpu.memory_space<vmem>>
    %dma_wait3A_61 = tpu.memref_squeeze %dma_wait3A_60 : memref<1x40xi32, #tpu.memory_space<vmem>> -> memref<40xi32, #tpu.memory_space<vmem>>
    %dma_wait3A_62 = arith.constant 0 : i32
    %dma_wait3A_63 = arith.constant 0 : i32
    %dma_wait3A_64 = tpu.memref_slice %arg19[%dma_wait3A_62, %dma_wait3A_63] : memref<10000x128xf32, #tpu.memory_space<vmem_shared>> -> memref<10000x128xf32, #tpu.memory_space<vmem_shared>>
    tpu.wait_indirect_dma semaphore(%arg18 : memref<!tpu.dma_semaphore, #tpu.memory_space<semaphore_mem>>) src(%arg12 : memref<40x128xf32, #tpu.memory_space<vmem>>) dst(%dma_wait3A_64 : memref<10000x128xf32, #tpu.memory_space<vmem_shared>>)
    %barrier3A_65 = arith.constant 0 : index
    tpu.barrier barrier_id(%barrier3A_65)
    %mul3A_66 = arith.constant 624 : i32
    %mul3A_67 = arith.muli %arg1, %mul3A_66 : i32
    "tpu.region"() ({
      %run_scoped3A_144 = tpu.sem_alloc : memref<!tpu.dma_semaphore, #tpu.memory_space<semaphore_mem>>
      %dma_start3A_145 = arith.constant 0 : i32
      %dma_start3A_146 = tpu.memref_slice %arg6[%arg0, %mul3A_67, %dma_start3A_145] : memref<2x10000x128xf32, #tpu.memory_space<hbm>> -> memref<1x624x128xf32, #tpu.memory_space<hbm>>
      %dma_start3A_147 = tpu.memref_squeeze %dma_start3A_146 : memref<1x624x128xf32, #tpu.memory_space<hbm>> -> memref<624x128xf32, #tpu.memory_space<hbm>>
      %dma_start3A_148 = arith.constant 0 : i32
      %dma_start3A_149 = tpu.memref_slice %arg19[%mul3A_67, %dma_start3A_148] : memref<10000x128xf32, #tpu.memory_space<vmem_shared>> -> memref<624x128xf32, #tpu.memory_space<vmem_shared>>
      tpu.enqueue_dma source(%dma_start3A_149 : memref<624x128xf32, #tpu.memory_space<vmem_shared>>) target(%dma_start3A_147 : memref<624x128xf32, #tpu.memory_space<hbm>>) target_semaphore(%run_scoped3A_144 : memref<!tpu.dma_semaphore, #tpu.memory_space<semaphore_mem>>)
      %dma_wait3A_150 = arith.constant 0 : i32
      %dma_wait3A_151 = tpu.memref_slice %arg6[%arg0, %mul3A_67, %dma_wait3A_150] : memref<2x10000x128xf32, #tpu.memory_space<hbm>> -> memref<1x624x128xf32, #tpu.memory_space<hbm>>
      %dma_wait3A_152 = tpu.memref_squeeze %dma_wait3A_151 : memref<1x624x128xf32, #tpu.memory_space<hbm>> -> memref<624x128xf32, #tpu.memory_space<hbm>>
      %dma_wait3A_153 = arith.constant 0 : i32
      %dma_wait3A_154 = tpu.memref_slice %arg19[%mul3A_67, %dma_wait3A_153] : memref<10000x128xf32, #tpu.memory_space<vmem_shared>> -> memref<624x128xf32, #tpu.memory_space<vmem_shared>>
      tpu.wait_dma2 semaphore(%run_scoped3A_144 : memref<!tpu.dma_semaphore, #tpu.memory_space<semaphore_mem>>) src(%dma_wait3A_154 : memref<624x128xf32, #tpu.memory_space<vmem_shared>>) dst(%dma_wait3A_152 : memref<624x128xf32, #tpu.memory_space<hbm>>)
      tpu.yield
    }) : () -> ()
    "tpu.region"() ({
      %run_scoped3A_144 = tpu.sem_alloc : memref<!tpu.dma_semaphore, #tpu.memory_space<semaphore_mem>>
      %dma_start3A_145 = arith.constant 0 : i32
      %dma_start3A_146 = tpu.memref_slice %arg19[%mul3A_67, %dma_start3A_145] : memref<10000x128xf32, #tpu.memory_space<vmem_shared>> -> memref<624x128xf32, #tpu.memory_space<vmem_shared>>
      %dma_start3A_147 = arith.constant 0 : i32
      %dma_start3A_148 = tpu.memref_slice %arg5[%mul3A_67, %dma_start3A_147] : memref<10000x128xf32, #tpu.memory_space<hbm>> -> memref<624x128xf32, #tpu.memory_space<hbm>>
      tpu.enqueue_dma source(%dma_start3A_148 : memref<624x128xf32, #tpu.memory_space<hbm>>) target(%dma_start3A_146 : memref<624x128xf32, #tpu.memory_space<vmem_shared>>) target_semaphore(%run_scoped3A_144 : memref<!tpu.dma_semaphore, #tpu.memory_space<semaphore_mem>>)
      %dma_wait3A_149 = arith.constant 0 : i32
      %dma_wait3A_150 = tpu.memref_slice %arg19[%mul3A_67, %dma_wait3A_149] : memref<10000x128xf32, #tpu.memory_space<vmem_shared>> -> memref<624x128xf32, #tpu.memory_space<vmem_shared>>
      %dma_wait3A_151 = arith.constant 0 : i32
      %dma_wait3A_152 = tpu.memref_slice %arg5[%mul3A_67, %dma_wait3A_151] : memref<10000x128xf32, #tpu.memory_space<hbm>> -> memref<624x128xf32, #tpu.memory_space<hbm>>
      tpu.wait_dma2 semaphore(%run_scoped3A_144 : memref<!tpu.dma_semaphore, #tpu.memory_space<semaphore_mem>>) src(%dma_wait3A_152 : memref<624x128xf32, #tpu.memory_space<hbm>>) dst(%dma_wait3A_150 : memref<624x128xf32, #tpu.memory_space<vmem_shared>>)
      tpu.yield
    }) : () -> ()
    %eq3A_68 = arith.constant 15 : i32
    %eq3A_69 = arith.cmpi eq, %arg1, %eq3A_68 : i32
    %convert_element_type3A_70 = arith.extui %eq3A_69 : i1 to i32
    %cond3A_71 = arith.constant 0 : i32
    %cond3A_72 = arith.cmpi ne, %convert_element_type3A_70, %cond3A_71 : i32
    scf.if %cond3A_72 {
      "tpu.region"() ({
        %run_scoped3A_144 = tpu.sem_alloc : memref<!tpu.dma_semaphore, #tpu.memory_space<semaphore_mem>>
        %dma_start3A_145 = arith.constant 9984 : i32
        %dma_start3A_146 = arith.constant 0 : i32
        %dma_start3A_147 = tpu.memref_slice %arg6[%arg0, %dma_start3A_145, %dma_start3A_146] : memref<2x10000x128xf32, #tpu.memory_space<hbm>> -> memref<1x16x128xf32, #tpu.memory_space<hbm>>
        %dma_start3A_148 = tpu.memref_squeeze %dma_start3A_147 : memref<1x16x128xf32, #tpu.memory_space<hbm>> -> memref<16x128xf32, #tpu.memory_space<hbm>>
        %dma_start3A_149 = arith.constant 9984 : i32
        %dma_start3A_150 = arith.constant 0 : i32
        %dma_start3A_151 = tpu.memref_slice %arg19[%dma_start3A_149, %dma_start3A_150] : memref<10000x128xf32, #tpu.memory_space<vmem_shared>> -> memref<16x128xf32, #tpu.memory_space<vmem_shared>>
        tpu.enqueue_dma source(%dma_start3A_151 : memref<16x128xf32, #tpu.memory_space<vmem_shared>>) target(%dma_start3A_148 : memref<16x128xf32, #tpu.memory_space<hbm>>) target_semaphore(%run_scoped3A_144 : memref<!tpu.dma_semaphore, #tpu.memory_space<semaphore_mem>>)
        %dma_wait3A_152 = arith.constant 9984 : i32
        %dma_wait3A_153 = arith.constant 0 : i32
        %dma_wait3A_154 = tpu.memref_slice %arg6[%arg0, %dma_wait3A_152, %dma_wait3A_153] : memref<2x10000x128xf32, #tpu.memory_space<hbm>> -> memref<1x16x128xf32, #tpu.memory_space<hbm>>
        %dma_wait3A_155 = tpu.memref_squeeze %dma_wait3A_154 : memref<1x16x128xf32, #tpu.memory_space<hbm>> -> memref<16x128xf32, #tpu.memory_space<hbm>>
        %dma_wait3A_156 = arith.constant 9984 : i32
        %dma_wait3A_157 = arith.constant 0 : i32
        %dma_wait3A_158 = tpu.memref_slice %arg19[%dma_wait3A_156, %dma_wait3A_157] : memref<10000x128xf32, #tpu.memory_space<vmem_shared>> -> memref<16x128xf32, #tpu.memory_space<vmem_shared>>
        tpu.wait_dma2 semaphore(%run_scoped3A_144 : memref<!tpu.dma_semaphore, #tpu.memory_space<semaphore_mem>>) src(%dma_wait3A_158 : memref<16x128xf32, #tpu.memory_space<vmem_shared>>) dst(%dma_wait3A_155 : memref<16x128xf32, #tpu.memory_space<hbm>>)
        tpu.yield
      }) : () -> ()
      "tpu.region"() ({
        %run_scoped3A_144 = tpu.sem_alloc : memref<!tpu.dma_semaphore, #tpu.memory_space<semaphore_mem>>
        %dma_start3A_145 = arith.constant 9984 : i32
        %dma_start3A_146 = arith.constant 0 : i32
        %dma_start3A_147 = tpu.memref_slice %arg19[%dma_start3A_145, %dma_start3A_146] : memref<10000x128xf32, #tpu.memory_space<vmem_shared>> -> memref<16x128xf32, #tpu.memory_space<vmem_shared>>
        %dma_start3A_148 = arith.constant 9984 : i32
        %dma_start3A_149 = arith.constant 0 : i32
        %dma_start3A_150 = tpu.memref_slice %arg5[%dma_start3A_148, %dma_start3A_149] : memref<10000x128xf32, #tpu.memory_space<hbm>> -> memref<16x128xf32, #tpu.memory_space<hbm>>
        tpu.enqueue_dma source(%dma_start3A_150 : memref<16x128xf32, #tpu.memory_space<hbm>>) target(%dma_start3A_147 : memref<16x128xf32, #tpu.memory_space<vmem_shared>>) target_semaphore(%run_scoped3A_144 : memref<!tpu.dma_semaphore, #tpu.memory_space<semaphore_mem>>)
        %dma_wait3A_151 = arith.constant 9984 : i32
        %dma_wait3A_152 = arith.constant 0 : i32
        %dma_wait3A_153 = tpu.memref_slice %arg19[%dma_wait3A_151, %dma_wait3A_152] : memref<10000x128xf32, #tpu.memory_space<vmem_shared>> -> memref<16x128xf32, #tpu.memory_space<vmem_shared>>
        %dma_wait3A_154 = arith.constant 9984 : i32
        %dma_wait3A_155 = arith.constant 0 : i32
        %dma_wait3A_156 = tpu.memref_slice %arg5[%dma_wait3A_154, %dma_wait3A_155] : memref<10000x128xf32, #tpu.memory_space<hbm>> -> memref<16x128xf32, #tpu.memory_space<hbm>>
        tpu.wait_dma2 semaphore(%run_scoped3A_144 : memref<!tpu.dma_semaphore, #tpu.memory_space<semaphore_mem>>) src(%dma_wait3A_156 : memref<16x128xf32, #tpu.memory_space<hbm>>) dst(%dma_wait3A_153 : memref<16x128xf32, #tpu.memory_space<vmem_shared>>)
        tpu.yield
      }) : () -> ()
    } else {
    }
    %barrier3A_73 = arith.constant 0 : index
    tpu.barrier barrier_id(%barrier3A_73)
    %dma_start3A_74 = arith.constant 0 : i32
    %dma_start3A_75 = arith.constant 0 : i32
    %dma_start3A_76 = tpu.memref_slice %arg8[%dma_start3A_74, %dma_start3A_75] : memref<250x40xi32, #tpu.memory_space<vmem>> -> memref<1x40xi32, #tpu.memory_space<vmem>>
    %dma_start3A_77 = tpu.memref_squeeze %dma_start3A_76 : memref<1x40xi32, #tpu.memory_space<vmem>> -> memref<40xi32, #tpu.memory_space<vmem>>
    %dma_start3A_78 = arith.constant 0 : i32
    %dma_start3A_79 = arith.constant 0 : i32
    %dma_start3A_80 = tpu.memref_slice %arg3[%dma_start3A_78, %dma_start3A_79] : memref<10000x128xf32, #tpu.memory_space<hbm>> -> memref<10000x128xf32, #tpu.memory_space<hbm>>
    tpu.enqueue_indirect_dma source(%dma_start3A_80 : memref<10000x128xf32, #tpu.memory_space<hbm>>) target(%arg10 : memref<40x128xf32, #tpu.memory_space<vmem>>) offsets(%dma_start3A_77 : memref<40xi32, #tpu.memory_space<vmem>>) semaphore(%arg13 : memref<!tpu.dma_semaphore, #tpu.memory_space<semaphore_mem>>)
    %dma_start3A_81 = arith.constant 1 : i32
    %dma_start3A_82 = arith.constant 0 : i32
    %dma_start3A_83 = tpu.memref_slice %arg8[%dma_start3A_81, %dma_start3A_82] : memref<250x40xi32, #tpu.memory_space<vmem>> -> memref<1x40xi32, #tpu.memory_space<vmem>>
    %dma_start3A_84 = tpu.memref_squeeze %dma_start3A_83 : memref<1x40xi32, #tpu.memory_space<vmem>> -> memref<40xi32, #tpu.memory_space<vmem>>
    %dma_start3A_85 = arith.constant 0 : i32
    %dma_start3A_86 = arith.constant 0 : i32
    %dma_start3A_87 = tpu.memref_slice %arg3[%dma_start3A_85, %dma_start3A_86] : memref<10000x128xf32, #tpu.memory_space<hbm>> -> memref<10000x128xf32, #tpu.memory_space<hbm>>
    tpu.enqueue_indirect_dma source(%dma_start3A_87 : memref<10000x128xf32, #tpu.memory_space<hbm>>) target(%arg11 : memref<40x128xf32, #tpu.memory_space<vmem>>) offsets(%dma_start3A_84 : memref<40xi32, #tpu.memory_space<vmem>>) semaphore(%arg14 : memref<!tpu.dma_semaphore, #tpu.memory_space<semaphore_mem>>)
    %dma_wait3A_88 = arith.constant 0 : i32
    %dma_wait3A_89 = arith.constant 0 : i32
    %dma_wait3A_90 = tpu.memref_slice %arg8[%dma_wait3A_88, %dma_wait3A_89] : memref<250x40xi32, #tpu.memory_space<vmem>> -> memref<1x40xi32, #tpu.memory_space<vmem>>
    %dma_wait3A_91 = tpu.memref_squeeze %dma_wait3A_90 : memref<1x40xi32, #tpu.memory_space<vmem>> -> memref<40xi32, #tpu.memory_space<vmem>>
    %dma_wait3A_92 = arith.constant 0 : i32
    %dma_wait3A_93 = arith.constant 0 : i32
    %dma_wait3A_94 = tpu.memref_slice %arg3[%dma_wait3A_92, %dma_wait3A_93] : memref<10000x128xf32, #tpu.memory_space<hbm>> -> memref<10000x128xf32, #tpu.memory_space<hbm>>
    tpu.wait_indirect_dma semaphore(%arg13 : memref<!tpu.dma_semaphore, #tpu.memory_space<semaphore_mem>>) src(%dma_wait3A_94 : memref<10000x128xf32, #tpu.memory_space<hbm>>) dst(%arg10 : memref<40x128xf32, #tpu.memory_space<vmem>>)
    %dma_start3A_95 = arith.constant 0 : i32
    %dma_start3A_96 = arith.constant 0 : i32
    %dma_start3A_97 = tpu.memref_slice %arg9[%dma_start3A_95, %dma_start3A_96] : memref<250x40xi32, #tpu.memory_space<vmem>> -> memref<1x40xi32, #tpu.memory_space<vmem>>
    %dma_start3A_98 = tpu.memref_squeeze %dma_start3A_97 : memref<1x40xi32, #tpu.memory_space<vmem>> -> memref<40xi32, #tpu.memory_space<vmem>>
    %dma_start3A_99 = arith.constant 0 : i32
    %dma_start3A_100 = arith.constant 0 : i32
    %dma_start3A_101 = tpu.memref_slice %arg19[%dma_start3A_99, %dma_start3A_100] : memref<10000x128xf32, #tpu.memory_space<vmem_shared>> -> memref<10000x128xf32, #tpu.memory_space<vmem_shared>>
    tpu.enqueue_indirect_dma source(%arg10 : memref<40x128xf32, #tpu.memory_space<vmem>>) target(%dma_start3A_101 : memref<10000x128xf32, #tpu.memory_space<vmem_shared>>) offsets(%dma_start3A_98 : memref<40xi32, #tpu.memory_space<vmem>>) semaphore(%arg16 : memref<!tpu.dma_semaphore, #tpu.memory_space<semaphore_mem>>) {add = true}
    %dma_start3A_102 = arith.constant 2 : i32
    %dma_start3A_103 = arith.constant 0 : i32
    %dma_start3A_104 = tpu.memref_slice %arg8[%dma_start3A_102, %dma_start3A_103] : memref<250x40xi32, #tpu.memory_space<vmem>> -> memref<1x40xi32, #tpu.memory_space<vmem>>
    %dma_start3A_105 = tpu.memref_squeeze %dma_start3A_104 : memref<1x40xi32, #tpu.memory_space<vmem>> -> memref<40xi32, #tpu.memory_space<vmem>>
    %dma_start3A_106 = arith.constant 0 : i32
    %dma_start3A_107 = arith.constant 0 : i32
    %dma_start3A_108 = tpu.memref_slice %arg3[%dma_start3A_106, %dma_start3A_107] : memref<10000x128xf32, #tpu.memory_space<hbm>> -> memref<10000x128xf32, #tpu.memory_space<hbm>>
    tpu.enqueue_indirect_dma source(%dma_start3A_108 : memref<10000x128xf32, #tpu.memory_space<hbm>>) target(%arg12 : memref<40x128xf32, #tpu.memory_space<vmem>>) offsets(%dma_start3A_105 : memref<40xi32, #tpu.memory_space<vmem>>) semaphore(%arg15 : memref<!tpu.dma_semaphore, #tpu.memory_space<semaphore_mem>>)
    %scan3A_109 = arith.constant 0 : i32
    %scan3A_110 = arith.constant 0 : i32
    %scan3A_111 = arith.constant 83 : i32
    %scan3A_112 = arith.addi %scan3A_110, %scan3A_111 : i32
    %scan3A_113 = arith.constant 1 : i32
    scf.for %scan3A_144 = %scan3A_110 to %scan3A_112 step %scan3A_113  : i32 {
      %mul3A_145 = arith.constant 3 : i32
      %mul3A_146 = arith.muli %mul3A_145, %scan3A_144 : i32
      %add3A_147 = arith.constant 1 : i32
      %add3A_148 = arith.addi %mul3A_146, %add3A_147 : i32
      %add3A_149 = arith.constant 0 : i32
      %add3A_150 = arith.addi %add3A_148, %add3A_149 : i32
      %dma_wait3A_151 = arith.constant 0 : i32
      %dma_wait3A_152 = arith.constant 0 : i32
      %dma_wait3A_153 = tpu.memref_slice %arg8[%dma_wait3A_151, %dma_wait3A_152] : memref<250x40xi32, #tpu.memory_space<vmem>> -> memref<1x40xi32, #tpu.memory_space<vmem>>
      %dma_wait3A_154 = tpu.memref_squeeze %dma_wait3A_153 : memref<1x40xi32, #tpu.memory_space<vmem>> -> memref<40xi32, #tpu.memory_space<vmem>>
      %dma_wait3A_155 = arith.constant 0 : i32
      %dma_wait3A_156 = arith.constant 0 : i32
      %dma_wait3A_157 = tpu.memref_slice %arg3[%dma_wait3A_155, %dma_wait3A_156] : memref<10000x128xf32, #tpu.memory_space<hbm>> -> memref<10000x128xf32, #tpu.memory_space<hbm>>
      tpu.wait_indirect_dma semaphore(%arg14 : memref<!tpu.dma_semaphore, #tpu.memory_space<semaphore_mem>>) src(%dma_wait3A_157 : memref<10000x128xf32, #tpu.memory_space<hbm>>) dst(%arg11 : memref<40x128xf32, #tpu.memory_space<vmem>>)
      %dma_start3A_158 = arith.constant 0 : i32
      %dma_start3A_159 = tpu.memref_slice %arg9[%add3A_150, %dma_start3A_158] : memref<250x40xi32, #tpu.memory_space<vmem>> -> memref<1x40xi32, #tpu.memory_space<vmem>>
      %dma_start3A_160 = tpu.memref_squeeze %dma_start3A_159 : memref<1x40xi32, #tpu.memory_space<vmem>> -> memref<40xi32, #tpu.memory_space<vmem>>
      %dma_start3A_161 = arith.constant 0 : i32
      %dma_start3A_162 = arith.constant 0 : i32
      %dma_start3A_163 = tpu.memref_slice %arg19[%dma_start3A_161, %dma_start3A_162] : memref<10000x128xf32, #tpu.memory_space<vmem_shared>> -> memref<10000x128xf32, #tpu.memory_space<vmem_shared>>
      tpu.enqueue_indirect_dma source(%arg11 : memref<40x128xf32, #tpu.memory_space<vmem>>) target(%dma_start3A_163 : memref<10000x128xf32, #tpu.memory_space<vmem_shared>>) offsets(%dma_start3A_160 : memref<40xi32, #tpu.memory_space<vmem>>) semaphore(%arg17 : memref<!tpu.dma_semaphore, #tpu.memory_space<semaphore_mem>>) {add = true}
      %add3A_164 = arith.constant 2 : i32
      %add3A_165 = arith.addi %add3A_150, %add3A_164 : i32
      %lt3A = arith.constant 250 : i32
      %lt3A_166 = arith.cmpi slt, %add3A_165, %lt3A : i32
      %convert_element_type3A_167 = arith.extui %lt3A_166 : i1 to i32
      %cond3A_168 = arith.constant 0 : i32
      %cond3A_169 = arith.cmpi ne, %convert_element_type3A_167, %cond3A_168 : i32
      scf.if %cond3A_169 {
        %dma_wait3A_222 = arith.constant 0 : i32
        %dma_wait3A_223 = arith.constant 0 : i32
        %dma_wait3A_224 = tpu.memref_slice %arg9[%dma_wait3A_222, %dma_wait3A_223] : memref<250x40xi32, #tpu.memory_space<vmem>> -> memref<1x40xi32, #tpu.memory_space<vmem>>
        %dma_wait3A_225 = tpu.memref_squeeze %dma_wait3A_224 : memref<1x40xi32, #tpu.memory_space<vmem>> -> memref<40xi32, #tpu.memory_space<vmem>>
        %dma_wait3A_226 = arith.constant 0 : i32
        %dma_wait3A_227 = arith.constant 0 : i32
        %dma_wait3A_228 = tpu.memref_slice %arg19[%dma_wait3A_226, %dma_wait3A_227] : memref<10000x128xf32, #tpu.memory_space<vmem_shared>> -> memref<10000x128xf32, #tpu.memory_space<vmem_shared>>
        tpu.wait_indirect_dma semaphore(%arg16 : memref<!tpu.dma_semaphore, #tpu.memory_space<semaphore_mem>>) src(%arg10 : memref<40x128xf32, #tpu.memory_space<vmem>>) dst(%dma_wait3A_228 : memref<10000x128xf32, #tpu.memory_space<vmem_shared>>)
        %add3A_229 = arith.constant 2 : i32
        %add3A_230 = arith.addi %add3A_150, %add3A_229 : i32
        %dma_start3A_231 = arith.constant 0 : i32
        %dma_start3A_232 = tpu.memref_slice %arg8[%add3A_230, %dma_start3A_231] : memref<250x40xi32, #tpu.memory_space<vmem>> -> memref<1x40xi32, #tpu.memory_space<vmem>>
        %dma_start3A_233 = tpu.memref_squeeze %dma_start3A_232 : memref<1x40xi32, #tpu.memory_space<vmem>> -> memref<40xi32, #tpu.memory_space<vmem>>
        %dma_start3A_234 = arith.constant 0 : i32
        %dma_start3A_235 = arith.constant 0 : i32
        %dma_start3A_236 = tpu.memref_slice %arg3[%dma_start3A_234, %dma_start3A_235] : memref<10000x128xf32, #tpu.memory_space<hbm>> -> memref<10000x128xf32, #tpu.memory_space<hbm>>
        tpu.enqueue_indirect_dma source(%dma_start3A_236 : memref<10000x128xf32, #tpu.memory_space<hbm>>) target(%arg10 : memref<40x128xf32, #tpu.memory_space<vmem>>) offsets(%dma_start3A_233 : memref<40xi32, #tpu.memory_space<vmem>>) semaphore(%arg13 : memref<!tpu.dma_semaphore, #tpu.memory_space<semaphore_mem>>)
      } else {
      }
      %mul3A_170 = arith.constant 3 : i32
      %mul3A_171 = arith.muli %mul3A_170, %scan3A_144 : i32
      %add3A_172 = arith.constant 1 : i32
      %add3A_173 = arith.addi %mul3A_171, %add3A_172 : i32
      %add3A_174 = arith.constant 1 : i32
      %add3A_175 = arith.addi %add3A_173, %add3A_174 : i32
      %dma_wait3A_176 = arith.constant 0 : i32
      %dma_wait3A_177 = arith.constant 0 : i32
      %dma_wait3A_178 = tpu.memref_slice %arg8[%dma_wait3A_176, %dma_wait3A_177] : memref<250x40xi32, #tpu.memory_space<vmem>> -> memref<1x40xi32, #tpu.memory_space<vmem>>
      %dma_wait3A_179 = tpu.memref_squeeze %dma_wait3A_178 : memref<1x40xi32, #tpu.memory_space<vmem>> -> memref<40xi32, #tpu.memory_space<vmem>>
      %dma_wait3A_180 = arith.constant 0 : i32
      %dma_wait3A_181 = arith.constant 0 : i32
      %dma_wait3A_182 = tpu.memref_slice %arg3[%dma_wait3A_180, %dma_wait3A_181] : memref<10000x128xf32, #tpu.memory_space<hbm>> -> memref<10000x128xf32, #tpu.memory_space<hbm>>
      tpu.wait_indirect_dma semaphore(%arg15 : memref<!tpu.dma_semaphore, #tpu.memory_space<semaphore_mem>>) src(%dma_wait3A_182 : memref<10000x128xf32, #tpu.memory_space<hbm>>) dst(%arg12 : memref<40x128xf32, #tpu.memory_space<vmem>>)
      %dma_start3A_183 = arith.constant 0 : i32
      %dma_start3A_184 = tpu.memref_slice %arg9[%add3A_175, %dma_start3A_183] : memref<250x40xi32, #tpu.memory_space<vmem>> -> memref<1x40xi32, #tpu.memory_space<vmem>>
      %dma_start3A_185 = tpu.memref_squeeze %dma_start3A_184 : memref<1x40xi32, #tpu.memory_space<vmem>> -> memref<40xi32, #tpu.memory_space<vmem>>
      %dma_start3A_186 = arith.constant 0 : i32
      %dma_start3A_187 = arith.constant 0 : i32
      %dma_start3A_188 = tpu.memref_slice %arg19[%dma_start3A_186, %dma_start3A_187] : memref<10000x128xf32, #tpu.memory_space<vmem_shared>> -> memref<10000x128xf32, #tpu.memory_space<vmem_shared>>
      tpu.enqueue_indirect_dma source(%arg12 : memref<40x128xf32, #tpu.memory_space<vmem>>) target(%dma_start3A_188 : memref<10000x128xf32, #tpu.memory_space<vmem_shared>>) offsets(%dma_start3A_185 : memref<40xi32, #tpu.memory_space<vmem>>) semaphore(%arg18 : memref<!tpu.dma_semaphore, #tpu.memory_space<semaphore_mem>>) {add = true}
      %add3A_189 = arith.constant 2 : i32
      %add3A_190 = arith.addi %add3A_175, %add3A_189 : i32
      %lt3A_191 = arith.constant 250 : i32
      %lt3A_192 = arith.cmpi slt, %add3A_190, %lt3A_191 : i32
      %convert_element_type3A_193 = arith.extui %lt3A_192 : i1 to i32
      %cond3A_194 = arith.constant 0 : i32
      %cond3A_195 = arith.cmpi ne, %convert_element_type3A_193, %cond3A_194 : i32
      scf.if %cond3A_195 {
        %dma_wait3A_222 = arith.constant 0 : i32
        %dma_wait3A_223 = arith.constant 0 : i32
        %dma_wait3A_224 = tpu.memref_slice %arg9[%dma_wait3A_222, %dma_wait3A_223] : memref<250x40xi32, #tpu.memory_space<vmem>> -> memref<1x40xi32, #tpu.memory_space<vmem>>
        %dma_wait3A_225 = tpu.memref_squeeze %dma_wait3A_224 : memref<1x40xi32, #tpu.memory_space<vmem>> -> memref<40xi32, #tpu.memory_space<vmem>>
        %dma_wait3A_226 = arith.constant 0 : i32
        %dma_wait3A_227 = arith.constant 0 : i32
        %dma_wait3A_228 = tpu.memref_slice %arg19[%dma_wait3A_226, %dma_wait3A_227] : memref<10000x128xf32, #tpu.memory_space<vmem_shared>> -> memref<10000x128xf32, #tpu.memory_space<vmem_shared>>
        tpu.wait_indirect_dma semaphore(%arg17 : memref<!tpu.dma_semaphore, #tpu.memory_space<semaphore_mem>>) src(%arg11 : memref<40x128xf32, #tpu.memory_space<vmem>>) dst(%dma_wait3A_228 : memref<10000x128xf32, #tpu.memory_space<vmem_shared>>)
        %add3A_229 = arith.constant 2 : i32
        %add3A_230 = arith.addi %add3A_175, %add3A_229 : i32
        %dma_start3A_231 = arith.constant 0 : i32
        %dma_start3A_232 = tpu.memref_slice %arg8[%add3A_230, %dma_start3A_231] : memref<250x40xi32, #tpu.memory_space<vmem>> -> memref<1x40xi32, #tpu.memory_space<vmem>>
        %dma_start3A_233 = tpu.memref_squeeze %dma_start3A_232 : memref<1x40xi32, #tpu.memory_space<vmem>> -> memref<40xi32, #tpu.memory_space<vmem>>
        %dma_start3A_234 = arith.constant 0 : i32
        %dma_start3A_235 = arith.constant 0 : i32
        %dma_start3A_236 = tpu.memref_slice %arg3[%dma_start3A_234, %dma_start3A_235] : memref<10000x128xf32, #tpu.memory_space<hbm>> -> memref<10000x128xf32, #tpu.memory_space<hbm>>
        tpu.enqueue_indirect_dma source(%dma_start3A_236 : memref<10000x128xf32, #tpu.memory_space<hbm>>) target(%arg11 : memref<40x128xf32, #tpu.memory_space<vmem>>) offsets(%dma_start3A_233 : memref<40xi32, #tpu.memory_space<vmem>>) semaphore(%arg14 : memref<!tpu.dma_semaphore, #tpu.memory_space<semaphore_mem>>)
      } else {
      }
      %mul3A_196 = arith.constant 3 : i32
      %mul3A_197 = arith.muli %mul3A_196, %scan3A_144 : i32
      %add3A_198 = arith.constant 1 : i32
      %add3A_199 = arith.addi %mul3A_197, %add3A_198 : i32
      %add3A_200 = arith.constant 2 : i32
      %add3A_201 = arith.addi %add3A_199, %add3A_200 : i32
      %dma_wait3A_202 = arith.constant 0 : i32
      %dma_wait3A_203 = arith.constant 0 : i32
      %dma_wait3A_204 = tpu.memref_slice %arg8[%dma_wait3A_202, %dma_wait3A_203] : memref<250x40xi32, #tpu.memory_space<vmem>> -> memref<1x40xi32, #tpu.memory_space<vmem>>
      %dma_wait3A_205 = tpu.memref_squeeze %dma_wait3A_204 : memref<1x40xi32, #tpu.memory_space<vmem>> -> memref<40xi32, #tpu.memory_space<vmem>>
      %dma_wait3A_206 = arith.constant 0 : i32
      %dma_wait3A_207 = arith.constant 0 : i32
      %dma_wait3A_208 = tpu.memref_slice %arg3[%dma_wait3A_206, %dma_wait3A_207] : memref<10000x128xf32, #tpu.memory_space<hbm>> -> memref<10000x128xf32, #tpu.memory_space<hbm>>
      tpu.wait_indirect_dma semaphore(%arg13 : memref<!tpu.dma_semaphore, #tpu.memory_space<semaphore_mem>>) src(%dma_wait3A_208 : memref<10000x128xf32, #tpu.memory_space<hbm>>) dst(%arg10 : memref<40x128xf32, #tpu.memory_space<vmem>>)
      %dma_start3A_209 = arith.constant 0 : i32
      %dma_start3A_210 = tpu.memref_slice %arg9[%add3A_201, %dma_start3A_209] : memref<250x40xi32, #tpu.memory_space<vmem>> -> memref<1x40xi32, #tpu.memory_space<vmem>>
      %dma_start3A_211 = tpu.memref_squeeze %dma_start3A_210 : memref<1x40xi32, #tpu.memory_space<vmem>> -> memref<40xi32, #tpu.memory_space<vmem>>
      %dma_start3A_212 = arith.constant 0 : i32
      %dma_start3A_213 = arith.constant 0 : i32
      %dma_start3A_214 = tpu.memref_slice %arg19[%dma_start3A_212, %dma_start3A_213] : memref<10000x128xf32, #tpu.memory_space<vmem_shared>> -> memref<10000x128xf32, #tpu.memory_space<vmem_shared>>
      tpu.enqueue_indirect_dma source(%arg10 : memref<40x128xf32, #tpu.memory_space<vmem>>) target(%dma_start3A_214 : memref<10000x128xf32, #tpu.memory_space<vmem_shared>>) offsets(%dma_start3A_211 : memref<40xi32, #tpu.memory_space<vmem>>) semaphore(%arg16 : memref<!tpu.dma_semaphore, #tpu.memory_space<semaphore_mem>>) {add = true}
      %add3A_215 = arith.constant 2 : i32
      %add3A_216 = arith.addi %add3A_201, %add3A_215 : i32
      %lt3A_217 = arith.constant 250 : i32
      %lt3A_218 = arith.cmpi slt, %add3A_216, %lt3A_217 : i32
      %convert_element_type3A_219 = arith.extui %lt3A_218 : i1 to i32
      %cond3A_220 = arith.constant 0 : i32
      %cond3A_221 = arith.cmpi ne, %convert_element_type3A_219, %cond3A_220 : i32
      scf.if %cond3A_221 {
        %dma_wait3A_222 = arith.constant 0 : i32
        %dma_wait3A_223 = arith.constant 0 : i32
        %dma_wait3A_224 = tpu.memref_slice %arg9[%dma_wait3A_222, %dma_wait3A_223] : memref<250x40xi32, #tpu.memory_space<vmem>> -> memref<1x40xi32, #tpu.memory_space<vmem>>
        %dma_wait3A_225 = tpu.memref_squeeze %dma_wait3A_224 : memref<1x40xi32, #tpu.memory_space<vmem>> -> memref<40xi32, #tpu.memory_space<vmem>>
        %dma_wait3A_226 = arith.constant 0 : i32
        %dma_wait3A_227 = arith.constant 0 : i32
        %dma_wait3A_228 = tpu.memref_slice %arg19[%dma_wait3A_226, %dma_wait3A_227] : memref<10000x128xf32, #tpu.memory_space<vmem_shared>> -> memref<10000x128xf32, #tpu.memory_space<vmem_shared>>
        tpu.wait_indirect_dma semaphore(%arg18 : memref<!tpu.dma_semaphore, #tpu.memory_space<semaphore_mem>>) src(%arg12 : memref<40x128xf32, #tpu.memory_space<vmem>>) dst(%dma_wait3A_228 : memref<10000x128xf32, #tpu.memory_space<vmem_shared>>)
        %add3A_229 = arith.constant 2 : i32
        %add3A_230 = arith.addi %add3A_201, %add3A_229 : i32
        %dma_start3A_231 = arith.constant 0 : i32
        %dma_start3A_232 = tpu.memref_slice %arg8[%add3A_230, %dma_start3A_231] : memref<250x40xi32, #tpu.memory_space<vmem>> -> memref<1x40xi32, #tpu.memory_space<vmem>>
        %dma_start3A_233 = tpu.memref_squeeze %dma_start3A_232 : memref<1x40xi32, #tpu.memory_space<vmem>> -> memref<40xi32, #tpu.memory_space<vmem>>
        %dma_start3A_234 = arith.constant 0 : i32
        %dma_start3A_235 = arith.constant 0 : i32
        %dma_start3A_236 = tpu.memref_slice %arg3[%dma_start3A_234, %dma_start3A_235] : memref<10000x128xf32, #tpu.memory_space<hbm>> -> memref<10000x128xf32, #tpu.memory_space<hbm>>
        tpu.enqueue_indirect_dma source(%dma_start3A_236 : memref<10000x128xf32, #tpu.memory_space<hbm>>) target(%arg12 : memref<40x128xf32, #tpu.memory_space<vmem>>) offsets(%dma_start3A_233 : memref<40xi32, #tpu.memory_space<vmem>>) semaphore(%arg15 : memref<!tpu.dma_semaphore, #tpu.memory_space<semaphore_mem>>)
      } else {
      }
    }
    %scan3A_114 = arith.constant 83 : i32
    %dma_wait3A_115 = arith.constant 0 : i32
    %dma_wait3A_116 = arith.constant 0 : i32
    %dma_wait3A_117 = tpu.memref_slice %arg9[%dma_wait3A_115, %dma_wait3A_116] : memref<250x40xi32, #tpu.memory_space<vmem>> -> memref<1x40xi32, #tpu.memory_space<vmem>>
    %dma_wait3A_118 = tpu.memref_squeeze %dma_wait3A_117 : memref<1x40xi32, #tpu.memory_space<vmem>> -> memref<40xi32, #tpu.memory_space<vmem>>
    %dma_wait3A_119 = arith.constant 0 : i32
    %dma_wait3A_120 = arith.constant 0 : i32
    %dma_wait3A_121 = tpu.memref_slice %arg19[%dma_wait3A_119, %dma_wait3A_120] : memref<10000x128xf32, #tpu.memory_space<vmem_shared>> -> memref<10000x128xf32, #tpu.memory_space<vmem_shared>>
    tpu.wait_indirect_dma semaphore(%arg16 : memref<!tpu.dma_semaphore, #tpu.memory_space<semaphore_mem>>) src(%arg10 : memref<40x128xf32, #tpu.memory_space<vmem>>) dst(%dma_wait3A_121 : memref<10000x128xf32, #tpu.memory_space<vmem_shared>>)
    %dma_wait3A_122 = arith.constant 0 : i32
    %dma_wait3A_123 = arith.constant 0 : i32
    %dma_wait3A_124 = tpu.memref_slice %arg9[%dma_wait3A_122, %dma_wait3A_123] : memref<250x40xi32, #tpu.memory_space<vmem>> -> memref<1x40xi32, #tpu.memory_space<vmem>>
    %dma_wait3A_125 = tpu.memref_squeeze %dma_wait3A_124 : memref<1x40xi32, #tpu.memory_space<vmem>> -> memref<40xi32, #tpu.memory_space<vmem>>
    %dma_wait3A_126 = arith.constant 0 : i32
    %dma_wait3A_127 = arith.constant 0 : i32
    %dma_wait3A_128 = tpu.memref_slice %arg19[%dma_wait3A_126, %dma_wait3A_127] : memref<10000x128xf32, #tpu.memory_space<vmem_shared>> -> memref<10000x128xf32, #tpu.memory_space<vmem_shared>>
    tpu.wait_indirect_dma semaphore(%arg17 : memref<!tpu.dma_semaphore, #tpu.memory_space<semaphore_mem>>) src(%arg11 : memref<40x128xf32, #tpu.memory_space<vmem>>) dst(%dma_wait3A_128 : memref<10000x128xf32, #tpu.memory_space<vmem_shared>>)
    %dma_wait3A_129 = arith.constant 0 : i32
    %dma_wait3A_130 = arith.constant 0 : i32
    %dma_wait3A_131 = tpu.memref_slice %arg9[%dma_wait3A_129, %dma_wait3A_130] : memref<250x40xi32, #tpu.memory_space<vmem>> -> memref<1x40xi32, #tpu.memory_space<vmem>>
    %dma_wait3A_132 = tpu.memref_squeeze %dma_wait3A_131 : memref<1x40xi32, #tpu.memory_space<vmem>> -> memref<40xi32, #tpu.memory_space<vmem>>
    %dma_wait3A_133 = arith.constant 0 : i32
    %dma_wait3A_134 = arith.constant 0 : i32
    %dma_wait3A_135 = tpu.memref_slice %arg19[%dma_wait3A_133, %dma_wait3A_134] : memref<10000x128xf32, #tpu.memory_space<vmem_shared>> -> memref<10000x128xf32, #tpu.memory_space<vmem_shared>>
    tpu.wait_indirect_dma semaphore(%arg18 : memref<!tpu.dma_semaphore, #tpu.memory_space<semaphore_mem>>) src(%arg12 : memref<40x128xf32, #tpu.memory_space<vmem>>) dst(%dma_wait3A_135 : memref<10000x128xf32, #tpu.memory_space<vmem_shared>>)
    %barrier3A_136 = arith.constant 0 : index
    tpu.barrier barrier_id(%barrier3A_136)
    %mul3A_137 = arith.constant 624 : i32
    %mul3A_138 = arith.muli %arg1, %mul3A_137 : i32
    "tpu.region"() ({
      %run_scoped3A_144 = tpu.sem_alloc : memref<!tpu.dma_semaphore, #tpu.memory_space<semaphore_mem>>
      %dma_start3A_145 = arith.constant 0 : i32
      %dma_start3A_146 = tpu.memref_slice %arg7[%arg0, %mul3A_138, %dma_start3A_145] : memref<2x10000x128xf32, #tpu.memory_space<hbm>> -> memref<1x624x128xf32, #tpu.memory_space<hbm>>
      %dma_start3A_147 = tpu.memref_squeeze %dma_start3A_146 : memref<1x624x128xf32, #tpu.memory_space<hbm>> -> memref<624x128xf32, #tpu.memory_space<hbm>>
      %dma_start3A_148 = arith.constant 0 : i32
      %dma_start3A_149 = tpu.memref_slice %arg19[%mul3A_138, %dma_start3A_148] : memref<10000x128xf32, #tpu.memory_space<vmem_shared>> -> memref<624x128xf32, #tpu.memory_space<vmem_shared>>
      tpu.enqueue_dma source(%dma_start3A_149 : memref<624x128xf32, #tpu.memory_space<vmem_shared>>) target(%dma_start3A_147 : memref<624x128xf32, #tpu.memory_space<hbm>>) target_semaphore(%run_scoped3A_144 : memref<!tpu.dma_semaphore, #tpu.memory_space<semaphore_mem>>)
      %dma_wait3A_150 = arith.constant 0 : i32
      %dma_wait3A_151 = tpu.memref_slice %arg7[%arg0, %mul3A_138, %dma_wait3A_150] : memref<2x10000x128xf32, #tpu.memory_space<hbm>> -> memref<1x624x128xf32, #tpu.memory_space<hbm>>
      %dma_wait3A_152 = tpu.memref_squeeze %dma_wait3A_151 : memref<1x624x128xf32, #tpu.memory_space<hbm>> -> memref<624x128xf32, #tpu.memory_space<hbm>>
      %dma_wait3A_153 = arith.constant 0 : i32
      %dma_wait3A_154 = tpu.memref_slice %arg19[%mul3A_138, %dma_wait3A_153] : memref<10000x128xf32, #tpu.memory_space<vmem_shared>> -> memref<624x128xf32, #tpu.memory_space<vmem_shared>>
      tpu.wait_dma2 semaphore(%run_scoped3A_144 : memref<!tpu.dma_semaphore, #tpu.memory_space<semaphore_mem>>) src(%dma_wait3A_154 : memref<624x128xf32, #tpu.memory_space<vmem_shared>>) dst(%dma_wait3A_152 : memref<624x128xf32, #tpu.memory_space<hbm>>)
      tpu.yield
    }) : () -> ()
    %eq3A_139 = arith.constant 15 : i32
    %eq3A_140 = arith.cmpi eq, %arg1, %eq3A_139 : i32
    %convert_element_type3A_141 = arith.extui %eq3A_140 : i1 to i32
    %cond3A_142 = arith.constant 0 : i32
    %cond3A_143 = arith.cmpi ne, %convert_element_type3A_141, %cond3A_142 : i32
    scf.if %cond3A_143 {
      "tpu.region"() ({
        %run_scoped3A_144 = tpu.sem_alloc : memref<!tpu.dma_semaphore, #tpu.memory_space<semaphore_mem>>
        %dma_start3A_145 = arith.constant 9984 : i32
        %dma_start3A_146 = arith.constant 0 : i32
        %dma_start3A_147 = tpu.memref_slice %arg7[%arg0, %dma_start3A_145, %dma_start3A_146] : memref<2x10000x128xf32, #tpu.memory_space<hbm>> -> memref<1x16x128xf32, #tpu.memory_space<hbm>>
        %dma_start3A_148 = tpu.memref_squeeze %dma_start3A_147 : memref<1x16x128xf32, #tpu.memory_space<hbm>> -> memref<16x128xf32, #tpu.memory_space<hbm>>
        %dma_start3A_149 = arith.constant 9984 : i32
        %dma_start3A_150 = arith.constant 0 : i32
        %dma_start3A_151 = tpu.memref_slice %arg19[%dma_start3A_149, %dma_start3A_150] : memref<10000x128xf32, #tpu.memory_space<vmem_shared>> -> memref<16x128xf32, #tpu.memory_space<vmem_shared>>
        tpu.enqueue_dma source(%dma_start3A_151 : memref<16x128xf32, #tpu.memory_space<vmem_shared>>) target(%dma_start3A_148 : memref<16x128xf32, #tpu.memory_space<hbm>>) target_semaphore(%run_scoped3A_144 : memref<!tpu.dma_semaphore, #tpu.memory_space<semaphore_mem>>)
        %dma_wait3A_152 = arith.constant 9984 : i32
        %dma_wait3A_153 = arith.constant 0 : i32
        %dma_wait3A_154 = tpu.memref_slice %arg7[%arg0, %dma_wait3A_152, %dma_wait3A_153] : memref<2x10000x128xf32, #tpu.memory_space<hbm>> -> memref<1x16x128xf32, #tpu.memory_space<hbm>>
        %dma_wait3A_155 = tpu.memref_squeeze %dma_wait3A_154 : memref<1x16x128xf32, #tpu.memory_space<hbm>> -> memref<16x128xf32, #tpu.memory_space<hbm>>
        %dma_wait3A_156 = arith.constant 9984 : i32
        %dma_wait3A_157 = arith.constant 0 : i32
        %dma_wait3A_158 = tpu.memref_slice %arg19[%dma_wait3A_156, %dma_wait3A_157] : memref<10000x128xf32, #tpu.memory_space<vmem_shared>> -> memref<16x128xf32, #tpu.memory_space<vmem_shared>>
        tpu.wait_dma2 semaphore(%run_scoped3A_144 : memref<!tpu.dma_semaphore, #tpu.memory_space<semaphore_mem>>) src(%dma_wait3A_158 : memref<16x128xf32, #tpu.memory_space<vmem_shared>>) dst(%dma_wait3A_155 : memref<16x128xf32, #tpu.memory_space<hbm>>)
        tpu.yield
      }) : () -> ()
    } else {
    }
    return
  }
}

#map = affine_map<(d0, d1) -> (0, 0)>
#map1 = affine_map<(d0, d1) -> (0, 0, 0, 0)>
#map2 = affine_map<(d0, d1) -> (0, 0, 0)>
module attributes {stable_mosaic.version = 14 : i64} {
  func.func @body(%arg0: i32, %arg1: i32, %arg2: memref<10000x128xf32, #tpu.memory_space<hbm>>, %arg3: memref<10000x128xf32, #tpu.memory_space<hbm>>, %arg4: memref<2x32x250x40xi32, #tpu.memory_space<hbm>>, %arg5: memref<10000x128xf32, #tpu.memory_space<hbm>>, %arg6: memref<2x10000x128xf32, #tpu.memory_space<hbm>>, %arg7: memref<2x10000x128xf32, #tpu.memory_space<hbm>>, %arg8: memref<250x40xi32, #tpu.memory_space<vmem>>, %arg9: memref<250x40xi32, #tpu.memory_space<vmem>>, %arg10: memref<40x128xf32, #tpu.memory_space<vmem>>, %arg11: memref<40x128xf32, #tpu.memory_space<vmem>>, %arg12: memref<40x128xf32, #tpu.memory_space<vmem>>, %arg13: memref<!tpu.dma_semaphore, #tpu.memory_space<semaphore_mem>>, %arg14: memref<!tpu.dma_semaphore, #tpu.memory_space<semaphore_mem>>, %arg15: memref<!tpu.dma_semaphore, #tpu.memory_space<semaphore_mem>>, %arg16: memref<!tpu.dma_semaphore, #tpu.memory_space<semaphore_mem>>, %arg17: memref<!tpu.dma_semaphore, #tpu.memory_space<semaphore_mem>>, %arg18: memref<!tpu.dma_semaphore, #tpu.memory_space<semaphore_mem>>, %arg19: memref<10000x128xf32, #tpu.memory_space<vmem_shared>>) attributes {dimension_semantics = [#tpu.dimension_semantics<core_parallel>, #tpu.dimension_semantics<subcore_parallel>], iteration_bounds = array<i64: 2, 16>, scalar_prefetch = 0 : i64, scratch_operands = 12 : i64, tpu.core_type = #tpu.core_type<sc_vector_subcore>, window_params = [{transform_indices = #map}, {transform_indices = #map}, {transform_indices = #map1}, {transform_indices = #map}, {transform_indices = #map2}, {transform_indices = #map2}]} {
    %mul3A = arith.constant 16 : i32
    %mul3A_0 = arith.muli %arg0, %mul3A : i32
    %add3A = arith.addi %mul3A_0, %arg1 : i32
    %run_scoped3A = arith.constant 0 : i32
    "tpu.region"() ({
      %run_scoped3A_144 = tpu.sem_alloc : memref<!tpu.dma_semaphore, #tpu.memory_space<semaphore_mem>>
      %dma_start3A_145 = arith.constant 0 : i32
      %dma_start3A_146 = arith.constant 0 : i32
      %dma_start3A_147 = tpu.memref_slice %arg4[%run_scoped3A, %add3A, %dma_start3A_145, %dma_start3A_146] : memref<2x32x250x40xi32, #tpu.memory_space<hbm>> -> memref<1x1x250x40xi32, #tpu.memory_space<hbm>>
      %dma_start3A_148 = tpu.memref_squeeze %dma_start3A_147 : memref<1x1x250x40xi32, #tpu.memory_space<hbm>> -> memref<250x40xi32, #tpu.memory_space<hbm>>
      %dma_start3A_149 = arith.constant 0 : i32
      %dma_start3A_150 = arith.constant 0 : i32
      %dma_start3A_151 = tpu.memref_slice %arg4[%run_scoped3A, %add3A, %dma_start3A_149, %dma_start3A_150] : memref<2x32x250x40xi32, #tpu.memory_space<hbm>> -> memref<1x1x250x40xi32, #tpu.memory_space<hbm>>
      %dma_start3A_152 = tpu.memref_squeeze %dma_start3A_151 : memref<1x1x250x40xi32, #tpu.memory_space<hbm>> -> memref<250x40xi32, #tpu.memory_space<hbm>>
      tpu.enqueue_dma source(%dma_start3A_152 : memref<250x40xi32, #tpu.memory_space<hbm>>) target(%arg8 : memref<250x40xi32, #tpu.memory_space<vmem>>) target_semaphore(%run_scoped3A_144 : memref<!tpu.dma_semaphore, #tpu.memory_space<semaphore_mem>>)
      %dma_wait3A_153 = arith.constant 0 : i32
      %dma_wait3A_154 = arith.constant 0 : i32
      %dma_wait3A_155 = tpu.memref_slice %arg4[%run_scoped3A, %add3A, %dma_wait3A_153, %dma_wait3A_154] : memref<2x32x250x40xi32, #tpu.memory_space<hbm>> -> memref<1x1x250x40xi32, #tpu.memory_space<hbm>>
      %dma_wait3A_156 = tpu.memref_squeeze %dma_wait3A_155 : memref<1x1x250x40xi32, #tpu.memory_space<hbm>> -> memref<250x40xi32, #tpu.memory_space<hbm>>
      %dma_wait3A_157 = arith.constant 0 : i32
      %dma_wait3A_158 = arith.constant 0 : i32
      %dma_wait3A_159 = tpu.memref_slice %arg4[%run_scoped3A, %add3A, %dma_wait3A_157, %dma_wait3A_158] : memref<2x32x250x40xi32, #tpu.memory_space<hbm>> -> memref<1x1x250x40xi32, #tpu.memory_space<hbm>>
      %dma_wait3A_160 = tpu.memref_squeeze %dma_wait3A_159 : memref<1x1x250x40xi32, #tpu.memory_space<hbm>> -> memref<250x40xi32, #tpu.memory_space<hbm>>
      tpu.wait_dma2 semaphore(%run_scoped3A_144 : memref<!tpu.dma_semaphore, #tpu.memory_space<semaphore_mem>>) src(%dma_wait3A_160 : memref<250x40xi32, #tpu.memory_space<hbm>>) dst(%arg8 : memref<250x40xi32, #tpu.memory_space<vmem>>)
      tpu.yield
    }) : () -> ()
    %run_scoped3A_1 = arith.constant 1 : i32
    "tpu.region"() ({
      %run_scoped3A_144 = tpu.sem_alloc : memref<!tpu.dma_semaphore, #tpu.memory_space<semaphore_mem>>
      %dma_start3A_145 = arith.constant 0 : i32
      %dma_start3A_146 = arith.constant 0 : i32
      %dma_start3A_147 = tpu.memref_slice %arg4[%run_scoped3A_1, %add3A, %dma_start3A_145, %dma_start3A_146] : memref<2x32x250x40xi32, #tpu.memory_space<hbm>> -> memref<1x1x250x40xi32, #tpu.memory_space<hbm>>
      %dma_start3A_148 = tpu.memref_squeeze %dma_start3A_147 : memref<1x1x250x40xi32, #tpu.memory_space<hbm>> -> memref<250x40xi32, #tpu.memory_space<hbm>>
      %dma_start3A_149 = arith.constant 0 : i32
      %dma_start3A_150 = arith.constant 0 : i32
      %dma_start3A_151 = tpu.memref_slice %arg4[%run_scoped3A_1, %add3A, %dma_start3A_149, %dma_start3A_150] : memref<2x32x250x40xi32, #tpu.memory_space<hbm>> -> memref<1x1x250x40xi32, #tpu.memory_space<hbm>>
      %dma_start3A_152 = tpu.memref_squeeze %dma_start3A_151 : memref<1x1x250x40xi32, #tpu.memory_space<hbm>> -> memref<250x40xi32, #tpu.memory_space<hbm>>
      tpu.enqueue_dma source(%dma_start3A_152 : memref<250x40xi32, #tpu.memory_space<hbm>>) target(%arg9 : memref<250x40xi32, #tpu.memory_space<vmem>>) target_semaphore(%run_scoped3A_144 : memref<!tpu.dma_semaphore, #tpu.memory_space<semaphore_mem>>)
      %dma_wait3A_153 = arith.constant 0 : i32
      %dma_wait3A_154 = arith.constant 0 : i32
      %dma_wait3A_155 = tpu.memref_slice %arg4[%run_scoped3A_1, %add3A, %dma_wait3A_153, %dma_wait3A_154] : memref<2x32x250x40xi32, #tpu.memory_space<hbm>> -> memref<1x1x250x40xi32, #tpu.memory_space<hbm>>
      %dma_wait3A_156 = tpu.memref_squeeze %dma_wait3A_155 : memref<1x1x250x40xi32, #tpu.memory_space<hbm>> -> memref<250x40xi32, #tpu.memory_space<hbm>>
      %dma_wait3A_157 = arith.constant 0 : i32
      %dma_wait3A_158 = arith.constant 0 : i32
      %dma_wait3A_159 = tpu.memref_slice %arg4[%run_scoped3A_1, %add3A, %dma_wait3A_157, %dma_wait3A_158] : memref<2x32x250x40xi32, #tpu.memory_space<hbm>> -> memref<1x1x250x40xi32, #tpu.memory_space<hbm>>
      %dma_wait3A_160 = tpu.memref_squeeze %dma_wait3A_159 : memref<1x1x250x40xi32, #tpu.memory_space<hbm>> -> memref<250x40xi32, #tpu.memory_space<hbm>>
      tpu.wait_dma2 semaphore(%run_scoped3A_144 : memref<!tpu.dma_semaphore, #tpu.memory_space<semaphore_mem>>) src(%dma_wait3A_160 : memref<250x40xi32, #tpu.memory_space<hbm>>) dst(%arg9 : memref<250x40xi32, #tpu.memory_space<vmem>>)
      tpu.yield
    }) : () -> ()
    %mul3A_2 = arith.constant 624 : i32
    %mul3A_3 = arith.muli %arg1, %mul3A_2 : i32
    "tpu.region"() ({
      %run_scoped3A_144 = tpu.sem_alloc : memref<!tpu.dma_semaphore, #tpu.memory_space<semaphore_mem>>
      %dma_start3A_145 = arith.constant 0 : i32
      %dma_start3A_146 = tpu.memref_slice %arg19[%mul3A_3, %dma_start3A_145] : memref<10000x128xf32, #tpu.memory_space<vmem_shared>> -> memref<624x128xf32, #tpu.memory_space<vmem_shared>>
      %dma_start3A_147 = arith.constant 0 : i32
      %dma_start3A_148 = tpu.memref_slice %arg5[%mul3A_3, %dma_start3A_147] : memref<10000x128xf32, #tpu.memory_space<hbm>> -> memref<624x128xf32, #tpu.memory_space<hbm>>
      tpu.enqueue_dma source(%dma_start3A_148 : memref<624x128xf32, #tpu.memory_space<hbm>>) target(%dma_start3A_146 : memref<624x128xf32, #tpu.memory_space<vmem_shared>>) target_semaphore(%run_scoped3A_144 : memref<!tpu.dma_semaphore, #tpu.memory_space<semaphore_mem>>)
      %dma_wait3A_149 = arith.constant 0 : i32
      %dma_wait3A_150 = tpu.memref_slice %arg19[%mul3A_3, %dma_wait3A_149] : memref<10000x128xf32, #tpu.memory_space<vmem_shared>> -> memref<624x128xf32, #tpu.memory_space<vmem_shared>>
      %dma_wait3A_151 = arith.constant 0 : i32
      %dma_wait3A_152 = tpu.memref_slice %arg5[%mul3A_3, %dma_wait3A_151] : memref<10000x128xf32, #tpu.memory_space<hbm>> -> memref<624x128xf32, #tpu.memory_space<hbm>>
      tpu.wait_dma2 semaphore(%run_scoped3A_144 : memref<!tpu.dma_semaphore, #tpu.memory_space<semaphore_mem>>) src(%dma_wait3A_152 : memref<624x128xf32, #tpu.memory_space<hbm>>) dst(%dma_wait3A_150 : memref<624x128xf32, #tpu.memory_space<vmem_shared>>)
      tpu.yield
    }) : () -> ()
    %eq3A = arith.constant 15 : i32
    %eq3A_4 = arith.cmpi eq, %arg1, %eq3A : i32
    %convert_element_type3A = arith.extui %eq3A_4 : i1 to i32
    %cond3A = arith.constant 0 : i32
    %cond3A_5 = arith.cmpi ne, %convert_element_type3A, %cond3A : i32
    scf.if %cond3A_5 {
      "tpu.region"() ({
        %run_scoped3A_144 = tpu.sem_alloc : memref<!tpu.dma_semaphore, #tpu.memory_space<semaphore_mem>>
        %dma_start3A_145 = arith.constant 9984 : i32
        %dma_start3A_146 = arith.constant 0 : i32
        %dma_start3A_147 = tpu.memref_slice %arg19[%dma_start3A_145, %dma_start3A_146] : memref<10000x128xf32, #tpu.memory_space<vmem_shared>> -> memref<16x128xf32, #tpu.memory_space<vmem_shared>>
        %dma_start3A_148 = arith.constant 9984 : i32
        %dma_start3A_149 = arith.constant 0 : i32
        %dma_start3A_150 = tpu.memref_slice %arg5[%dma_start3A_148, %dma_start3A_149] : memref<10000x128xf32, #tpu.memory_space<hbm>> -> memref<16x128xf32, #tpu.memory_space<hbm>>
        tpu.enqueue_dma source(%dma_start3A_150 : memref<16x128xf32, #tpu.memory_space<hbm>>) target(%dma_start3A_147 : memref<16x128xf32, #tpu.memory_space<vmem_shared>>) target_semaphore(%run_scoped3A_144 : memref<!tpu.dma_semaphore, #tpu.memory_space<semaphore_mem>>)
        %dma_wait3A_151 = arith.constant 9984 : i32
        %dma_wait3A_152 = arith.constant 0 : i32
        %dma_wait3A_153 = tpu.memref_slice %arg19[%dma_wait3A_151, %dma_wait3A_152] : memref<10000x128xf32, #tpu.memory_space<vmem_shared>> -> memref<16x128xf32, #tpu.memory_space<vmem_shared>>
        %dma_wait3A_154 = arith.constant 9984 : i32
        %dma_wait3A_155 = arith.constant 0 : i32
        %dma_wait3A_156 = tpu.memref_slice %arg5[%dma_wait3A_154, %dma_wait3A_155] : memref<10000x128xf32, #tpu.memory_space<hbm>> -> memref<16x128xf32, #tpu.memory_space<hbm>>
        tpu.wait_dma2 semaphore(%run_scoped3A_144 : memref<!tpu.dma_semaphore, #tpu.memory_space<semaphore_mem>>) src(%dma_wait3A_156 : memref<16x128xf32, #tpu.memory_space<hbm>>) dst(%dma_wait3A_153 : memref<16x128xf32, #tpu.memory_space<vmem_shared>>)
        tpu.yield
      }) : () -> ()
    } else {
    }
    %barrier3A = arith.constant 0 : index
    tpu.barrier barrier_id(%barrier3A)
    %dma_start3A = arith.constant 0 : i32
    %dma_start3A_6 = arith.constant 0 : i32
    %dma_start3A_7 = tpu.memref_slice %arg8[%dma_start3A, %dma_start3A_6] : memref<250x40xi32, #tpu.memory_space<vmem>> -> memref<1x40xi32, #tpu.memory_space<vmem>>
    %dma_start3A_8 = tpu.memref_squeeze %dma_start3A_7 : memref<1x40xi32, #tpu.memory_space<vmem>> -> memref<40xi32, #tpu.memory_space<vmem>>
    %dma_start3A_9 = arith.constant 0 : i32
    %dma_start3A_10 = arith.constant 0 : i32
    %dma_start3A_11 = tpu.memref_slice %arg2[%dma_start3A_9, %dma_start3A_10] : memref<10000x128xf32, #tpu.memory_space<hbm>> -> memref<10000x128xf32, #tpu.memory_space<hbm>>
    tpu.enqueue_indirect_dma source(%dma_start3A_11 : memref<10000x128xf32, #tpu.memory_space<hbm>>) target(%arg10 : memref<40x128xf32, #tpu.memory_space<vmem>>) offsets(%dma_start3A_8 : memref<40xi32, #tpu.memory_space<vmem>>) semaphore(%arg13 : memref<!tpu.dma_semaphore, #tpu.memory_space<semaphore_mem>>)
    %dma_start3A_12 = arith.constant 1 : i32
    %dma_start3A_13 = arith.constant 0 : i32
    %dma_start3A_14 = tpu.memref_slice %arg8[%dma_start3A_12, %dma_start3A_13] : memref<250x40xi32, #tpu.memory_space<vmem>> -> memref<1x40xi32, #tpu.memory_space<vmem>>
    %dma_start3A_15 = tpu.memref_squeeze %dma_start3A_14 : memref<1x40xi32, #tpu.memory_space<vmem>> -> memref<40xi32, #tpu.memory_space<vmem>>
    %dma_start3A_16 = arith.constant 0 : i32
    %dma_start3A_17 = arith.constant 0 : i32
    %dma_start3A_18 = tpu.memref_slice %arg2[%dma_start3A_16, %dma_start3A_17] : memref<10000x128xf32, #tpu.memory_space<hbm>> -> memref<10000x128xf32, #tpu.memory_space<hbm>>
    tpu.enqueue_indirect_dma source(%dma_start3A_18 : memref<10000x128xf32, #tpu.memory_space<hbm>>) target(%arg11 : memref<40x128xf32, #tpu.memory_space<vmem>>) offsets(%dma_start3A_15 : memref<40xi32, #tpu.memory_space<vmem>>) semaphore(%arg14 : memref<!tpu.dma_semaphore, #tpu.memory_space<semaphore_mem>>)
    %dma_wait3A = arith.constant 0 : i32
    %dma_wait3A_19 = arith.constant 0 : i32
    %dma_wait3A_20 = tpu.memref_slice %arg8[%dma_wait3A, %dma_wait3A_19] : memref<250x40xi32, #tpu.memory_space<vmem>> -> memref<1x40xi32, #tpu.memory_space<vmem>>
    %dma_wait3A_21 = tpu.memref_squeeze %dma_wait3A_20 : memref<1x40xi32, #tpu.memory_space<vmem>> -> memref<40xi32, #tpu.memory_space<vmem>>
    %dma_wait3A_22 = arith.constant 0 : i32
    %dma_wait3A_23 = arith.constant 0 : i32
    %dma_wait3A_24 = tpu.memref_slice %arg2[%dma_wait3A_22, %dma_wait3A_23] : memref<10000x128xf32, #tpu.memory_space<hbm>> -> memref<10000x128xf32, #tpu.memory_space<hbm>>
    tpu.wait_indirect_dma semaphore(%arg13 : memref<!tpu.dma_semaphore, #tpu.memory_space<semaphore_mem>>) src(%dma_wait3A_24 : memref<10000x128xf32, #tpu.memory_space<hbm>>) dst(%arg10 : memref<40x128xf32, #tpu.memory_space<vmem>>)
    %dma_start3A_25 = arith.constant 0 : i32
    %dma_start3A_26 = arith.constant 0 : i32
    %dma_start3A_27 = tpu.memref_slice %arg9[%dma_start3A_25, %dma_start3A_26] : memref<250x40xi32, #tpu.memory_space<vmem>> -> memref<1x40xi32, #tpu.memory_space<vmem>>
    %dma_start3A_28 = tpu.memref_squeeze %dma_start3A_27 : memref<1x40xi32, #tpu.memory_space<vmem>> -> memref<40xi32, #tpu.memory_space<vmem>>
    %dma_start3A_29 = arith.constant 0 : i32
    %dma_start3A_30 = arith.constant 0 : i32
    %dma_start3A_31 = tpu.memref_slice %arg19[%dma_start3A_29, %dma_start3A_30] : memref<10000x128xf32, #tpu.memory_space<vmem_shared>> -> memref<10000x128xf32, #tpu.memory_space<vmem_shared>>
    tpu.enqueue_indirect_dma source(%arg10 : memref<40x128xf32, #tpu.memory_space<vmem>>) target(%dma_start3A_31 : memref<10000x128xf32, #tpu.memory_space<vmem_shared>>) offsets(%dma_start3A_28 : memref<40xi32, #tpu.memory_space<vmem>>) semaphore(%arg16 : memref<!tpu.dma_semaphore, #tpu.memory_space<semaphore_mem>>) {add = true}
    %dma_start3A_32 = arith.constant 2 : i32
    %dma_start3A_33 = arith.constant 0 : i32
    %dma_start3A_34 = tpu.memref_slice %arg8[%dma_start3A_32, %dma_start3A_33] : memref<250x40xi32, #tpu.memory_space<vmem>> -> memref<1x40xi32, #tpu.memory_space<vmem>>
    %dma_start3A_35 = tpu.memref_squeeze %dma_start3A_34 : memref<1x40xi32, #tpu.memory_space<vmem>> -> memref<40xi32, #tpu.memory_space<vmem>>
    %dma_start3A_36 = arith.constant 0 : i32
    %dma_start3A_37 = arith.constant 0 : i32
    %dma_start3A_38 = tpu.memref_slice %arg2[%dma_start3A_36, %dma_start3A_37] : memref<10000x128xf32, #tpu.memory_space<hbm>> -> memref<10000x128xf32, #tpu.memory_space<hbm>>
    tpu.enqueue_indirect_dma source(%dma_start3A_38 : memref<10000x128xf32, #tpu.memory_space<hbm>>) target(%arg12 : memref<40x128xf32, #tpu.memory_space<vmem>>) offsets(%dma_start3A_35 : memref<40xi32, #tpu.memory_space<vmem>>) semaphore(%arg15 : memref<!tpu.dma_semaphore, #tpu.memory_space<semaphore_mem>>)
    %scan3A = arith.constant 0 : i32
    %scan3A_39 = arith.constant 0 : i32
    %scan3A_40 = arith.constant 83 : i32
    %scan3A_41 = arith.addi %scan3A_39, %scan3A_40 : i32
    %scan3A_42 = arith.constant 1 : i32
    scf.for %scan3A_144 = %scan3A_39 to %scan3A_41 step %scan3A_42  : i32 {
      %mul3A_145 = arith.constant 3 : i32
      %mul3A_146 = arith.muli %mul3A_145, %scan3A_144 : i32
      %add3A_147 = arith.constant 1 : i32
      %add3A_148 = arith.addi %mul3A_146, %add3A_147 : i32
      %add3A_149 = arith.constant 0 : i32
      %add3A_150 = arith.addi %add3A_148, %add3A_149 : i32
      %dma_wait3A_151 = arith.constant 0 : i32
      %dma_wait3A_152 = arith.constant 0 : i32
      %dma_wait3A_153 = tpu.memref_slice %arg8[%dma_wait3A_151, %dma_wait3A_152] : memref<250x40xi32, #tpu.memory_space<vmem>> -> memref<1x40xi32, #tpu.memory_space<vmem>>
      %dma_wait3A_154 = tpu.memref_squeeze %dma_wait3A_153 : memref<1x40xi32, #tpu.memory_space<vmem>> -> memref<40xi32, #tpu.memory_space<vmem>>
      %dma_wait3A_155 = arith.constant 0 : i32
      %dma_wait3A_156 = arith.constant 0 : i32
      %dma_wait3A_157 = tpu.memref_slice %arg2[%dma_wait3A_155, %dma_wait3A_156] : memref<10000x128xf32, #tpu.memory_space<hbm>> -> memref<10000x128xf32, #tpu.memory_space<hbm>>
      tpu.wait_indirect_dma semaphore(%arg14 : memref<!tpu.dma_semaphore, #tpu.memory_space<semaphore_mem>>) src(%dma_wait3A_157 : memref<10000x128xf32, #tpu.memory_space<hbm>>) dst(%arg11 : memref<40x128xf32, #tpu.memory_space<vmem>>)
      %dma_start3A_158 = arith.constant 0 : i32
      %dma_start3A_159 = tpu.memref_slice %arg9[%add3A_150, %dma_start3A_158] : memref<250x40xi32, #tpu.memory_space<vmem>> -> memref<1x40xi32, #tpu.memory_space<vmem>>
      %dma_start3A_160 = tpu.memref_squeeze %dma_start3A_159 : memref<1x40xi32, #tpu.memory_space<vmem>> -> memref<40xi32, #tpu.memory_space<vmem>>
      %dma_start3A_161 = arith.constant 0 : i32
      %dma_start3A_162 = arith.constant 0 : i32
      %dma_start3A_163 = tpu.memref_slice %arg19[%dma_start3A_161, %dma_start3A_162] : memref<10000x128xf32, #tpu.memory_space<vmem_shared>> -> memref<10000x128xf32, #tpu.memory_space<vmem_shared>>
      tpu.enqueue_indirect_dma source(%arg11 : memref<40x128xf32, #tpu.memory_space<vmem>>) target(%dma_start3A_163 : memref<10000x128xf32, #tpu.memory_space<vmem_shared>>) offsets(%dma_start3A_160 : memref<40xi32, #tpu.memory_space<vmem>>) semaphore(%arg17 : memref<!tpu.dma_semaphore, #tpu.memory_space<semaphore_mem>>) {add = true}
      %add3A_164 = arith.constant 2 : i32
      %add3A_165 = arith.addi %add3A_150, %add3A_164 : i32
      %lt3A = arith.constant 250 : i32
      %lt3A_166 = arith.cmpi slt, %add3A_165, %lt3A : i32
      %convert_element_type3A_167 = arith.extui %lt3A_166 : i1 to i32
      %cond3A_168 = arith.constant 0 : i32
      %cond3A_169 = arith.cmpi ne, %convert_element_type3A_167, %cond3A_168 : i32
      scf.if %cond3A_169 {
        %dma_wait3A_222 = arith.constant 0 : i32
        %dma_wait3A_223 = arith.constant 0 : i32
        %dma_wait3A_224 = tpu.memref_slice %arg9[%dma_wait3A_222, %dma_wait3A_223] : memref<250x40xi32, #tpu.memory_space<vmem>> -> memref<1x40xi32, #tpu.memory_space<vmem>>
        %dma_wait3A_225 = tpu.memref_squeeze %dma_wait3A_224 : memref<1x40xi32, #tpu.memory_space<vmem>> -> memref<40xi32, #tpu.memory_space<vmem>>
        %dma_wait3A_226 = arith.constant 0 : i32
        %dma_wait3A_227 = arith.constant 0 : i32
        %dma_wait3A_228 = tpu.memref_slice %arg19[%dma_wait3A_226, %dma_wait3A_227] : memref<10000x128xf32, #tpu.memory_space<vmem_shared>> -> memref<10000x128xf32, #tpu.memory_space<vmem_shared>>
        tpu.wait_indirect_dma semaphore(%arg16 : memref<!tpu.dma_semaphore, #tpu.memory_space<semaphore_mem>>) src(%arg10 : memref<40x128xf32, #tpu.memory_space<vmem>>) dst(%dma_wait3A_228 : memref<10000x128xf32, #tpu.memory_space<vmem_shared>>)
        %add3A_229 = arith.constant 2 : i32
        %add3A_230 = arith.addi %add3A_150, %add3A_229 : i32
        %dma_start3A_231 = arith.constant 0 : i32
        %dma_start3A_232 = tpu.memref_slice %arg8[%add3A_230, %dma_start3A_231] : memref<250x40xi32, #tpu.memory_space<vmem>> -> memref<1x40xi32, #tpu.memory_space<vmem>>
        %dma_start3A_233 = tpu.memref_squeeze %dma_start3A_232 : memref<1x40xi32, #tpu.memory_space<vmem>> -> memref<40xi32, #tpu.memory_space<vmem>>
        %dma_start3A_234 = arith.constant 0 : i32
        %dma_start3A_235 = arith.constant 0 : i32
        %dma_start3A_236 = tpu.memref_slice %arg2[%dma_start3A_234, %dma_start3A_235] : memref<10000x128xf32, #tpu.memory_space<hbm>> -> memref<10000x128xf32, #tpu.memory_space<hbm>>
        tpu.enqueue_indirect_dma source(%dma_start3A_236 : memref<10000x128xf32, #tpu.memory_space<hbm>>) target(%arg10 : memref<40x128xf32, #tpu.memory_space<vmem>>) offsets(%dma_start3A_233 : memref<40xi32, #tpu.memory_space<vmem>>) semaphore(%arg13 : memref<!tpu.dma_semaphore, #tpu.memory_space<semaphore_mem>>)
      } else {
      }
      %mul3A_170 = arith.constant 3 : i32
      %mul3A_171 = arith.muli %mul3A_170, %scan3A_144 : i32
      %add3A_172 = arith.constant 1 : i32
      %add3A_173 = arith.addi %mul3A_171, %add3A_172 : i32
      %add3A_174 = arith.constant 1 : i32
      %add3A_175 = arith.addi %add3A_173, %add3A_174 : i32
      %dma_wait3A_176 = arith.constant 0 : i32
      %dma_wait3A_177 = arith.constant 0 : i32
      %dma_wait3A_178 = tpu.memref_slice %arg8[%dma_wait3A_176, %dma_wait3A_177] : memref<250x40xi32, #tpu.memory_space<vmem>> -> memref<1x40xi32, #tpu.memory_space<vmem>>
      %dma_wait3A_179 = tpu.memref_squeeze %dma_wait3A_178 : memref<1x40xi32, #tpu.memory_space<vmem>> -> memref<40xi32, #tpu.memory_space<vmem>>
      %dma_wait3A_180 = arith.constant 0 : i32
      %dma_wait3A_181 = arith.constant 0 : i32
      %dma_wait3A_182 = tpu.memref_slice %arg2[%dma_wait3A_180, %dma_wait3A_181] : memref<10000x128xf32, #tpu.memory_space<hbm>> -> memref<10000x128xf32, #tpu.memory_space<hbm>>
      tpu.wait_indirect_dma semaphore(%arg15 : memref<!tpu.dma_semaphore, #tpu.memory_space<semaphore_mem>>) src(%dma_wait3A_182 : memref<10000x128xf32, #tpu.memory_space<hbm>>) dst(%arg12 : memref<40x128xf32, #tpu.memory_space<vmem>>)
      %dma_start3A_183 = arith.constant 0 : i32
      %dma_start3A_184 = tpu.memref_slice %arg9[%add3A_175, %dma_start3A_183] : memref<250x40xi32, #tpu.memory_space<vmem>> -> memref<1x40xi32, #tpu.memory_space<vmem>>
      %dma_start3A_185 = tpu.memref_squeeze %dma_start3A_184 : memref<1x40xi32, #tpu.memory_space<vmem>> -> memref<40xi32, #tpu.memory_space<vmem>>
      %dma_start3A_186 = arith.constant 0 : i32
      %dma_start3A_187 = arith.constant 0 : i32
      %dma_start3A_188 = tpu.memref_slice %arg19[%dma_start3A_186, %dma_start3A_187] : memref<10000x128xf32, #tpu.memory_space<vmem_shared>> -> memref<10000x128xf32, #tpu.memory_space<vmem_shared>>
      tpu.enqueue_indirect_dma source(%arg12 : memref<40x128xf32, #tpu.memory_space<vmem>>) target(%dma_start3A_188 : memref<10000x128xf32, #tpu.memory_space<vmem_shared>>) offsets(%dma_start3A_185 : memref<40xi32, #tpu.memory_space<vmem>>) semaphore(%arg18 : memref<!tpu.dma_semaphore, #tpu.memory_space<semaphore_mem>>) {add = true}
      %add3A_189 = arith.constant 2 : i32
      %add3A_190 = arith.addi %add3A_175, %add3A_189 : i32
      %lt3A_191 = arith.constant 250 : i32
      %lt3A_192 = arith.cmpi slt, %add3A_190, %lt3A_191 : i32
      %convert_element_type3A_193 = arith.extui %lt3A_192 : i1 to i32
      %cond3A_194 = arith.constant 0 : i32
      %cond3A_195 = arith.cmpi ne, %convert_element_type3A_193, %cond3A_194 : i32
      scf.if %cond3A_195 {
        %dma_wait3A_222 = arith.constant 0 : i32
        %dma_wait3A_223 = arith.constant 0 : i32
        %dma_wait3A_224 = tpu.memref_slice %arg9[%dma_wait3A_222, %dma_wait3A_223] : memref<250x40xi32, #tpu.memory_space<vmem>> -> memref<1x40xi32, #tpu.memory_space<vmem>>
        %dma_wait3A_225 = tpu.memref_squeeze %dma_wait3A_224 : memref<1x40xi32, #tpu.memory_space<vmem>> -> memref<40xi32, #tpu.memory_space<vmem>>
        %dma_wait3A_226 = arith.constant 0 : i32
        %dma_wait3A_227 = arith.constant 0 : i32
        %dma_wait3A_228 = tpu.memref_slice %arg19[%dma_wait3A_226, %dma_wait3A_227] : memref<10000x128xf32, #tpu.memory_space<vmem_shared>> -> memref<10000x128xf32, #tpu.memory_space<vmem_shared>>
        tpu.wait_indirect_dma semaphore(%arg17 : memref<!tpu.dma_semaphore, #tpu.memory_space<semaphore_mem>>) src(%arg11 : memref<40x128xf32, #tpu.memory_space<vmem>>) dst(%dma_wait3A_228 : memref<10000x128xf32, #tpu.memory_space<vmem_shared>>)
        %add3A_229 = arith.constant 2 : i32
        %add3A_230 = arith.addi %add3A_175, %add3A_229 : i32
        %dma_start3A_231 = arith.constant 0 : i32
        %dma_start3A_232 = tpu.memref_slice %arg8[%add3A_230, %dma_start3A_231] : memref<250x40xi32, #tpu.memory_space<vmem>> -> memref<1x40xi32, #tpu.memory_space<vmem>>
        %dma_start3A_233 = tpu.memref_squeeze %dma_start3A_232 : memref<1x40xi32, #tpu.memory_space<vmem>> -> memref<40xi32, #tpu.memory_space<vmem>>
        %dma_start3A_234 = arith.constant 0 : i32
        %dma_start3A_235 = arith.constant 0 : i32
        %dma_start3A_236 = tpu.memref_slice %arg2[%dma_start3A_234, %dma_start3A_235] : memref<10000x128xf32, #tpu.memory_space<hbm>> -> memref<10000x128xf32, #tpu.memory_space<hbm>>
        tpu.enqueue_indirect_dma source(%dma_start3A_236 : memref<10000x128xf32, #tpu.memory_space<hbm>>) target(%arg11 : memref<40x128xf32, #tpu.memory_space<vmem>>) offsets(%dma_start3A_233 : memref<40xi32, #tpu.memory_space<vmem>>) semaphore(%arg14 : memref<!tpu.dma_semaphore, #tpu.memory_space<semaphore_mem>>)
      } else {
      }
      %mul3A_196 = arith.constant 3 : i32
      %mul3A_197 = arith.muli %mul3A_196, %scan3A_144 : i32
      %add3A_198 = arith.constant 1 : i32
      %add3A_199 = arith.addi %mul3A_197, %add3A_198 : i32
      %add3A_200 = arith.constant 2 : i32
      %add3A_201 = arith.addi %add3A_199, %add3A_200 : i32
      %dma_wait3A_202 = arith.constant 0 : i32
      %dma_wait3A_203 = arith.constant 0 : i32
      %dma_wait3A_204 = tpu.memref_slice %arg8[%dma_wait3A_202, %dma_wait3A_203] : memref<250x40xi32, #tpu.memory_space<vmem>> -> memref<1x40xi32, #tpu.memory_space<vmem>>
      %dma_wait3A_205 = tpu.memref_squeeze %dma_wait3A_204 : memref<1x40xi32, #tpu.memory_space<vmem>> -> memref<40xi32, #tpu.memory_space<vmem>>
      %dma_wait3A_206 = arith.constant 0 : i32
      %dma_wait3A_207 = arith.constant 0 : i32
      %dma_wait3A_208 = tpu.memref_slice %arg2[%dma_wait3A_206, %dma_wait3A_207] : memref<10000x128xf32, #tpu.memory_space<hbm>> -> memref<10000x128xf32, #tpu.memory_space<hbm>>
      tpu.wait_indirect_dma semaphore(%arg13 : memref<!tpu.dma_semaphore, #tpu.memory_space<semaphore_mem>>) src(%dma_wait3A_208 : memref<10000x128xf32, #tpu.memory_space<hbm>>) dst(%arg10 : memref<40x128xf32, #tpu.memory_space<vmem>>)
      %dma_start3A_209 = arith.constant 0 : i32
      %dma_start3A_210 = tpu.memref_slice %arg9[%add3A_201, %dma_start3A_209] : memref<250x40xi32, #tpu.memory_space<vmem>> -> memref<1x40xi32, #tpu.memory_space<vmem>>
      %dma_start3A_211 = tpu.memref_squeeze %dma_start3A_210 : memref<1x40xi32, #tpu.memory_space<vmem>> -> memref<40xi32, #tpu.memory_space<vmem>>
      %dma_start3A_212 = arith.constant 0 : i32
      %dma_start3A_213 = arith.constant 0 : i32
      %dma_start3A_214 = tpu.memref_slice %arg19[%dma_start3A_212, %dma_start3A_213] : memref<10000x128xf32, #tpu.memory_space<vmem_shared>> -> memref<10000x128xf32, #tpu.memory_space<vmem_shared>>
      tpu.enqueue_indirect_dma source(%arg10 : memref<40x128xf32, #tpu.memory_space<vmem>>) target(%dma_start3A_214 : memref<10000x128xf32, #tpu.memory_space<vmem_shared>>) offsets(%dma_start3A_211 : memref<40xi32, #tpu.memory_space<vmem>>) semaphore(%arg16 : memref<!tpu.dma_semaphore, #tpu.memory_space<semaphore_mem>>) {add = true}
      %add3A_215 = arith.constant 2 : i32
      %add3A_216 = arith.addi %add3A_201, %add3A_215 : i32
      %lt3A_217 = arith.constant 250 : i32
      %lt3A_218 = arith.cmpi slt, %add3A_216, %lt3A_217 : i32
      %convert_element_type3A_219 = arith.extui %lt3A_218 : i1 to i32
      %cond3A_220 = arith.constant 0 : i32
      %cond3A_221 = arith.cmpi ne, %convert_element_type3A_219, %cond3A_220 : i32
      scf.if %cond3A_221 {
        %dma_wait3A_222 = arith.constant 0 : i32
        %dma_wait3A_223 = arith.constant 0 : i32
        %dma_wait3A_224 = tpu.memref_slice %arg9[%dma_wait3A_222, %dma_wait3A_223] : memref<250x40xi32, #tpu.memory_space<vmem>> -> memref<1x40xi32, #tpu.memory_space<vmem>>
        %dma_wait3A_225 = tpu.memref_squeeze %dma_wait3A_224 : memref<1x40xi32, #tpu.memory_space<vmem>> -> memref<40xi32, #tpu.memory_space<vmem>>
        %dma_wait3A_226 = arith.constant 0 : i32
        %dma_wait3A_227 = arith.constant 0 : i32
        %dma_wait3A_228 = tpu.memref_slice %arg19[%dma_wait3A_226, %dma_wait3A_227] : memref<10000x128xf32, #tpu.memory_space<vmem_shared>> -> memref<10000x128xf32, #tpu.memory_space<vmem_shared>>
        tpu.wait_indirect_dma semaphore(%arg18 : memref<!tpu.dma_semaphore, #tpu.memory_space<semaphore_mem>>) src(%arg12 : memref<40x128xf32, #tpu.memory_space<vmem>>) dst(%dma_wait3A_228 : memref<10000x128xf32, #tpu.memory_space<vmem_shared>>)
        %add3A_229 = arith.constant 2 : i32
        %add3A_230 = arith.addi %add3A_201, %add3A_229 : i32
        %dma_start3A_231 = arith.constant 0 : i32
        %dma_start3A_232 = tpu.memref_slice %arg8[%add3A_230, %dma_start3A_231] : memref<250x40xi32, #tpu.memory_space<vmem>> -> memref<1x40xi32, #tpu.memory_space<vmem>>
        %dma_start3A_233 = tpu.memref_squeeze %dma_start3A_232 : memref<1x40xi32, #tpu.memory_space<vmem>> -> memref<40xi32, #tpu.memory_space<vmem>>
        %dma_start3A_234 = arith.constant 0 : i32
        %dma_start3A_235 = arith.constant 0 : i32
        %dma_start3A_236 = tpu.memref_slice %arg2[%dma_start3A_234, %dma_start3A_235] : memref<10000x128xf32, #tpu.memory_space<hbm>> -> memref<10000x128xf32, #tpu.memory_space<hbm>>
        tpu.enqueue_indirect_dma source(%dma_start3A_236 : memref<10000x128xf32, #tpu.memory_space<hbm>>) target(%arg12 : memref<40x128xf32, #tpu.memory_space<vmem>>) offsets(%dma_start3A_233 : memref<40xi32, #tpu.memory_space<vmem>>) semaphore(%arg15 : memref<!tpu.dma_semaphore, #tpu.memory_space<semaphore_mem>>)
      } else {
      }
    }
    %scan3A_43 = arith.constant 83 : i32
    %dma_wait3A_44 = arith.constant 0 : i32
    %dma_wait3A_45 = arith.constant 0 : i32
    %dma_wait3A_46 = tpu.memref_slice %arg9[%dma_wait3A_44, %dma_wait3A_45] : memref<250x40xi32, #tpu.memory_space<vmem>> -> memref<1x40xi32, #tpu.memory_space<vmem>>
    %dma_wait3A_47 = tpu.memref_squeeze %dma_wait3A_46 : memref<1x40xi32, #tpu.memory_space<vmem>> -> memref<40xi32, #tpu.memory_space<vmem>>
    %dma_wait3A_48 = arith.constant 0 : i32
    %dma_wait3A_49 = arith.constant 0 : i32
    %dma_wait3A_50 = tpu.memref_slice %arg19[%dma_wait3A_48, %dma_wait3A_49] : memref<10000x128xf32, #tpu.memory_space<vmem_shared>> -> memref<10000x128xf32, #tpu.memory_space<vmem_shared>>
    tpu.wait_indirect_dma semaphore(%arg16 : memref<!tpu.dma_semaphore, #tpu.memory_space<semaphore_mem>>) src(%arg10 : memref<40x128xf32, #tpu.memory_space<vmem>>) dst(%dma_wait3A_50 : memref<10000x128xf32, #tpu.memory_space<vmem_shared>>)
    %dma_wait3A_51 = arith.constant 0 : i32
    %dma_wait3A_52 = arith.constant 0 : i32
    %dma_wait3A_53 = tpu.memref_slice %arg9[%dma_wait3A_51, %dma_wait3A_52] : memref<250x40xi32, #tpu.memory_space<vmem>> -> memref<1x40xi32, #tpu.memory_space<vmem>>
    %dma_wait3A_54 = tpu.memref_squeeze %dma_wait3A_53 : memref<1x40xi32, #tpu.memory_space<vmem>> -> memref<40xi32, #tpu.memory_space<vmem>>
    %dma_wait3A_55 = arith.constant 0 : i32
    %dma_wait3A_56 = arith.constant 0 : i32
    %dma_wait3A_57 = tpu.memref_slice %arg19[%dma_wait3A_55, %dma_wait3A_56] : memref<10000x128xf32, #tpu.memory_space<vmem_shared>> -> memref<10000x128xf32, #tpu.memory_space<vmem_shared>>
    tpu.wait_indirect_dma semaphore(%arg17 : memref<!tpu.dma_semaphore, #tpu.memory_space<semaphore_mem>>) src(%arg11 : memref<40x128xf32, #tpu.memory_space<vmem>>) dst(%dma_wait3A_57 : memref<10000x128xf32, #tpu.memory_space<vmem_shared>>)
    %dma_wait3A_58 = arith.constant 0 : i32
    %dma_wait3A_59 = arith.constant 0 : i32
    %dma_wait3A_60 = tpu.memref_slice %arg9[%dma_wait3A_58, %dma_wait3A_59] : memref<250x40xi32, #tpu.memory_space<vmem>> -> memref<1x40xi32, #tpu.memory_space<vmem>>
    %dma_wait3A_61 = tpu.memref_squeeze %dma_wait3A_60 : memref<1x40xi32, #tpu.memory_space<vmem>> -> memref<40xi32, #tpu.memory_space<vmem>>
    %dma_wait3A_62 = arith.constant 0 : i32
    %dma_wait3A_63 = arith.constant 0 : i32
    %dma_wait3A_64 = tpu.memref_slice %arg19[%dma_wait3A_62, %dma_wait3A_63] : memref<10000x128xf32, #tpu.memory_space<vmem_shared>> -> memref<10000x128xf32, #tpu.memory_space<vmem_shared>>
    tpu.wait_indirect_dma semaphore(%arg18 : memref<!tpu.dma_semaphore, #tpu.memory_space<semaphore_mem>>) src(%arg12 : memref<40x128xf32, #tpu.memory_space<vmem>>) dst(%dma_wait3A_64 : memref<10000x128xf32, #tpu.memory_space<vmem_shared>>)
    %barrier3A_65 = arith.constant 0 : index
    tpu.barrier barrier_id(%barrier3A_65)
    %mul3A_66 = arith.constant 624 : i32
    %mul3A_67 = arith.muli %arg1, %mul3A_66 : i32
    "tpu.region"() ({
      %run_scoped3A_144 = tpu.sem_alloc : memref<!tpu.dma_semaphore, #tpu.memory_space<semaphore_mem>>
      %dma_start3A_145 = arith.constant 0 : i32
      %dma_start3A_146 = tpu.memref_slice %arg6[%arg0, %mul3A_67, %dma_start3A_145] : memref<2x10000x128xf32, #tpu.memory_space<hbm>> -> memref<1x624x128xf32, #tpu.memory_space<hbm>>
      %dma_start3A_147 = tpu.memref_squeeze %dma_start3A_146 : memref<1x624x128xf32, #tpu.memory_space<hbm>> -> memref<624x128xf32, #tpu.memory_space<hbm>>
      %dma_start3A_148 = arith.constant 0 : i32
      %dma_start3A_149 = tpu.memref_slice %arg19[%mul3A_67, %dma_start3A_148] : memref<10000x128xf32, #tpu.memory_space<vmem_shared>> -> memref<624x128xf32, #tpu.memory_space<vmem_shared>>
      tpu.enqueue_dma source(%dma_start3A_149 : memref<624x128xf32, #tpu.memory_space<vmem_shared>>) target(%dma_start3A_147 : memref<624x128xf32, #tpu.memory_space<hbm>>) target_semaphore(%run_scoped3A_144 : memref<!tpu.dma_semaphore, #tpu.memory_space<semaphore_mem>>)
      %dma_wait3A_150 = arith.constant 0 : i32
      %dma_wait3A_151 = tpu.memref_slice %arg6[%arg0, %mul3A_67, %dma_wait3A_150] : memref<2x10000x128xf32, #tpu.memory_space<hbm>> -> memref<1x624x128xf32, #tpu.memory_space<hbm>>
      %dma_wait3A_152 = tpu.memref_squeeze %dma_wait3A_151 : memref<1x624x128xf32, #tpu.memory_space<hbm>> -> memref<624x128xf32, #tpu.memory_space<hbm>>
      %dma_wait3A_153 = arith.constant 0 : i32
      %dma_wait3A_154 = tpu.memref_slice %arg19[%mul3A_67, %dma_wait3A_153] : memref<10000x128xf32, #tpu.memory_space<vmem_shared>> -> memref<624x128xf32, #tpu.memory_space<vmem_shared>>
      tpu.wait_dma2 semaphore(%run_scoped3A_144 : memref<!tpu.dma_semaphore, #tpu.memory_space<semaphore_mem>>) src(%dma_wait3A_154 : memref<624x128xf32, #tpu.memory_space<vmem_shared>>) dst(%dma_wait3A_152 : memref<624x128xf32, #tpu.memory_space<hbm>>)
      tpu.yield
    }) : () -> ()
    "tpu.region"() ({
      %run_scoped3A_144 = tpu.sem_alloc : memref<!tpu.dma_semaphore, #tpu.memory_space<semaphore_mem>>
      %dma_start3A_145 = arith.constant 0 : i32
      %dma_start3A_146 = tpu.memref_slice %arg19[%mul3A_67, %dma_start3A_145] : memref<10000x128xf32, #tpu.memory_space<vmem_shared>> -> memref<624x128xf32, #tpu.memory_space<vmem_shared>>
      %dma_start3A_147 = arith.constant 0 : i32
      %dma_start3A_148 = tpu.memref_slice %arg5[%mul3A_67, %dma_start3A_147] : memref<10000x128xf32, #tpu.memory_space<hbm>> -> memref<624x128xf32, #tpu.memory_space<hbm>>
      tpu.enqueue_dma source(%dma_start3A_148 : memref<624x128xf32, #tpu.memory_space<hbm>>) target(%dma_start3A_146 : memref<624x128xf32, #tpu.memory_space<vmem_shared>>) target_semaphore(%run_scoped3A_144 : memref<!tpu.dma_semaphore, #tpu.memory_space<semaphore_mem>>)
      %dma_wait3A_149 = arith.constant 0 : i32
      %dma_wait3A_150 = tpu.memref_slice %arg19[%mul3A_67, %dma_wait3A_149] : memref<10000x128xf32, #tpu.memory_space<vmem_shared>> -> memref<624x128xf32, #tpu.memory_space<vmem_shared>>
      %dma_wait3A_151 = arith.constant 0 : i32
      %dma_wait3A_152 = tpu.memref_slice %arg5[%mul3A_67, %dma_wait3A_151] : memref<10000x128xf32, #tpu.memory_space<hbm>> -> memref<624x128xf32, #tpu.memory_space<hbm>>
      tpu.wait_dma2 semaphore(%run_scoped3A_144 : memref<!tpu.dma_semaphore, #tpu.memory_space<semaphore_mem>>) src(%dma_wait3A_152 : memref<624x128xf32, #tpu.memory_space<hbm>>) dst(%dma_wait3A_150 : memref<624x128xf32, #tpu.memory_space<vmem_shared>>)
      tpu.yield
    }) : () -> ()
    %eq3A_68 = arith.constant 15 : i32
    %eq3A_69 = arith.cmpi eq, %arg1, %eq3A_68 : i32
    %convert_element_type3A_70 = arith.extui %eq3A_69 : i1 to i32
    %cond3A_71 = arith.constant 0 : i32
    %cond3A_72 = arith.cmpi ne, %convert_element_type3A_70, %cond3A_71 : i32
    scf.if %cond3A_72 {
      "tpu.region"() ({
        %run_scoped3A_144 = tpu.sem_alloc : memref<!tpu.dma_semaphore, #tpu.memory_space<semaphore_mem>>
        %dma_start3A_145 = arith.constant 9984 : i32
        %dma_start3A_146 = arith.constant 0 : i32
        %dma_start3A_147 = tpu.memref_slice %arg6[%arg0, %dma_start3A_145, %dma_start3A_146] : memref<2x10000x128xf32, #tpu.memory_space<hbm>> -> memref<1x16x128xf32, #tpu.memory_space<hbm>>
        %dma_start3A_148 = tpu.memref_squeeze %dma_start3A_147 : memref<1x16x128xf32, #tpu.memory_space<hbm>> -> memref<16x128xf32, #tpu.memory_space<hbm>>
        %dma_start3A_149 = arith.constant 9984 : i32
        %dma_start3A_150 = arith.constant 0 : i32
        %dma_start3A_151 = tpu.memref_slice %arg19[%dma_start3A_149, %dma_start3A_150] : memref<10000x128xf32, #tpu.memory_space<vmem_shared>> -> memref<16x128xf32, #tpu.memory_space<vmem_shared>>
        tpu.enqueue_dma source(%dma_start3A_151 : memref<16x128xf32, #tpu.memory_space<vmem_shared>>) target(%dma_start3A_148 : memref<16x128xf32, #tpu.memory_space<hbm>>) target_semaphore(%run_scoped3A_144 : memref<!tpu.dma_semaphore, #tpu.memory_space<semaphore_mem>>)
        %dma_wait3A_152 = arith.constant 9984 : i32
        %dma_wait3A_153 = arith.constant 0 : i32
        %dma_wait3A_154 = tpu.memref_slice %arg6[%arg0, %dma_wait3A_152, %dma_wait3A_153] : memref<2x10000x128xf32, #tpu.memory_space<hbm>> -> memref<1x16x128xf32, #tpu.memory_space<hbm>>
        %dma_wait3A_155 = tpu.memref_squeeze %dma_wait3A_154 : memref<1x16x128xf32, #tpu.memory_space<hbm>> -> memref<16x128xf32, #tpu.memory_space<hbm>>
        %dma_wait3A_156 = arith.constant 9984 : i32
        %dma_wait3A_157 = arith.constant 0 : i32
        %dma_wait3A_158 = tpu.memref_slice %arg19[%dma_wait3A_156, %dma_wait3A_157] : memref<10000x128xf32, #tpu.memory_space<vmem_shared>> -> memref<16x128xf32, #tpu.memory_space<vmem_shared>>
        tpu.wait_dma2 semaphore(%run_scoped3A_144 : memref<!tpu.dma_semaphore, #tpu.memory_space<semaphore_mem>>) src(%dma_wait3A_158 : memref<16x128xf32, #tpu.memory_space<vmem_shared>>) dst(%dma_wait3A_155 : memref<16x128xf32, #tpu.memory_space<hbm>>)
        tpu.yield
      }) : () -> ()
      "tpu.region"() ({
        %run_scoped3A_144 = tpu.sem_alloc : memref<!tpu.dma_semaphore, #tpu.memory_space<semaphore_mem>>
        %dma_start3A_145 = arith.constant 9984 : i32
        %dma_start3A_146 = arith.constant 0 : i32
        %dma_start3A_147 = tpu.memref_slice %arg19[%dma_start3A_145, %dma_start3A_146] : memref<10000x128xf32, #tpu.memory_space<vmem_shared>> -> memref<16x128xf32, #tpu.memory_space<vmem_shared>>
        %dma_start3A_148 = arith.constant 9984 : i32
        %dma_start3A_149 = arith.constant 0 : i32
        %dma_start3A_150 = tpu.memref_slice %arg5[%dma_start3A_148, %dma_start3A_149] : memref<10000x128xf32, #tpu.memory_space<hbm>> -> memref<16x128xf32, #tpu.memory_space<hbm>>
        tpu.enqueue_dma source(%dma_start3A_150 : memref<16x128xf32, #tpu.memory_space<hbm>>) target(%dma_start3A_147 : memref<16x128xf32, #tpu.memory_space<vmem_shared>>) target_semaphore(%run_scoped3A_144 : memref<!tpu.dma_semaphore, #tpu.memory_space<semaphore_mem>>)
        %dma_wait3A_151 = arith.constant 9984 : i32
        %dma_wait3A_152 = arith.constant 0 : i32
        %dma_wait3A_153 = tpu.memref_slice %arg19[%dma_wait3A_151, %dma_wait3A_152] : memref<10000x128xf32, #tpu.memory_space<vmem_shared>> -> memref<16x128xf32, #tpu.memory_space<vmem_shared>>
        %dma_wait3A_154 = arith.constant 9984 : i32
        %dma_wait3A_155 = arith.constant 0 : i32
        %dma_wait3A_156 = tpu.memref_slice %arg5[%dma_wait3A_154, %dma_wait3A_155] : memref<10000x128xf32, #tpu.memory_space<hbm>> -> memref<16x128xf32, #tpu.memory_space<hbm>>
        tpu.wait_dma2 semaphore(%run_scoped3A_144 : memref<!tpu.dma_semaphore, #tpu.memory_space<semaphore_mem>>) src(%dma_wait3A_156 : memref<16x128xf32, #tpu.memory_space<hbm>>) dst(%dma_wait3A_153 : memref<16x128xf32, #tpu.memory_space<vmem_shared>>)
        tpu.yield
      }) : () -> ()
    } else {
    }
    %barrier3A_73 = arith.constant 0 : index
    tpu.barrier barrier_id(%barrier3A_73)
    %dma_start3A_74 = arith.constant 0 : i32
    %dma_start3A_75 = arith.constant 0 : i32
    %dma_start3A_76 = tpu.memref_slice %arg8[%dma_start3A_74, %dma_start3A_75] : memref<250x40xi32, #tpu.memory_space<vmem>> -> memref<1x40xi32, #tpu.memory_space<vmem>>
    %dma_start3A_77 = tpu.memref_squeeze %dma_start3A_76 : memref<1x40xi32, #tpu.memory_space<vmem>> -> memref<40xi32, #tpu.memory_space<vmem>>
    %dma_start3A_78 = arith.constant 0 : i32
    %dma_start3A_79 = arith.constant 0 : i32
    %dma_start3A_80 = tpu.memref_slice %arg3[%dma_start3A_78, %dma_start3A_79] : memref<10000x128xf32, #tpu.memory_space<hbm>> -> memref<10000x128xf32, #tpu.memory_space<hbm>>
    tpu.enqueue_indirect_dma source(%dma_start3A_80 : memref<10000x128xf32, #tpu.memory_space<hbm>>) target(%arg10 : memref<40x128xf32, #tpu.memory_space<vmem>>) offsets(%dma_start3A_77 : memref<40xi32, #tpu.memory_space<vmem>>) semaphore(%arg13 : memref<!tpu.dma_semaphore, #tpu.memory_space<semaphore_mem>>)
    %dma_start3A_81 = arith.constant 1 : i32
    %dma_start3A_82 = arith.constant 0 : i32
    %dma_start3A_83 = tpu.memref_slice %arg8[%dma_start3A_81, %dma_start3A_82] : memref<250x40xi32, #tpu.memory_space<vmem>> -> memref<1x40xi32, #tpu.memory_space<vmem>>
    %dma_start3A_84 = tpu.memref_squeeze %dma_start3A_83 : memref<1x40xi32, #tpu.memory_space<vmem>> -> memref<40xi32, #tpu.memory_space<vmem>>
    %dma_start3A_85 = arith.constant 0 : i32
    %dma_start3A_86 = arith.constant 0 : i32
    %dma_start3A_87 = tpu.memref_slice %arg3[%dma_start3A_85, %dma_start3A_86] : memref<10000x128xf32, #tpu.memory_space<hbm>> -> memref<10000x128xf32, #tpu.memory_space<hbm>>
    tpu.enqueue_indirect_dma source(%dma_start3A_87 : memref<10000x128xf32, #tpu.memory_space<hbm>>) target(%arg11 : memref<40x128xf32, #tpu.memory_space<vmem>>) offsets(%dma_start3A_84 : memref<40xi32, #tpu.memory_space<vmem>>) semaphore(%arg14 : memref<!tpu.dma_semaphore, #tpu.memory_space<semaphore_mem>>)
    %dma_wait3A_88 = arith.constant 0 : i32
    %dma_wait3A_89 = arith.constant 0 : i32
    %dma_wait3A_90 = tpu.memref_slice %arg8[%dma_wait3A_88, %dma_wait3A_89] : memref<250x40xi32, #tpu.memory_space<vmem>> -> memref<1x40xi32, #tpu.memory_space<vmem>>
    %dma_wait3A_91 = tpu.memref_squeeze %dma_wait3A_90 : memref<1x40xi32, #tpu.memory_space<vmem>> -> memref<40xi32, #tpu.memory_space<vmem>>
    %dma_wait3A_92 = arith.constant 0 : i32
    %dma_wait3A_93 = arith.constant 0 : i32
    %dma_wait3A_94 = tpu.memref_slice %arg3[%dma_wait3A_92, %dma_wait3A_93] : memref<10000x128xf32, #tpu.memory_space<hbm>> -> memref<10000x128xf32, #tpu.memory_space<hbm>>
    tpu.wait_indirect_dma semaphore(%arg13 : memref<!tpu.dma_semaphore, #tpu.memory_space<semaphore_mem>>) src(%dma_wait3A_94 : memref<10000x128xf32, #tpu.memory_space<hbm>>) dst(%arg10 : memref<40x128xf32, #tpu.memory_space<vmem>>)
    %dma_start3A_95 = arith.constant 0 : i32
    %dma_start3A_96 = arith.constant 0 : i32
    %dma_start3A_97 = tpu.memref_slice %arg9[%dma_start3A_95, %dma_start3A_96] : memref<250x40xi32, #tpu.memory_space<vmem>> -> memref<1x40xi32, #tpu.memory_space<vmem>>
    %dma_start3A_98 = tpu.memref_squeeze %dma_start3A_97 : memref<1x40xi32, #tpu.memory_space<vmem>> -> memref<40xi32, #tpu.memory_space<vmem>>
    %dma_start3A_99 = arith.constant 0 : i32
    %dma_start3A_100 = arith.constant 0 : i32
    %dma_start3A_101 = tpu.memref_slice %arg19[%dma_start3A_99, %dma_start3A_100] : memref<10000x128xf32, #tpu.memory_space<vmem_shared>> -> memref<10000x128xf32, #tpu.memory_space<vmem_shared>>
    tpu.enqueue_indirect_dma source(%arg10 : memref<40x128xf32, #tpu.memory_space<vmem>>) target(%dma_start3A_101 : memref<10000x128xf32, #tpu.memory_space<vmem_shared>>) offsets(%dma_start3A_98 : memref<40xi32, #tpu.memory_space<vmem>>) semaphore(%arg16 : memref<!tpu.dma_semaphore, #tpu.memory_space<semaphore_mem>>) {add = true}
    %dma_start3A_102 = arith.constant 2 : i32
    %dma_start3A_103 = arith.constant 0 : i32
    %dma_start3A_104 = tpu.memref_slice %arg8[%dma_start3A_102, %dma_start3A_103] : memref<250x40xi32, #tpu.memory_space<vmem>> -> memref<1x40xi32, #tpu.memory_space<vmem>>
    %dma_start3A_105 = tpu.memref_squeeze %dma_start3A_104 : memref<1x40xi32, #tpu.memory_space<vmem>> -> memref<40xi32, #tpu.memory_space<vmem>>
    %dma_start3A_106 = arith.constant 0 : i32
    %dma_start3A_107 = arith.constant 0 : i32
    %dma_start3A_108 = tpu.memref_slice %arg3[%dma_start3A_106, %dma_start3A_107] : memref<10000x128xf32, #tpu.memory_space<hbm>> -> memref<10000x128xf32, #tpu.memory_space<hbm>>
    tpu.enqueue_indirect_dma source(%dma_start3A_108 : memref<10000x128xf32, #tpu.memory_space<hbm>>) target(%arg12 : memref<40x128xf32, #tpu.memory_space<vmem>>) offsets(%dma_start3A_105 : memref<40xi32, #tpu.memory_space<vmem>>) semaphore(%arg15 : memref<!tpu.dma_semaphore, #tpu.memory_space<semaphore_mem>>)
    %scan3A_109 = arith.constant 0 : i32
    %scan3A_110 = arith.constant 0 : i32
    %scan3A_111 = arith.constant 83 : i32
    %scan3A_112 = arith.addi %scan3A_110, %scan3A_111 : i32
    %scan3A_113 = arith.constant 1 : i32
    scf.for %scan3A_144 = %scan3A_110 to %scan3A_112 step %scan3A_113  : i32 {
      %mul3A_145 = arith.constant 3 : i32
      %mul3A_146 = arith.muli %mul3A_145, %scan3A_144 : i32
      %add3A_147 = arith.constant 1 : i32
      %add3A_148 = arith.addi %mul3A_146, %add3A_147 : i32
      %add3A_149 = arith.constant 0 : i32
      %add3A_150 = arith.addi %add3A_148, %add3A_149 : i32
      %dma_wait3A_151 = arith.constant 0 : i32
      %dma_wait3A_152 = arith.constant 0 : i32
      %dma_wait3A_153 = tpu.memref_slice %arg8[%dma_wait3A_151, %dma_wait3A_152] : memref<250x40xi32, #tpu.memory_space<vmem>> -> memref<1x40xi32, #tpu.memory_space<vmem>>
      %dma_wait3A_154 = tpu.memref_squeeze %dma_wait3A_153 : memref<1x40xi32, #tpu.memory_space<vmem>> -> memref<40xi32, #tpu.memory_space<vmem>>
      %dma_wait3A_155 = arith.constant 0 : i32
      %dma_wait3A_156 = arith.constant 0 : i32
      %dma_wait3A_157 = tpu.memref_slice %arg3[%dma_wait3A_155, %dma_wait3A_156] : memref<10000x128xf32, #tpu.memory_space<hbm>> -> memref<10000x128xf32, #tpu.memory_space<hbm>>
      tpu.wait_indirect_dma semaphore(%arg14 : memref<!tpu.dma_semaphore, #tpu.memory_space<semaphore_mem>>) src(%dma_wait3A_157 : memref<10000x128xf32, #tpu.memory_space<hbm>>) dst(%arg11 : memref<40x128xf32, #tpu.memory_space<vmem>>)
      %dma_start3A_158 = arith.constant 0 : i32
      %dma_start3A_159 = tpu.memref_slice %arg9[%add3A_150, %dma_start3A_158] : memref<250x40xi32, #tpu.memory_space<vmem>> -> memref<1x40xi32, #tpu.memory_space<vmem>>
      %dma_start3A_160 = tpu.memref_squeeze %dma_start3A_159 : memref<1x40xi32, #tpu.memory_space<vmem>> -> memref<40xi32, #tpu.memory_space<vmem>>
      %dma_start3A_161 = arith.constant 0 : i32
      %dma_start3A_162 = arith.constant 0 : i32
      %dma_start3A_163 = tpu.memref_slice %arg19[%dma_start3A_161, %dma_start3A_162] : memref<10000x128xf32, #tpu.memory_space<vmem_shared>> -> memref<10000x128xf32, #tpu.memory_space<vmem_shared>>
      tpu.enqueue_indirect_dma source(%arg11 : memref<40x128xf32, #tpu.memory_space<vmem>>) target(%dma_start3A_163 : memref<10000x128xf32, #tpu.memory_space<vmem_shared>>) offsets(%dma_start3A_160 : memref<40xi32, #tpu.memory_space<vmem>>) semaphore(%arg17 : memref<!tpu.dma_semaphore, #tpu.memory_space<semaphore_mem>>) {add = true}
      %add3A_164 = arith.constant 2 : i32
      %add3A_165 = arith.addi %add3A_150, %add3A_164 : i32
      %lt3A = arith.constant 250 : i32
      %lt3A_166 = arith.cmpi slt, %add3A_165, %lt3A : i32
      %convert_element_type3A_167 = arith.extui %lt3A_166 : i1 to i32
      %cond3A_168 = arith.constant 0 : i32
      %cond3A_169 = arith.cmpi ne, %convert_element_type3A_167, %cond3A_168 : i32
      scf.if %cond3A_169 {
        %dma_wait3A_222 = arith.constant 0 : i32
        %dma_wait3A_223 = arith.constant 0 : i32
        %dma_wait3A_224 = tpu.memref_slice %arg9[%dma_wait3A_222, %dma_wait3A_223] : memref<250x40xi32, #tpu.memory_space<vmem>> -> memref<1x40xi32, #tpu.memory_space<vmem>>
        %dma_wait3A_225 = tpu.memref_squeeze %dma_wait3A_224 : memref<1x40xi32, #tpu.memory_space<vmem>> -> memref<40xi32, #tpu.memory_space<vmem>>
        %dma_wait3A_226 = arith.constant 0 : i32
        %dma_wait3A_227 = arith.constant 0 : i32
        %dma_wait3A_228 = tpu.memref_slice %arg19[%dma_wait3A_226, %dma_wait3A_227] : memref<10000x128xf32, #tpu.memory_space<vmem_shared>> -> memref<10000x128xf32, #tpu.memory_space<vmem_shared>>
        tpu.wait_indirect_dma semaphore(%arg16 : memref<!tpu.dma_semaphore, #tpu.memory_space<semaphore_mem>>) src(%arg10 : memref<40x128xf32, #tpu.memory_space<vmem>>) dst(%dma_wait3A_228 : memref<10000x128xf32, #tpu.memory_space<vmem_shared>>)
        %add3A_229 = arith.constant 2 : i32
        %add3A_230 = arith.addi %add3A_150, %add3A_229 : i32
        %dma_start3A_231 = arith.constant 0 : i32
        %dma_start3A_232 = tpu.memref_slice %arg8[%add3A_230, %dma_start3A_231] : memref<250x40xi32, #tpu.memory_space<vmem>> -> memref<1x40xi32, #tpu.memory_space<vmem>>
        %dma_start3A_233 = tpu.memref_squeeze %dma_start3A_232 : memref<1x40xi32, #tpu.memory_space<vmem>> -> memref<40xi32, #tpu.memory_space<vmem>>
        %dma_start3A_234 = arith.constant 0 : i32
        %dma_start3A_235 = arith.constant 0 : i32
        %dma_start3A_236 = tpu.memref_slice %arg3[%dma_start3A_234, %dma_start3A_235] : memref<10000x128xf32, #tpu.memory_space<hbm>> -> memref<10000x128xf32, #tpu.memory_space<hbm>>
        tpu.enqueue_indirect_dma source(%dma_start3A_236 : memref<10000x128xf32, #tpu.memory_space<hbm>>) target(%arg10 : memref<40x128xf32, #tpu.memory_space<vmem>>) offsets(%dma_start3A_233 : memref<40xi32, #tpu.memory_space<vmem>>) semaphore(%arg13 : memref<!tpu.dma_semaphore, #tpu.memory_space<semaphore_mem>>)
      } else {
      }
      %mul3A_170 = arith.constant 3 : i32
      %mul3A_171 = arith.muli %mul3A_170, %scan3A_144 : i32
      %add3A_172 = arith.constant 1 : i32
      %add3A_173 = arith.addi %mul3A_171, %add3A_172 : i32
      %add3A_174 = arith.constant 1 : i32
      %add3A_175 = arith.addi %add3A_173, %add3A_174 : i32
      %dma_wait3A_176 = arith.constant 0 : i32
      %dma_wait3A_177 = arith.constant 0 : i32
      %dma_wait3A_178 = tpu.memref_slice %arg8[%dma_wait3A_176, %dma_wait3A_177] : memref<250x40xi32, #tpu.memory_space<vmem>> -> memref<1x40xi32, #tpu.memory_space<vmem>>
      %dma_wait3A_179 = tpu.memref_squeeze %dma_wait3A_178 : memref<1x40xi32, #tpu.memory_space<vmem>> -> memref<40xi32, #tpu.memory_space<vmem>>
      %dma_wait3A_180 = arith.constant 0 : i32
      %dma_wait3A_181 = arith.constant 0 : i32
      %dma_wait3A_182 = tpu.memref_slice %arg3[%dma_wait3A_180, %dma_wait3A_181] : memref<10000x128xf32, #tpu.memory_space<hbm>> -> memref<10000x128xf32, #tpu.memory_space<hbm>>
      tpu.wait_indirect_dma semaphore(%arg15 : memref<!tpu.dma_semaphore, #tpu.memory_space<semaphore_mem>>) src(%dma_wait3A_182 : memref<10000x128xf32, #tpu.memory_space<hbm>>) dst(%arg12 : memref<40x128xf32, #tpu.memory_space<vmem>>)
      %dma_start3A_183 = arith.constant 0 : i32
      %dma_start3A_184 = tpu.memref_slice %arg9[%add3A_175, %dma_start3A_183] : memref<250x40xi32, #tpu.memory_space<vmem>> -> memref<1x40xi32, #tpu.memory_space<vmem>>
      %dma_start3A_185 = tpu.memref_squeeze %dma_start3A_184 : memref<1x40xi32, #tpu.memory_space<vmem>> -> memref<40xi32, #tpu.memory_space<vmem>>
      %dma_start3A_186 = arith.constant 0 : i32
      %dma_start3A_187 = arith.constant 0 : i32
      %dma_start3A_188 = tpu.memref_slice %arg19[%dma_start3A_186, %dma_start3A_187] : memref<10000x128xf32, #tpu.memory_space<vmem_shared>> -> memref<10000x128xf32, #tpu.memory_space<vmem_shared>>
      tpu.enqueue_indirect_dma source(%arg12 : memref<40x128xf32, #tpu.memory_space<vmem>>) target(%dma_start3A_188 : memref<10000x128xf32, #tpu.memory_space<vmem_shared>>) offsets(%dma_start3A_185 : memref<40xi32, #tpu.memory_space<vmem>>) semaphore(%arg18 : memref<!tpu.dma_semaphore, #tpu.memory_space<semaphore_mem>>) {add = true}
      %add3A_189 = arith.constant 2 : i32
      %add3A_190 = arith.addi %add3A_175, %add3A_189 : i32
      %lt3A_191 = arith.constant 250 : i32
      %lt3A_192 = arith.cmpi slt, %add3A_190, %lt3A_191 : i32
      %convert_element_type3A_193 = arith.extui %lt3A_192 : i1 to i32
      %cond3A_194 = arith.constant 0 : i32
      %cond3A_195 = arith.cmpi ne, %convert_element_type3A_193, %cond3A_194 : i32
      scf.if %cond3A_195 {
        %dma_wait3A_222 = arith.constant 0 : i32
        %dma_wait3A_223 = arith.constant 0 : i32
        %dma_wait3A_224 = tpu.memref_slice %arg9[%dma_wait3A_222, %dma_wait3A_223] : memref<250x40xi32, #tpu.memory_space<vmem>> -> memref<1x40xi32, #tpu.memory_space<vmem>>
        %dma_wait3A_225 = tpu.memref_squeeze %dma_wait3A_224 : memref<1x40xi32, #tpu.memory_space<vmem>> -> memref<40xi32, #tpu.memory_space<vmem>>
        %dma_wait3A_226 = arith.constant 0 : i32
        %dma_wait3A_227 = arith.constant 0 : i32
        %dma_wait3A_228 = tpu.memref_slice %arg19[%dma_wait3A_226, %dma_wait3A_227] : memref<10000x128xf32, #tpu.memory_space<vmem_shared>> -> memref<10000x128xf32, #tpu.memory_space<vmem_shared>>
        tpu.wait_indirect_dma semaphore(%arg17 : memref<!tpu.dma_semaphore, #tpu.memory_space<semaphore_mem>>) src(%arg11 : memref<40x128xf32, #tpu.memory_space<vmem>>) dst(%dma_wait3A_228 : memref<10000x128xf32, #tpu.memory_space<vmem_shared>>)
        %add3A_229 = arith.constant 2 : i32
        %add3A_230 = arith.addi %add3A_175, %add3A_229 : i32
        %dma_start3A_231 = arith.constant 0 : i32
        %dma_start3A_232 = tpu.memref_slice %arg8[%add3A_230, %dma_start3A_231] : memref<250x40xi32, #tpu.memory_space<vmem>> -> memref<1x40xi32, #tpu.memory_space<vmem>>
        %dma_start3A_233 = tpu.memref_squeeze %dma_start3A_232 : memref<1x40xi32, #tpu.memory_space<vmem>> -> memref<40xi32, #tpu.memory_space<vmem>>
        %dma_start3A_234 = arith.constant 0 : i32
        %dma_start3A_235 = arith.constant 0 : i32
        %dma_start3A_236 = tpu.memref_slice %arg3[%dma_start3A_234, %dma_start3A_235] : memref<10000x128xf32, #tpu.memory_space<hbm>> -> memref<10000x128xf32, #tpu.memory_space<hbm>>
        tpu.enqueue_indirect_dma source(%dma_start3A_236 : memref<10000x128xf32, #tpu.memory_space<hbm>>) target(%arg11 : memref<40x128xf32, #tpu.memory_space<vmem>>) offsets(%dma_start3A_233 : memref<40xi32, #tpu.memory_space<vmem>>) semaphore(%arg14 : memref<!tpu.dma_semaphore, #tpu.memory_space<semaphore_mem>>)
      } else {
      }
      %mul3A_196 = arith.constant 3 : i32
      %mul3A_197 = arith.muli %mul3A_196, %scan3A_144 : i32
      %add3A_198 = arith.constant 1 : i32
      %add3A_199 = arith.addi %mul3A_197, %add3A_198 : i32
      %add3A_200 = arith.constant 2 : i32
      %add3A_201 = arith.addi %add3A_199, %add3A_200 : i32
      %dma_wait3A_202 = arith.constant 0 : i32
      %dma_wait3A_203 = arith.constant 0 : i32
      %dma_wait3A_204 = tpu.memref_slice %arg8[%dma_wait3A_202, %dma_wait3A_203] : memref<250x40xi32, #tpu.memory_space<vmem>> -> memref<1x40xi32, #tpu.memory_space<vmem>>
      %dma_wait3A_205 = tpu.memref_squeeze %dma_wait3A_204 : memref<1x40xi32, #tpu.memory_space<vmem>> -> memref<40xi32, #tpu.memory_space<vmem>>
      %dma_wait3A_206 = arith.constant 0 : i32
      %dma_wait3A_207 = arith.constant 0 : i32
      %dma_wait3A_208 = tpu.memref_slice %arg3[%dma_wait3A_206, %dma_wait3A_207] : memref<10000x128xf32, #tpu.memory_space<hbm>> -> memref<10000x128xf32, #tpu.memory_space<hbm>>
      tpu.wait_indirect_dma semaphore(%arg13 : memref<!tpu.dma_semaphore, #tpu.memory_space<semaphore_mem>>) src(%dma_wait3A_208 : memref<10000x128xf32, #tpu.memory_space<hbm>>) dst(%arg10 : memref<40x128xf32, #tpu.memory_space<vmem>>)
      %dma_start3A_209 = arith.constant 0 : i32
      %dma_start3A_210 = tpu.memref_slice %arg9[%add3A_201, %dma_start3A_209] : memref<250x40xi32, #tpu.memory_space<vmem>> -> memref<1x40xi32, #tpu.memory_space<vmem>>
      %dma_start3A_211 = tpu.memref_squeeze %dma_start3A_210 : memref<1x40xi32, #tpu.memory_space<vmem>> -> memref<40xi32, #tpu.memory_space<vmem>>
      %dma_start3A_212 = arith.constant 0 : i32
      %dma_start3A_213 = arith.constant 0 : i32
      %dma_start3A_214 = tpu.memref_slice %arg19[%dma_start3A_212, %dma_start3A_213] : memref<10000x128xf32, #tpu.memory_space<vmem_shared>> -> memref<10000x128xf32, #tpu.memory_space<vmem_shared>>
      tpu.enqueue_indirect_dma source(%arg10 : memref<40x128xf32, #tpu.memory_space<vmem>>) target(%dma_start3A_214 : memref<10000x128xf32, #tpu.memory_space<vmem_shared>>) offsets(%dma_start3A_211 : memref<40xi32, #tpu.memory_space<vmem>>) semaphore(%arg16 : memref<!tpu.dma_semaphore, #tpu.memory_space<semaphore_mem>>) {add = true}
      %add3A_215 = arith.constant 2 : i32
      %add3A_216 = arith.addi %add3A_201, %add3A_215 : i32
      %lt3A_217 = arith.constant 250 : i32
      %lt3A_218 = arith.cmpi slt, %add3A_216, %lt3A_217 : i32
      %convert_element_type3A_219 = arith.extui %lt3A_218 : i1 to i32
      %cond3A_220 = arith.constant 0 : i32
      %cond3A_221 = arith.cmpi ne, %convert_element_type3A_219, %cond3A_220 : i32
      scf.if %cond3A_221 {
        %dma_wait3A_222 = arith.constant 0 : i32
        %dma_wait3A_223 = arith.constant 0 : i32
        %dma_wait3A_224 = tpu.memref_slice %arg9[%dma_wait3A_222, %dma_wait3A_223] : memref<250x40xi32, #tpu.memory_space<vmem>> -> memref<1x40xi32, #tpu.memory_space<vmem>>
        %dma_wait3A_225 = tpu.memref_squeeze %dma_wait3A_224 : memref<1x40xi32, #tpu.memory_space<vmem>> -> memref<40xi32, #tpu.memory_space<vmem>>
        %dma_wait3A_226 = arith.constant 0 : i32
        %dma_wait3A_227 = arith.constant 0 : i32
        %dma_wait3A_228 = tpu.memref_slice %arg19[%dma_wait3A_226, %dma_wait3A_227] : memref<10000x128xf32, #tpu.memory_space<vmem_shared>> -> memref<10000x128xf32, #tpu.memory_space<vmem_shared>>
        tpu.wait_indirect_dma semaphore(%arg18 : memref<!tpu.dma_semaphore, #tpu.memory_space<semaphore_mem>>) src(%arg12 : memref<40x128xf32, #tpu.memory_space<vmem>>) dst(%dma_wait3A_228 : memref<10000x128xf32, #tpu.memory_space<vmem_shared>>)
        %add3A_229 = arith.constant 2 : i32
        %add3A_230 = arith.addi %add3A_201, %add3A_229 : i32
        %dma_start3A_231 = arith.constant 0 : i32
        %dma_start3A_232 = tpu.memref_slice %arg8[%add3A_230, %dma_start3A_231] : memref<250x40xi32, #tpu.memory_space<vmem>> -> memref<1x40xi32, #tpu.memory_space<vmem>>
        %dma_start3A_233 = tpu.memref_squeeze %dma_start3A_232 : memref<1x40xi32, #tpu.memory_space<vmem>> -> memref<40xi32, #tpu.memory_space<vmem>>
        %dma_start3A_234 = arith.constant 0 : i32
        %dma_start3A_235 = arith.constant 0 : i32
        %dma_start3A_236 = tpu.memref_slice %arg3[%dma_start3A_234, %dma_start3A_235] : memref<10000x128xf32, #tpu.memory_space<hbm>> -> memref<10000x128xf32, #tpu.memory_space<hbm>>
        tpu.enqueue_indirect_dma source(%dma_start3A_236 : memref<10000x128xf32, #tpu.memory_space<hbm>>) target(%arg12 : memref<40x128xf32, #tpu.memory_space<vmem>>) offsets(%dma_start3A_233 : memref<40xi32, #tpu.memory_space<vmem>>) semaphore(%arg15 : memref<!tpu.dma_semaphore, #tpu.memory_space<semaphore_mem>>)
      } else {
      }
    }
    %scan3A_114 = arith.constant 83 : i32
    %dma_wait3A_115 = arith.constant 0 : i32
    %dma_wait3A_116 = arith.constant 0 : i32
    %dma_wait3A_117 = tpu.memref_slice %arg9[%dma_wait3A_115, %dma_wait3A_116] : memref<250x40xi32, #tpu.memory_space<vmem>> -> memref<1x40xi32, #tpu.memory_space<vmem>>
    %dma_wait3A_118 = tpu.memref_squeeze %dma_wait3A_117 : memref<1x40xi32, #tpu.memory_space<vmem>> -> memref<40xi32, #tpu.memory_space<vmem>>
    %dma_wait3A_119 = arith.constant 0 : i32
    %dma_wait3A_120 = arith.constant 0 : i32
    %dma_wait3A_121 = tpu.memref_slice %arg19[%dma_wait3A_119, %dma_wait3A_120] : memref<10000x128xf32, #tpu.memory_space<vmem_shared>> -> memref<10000x128xf32, #tpu.memory_space<vmem_shared>>
    tpu.wait_indirect_dma semaphore(%arg16 : memref<!tpu.dma_semaphore, #tpu.memory_space<semaphore_mem>>) src(%arg10 : memref<40x128xf32, #tpu.memory_space<vmem>>) dst(%dma_wait3A_121 : memref<10000x128xf32, #tpu.memory_space<vmem_shared>>)
    %dma_wait3A_122 = arith.constant 0 : i32
    %dma_wait3A_123 = arith.constant 0 : i32
    %dma_wait3A_124 = tpu.memref_slice %arg9[%dma_wait3A_122, %dma_wait3A_123] : memref<250x40xi32, #tpu.memory_space<vmem>> -> memref<1x40xi32, #tpu.memory_space<vmem>>
    %dma_wait3A_125 = tpu.memref_squeeze %dma_wait3A_124 : memref<1x40xi32, #tpu.memory_space<vmem>> -> memref<40xi32, #tpu.memory_space<vmem>>
    %dma_wait3A_126 = arith.constant 0 : i32
    %dma_wait3A_127 = arith.constant 0 : i32
    %dma_wait3A_128 = tpu.memref_slice %arg19[%dma_wait3A_126, %dma_wait3A_127] : memref<10000x128xf32, #tpu.memory_space<vmem_shared>> -> memref<10000x128xf32, #tpu.memory_space<vmem_shared>>
    tpu.wait_indirect_dma semaphore(%arg17 : memref<!tpu.dma_semaphore, #tpu.memory_space<semaphore_mem>>) src(%arg11 : memref<40x128xf32, #tpu.memory_space<vmem>>) dst(%dma_wait3A_128 : memref<10000x128xf32, #tpu.memory_space<vmem_shared>>)
    %dma_wait3A_129 = arith.constant 0 : i32
    %dma_wait3A_130 = arith.constant 0 : i32
    %dma_wait3A_131 = tpu.memref_slice %arg9[%dma_wait3A_129, %dma_wait3A_130] : memref<250x40xi32, #tpu.memory_space<vmem>> -> memref<1x40xi32, #tpu.memory_space<vmem>>
    %dma_wait3A_132 = tpu.memref_squeeze %dma_wait3A_131 : memref<1x40xi32, #tpu.memory_space<vmem>> -> memref<40xi32, #tpu.memory_space<vmem>>
    %dma_wait3A_133 = arith.constant 0 : i32
    %dma_wait3A_134 = arith.constant 0 : i32
    %dma_wait3A_135 = tpu.memref_slice %arg19[%dma_wait3A_133, %dma_wait3A_134] : memref<10000x128xf32, #tpu.memory_space<vmem_shared>> -> memref<10000x128xf32, #tpu.memory_space<vmem_shared>>
    tpu.wait_indirect_dma semaphore(%arg18 : memref<!tpu.dma_semaphore, #tpu.memory_space<semaphore_mem>>) src(%arg12 : memref<40x128xf32, #tpu.memory_space<vmem>>) dst(%dma_wait3A_135 : memref<10000x128xf32, #tpu.memory_space<vmem_shared>>)
    %barrier3A_136 = arith.constant 0 : index
    tpu.barrier barrier_id(%barrier3A_136)
    %mul3A_137 = arith.constant 624 : i32
    %mul3A_138 = arith.muli %arg1, %mul3A_137 : i32
    "tpu.region"() ({
      %run_scoped3A_144 = tpu.sem_alloc : memref<!tpu.dma_semaphore, #tpu.memory_space<semaphore_mem>>
      %dma_start3A_145 = arith.constant 0 : i32
      %dma_start3A_146 = tpu.memref_slice %arg7[%arg0, %mul3A_138, %dma_start3A_145] : memref<2x10000x128xf32, #tpu.memory_space<hbm>> -> memref<1x624x128xf32, #tpu.memory_space<hbm>>
      %dma_start3A_147 = tpu.memref_squeeze %dma_start3A_146 : memref<1x624x128xf32, #tpu.memory_space<hbm>> -> memref<624x128xf32, #tpu.memory_space<hbm>>
      %dma_start3A_148 = arith.constant 0 : i32
      %dma_start3A_149 = tpu.memref_slice %arg19[%mul3A_138, %dma_start3A_148] : memref<10000x128xf32, #tpu.memory_space<vmem_shared>> -> memref<624x128xf32, #tpu.memory_space<vmem_shared>>
      tpu.enqueue_dma source(%dma_start3A_149 : memref<624x128xf32, #tpu.memory_space<vmem_shared>>) target(%dma_start3A_147 : memref<624x128xf32, #tpu.memory_space<hbm>>) target_semaphore(%run_scoped3A_144 : memref<!tpu.dma_semaphore, #tpu.memory_space<semaphore_mem>>)
      %dma_wait3A_150 = arith.constant 0 : i32
      %dma_wait3A_151 = tpu.memref_slice %arg7[%arg0, %mul3A_138, %dma_wait3A_150] : memref<2x10000x128xf32, #tpu.memory_space<hbm>> -> memref<1x624x128xf32, #tpu.memory_space<hbm>>
      %dma_wait3A_152 = tpu.memref_squeeze %dma_wait3A_151 : memref<1x624x128xf32, #tpu.memory_space<hbm>> -> memref<624x128xf32, #tpu.memory_space<hbm>>
      %dma_wait3A_153 = arith.constant 0 : i32
      %dma_wait3A_154 = tpu.memref_slice %arg19[%mul3A_138, %dma_wait3A_153] : memref<10000x128xf32, #tpu.memory_space<vmem_shared>> -> memref<624x128xf32, #tpu.memory_space<vmem_shared>>
      tpu.wait_dma2 semaphore(%run_scoped3A_144 : memref<!tpu.dma_semaphore, #tpu.memory_space<semaphore_mem>>) src(%dma_wait3A_154 : memref<624x128xf32, #tpu.memory_space<vmem_shared>>) dst(%dma_wait3A_152 : memref<624x128xf32, #tpu.memory_space<hbm>>)
      tpu.yield
    }) : () -> ()
    %eq3A_139 = arith.constant 15 : i32
    %eq3A_140 = arith.cmpi eq, %arg1, %eq3A_139 : i32
    %convert_element_type3A_141 = arith.extui %eq3A_140 : i1 to i32
    %cond3A_142 = arith.constant 0 : i32
    %cond3A_143 = arith.cmpi ne, %convert_element_type3A_141, %cond3A_142 : i32
    scf.if %cond3A_143 {
      "tpu.region"() ({
        %run_scoped3A_144 = tpu.sem_alloc : memref<!tpu.dma_semaphore, #tpu.memory_space<semaphore_mem>>
        %dma_start3A_145 = arith.constant 9984 : i32
        %dma_start3A_146 = arith.constant 0 : i32
        %dma_start3A_147 = tpu.memref_slice %arg7[%arg0, %dma_start3A_145, %dma_start3A_146] : memref<2x10000x128xf32, #tpu.memory_space<hbm>> -> memref<1x16x128xf32, #tpu.memory_space<hbm>>
        %dma_start3A_148 = tpu.memref_squeeze %dma_start3A_147 : memref<1x16x128xf32, #tpu.memory_space<hbm>> -> memref<16x128xf32, #tpu.memory_space<hbm>>
        %dma_start3A_149 = arith.constant 9984 : i32
        %dma_start3A_150 = arith.constant 0 : i32
        %dma_start3A_151 = tpu.memref_slice %arg19[%dma_start3A_149, %dma_start3A_150] : memref<10000x128xf32, #tpu.memory_space<vmem_shared>> -> memref<16x128xf32, #tpu.memory_space<vmem_shared>>
        tpu.enqueue_dma source(%dma_start3A_151 : memref<16x128xf32, #tpu.memory_space<vmem_shared>>) target(%dma_start3A_148 : memref<16x128xf32, #tpu.memory_space<hbm>>) target_semaphore(%run_scoped3A_144 : memref<!tpu.dma_semaphore, #tpu.memory_space<semaphore_mem>>)
        %dma_wait3A_152 = arith.constant 9984 : i32
        %dma_wait3A_153 = arith.constant 0 : i32
        %dma_wait3A_154 = tpu.memref_slice %arg7[%arg0, %dma_wait3A_152, %dma_wait3A_153] : memref<2x10000x128xf32, #tpu.memory_space<hbm>> -> memref<1x16x128xf32, #tpu.memory_space<hbm>>
        %dma_wait3A_155 = tpu.memref_squeeze %dma_wait3A_154 : memref<1x16x128xf32, #tpu.memory_space<hbm>> -> memref<16x128xf32, #tpu.memory_space<hbm>>
        %dma_wait3A_156 = arith.constant 9984 : i32
        %dma_wait3A_157 = arith.constant 0 : i32
        %dma_wait3A_158 = tpu.memref_slice %arg19[%dma_wait3A_156, %dma_wait3A_157] : memref<10000x128xf32, #tpu.memory_space<vmem_shared>> -> memref<16x128xf32, #tpu.memory_space<vmem_shared>>
        tpu.wait_dma2 semaphore(%run_scoped3A_144 : memref<!tpu.dma_semaphore, #tpu.memory_space<semaphore_mem>>) src(%dma_wait3A_158 : memref<16x128xf32, #tpu.memory_space<vmem_shared>>) dst(%dma_wait3A_155 : memref<16x128xf32, #tpu.memory_space<hbm>>)
        tpu.yield
      }) : () -> ()
    } else {
    }
    return
  }
}

#map = affine_map<(d0, d1) -> (0, 0, 0, 0)>
#map1 = affine_map<(d0, d1) -> (0, 0)>
#map2 = affine_map<(d0, d1) -> (0, 0, 0)>
module attributes {stable_mosaic.version = 14 : i64} {
  func.func @body(%arg0: i32, %arg1: i32, %arg2: memref<2x32x250x40xi32, #tpu.memory_space<hbm>>, %arg3: memref<10000x16xf32, #tpu.memory_space<hbm>>, %arg4: memref<2x10000x16xf32, #tpu.memory_space<hbm>>, %arg5: memref<250x40xi32, #tpu.memory_space<vmem>>, %arg6: memref<40x16xf32, #tpu.memory_space<vmem>>, %arg7: memref<10000x16xf32, #tpu.memory_space<vmem_shared>>) attributes {dimension_semantics = [#tpu.dimension_semantics<core_parallel>, #tpu.dimension_semantics<subcore_parallel>], iteration_bounds = array<i64: 2, 16>, scalar_prefetch = 0 : i64, scratch_operands = 3 : i64, tpu.core_type = #tpu.core_type<sc_vector_subcore>, window_params = [{transform_indices = #map}, {transform_indices = #map1}, {transform_indices = #map2}]} {
    %mul3A = arith.constant 16 : i32
    %mul3A_0 = arith.muli %arg0, %mul3A : i32
    %add3A = arith.addi %mul3A_0, %arg1 : i32
    %run_scoped3A = arith.constant 1 : i32
    "tpu.region"() ({
      %run_scoped3A_336 = tpu.sem_alloc : memref<!tpu.dma_semaphore, #tpu.memory_space<semaphore_mem>>
      %dma_start3A = arith.constant 0 : i32
      %dma_start3A_337 = arith.constant 0 : i32
      %dma_start3A_338 = tpu.memref_slice %arg2[%run_scoped3A, %add3A, %dma_start3A, %dma_start3A_337] : memref<2x32x250x40xi32, #tpu.memory_space<hbm>> -> memref<1x1x250x40xi32, #tpu.memory_space<hbm>>
      %dma_start3A_339 = tpu.memref_squeeze %dma_start3A_338 : memref<1x1x250x40xi32, #tpu.memory_space<hbm>> -> memref<250x40xi32, #tpu.memory_space<hbm>>
      %dma_start3A_340 = arith.constant 0 : i32
      %dma_start3A_341 = arith.constant 0 : i32
      %dma_start3A_342 = tpu.memref_slice %arg2[%run_scoped3A, %add3A, %dma_start3A_340, %dma_start3A_341] : memref<2x32x250x40xi32, #tpu.memory_space<hbm>> -> memref<1x1x250x40xi32, #tpu.memory_space<hbm>>
      %dma_start3A_343 = tpu.memref_squeeze %dma_start3A_342 : memref<1x1x250x40xi32, #tpu.memory_space<hbm>> -> memref<250x40xi32, #tpu.memory_space<hbm>>
      tpu.enqueue_dma source(%dma_start3A_343 : memref<250x40xi32, #tpu.memory_space<hbm>>) target(%arg5 : memref<250x40xi32, #tpu.memory_space<vmem>>) target_semaphore(%run_scoped3A_336 : memref<!tpu.dma_semaphore, #tpu.memory_space<semaphore_mem>>)
      %dma_wait3A = arith.constant 0 : i32
      %dma_wait3A_344 = arith.constant 0 : i32
      %dma_wait3A_345 = tpu.memref_slice %arg2[%run_scoped3A, %add3A, %dma_wait3A, %dma_wait3A_344] : memref<2x32x250x40xi32, #tpu.memory_space<hbm>> -> memref<1x1x250x40xi32, #tpu.memory_space<hbm>>
      %dma_wait3A_346 = tpu.memref_squeeze %dma_wait3A_345 : memref<1x1x250x40xi32, #tpu.memory_space<hbm>> -> memref<250x40xi32, #tpu.memory_space<hbm>>
      %dma_wait3A_347 = arith.constant 0 : i32
      %dma_wait3A_348 = arith.constant 0 : i32
      %dma_wait3A_349 = tpu.memref_slice %arg2[%run_scoped3A, %add3A, %dma_wait3A_347, %dma_wait3A_348] : memref<2x32x250x40xi32, #tpu.memory_space<hbm>> -> memref<1x1x250x40xi32, #tpu.memory_space<hbm>>
      %dma_wait3A_350 = tpu.memref_squeeze %dma_wait3A_349 : memref<1x1x250x40xi32, #tpu.memory_space<hbm>> -> memref<250x40xi32, #tpu.memory_space<hbm>>
      tpu.wait_dma2 semaphore(%run_scoped3A_336 : memref<!tpu.dma_semaphore, #tpu.memory_space<semaphore_mem>>) src(%dma_wait3A_350 : memref<250x40xi32, #tpu.memory_space<hbm>>) dst(%arg5 : memref<250x40xi32, #tpu.memory_space<vmem>>)
      tpu.yield
    }) : () -> ()
    %mul3A_1 = arith.constant 624 : i32
    %mul3A_2 = arith.muli %arg1, %mul3A_1 : i32
    "tpu.region"() ({
      %run_scoped3A_336 = tpu.sem_alloc : memref<!tpu.dma_semaphore, #tpu.memory_space<semaphore_mem>>
      %dma_start3A = arith.constant 0 : i32
      %dma_start3A_337 = tpu.memref_slice %arg7[%mul3A_2, %dma_start3A] : memref<10000x16xf32, #tpu.memory_space<vmem_shared>> -> memref<624x16xf32, #tpu.memory_space<vmem_shared>>
      %dma_start3A_338 = arith.constant 0 : i32
      %dma_start3A_339 = tpu.memref_slice %arg3[%mul3A_2, %dma_start3A_338] : memref<10000x16xf32, #tpu.memory_space<hbm>> -> memref<624x16xf32, #tpu.memory_space<hbm>>
      tpu.enqueue_dma source(%dma_start3A_339 : memref<624x16xf32, #tpu.memory_space<hbm>>) target(%dma_start3A_337 : memref<624x16xf32, #tpu.memory_space<vmem_shared>>) target_semaphore(%run_scoped3A_336 : memref<!tpu.dma_semaphore, #tpu.memory_space<semaphore_mem>>)
      %dma_wait3A = arith.constant 0 : i32
      %dma_wait3A_340 = tpu.memref_slice %arg7[%mul3A_2, %dma_wait3A] : memref<10000x16xf32, #tpu.memory_space<vmem_shared>> -> memref<624x16xf32, #tpu.memory_space<vmem_shared>>
      %dma_wait3A_341 = arith.constant 0 : i32
      %dma_wait3A_342 = tpu.memref_slice %arg3[%mul3A_2, %dma_wait3A_341] : memref<10000x16xf32, #tpu.memory_space<hbm>> -> memref<624x16xf32, #tpu.memory_space<hbm>>
      tpu.wait_dma2 semaphore(%run_scoped3A_336 : memref<!tpu.dma_semaphore, #tpu.memory_space<semaphore_mem>>) src(%dma_wait3A_342 : memref<624x16xf32, #tpu.memory_space<hbm>>) dst(%dma_wait3A_340 : memref<624x16xf32, #tpu.memory_space<vmem_shared>>)
      tpu.yield
    }) : () -> ()
    %eq3A = arith.constant 15 : i32
    %eq3A_3 = arith.cmpi eq, %arg1, %eq3A : i32
    %convert_element_type3A = arith.extui %eq3A_3 : i1 to i32
    %cond3A = arith.constant 0 : i32
    %cond3A_4 = arith.cmpi ne, %convert_element_type3A, %cond3A : i32
    scf.if %cond3A_4 {
      "tpu.region"() ({
        %run_scoped3A_336 = tpu.sem_alloc : memref<!tpu.dma_semaphore, #tpu.memory_space<semaphore_mem>>
        %dma_start3A = arith.constant 9984 : i32
        %dma_start3A_337 = arith.constant 0 : i32
        %dma_start3A_338 = tpu.memref_slice %arg7[%dma_start3A, %dma_start3A_337] : memref<10000x16xf32, #tpu.memory_space<vmem_shared>> -> memref<16x16xf32, #tpu.memory_space<vmem_shared>>
        %dma_start3A_339 = arith.constant 9984 : i32
        %dma_start3A_340 = arith.constant 0 : i32
        %dma_start3A_341 = tpu.memref_slice %arg3[%dma_start3A_339, %dma_start3A_340] : memref<10000x16xf32, #tpu.memory_space<hbm>> -> memref<16x16xf32, #tpu.memory_space<hbm>>
        tpu.enqueue_dma source(%dma_start3A_341 : memref<16x16xf32, #tpu.memory_space<hbm>>) target(%dma_start3A_338 : memref<16x16xf32, #tpu.memory_space<vmem_shared>>) target_semaphore(%run_scoped3A_336 : memref<!tpu.dma_semaphore, #tpu.memory_space<semaphore_mem>>)
        %dma_wait3A = arith.constant 9984 : i32
        %dma_wait3A_342 = arith.constant 0 : i32
        %dma_wait3A_343 = tpu.memref_slice %arg7[%dma_wait3A, %dma_wait3A_342] : memref<10000x16xf32, #tpu.memory_space<vmem_shared>> -> memref<16x16xf32, #tpu.memory_space<vmem_shared>>
        %dma_wait3A_344 = arith.constant 9984 : i32
        %dma_wait3A_345 = arith.constant 0 : i32
        %dma_wait3A_346 = tpu.memref_slice %arg3[%dma_wait3A_344, %dma_wait3A_345] : memref<10000x16xf32, #tpu.memory_space<hbm>> -> memref<16x16xf32, #tpu.memory_space<hbm>>
        tpu.wait_dma2 semaphore(%run_scoped3A_336 : memref<!tpu.dma_semaphore, #tpu.memory_space<semaphore_mem>>) src(%dma_wait3A_346 : memref<16x16xf32, #tpu.memory_space<hbm>>) dst(%dma_wait3A_343 : memref<16x16xf32, #tpu.memory_space<vmem_shared>>)
        tpu.yield
      }) : () -> ()
    } else {
    }
    %broadcast_in_dim3A = arith.constant 1.000000e+00 : f32
    %broadcast_in_dim3A_5 = vector.broadcast %broadcast_in_dim3A : f32 to vector<16xf32>
    %swap3A = arith.constant 0 : i32
    %swap3A_6 = arith.index_cast %swap3A : i32 to index
    %swap3A_7 = arith.constant 0 : index
    %swap3A_8 = tpu.vector_load %arg6[%swap3A_6, %swap3A_7] {strides = array<i32>} : memref<40x16xf32, #tpu.memory_space<vmem>>, vector<1x16xf32>,
    %swap3A_9 = vector.shape_cast %swap3A_8 : vector<1x16xf32> to vector<16xf32>
    %swap3A_10 = vector.shape_cast %broadcast_in_dim3A_5 : vector<16xf32> to vector<1x16xf32>
    tpu.vector_store %arg6[%swap3A_6, %swap3A_7], %swap3A_10 {strides = array<i32>} : memref<40x16xf32, #tpu.memory_space<vmem>>, vector<1x16xf32>,
    %broadcast_in_dim3A_11 = arith.constant 1.000000e+00 : f32
    %broadcast_in_dim3A_12 = vector.broadcast %broadcast_in_dim3A_11 : f32 to vector<16xf32>
    %swap3A_13 = arith.constant 1 : i32
    %swap3A_14 = arith.index_cast %swap3A_13 : i32 to index
    %swap3A_15 = arith.constant 0 : index
    %swap3A_16 = tpu.vector_load %arg6[%swap3A_14, %swap3A_15] {strides = array<i32>} : memref<40x16xf32, #tpu.memory_space<vmem>>, vector<1x16xf32>,
    %swap3A_17 = vector.shape_cast %swap3A_16 : vector<1x16xf32> to vector<16xf32>
    %swap3A_18 = vector.shape_cast %broadcast_in_dim3A_12 : vector<16xf32> to vector<1x16xf32>
    tpu.vector_store %arg6[%swap3A_14, %swap3A_15], %swap3A_18 {strides = array<i32>} : memref<40x16xf32, #tpu.memory_space<vmem>>, vector<1x16xf32>,
    %broadcast_in_dim3A_19 = arith.constant 1.000000e+00 : f32
    %broadcast_in_dim3A_20 = vector.broadcast %broadcast_in_dim3A_19 : f32 to vector<16xf32>
    %swap3A_21 = arith.constant 2 : i32
    %swap3A_22 = arith.index_cast %swap3A_21 : i32 to index
    %swap3A_23 = arith.constant 0 : index
    %swap3A_24 = tpu.vector_load %arg6[%swap3A_22, %swap3A_23] {strides = array<i32>} : memref<40x16xf32, #tpu.memory_space<vmem>>, vector<1x16xf32>,
    %swap3A_25 = vector.shape_cast %swap3A_24 : vector<1x16xf32> to vector<16xf32>
    %swap3A_26 = vector.shape_cast %broadcast_in_dim3A_20 : vector<16xf32> to vector<1x16xf32>
    tpu.vector_store %arg6[%swap3A_22, %swap3A_23], %swap3A_26 {strides = array<i32>} : memref<40x16xf32, #tpu.memory_space<vmem>>, vector<1x16xf32>,
    %broadcast_in_dim3A_27 = arith.constant 1.000000e+00 : f32
    %broadcast_in_dim3A_28 = vector.broadcast %broadcast_in_dim3A_27 : f32 to vector<16xf32>
    %swap3A_29 = arith.constant 3 : i32
    %swap3A_30 = arith.index_cast %swap3A_29 : i32 to index
    %swap3A_31 = arith.constant 0 : index
    %swap3A_32 = tpu.vector_load %arg6[%swap3A_30, %swap3A_31] {strides = array<i32>} : memref<40x16xf32, #tpu.memory_space<vmem>>, vector<1x16xf32>,
    %swap3A_33 = vector.shape_cast %swap3A_32 : vector<1x16xf32> to vector<16xf32>
    %swap3A_34 = vector.shape_cast %broadcast_in_dim3A_28 : vector<16xf32> to vector<1x16xf32>
    tpu.vector_store %arg6[%swap3A_30, %swap3A_31], %swap3A_34 {strides = array<i32>} : memref<40x16xf32, #tpu.memory_space<vmem>>, vector<1x16xf32>,
    %broadcast_in_dim3A_35 = arith.constant 1.000000e+00 : f32
    %broadcast_in_dim3A_36 = vector.broadcast %broadcast_in_dim3A_35 : f32 to vector<16xf32>
    %swap3A_37 = arith.constant 4 : i32
    %swap3A_38 = arith.index_cast %swap3A_37 : i32 to index
    %swap3A_39 = arith.constant 0 : index
    %swap3A_40 = tpu.vector_load %arg6[%swap3A_38, %swap3A_39] {strides = array<i32>} : memref<40x16xf32, #tpu.memory_space<vmem>>, vector<1x16xf32>,
    %swap3A_41 = vector.shape_cast %swap3A_40 : vector<1x16xf32> to vector<16xf32>
    %swap3A_42 = vector.shape_cast %broadcast_in_dim3A_36 : vector<16xf32> to vector<1x16xf32>
    tpu.vector_store %arg6[%swap3A_38, %swap3A_39], %swap3A_42 {strides = array<i32>} : memref<40x16xf32, #tpu.memory_space<vmem>>, vector<1x16xf32>,
    %broadcast_in_dim3A_43 = arith.constant 1.000000e+00 : f32
    %broadcast_in_dim3A_44 = vector.broadcast %broadcast_in_dim3A_43 : f32 to vector<16xf32>
    %swap3A_45 = arith.constant 5 : i32
    %swap3A_46 = arith.index_cast %swap3A_45 : i32 to index
    %swap3A_47 = arith.constant 0 : index
    %swap3A_48 = tpu.vector_load %arg6[%swap3A_46, %swap3A_47] {strides = array<i32>} : memref<40x16xf32, #tpu.memory_space<vmem>>, vector<1x16xf32>,
    %swap3A_49 = vector.shape_cast %swap3A_48 : vector<1x16xf32> to vector<16xf32>
    %swap3A_50 = vector.shape_cast %broadcast_in_dim3A_44 : vector<16xf32> to vector<1x16xf32>
    tpu.vector_store %arg6[%swap3A_46, %swap3A_47], %swap3A_50 {strides = array<i32>} : memref<40x16xf32, #tpu.memory_space<vmem>>, vector<1x16xf32>,
    %broadcast_in_dim3A_51 = arith.constant 1.000000e+00 : f32
    %broadcast_in_dim3A_52 = vector.broadcast %broadcast_in_dim3A_51 : f32 to vector<16xf32>
    %swap3A_53 = arith.constant 6 : i32
    %swap3A_54 = arith.index_cast %swap3A_53 : i32 to index
    %swap3A_55 = arith.constant 0 : index
    %swap3A_56 = tpu.vector_load %arg6[%swap3A_54, %swap3A_55] {strides = array<i32>} : memref<40x16xf32, #tpu.memory_space<vmem>>, vector<1x16xf32>,
    %swap3A_57 = vector.shape_cast %swap3A_56 : vector<1x16xf32> to vector<16xf32>
    %swap3A_58 = vector.shape_cast %broadcast_in_dim3A_52 : vector<16xf32> to vector<1x16xf32>
    tpu.vector_store %arg6[%swap3A_54, %swap3A_55], %swap3A_58 {strides = array<i32>} : memref<40x16xf32, #tpu.memory_space<vmem>>, vector<1x16xf32>,
    %broadcast_in_dim3A_59 = arith.constant 1.000000e+00 : f32
    %broadcast_in_dim3A_60 = vector.broadcast %broadcast_in_dim3A_59 : f32 to vector<16xf32>
    %swap3A_61 = arith.constant 7 : i32
    %swap3A_62 = arith.index_cast %swap3A_61 : i32 to index
    %swap3A_63 = arith.constant 0 : index
    %swap3A_64 = tpu.vector_load %arg6[%swap3A_62, %swap3A_63] {strides = array<i32>} : memref<40x16xf32, #tpu.memory_space<vmem>>, vector<1x16xf32>,
    %swap3A_65 = vector.shape_cast %swap3A_64 : vector<1x16xf32> to vector<16xf32>
    %swap3A_66 = vector.shape_cast %broadcast_in_dim3A_60 : vector<16xf32> to vector<1x16xf32>
    tpu.vector_store %arg6[%swap3A_62, %swap3A_63], %swap3A_66 {strides = array<i32>} : memref<40x16xf32, #tpu.memory_space<vmem>>, vector<1x16xf32>,
    %broadcast_in_dim3A_67 = arith.constant 1.000000e+00 : f32
    %broadcast_in_dim3A_68 = vector.broadcast %broadcast_in_dim3A_67 : f32 to vector<16xf32>
    %swap3A_69 = arith.constant 8 : i32
    %swap3A_70 = arith.index_cast %swap3A_69 : i32 to index
    %swap3A_71 = arith.constant 0 : index
    %swap3A_72 = tpu.vector_load %arg6[%swap3A_70, %swap3A_71] {strides = array<i32>} : memref<40x16xf32, #tpu.memory_space<vmem>>, vector<1x16xf32>,
    %swap3A_73 = vector.shape_cast %swap3A_72 : vector<1x16xf32> to vector<16xf32>
    %swap3A_74 = vector.shape_cast %broadcast_in_dim3A_68 : vector<16xf32> to vector<1x16xf32>
    tpu.vector_store %arg6[%swap3A_70, %swap3A_71], %swap3A_74 {strides = array<i32>} : memref<40x16xf32, #tpu.memory_space<vmem>>, vector<1x16xf32>,
    %broadcast_in_dim3A_75 = arith.constant 1.000000e+00 : f32
    %broadcast_in_dim3A_76 = vector.broadcast %broadcast_in_dim3A_75 : f32 to vector<16xf32>
    %swap3A_77 = arith.constant 9 : i32
    %swap3A_78 = arith.index_cast %swap3A_77 : i32 to index
    %swap3A_79 = arith.constant 0 : index
    %swap3A_80 = tpu.vector_load %arg6[%swap3A_78, %swap3A_79] {strides = array<i32>} : memref<40x16xf32, #tpu.memory_space<vmem>>, vector<1x16xf32>,
    %swap3A_81 = vector.shape_cast %swap3A_80 : vector<1x16xf32> to vector<16xf32>
    %swap3A_82 = vector.shape_cast %broadcast_in_dim3A_76 : vector<16xf32> to vector<1x16xf32>
    tpu.vector_store %arg6[%swap3A_78, %swap3A_79], %swap3A_82 {strides = array<i32>} : memref<40x16xf32, #tpu.memory_space<vmem>>, vector<1x16xf32>,
    %broadcast_in_dim3A_83 = arith.constant 1.000000e+00 : f32
    %broadcast_in_dim3A_84 = vector.broadcast %broadcast_in_dim3A_83 : f32 to vector<16xf32>
    %swap3A_85 = arith.constant 10 : i32
    %swap3A_86 = arith.index_cast %swap3A_85 : i32 to index
    %swap3A_87 = arith.constant 0 : index
    %swap3A_88 = tpu.vector_load %arg6[%swap3A_86, %swap3A_87] {strides = array<i32>} : memref<40x16xf32, #tpu.memory_space<vmem>>, vector<1x16xf32>,
    %swap3A_89 = vector.shape_cast %swap3A_88 : vector<1x16xf32> to vector<16xf32>
    %swap3A_90 = vector.shape_cast %broadcast_in_dim3A_84 : vector<16xf32> to vector<1x16xf32>
    tpu.vector_store %arg6[%swap3A_86, %swap3A_87], %swap3A_90 {strides = array<i32>} : memref<40x16xf32, #tpu.memory_space<vmem>>, vector<1x16xf32>,
    %broadcast_in_dim3A_91 = arith.constant 1.000000e+00 : f32
    %broadcast_in_dim3A_92 = vector.broadcast %broadcast_in_dim3A_91 : f32 to vector<16xf32>
    %swap3A_93 = arith.constant 11 : i32
    %swap3A_94 = arith.index_cast %swap3A_93 : i32 to index
    %swap3A_95 = arith.constant 0 : index
    %swap3A_96 = tpu.vector_load %arg6[%swap3A_94, %swap3A_95] {strides = array<i32>} : memref<40x16xf32, #tpu.memory_space<vmem>>, vector<1x16xf32>,
    %swap3A_97 = vector.shape_cast %swap3A_96 : vector<1x16xf32> to vector<16xf32>
    %swap3A_98 = vector.shape_cast %broadcast_in_dim3A_92 : vector<16xf32> to vector<1x16xf32>
    tpu.vector_store %arg6[%swap3A_94, %swap3A_95], %swap3A_98 {strides = array<i32>} : memref<40x16xf32, #tpu.memory_space<vmem>>, vector<1x16xf32>,
    %broadcast_in_dim3A_99 = arith.constant 1.000000e+00 : f32
    %broadcast_in_dim3A_100 = vector.broadcast %broadcast_in_dim3A_99 : f32 to vector<16xf32>
    %swap3A_101 = arith.constant 12 : i32
    %swap3A_102 = arith.index_cast %swap3A_101 : i32 to index
    %swap3A_103 = arith.constant 0 : index
    %swap3A_104 = tpu.vector_load %arg6[%swap3A_102, %swap3A_103] {strides = array<i32>} : memref<40x16xf32, #tpu.memory_space<vmem>>, vector<1x16xf32>,
    %swap3A_105 = vector.shape_cast %swap3A_104 : vector<1x16xf32> to vector<16xf32>
    %swap3A_106 = vector.shape_cast %broadcast_in_dim3A_100 : vector<16xf32> to vector<1x16xf32>
    tpu.vector_store %arg6[%swap3A_102, %swap3A_103], %swap3A_106 {strides = array<i32>} : memref<40x16xf32, #tpu.memory_space<vmem>>, vector<1x16xf32>,
    %broadcast_in_dim3A_107 = arith.constant 1.000000e+00 : f32
    %broadcast_in_dim3A_108 = vector.broadcast %broadcast_in_dim3A_107 : f32 to vector<16xf32>
    %swap3A_109 = arith.constant 13 : i32
    %swap3A_110 = arith.index_cast %swap3A_109 : i32 to index
    %swap3A_111 = arith.constant 0 : index
    %swap3A_112 = tpu.vector_load %arg6[%swap3A_110, %swap3A_111] {strides = array<i32>} : memref<40x16xf32, #tpu.memory_space<vmem>>, vector<1x16xf32>,
    %swap3A_113 = vector.shape_cast %swap3A_112 : vector<1x16xf32> to vector<16xf32>
    %swap3A_114 = vector.shape_cast %broadcast_in_dim3A_108 : vector<16xf32> to vector<1x16xf32>
    tpu.vector_store %arg6[%swap3A_110, %swap3A_111], %swap3A_114 {strides = array<i32>} : memref<40x16xf32, #tpu.memory_space<vmem>>, vector<1x16xf32>,
    %broadcast_in_dim3A_115 = arith.constant 1.000000e+00 : f32
    %broadcast_in_dim3A_116 = vector.broadcast %broadcast_in_dim3A_115 : f32 to vector<16xf32>
    %swap3A_117 = arith.constant 14 : i32
    %swap3A_118 = arith.index_cast %swap3A_117 : i32 to index
    %swap3A_119 = arith.constant 0 : index
    %swap3A_120 = tpu.vector_load %arg6[%swap3A_118, %swap3A_119] {strides = array<i32>} : memref<40x16xf32, #tpu.memory_space<vmem>>, vector<1x16xf32>,
    %swap3A_121 = vector.shape_cast %swap3A_120 : vector<1x16xf32> to vector<16xf32>
    %swap3A_122 = vector.shape_cast %broadcast_in_dim3A_116 : vector<16xf32> to vector<1x16xf32>
    tpu.vector_store %arg6[%swap3A_118, %swap3A_119], %swap3A_122 {strides = array<i32>} : memref<40x16xf32, #tpu.memory_space<vmem>>, vector<1x16xf32>,
    %broadcast_in_dim3A_123 = arith.constant 1.000000e+00 : f32
    %broadcast_in_dim3A_124 = vector.broadcast %broadcast_in_dim3A_123 : f32 to vector<16xf32>
    %swap3A_125 = arith.constant 15 : i32
    %swap3A_126 = arith.index_cast %swap3A_125 : i32 to index
    %swap3A_127 = arith.constant 0 : index
    %swap3A_128 = tpu.vector_load %arg6[%swap3A_126, %swap3A_127] {strides = array<i32>} : memref<40x16xf32, #tpu.memory_space<vmem>>, vector<1x16xf32>,
    %swap3A_129 = vector.shape_cast %swap3A_128 : vector<1x16xf32> to vector<16xf32>
    %swap3A_130 = vector.shape_cast %broadcast_in_dim3A_124 : vector<16xf32> to vector<1x16xf32>
    tpu.vector_store %arg6[%swap3A_126, %swap3A_127], %swap3A_130 {strides = array<i32>} : memref<40x16xf32, #tpu.memory_space<vmem>>, vector<1x16xf32>,
    %broadcast_in_dim3A_131 = arith.constant 1.000000e+00 : f32
    %broadcast_in_dim3A_132 = vector.broadcast %broadcast_in_dim3A_131 : f32 to vector<16xf32>
    %swap3A_133 = arith.constant 16 : i32
    %swap3A_134 = arith.index_cast %swap3A_133 : i32 to index
    %swap3A_135 = arith.constant 0 : index
    %swap3A_136 = tpu.vector_load %arg6[%swap3A_134, %swap3A_135] {strides = array<i32>} : memref<40x16xf32, #tpu.memory_space<vmem>>, vector<1x16xf32>,
    %swap3A_137 = vector.shape_cast %swap3A_136 : vector<1x16xf32> to vector<16xf32>
    %swap3A_138 = vector.shape_cast %broadcast_in_dim3A_132 : vector<16xf32> to vector<1x16xf32>
    tpu.vector_store %arg6[%swap3A_134, %swap3A_135], %swap3A_138 {strides = array<i32>} : memref<40x16xf32, #tpu.memory_space<vmem>>, vector<1x16xf32>,
    %broadcast_in_dim3A_139 = arith.constant 1.000000e+00 : f32
    %broadcast_in_dim3A_140 = vector.broadcast %broadcast_in_dim3A_139 : f32 to vector<16xf32>
    %swap3A_141 = arith.constant 17 : i32
    %swap3A_142 = arith.index_cast %swap3A_141 : i32 to index
    %swap3A_143 = arith.constant 0 : index
    %swap3A_144 = tpu.vector_load %arg6[%swap3A_142, %swap3A_143] {strides = array<i32>} : memref<40x16xf32, #tpu.memory_space<vmem>>, vector<1x16xf32>,
    %swap3A_145 = vector.shape_cast %swap3A_144 : vector<1x16xf32> to vector<16xf32>
    %swap3A_146 = vector.shape_cast %broadcast_in_dim3A_140 : vector<16xf32> to vector<1x16xf32>
    tpu.vector_store %arg6[%swap3A_142, %swap3A_143], %swap3A_146 {strides = array<i32>} : memref<40x16xf32, #tpu.memory_space<vmem>>, vector<1x16xf32>,
    %broadcast_in_dim3A_147 = arith.constant 1.000000e+00 : f32
    %broadcast_in_dim3A_148 = vector.broadcast %broadcast_in_dim3A_147 : f32 to vector<16xf32>
    %swap3A_149 = arith.constant 18 : i32
    %swap3A_150 = arith.index_cast %swap3A_149 : i32 to index
    %swap3A_151 = arith.constant 0 : index
    %swap3A_152 = tpu.vector_load %arg6[%swap3A_150, %swap3A_151] {strides = array<i32>} : memref<40x16xf32, #tpu.memory_space<vmem>>, vector<1x16xf32>,
    %swap3A_153 = vector.shape_cast %swap3A_152 : vector<1x16xf32> to vector<16xf32>
    %swap3A_154 = vector.shape_cast %broadcast_in_dim3A_148 : vector<16xf32> to vector<1x16xf32>
    tpu.vector_store %arg6[%swap3A_150, %swap3A_151], %swap3A_154 {strides = array<i32>} : memref<40x16xf32, #tpu.memory_space<vmem>>, vector<1x16xf32>,
    %broadcast_in_dim3A_155 = arith.constant 1.000000e+00 : f32
    %broadcast_in_dim3A_156 = vector.broadcast %broadcast_in_dim3A_155 : f32 to vector<16xf32>
    %swap3A_157 = arith.constant 19 : i32
    %swap3A_158 = arith.index_cast %swap3A_157 : i32 to index
    %swap3A_159 = arith.constant 0 : index
    %swap3A_160 = tpu.vector_load %arg6[%swap3A_158, %swap3A_159] {strides = array<i32>} : memref<40x16xf32, #tpu.memory_space<vmem>>, vector<1x16xf32>,
    %swap3A_161 = vector.shape_cast %swap3A_160 : vector<1x16xf32> to vector<16xf32>
    %swap3A_162 = vector.shape_cast %broadcast_in_dim3A_156 : vector<16xf32> to vector<1x16xf32>
    tpu.vector_store %arg6[%swap3A_158, %swap3A_159], %swap3A_162 {strides = array<i32>} : memref<40x16xf32, #tpu.memory_space<vmem>>, vector<1x16xf32>,
    %broadcast_in_dim3A_163 = arith.constant 1.000000e+00 : f32
    %broadcast_in_dim3A_164 = vector.broadcast %broadcast_in_dim3A_163 : f32 to vector<16xf32>
    %swap3A_165 = arith.constant 20 : i32
    %swap3A_166 = arith.index_cast %swap3A_165 : i32 to index
    %swap3A_167 = arith.constant 0 : index
    %swap3A_168 = tpu.vector_load %arg6[%swap3A_166, %swap3A_167] {strides = array<i32>} : memref<40x16xf32, #tpu.memory_space<vmem>>, vector<1x16xf32>,
    %swap3A_169 = vector.shape_cast %swap3A_168 : vector<1x16xf32> to vector<16xf32>
    %swap3A_170 = vector.shape_cast %broadcast_in_dim3A_164 : vector<16xf32> to vector<1x16xf32>
    tpu.vector_store %arg6[%swap3A_166, %swap3A_167], %swap3A_170 {strides = array<i32>} : memref<40x16xf32, #tpu.memory_space<vmem>>, vector<1x16xf32>,
    %broadcast_in_dim3A_171 = arith.constant 1.000000e+00 : f32
    %broadcast_in_dim3A_172 = vector.broadcast %broadcast_in_dim3A_171 : f32 to vector<16xf32>
    %swap3A_173 = arith.constant 21 : i32
    %swap3A_174 = arith.index_cast %swap3A_173 : i32 to index
    %swap3A_175 = arith.constant 0 : index
    %swap3A_176 = tpu.vector_load %arg6[%swap3A_174, %swap3A_175] {strides = array<i32>} : memref<40x16xf32, #tpu.memory_space<vmem>>, vector<1x16xf32>,
    %swap3A_177 = vector.shape_cast %swap3A_176 : vector<1x16xf32> to vector<16xf32>
    %swap3A_178 = vector.shape_cast %broadcast_in_dim3A_172 : vector<16xf32> to vector<1x16xf32>
    tpu.vector_store %arg6[%swap3A_174, %swap3A_175], %swap3A_178 {strides = array<i32>} : memref<40x16xf32, #tpu.memory_space<vmem>>, vector<1x16xf32>,
    %broadcast_in_dim3A_179 = arith.constant 1.000000e+00 : f32
    %broadcast_in_dim3A_180 = vector.broadcast %broadcast_in_dim3A_179 : f32 to vector<16xf32>
    %swap3A_181 = arith.constant 22 : i32
    %swap3A_182 = arith.index_cast %swap3A_181 : i32 to index
    %swap3A_183 = arith.constant 0 : index
    %swap3A_184 = tpu.vector_load %arg6[%swap3A_182, %swap3A_183] {strides = array<i32>} : memref<40x16xf32, #tpu.memory_space<vmem>>, vector<1x16xf32>,
    %swap3A_185 = vector.shape_cast %swap3A_184 : vector<1x16xf32> to vector<16xf32>
    %swap3A_186 = vector.shape_cast %broadcast_in_dim3A_180 : vector<16xf32> to vector<1x16xf32>
    tpu.vector_store %arg6[%swap3A_182, %swap3A_183], %swap3A_186 {strides = array<i32>} : memref<40x16xf32, #tpu.memory_space<vmem>>, vector<1x16xf32>,
    %broadcast_in_dim3A_187 = arith.constant 1.000000e+00 : f32
    %broadcast_in_dim3A_188 = vector.broadcast %broadcast_in_dim3A_187 : f32 to vector<16xf32>
    %swap3A_189 = arith.constant 23 : i32
    %swap3A_190 = arith.index_cast %swap3A_189 : i32 to index
    %swap3A_191 = arith.constant 0 : index
    %swap3A_192 = tpu.vector_load %arg6[%swap3A_190, %swap3A_191] {strides = array<i32>} : memref<40x16xf32, #tpu.memory_space<vmem>>, vector<1x16xf32>,
    %swap3A_193 = vector.shape_cast %swap3A_192 : vector<1x16xf32> to vector<16xf32>
    %swap3A_194 = vector.shape_cast %broadcast_in_dim3A_188 : vector<16xf32> to vector<1x16xf32>
    tpu.vector_store %arg6[%swap3A_190, %swap3A_191], %swap3A_194 {strides = array<i32>} : memref<40x16xf32, #tpu.memory_space<vmem>>, vector<1x16xf32>,
    %broadcast_in_dim3A_195 = arith.constant 1.000000e+00 : f32
    %broadcast_in_dim3A_196 = vector.broadcast %broadcast_in_dim3A_195 : f32 to vector<16xf32>
    %swap3A_197 = arith.constant 24 : i32
    %swap3A_198 = arith.index_cast %swap3A_197 : i32 to index
    %swap3A_199 = arith.constant 0 : index
    %swap3A_200 = tpu.vector_load %arg6[%swap3A_198, %swap3A_199] {strides = array<i32>} : memref<40x16xf32, #tpu.memory_space<vmem>>, vector<1x16xf32>,
    %swap3A_201 = vector.shape_cast %swap3A_200 : vector<1x16xf32> to vector<16xf32>
    %swap3A_202 = vector.shape_cast %broadcast_in_dim3A_196 : vector<16xf32> to vector<1x16xf32>
    tpu.vector_store %arg6[%swap3A_198, %swap3A_199], %swap3A_202 {strides = array<i32>} : memref<40x16xf32, #tpu.memory_space<vmem>>, vector<1x16xf32>,
    %broadcast_in_dim3A_203 = arith.constant 1.000000e+00 : f32
    %broadcast_in_dim3A_204 = vector.broadcast %broadcast_in_dim3A_203 : f32 to vector<16xf32>
    %swap3A_205 = arith.constant 25 : i32
    %swap3A_206 = arith.index_cast %swap3A_205 : i32 to index
    %swap3A_207 = arith.constant 0 : index
    %swap3A_208 = tpu.vector_load %arg6[%swap3A_206, %swap3A_207] {strides = array<i32>} : memref<40x16xf32, #tpu.memory_space<vmem>>, vector<1x16xf32>,
    %swap3A_209 = vector.shape_cast %swap3A_208 : vector<1x16xf32> to vector<16xf32>
    %swap3A_210 = vector.shape_cast %broadcast_in_dim3A_204 : vector<16xf32> to vector<1x16xf32>
    tpu.vector_store %arg6[%swap3A_206, %swap3A_207], %swap3A_210 {strides = array<i32>} : memref<40x16xf32, #tpu.memory_space<vmem>>, vector<1x16xf32>,
    %broadcast_in_dim3A_211 = arith.constant 1.000000e+00 : f32
    %broadcast_in_dim3A_212 = vector.broadcast %broadcast_in_dim3A_211 : f32 to vector<16xf32>
    %swap3A_213 = arith.constant 26 : i32
    %swap3A_214 = arith.index_cast %swap3A_213 : i32 to index
    %swap3A_215 = arith.constant 0 : index
    %swap3A_216 = tpu.vector_load %arg6[%swap3A_214, %swap3A_215] {strides = array<i32>} : memref<40x16xf32, #tpu.memory_space<vmem>>, vector<1x16xf32>,
    %swap3A_217 = vector.shape_cast %swap3A_216 : vector<1x16xf32> to vector<16xf32>
    %swap3A_218 = vector.shape_cast %broadcast_in_dim3A_212 : vector<16xf32> to vector<1x16xf32>
    tpu.vector_store %arg6[%swap3A_214, %swap3A_215], %swap3A_218 {strides = array<i32>} : memref<40x16xf32, #tpu.memory_space<vmem>>, vector<1x16xf32>,
    %broadcast_in_dim3A_219 = arith.constant 1.000000e+00 : f32
    %broadcast_in_dim3A_220 = vector.broadcast %broadcast_in_dim3A_219 : f32 to vector<16xf32>
    %swap3A_221 = arith.constant 27 : i32
    %swap3A_222 = arith.index_cast %swap3A_221 : i32 to index
    %swap3A_223 = arith.constant 0 : index
    %swap3A_224 = tpu.vector_load %arg6[%swap3A_222, %swap3A_223] {strides = array<i32>} : memref<40x16xf32, #tpu.memory_space<vmem>>, vector<1x16xf32>,
    %swap3A_225 = vector.shape_cast %swap3A_224 : vector<1x16xf32> to vector<16xf32>
    %swap3A_226 = vector.shape_cast %broadcast_in_dim3A_220 : vector<16xf32> to vector<1x16xf32>
    tpu.vector_store %arg6[%swap3A_222, %swap3A_223], %swap3A_226 {strides = array<i32>} : memref<40x16xf32, #tpu.memory_space<vmem>>, vector<1x16xf32>,
    %broadcast_in_dim3A_227 = arith.constant 1.000000e+00 : f32
    %broadcast_in_dim3A_228 = vector.broadcast %broadcast_in_dim3A_227 : f32 to vector<16xf32>
    %swap3A_229 = arith.constant 28 : i32
    %swap3A_230 = arith.index_cast %swap3A_229 : i32 to index
    %swap3A_231 = arith.constant 0 : index
    %swap3A_232 = tpu.vector_load %arg6[%swap3A_230, %swap3A_231] {strides = array<i32>} : memref<40x16xf32, #tpu.memory_space<vmem>>, vector<1x16xf32>,
    %swap3A_233 = vector.shape_cast %swap3A_232 : vector<1x16xf32> to vector<16xf32>
    %swap3A_234 = vector.shape_cast %broadcast_in_dim3A_228 : vector<16xf32> to vector<1x16xf32>
    tpu.vector_store %arg6[%swap3A_230, %swap3A_231], %swap3A_234 {strides = array<i32>} : memref<40x16xf32, #tpu.memory_space<vmem>>, vector<1x16xf32>,
    %broadcast_in_dim3A_235 = arith.constant 1.000000e+00 : f32
    %broadcast_in_dim3A_236 = vector.broadcast %broadcast_in_dim3A_235 : f32 to vector<16xf32>
    %swap3A_237 = arith.constant 29 : i32
    %swap3A_238 = arith.index_cast %swap3A_237 : i32 to index
    %swap3A_239 = arith.constant 0 : index
    %swap3A_240 = tpu.vector_load %arg6[%swap3A_238, %swap3A_239] {strides = array<i32>} : memref<40x16xf32, #tpu.memory_space<vmem>>, vector<1x16xf32>,
    %swap3A_241 = vector.shape_cast %swap3A_240 : vector<1x16xf32> to vector<16xf32>
    %swap3A_242 = vector.shape_cast %broadcast_in_dim3A_236 : vector<16xf32> to vector<1x16xf32>
    tpu.vector_store %arg6[%swap3A_238, %swap3A_239], %swap3A_242 {strides = array<i32>} : memref<40x16xf32, #tpu.memory_space<vmem>>, vector<1x16xf32>,
    %broadcast_in_dim3A_243 = arith.constant 1.000000e+00 : f32
    %broadcast_in_dim3A_244 = vector.broadcast %broadcast_in_dim3A_243 : f32 to vector<16xf32>
    %swap3A_245 = arith.constant 30 : i32
    %swap3A_246 = arith.index_cast %swap3A_245 : i32 to index
    %swap3A_247 = arith.constant 0 : index
    %swap3A_248 = tpu.vector_load %arg6[%swap3A_246, %swap3A_247] {strides = array<i32>} : memref<40x16xf32, #tpu.memory_space<vmem>>, vector<1x16xf32>,
    %swap3A_249 = vector.shape_cast %swap3A_248 : vector<1x16xf32> to vector<16xf32>
    %swap3A_250 = vector.shape_cast %broadcast_in_dim3A_244 : vector<16xf32> to vector<1x16xf32>
    tpu.vector_store %arg6[%swap3A_246, %swap3A_247], %swap3A_250 {strides = array<i32>} : memref<40x16xf32, #tpu.memory_space<vmem>>, vector<1x16xf32>,
    %broadcast_in_dim3A_251 = arith.constant 1.000000e+00 : f32
    %broadcast_in_dim3A_252 = vector.broadcast %broadcast_in_dim3A_251 : f32 to vector<16xf32>
    %swap3A_253 = arith.constant 31 : i32
    %swap3A_254 = arith.index_cast %swap3A_253 : i32 to index
    %swap3A_255 = arith.constant 0 : index
    %swap3A_256 = tpu.vector_load %arg6[%swap3A_254, %swap3A_255] {strides = array<i32>} : memref<40x16xf32, #tpu.memory_space<vmem>>, vector<1x16xf32>,
    %swap3A_257 = vector.shape_cast %swap3A_256 : vector<1x16xf32> to vector<16xf32>
    %swap3A_258 = vector.shape_cast %broadcast_in_dim3A_252 : vector<16xf32> to vector<1x16xf32>
    tpu.vector_store %arg6[%swap3A_254, %swap3A_255], %swap3A_258 {strides = array<i32>} : memref<40x16xf32, #tpu.memory_space<vmem>>, vector<1x16xf32>,
    %broadcast_in_dim3A_259 = arith.constant 1.000000e+00 : f32
    %broadcast_in_dim3A_260 = vector.broadcast %broadcast_in_dim3A_259 : f32 to vector<16xf32>
    %swap3A_261 = arith.constant 32 : i32
    %swap3A_262 = arith.index_cast %swap3A_261 : i32 to index
    %swap3A_263 = arith.constant 0 : index
    %swap3A_264 = tpu.vector_load %arg6[%swap3A_262, %swap3A_263] {strides = array<i32>} : memref<40x16xf32, #tpu.memory_space<vmem>>, vector<1x16xf32>,
    %swap3A_265 = vector.shape_cast %swap3A_264 : vector<1x16xf32> to vector<16xf32>
    %swap3A_266 = vector.shape_cast %broadcast_in_dim3A_260 : vector<16xf32> to vector<1x16xf32>
    tpu.vector_store %arg6[%swap3A_262, %swap3A_263], %swap3A_266 {strides = array<i32>} : memref<40x16xf32, #tpu.memory_space<vmem>>, vector<1x16xf32>,
    %broadcast_in_dim3A_267 = arith.constant 1.000000e+00 : f32
    %broadcast_in_dim3A_268 = vector.broadcast %broadcast_in_dim3A_267 : f32 to vector<16xf32>
    %swap3A_269 = arith.constant 33 : i32
    %swap3A_270 = arith.index_cast %swap3A_269 : i32 to index
    %swap3A_271 = arith.constant 0 : index
    %swap3A_272 = tpu.vector_load %arg6[%swap3A_270, %swap3A_271] {strides = array<i32>} : memref<40x16xf32, #tpu.memory_space<vmem>>, vector<1x16xf32>,
    %swap3A_273 = vector.shape_cast %swap3A_272 : vector<1x16xf32> to vector<16xf32>
    %swap3A_274 = vector.shape_cast %broadcast_in_dim3A_268 : vector<16xf32> to vector<1x16xf32>
    tpu.vector_store %arg6[%swap3A_270, %swap3A_271], %swap3A_274 {strides = array<i32>} : memref<40x16xf32, #tpu.memory_space<vmem>>, vector<1x16xf32>,
    %broadcast_in_dim3A_275 = arith.constant 1.000000e+00 : f32
    %broadcast_in_dim3A_276 = vector.broadcast %broadcast_in_dim3A_275 : f32 to vector<16xf32>
    %swap3A_277 = arith.constant 34 : i32
    %swap3A_278 = arith.index_cast %swap3A_277 : i32 to index
    %swap3A_279 = arith.constant 0 : index
    %swap3A_280 = tpu.vector_load %arg6[%swap3A_278, %swap3A_279] {strides = array<i32>} : memref<40x16xf32, #tpu.memory_space<vmem>>, vector<1x16xf32>,
    %swap3A_281 = vector.shape_cast %swap3A_280 : vector<1x16xf32> to vector<16xf32>
    %swap3A_282 = vector.shape_cast %broadcast_in_dim3A_276 : vector<16xf32> to vector<1x16xf32>
    tpu.vector_store %arg6[%swap3A_278, %swap3A_279], %swap3A_282 {strides = array<i32>} : memref<40x16xf32, #tpu.memory_space<vmem>>, vector<1x16xf32>,
    %broadcast_in_dim3A_283 = arith.constant 1.000000e+00 : f32
    %broadcast_in_dim3A_284 = vector.broadcast %broadcast_in_dim3A_283 : f32 to vector<16xf32>
    %swap3A_285 = arith.constant 35 : i32
    %swap3A_286 = arith.index_cast %swap3A_285 : i32 to index
    %swap3A_287 = arith.constant 0 : index
    %swap3A_288 = tpu.vector_load %arg6[%swap3A_286, %swap3A_287] {strides = array<i32>} : memref<40x16xf32, #tpu.memory_space<vmem>>, vector<1x16xf32>,
    %swap3A_289 = vector.shape_cast %swap3A_288 : vector<1x16xf32> to vector<16xf32>
    %swap3A_290 = vector.shape_cast %broadcast_in_dim3A_284 : vector<16xf32> to vector<1x16xf32>
    tpu.vector_store %arg6[%swap3A_286, %swap3A_287], %swap3A_290 {strides = array<i32>} : memref<40x16xf32, #tpu.memory_space<vmem>>, vector<1x16xf32>,
    %broadcast_in_dim3A_291 = arith.constant 1.000000e+00 : f32
    %broadcast_in_dim3A_292 = vector.broadcast %broadcast_in_dim3A_291 : f32 to vector<16xf32>
    %swap3A_293 = arith.constant 36 : i32
    %swap3A_294 = arith.index_cast %swap3A_293 : i32 to index
    %swap3A_295 = arith.constant 0 : index
    %swap3A_296 = tpu.vector_load %arg6[%swap3A_294, %swap3A_295] {strides = array<i32>} : memref<40x16xf32, #tpu.memory_space<vmem>>, vector<1x16xf32>,
    %swap3A_297 = vector.shape_cast %swap3A_296 : vector<1x16xf32> to vector<16xf32>
    %swap3A_298 = vector.shape_cast %broadcast_in_dim3A_292 : vector<16xf32> to vector<1x16xf32>
    tpu.vector_store %arg6[%swap3A_294, %swap3A_295], %swap3A_298 {strides = array<i32>} : memref<40x16xf32, #tpu.memory_space<vmem>>, vector<1x16xf32>,
    %broadcast_in_dim3A_299 = arith.constant 1.000000e+00 : f32
    %broadcast_in_dim3A_300 = vector.broadcast %broadcast_in_dim3A_299 : f32 to vector<16xf32>
    %swap3A_301 = arith.constant 37 : i32
    %swap3A_302 = arith.index_cast %swap3A_301 : i32 to index
    %swap3A_303 = arith.constant 0 : index
    %swap3A_304 = tpu.vector_load %arg6[%swap3A_302, %swap3A_303] {strides = array<i32>} : memref<40x16xf32, #tpu.memory_space<vmem>>, vector<1x16xf32>,
    %swap3A_305 = vector.shape_cast %swap3A_304 : vector<1x16xf32> to vector<16xf32>
    %swap3A_306 = vector.shape_cast %broadcast_in_dim3A_300 : vector<16xf32> to vector<1x16xf32>
    tpu.vector_store %arg6[%swap3A_302, %swap3A_303], %swap3A_306 {strides = array<i32>} : memref<40x16xf32, #tpu.memory_space<vmem>>, vector<1x16xf32>,
    %broadcast_in_dim3A_307 = arith.constant 1.000000e+00 : f32
    %broadcast_in_dim3A_308 = vector.broadcast %broadcast_in_dim3A_307 : f32 to vector<16xf32>
    %swap3A_309 = arith.constant 38 : i32
    %swap3A_310 = arith.index_cast %swap3A_309 : i32 to index
    %swap3A_311 = arith.constant 0 : index
    %swap3A_312 = tpu.vector_load %arg6[%swap3A_310, %swap3A_311] {strides = array<i32>} : memref<40x16xf32, #tpu.memory_space<vmem>>, vector<1x16xf32>,
    %swap3A_313 = vector.shape_cast %swap3A_312 : vector<1x16xf32> to vector<16xf32>
    %swap3A_314 = vector.shape_cast %broadcast_in_dim3A_308 : vector<16xf32> to vector<1x16xf32>
    tpu.vector_store %arg6[%swap3A_310, %swap3A_311], %swap3A_314 {strides = array<i32>} : memref<40x16xf32, #tpu.memory_space<vmem>>, vector<1x16xf32>,
    %broadcast_in_dim3A_315 = arith.constant 1.000000e+00 : f32
    %broadcast_in_dim3A_316 = vector.broadcast %broadcast_in_dim3A_315 : f32 to vector<16xf32>
    %swap3A_317 = arith.constant 39 : i32
    %swap3A_318 = arith.index_cast %swap3A_317 : i32 to index
    %swap3A_319 = arith.constant 0 : index
    %swap3A_320 = tpu.vector_load %arg6[%swap3A_318, %swap3A_319] {strides = array<i32>} : memref<40x16xf32, #tpu.memory_space<vmem>>, vector<1x16xf32>,
    %swap3A_321 = vector.shape_cast %swap3A_320 : vector<1x16xf32> to vector<16xf32>
    %swap3A_322 = vector.shape_cast %broadcast_in_dim3A_316 : vector<16xf32> to vector<1x16xf32>
    tpu.vector_store %arg6[%swap3A_318, %swap3A_319], %swap3A_322 {strides = array<i32>} : memref<40x16xf32, #tpu.memory_space<vmem>>, vector<1x16xf32>,
    %barrier3A = arith.constant 0 : index
    tpu.barrier barrier_id(%barrier3A)
    %scan3A = arith.constant 0 : i32
    %scan3A_323 = arith.constant 0 : i32
    %scan3A_324 = arith.constant 250 : i32
    %scan3A_325 = arith.addi %scan3A_323, %scan3A_324 : i32
    %scan3A_326 = arith.constant 1 : i32
    scf.for %scan3A_336 = %scan3A_323 to %scan3A_325 step %scan3A_326  : i32 {
      "tpu.region"() ({
        %run_scoped3A_337 = tpu.sem_alloc : memref<!tpu.dma_semaphore, #tpu.memory_space<semaphore_mem>>
        %dma_start3A = arith.constant 0 : i32
        %dma_start3A_338 = tpu.memref_slice %arg5[%scan3A_336, %dma_start3A] : memref<250x40xi32, #tpu.memory_space<vmem>> -> memref<1x40xi32, #tpu.memory_space<vmem>>
        %dma_start3A_339 = tpu.memref_squeeze %dma_start3A_338 : memref<1x40xi32, #tpu.memory_space<vmem>> -> memref<40xi32, #tpu.memory_space<vmem>>
        %dma_start3A_340 = arith.constant 0 : i32
        %dma_start3A_341 = arith.constant 0 : i32
        %dma_start3A_342 = tpu.memref_slice %arg7[%dma_start3A_340, %dma_start3A_341] : memref<10000x16xf32, #tpu.memory_space<vmem_shared>> -> memref<10000x16xf32, #tpu.memory_space<vmem_shared>>
        tpu.enqueue_indirect_dma source(%arg6 : memref<40x16xf32, #tpu.memory_space<vmem>>) target(%dma_start3A_342 : memref<10000x16xf32, #tpu.memory_space<vmem_shared>>) offsets(%dma_start3A_339 : memref<40xi32, #tpu.memory_space<vmem>>) semaphore(%run_scoped3A_337 : memref<!tpu.dma_semaphore, #tpu.memory_space<semaphore_mem>>) {add = true}
        %dma_wait3A = arith.constant 0 : i32
        %dma_wait3A_343 = tpu.memref_slice %arg5[%scan3A_336, %dma_wait3A] : memref<250x40xi32, #tpu.memory_space<vmem>> -> memref<1x40xi32, #tpu.memory_space<vmem>>
        %dma_wait3A_344 = tpu.memref_squeeze %dma_wait3A_343 : memref<1x40xi32, #tpu.memory_space<vmem>> -> memref<40xi32, #tpu.memory_space<vmem>>
        %dma_wait3A_345 = arith.constant 0 : i32
        %dma_wait3A_346 = arith.constant 0 : i32
        %dma_wait3A_347 = tpu.memref_slice %arg7[%dma_wait3A_345, %dma_wait3A_346] : memref<10000x16xf32, #tpu.memory_space<vmem_shared>> -> memref<10000x16xf32, #tpu.memory_space<vmem_shared>>
        tpu.wait_indirect_dma semaphore(%run_scoped3A_337 : memref<!tpu.dma_semaphore, #tpu.memory_space<semaphore_mem>>) src(%arg6 : memref<40x16xf32, #tpu.memory_space<vmem>>) dst(%dma_wait3A_347 : memref<10000x16xf32, #tpu.memory_space<vmem_shared>>)
        tpu.yield
      }) : () -> ()
    }
    %scan3A_327 = arith.constant 250 : i32
    %barrier3A_328 = arith.constant 0 : index
    tpu.barrier barrier_id(%barrier3A_328)
    %mul3A_329 = arith.constant 624 : i32
    %mul3A_330 = arith.muli %arg1, %mul3A_329 : i32
    "tpu.region"() ({
      %run_scoped3A_336 = tpu.sem_alloc : memref<!tpu.dma_semaphore, #tpu.memory_space<semaphore_mem>>
      %dma_start3A = arith.constant 0 : i32
      %dma_start3A_337 = tpu.memref_slice %arg4[%arg0, %mul3A_330, %dma_start3A] : memref<2x10000x16xf32, #tpu.memory_space<hbm>> -> memref<1x624x16xf32, #tpu.memory_space<hbm>>
      %dma_start3A_338 = tpu.memref_squeeze %dma_start3A_337 : memref<1x624x16xf32, #tpu.memory_space<hbm>> -> memref<624x16xf32, #tpu.memory_space<hbm>>
      %dma_start3A_339 = arith.constant 0 : i32
      %dma_start3A_340 = tpu.memref_slice %arg7[%mul3A_330, %dma_start3A_339] : memref<10000x16xf32, #tpu.memory_space<vmem_shared>> -> memref<624x16xf32, #tpu.memory_space<vmem_shared>>
      tpu.enqueue_dma source(%dma_start3A_340 : memref<624x16xf32, #tpu.memory_space<vmem_shared>>) target(%dma_start3A_338 : memref<624x16xf32, #tpu.memory_space<hbm>>) target_semaphore(%run_scoped3A_336 : memref<!tpu.dma_semaphore, #tpu.memory_space<semaphore_mem>>)
      %dma_wait3A = arith.constant 0 : i32
      %dma_wait3A_341 = tpu.memref_slice %arg4[%arg0, %mul3A_330, %dma_wait3A] : memref<2x10000x16xf32, #tpu.memory_space<hbm>> -> memref<1x624x16xf32, #tpu.memory_space<hbm>>
      %dma_wait3A_342 = tpu.memref_squeeze %dma_wait3A_341 : memref<1x624x16xf32, #tpu.memory_space<hbm>> -> memref<624x16xf32, #tpu.memory_space<hbm>>
      %dma_wait3A_343 = arith.constant 0 : i32
      %dma_wait3A_344 = tpu.memref_slice %arg7[%mul3A_330, %dma_wait3A_343] : memref<10000x16xf32, #tpu.memory_space<vmem_shared>> -> memref<624x16xf32, #tpu.memory_space<vmem_shared>>
      tpu.wait_dma2 semaphore(%run_scoped3A_336 : memref<!tpu.dma_semaphore, #tpu.memory_space<semaphore_mem>>) src(%dma_wait3A_344 : memref<624x16xf32, #tpu.memory_space<vmem_shared>>) dst(%dma_wait3A_342 : memref<624x16xf32, #tpu.memory_space<hbm>>)
      tpu.yield
    }) : () -> ()
    %eq3A_331 = arith.constant 15 : i32
    %eq3A_332 = arith.cmpi eq, %arg1, %eq3A_331 : i32
    %convert_element_type3A_333 = arith.extui %eq3A_332 : i1 to i32
    %cond3A_334 = arith.constant 0 : i32
    %cond3A_335 = arith.cmpi ne, %convert_element_type3A_333, %cond3A_334 : i32
    scf.if %cond3A_335 {
      "tpu.region"() ({
        %run_scoped3A_336 = tpu.sem_alloc : memref<!tpu.dma_semaphore, #tpu.memory_space<semaphore_mem>>
        %dma_start3A = arith.constant 9984 : i32
        %dma_start3A_337 = arith.constant 0 : i32
        %dma_start3A_338 = tpu.memref_slice %arg4[%arg0, %dma_start3A, %dma_start3A_337] : memref<2x10000x16xf32, #tpu.memory_space<hbm>> -> memref<1x16x16xf32, #tpu.memory_space<hbm>>
        %dma_start3A_339 = tpu.memref_squeeze %dma_start3A_338 : memref<1x16x16xf32, #tpu.memory_space<hbm>> -> memref<16x16xf32, #tpu.memory_space<hbm>>
        %dma_start3A_340 = arith.constant 9984 : i32
        %dma_start3A_341 = arith.constant 0 : i32
        %dma_start3A_342 = tpu.memref_slice %arg7[%dma_start3A_340, %dma_start3A_341] : memref<10000x16xf32, #tpu.memory_space<vmem_shared>> -> memref<16x16xf32, #tpu.memory_space<vmem_shared>>
        tpu.enqueue_dma source(%dma_start3A_342 : memref<16x16xf32, #tpu.memory_space<vmem_shared>>) target(%dma_start3A_339 : memref<16x16xf32, #tpu.memory_space<hbm>>) target_semaphore(%run_scoped3A_336 : memref<!tpu.dma_semaphore, #tpu.memory_space<semaphore_mem>>)
        %dma_wait3A = arith.constant 9984 : i32
        %dma_wait3A_343 = arith.constant 0 : i32
        %dma_wait3A_344 = tpu.memref_slice %arg4[%arg0, %dma_wait3A, %dma_wait3A_343] : memref<2x10000x16xf32, #tpu.memory_space<hbm>> -> memref<1x16x16xf32, #tpu.memory_space<hbm>>
        %dma_wait3A_345 = tpu.memref_squeeze %dma_wait3A_344 : memref<1x16x16xf32, #tpu.memory_space<hbm>> -> memref<16x16xf32, #tpu.memory_space<hbm>>
        %dma_wait3A_346 = arith.constant 9984 : i32
        %dma_wait3A_347 = arith.constant 0 : i32
        %dma_wait3A_348 = tpu.memref_slice %arg7[%dma_wait3A_346, %dma_wait3A_347] : memref<10000x16xf32, #tpu.memory_space<vmem_shared>> -> memref<16x16xf32, #tpu.memory_space<vmem_shared>>
        tpu.wait_dma2 semaphore(%run_scoped3A_336 : memref<!tpu.dma_semaphore, #tpu.memory_space<semaphore_mem>>) src(%dma_wait3A_348 : memref<16x16xf32, #tpu.memory_space<vmem_shared>>) dst(%dma_wait3A_345 : memref<16x16xf32, #tpu.memory_space<hbm>>)
        tpu.yield
      }) : () -> ()
    } else {
    }
    return
  }
}

#map = affine_map<(d0, d1) -> (0, 0)>
#map1 = affine_map<(d0, d1) -> (0, 0, 0, 0)>
#map2 = affine_map<(d0, d1) -> (0, 0, 0)>
module attributes {stable_mosaic.version = 14 : i64} {
  func.func @body(%arg0: i32, %arg1: i32, %arg2: memref<10000x128xf32, #tpu.memory_space<hbm>>, %arg3: memref<2x32x250x40xi32, #tpu.memory_space<hbm>>, %arg4: memref<10000x128xf32, #tpu.memory_space<hbm>>, %arg5: memref<2x10000x128xf32, #tpu.memory_space<hbm>>, %arg6: memref<250x40xi32, #tpu.memory_space<vmem>>, %arg7: memref<250x40xi32, #tpu.memory_space<vmem>>, %arg8: memref<40x128xf32, #tpu.memory_space<vmem>>, %arg9: memref<40x128xf32, #tpu.memory_space<vmem>>, %arg10: memref<40x128xf32, #tpu.memory_space<vmem>>, %arg11: memref<!tpu.dma_semaphore, #tpu.memory_space<semaphore_mem>>, %arg12: memref<!tpu.dma_semaphore, #tpu.memory_space<semaphore_mem>>, %arg13: memref<!tpu.dma_semaphore, #tpu.memory_space<semaphore_mem>>, %arg14: memref<!tpu.dma_semaphore, #tpu.memory_space<semaphore_mem>>, %arg15: memref<!tpu.dma_semaphore, #tpu.memory_space<semaphore_mem>>, %arg16: memref<!tpu.dma_semaphore, #tpu.memory_space<semaphore_mem>>, %arg17: memref<10000x128xf32, #tpu.memory_space<vmem_shared>>) attributes {dimension_semantics = [#tpu.dimension_semantics<core_parallel>, #tpu.dimension_semantics<subcore_parallel>], iteration_bounds = array<i64: 2, 16>, scalar_prefetch = 0 : i64, scratch_operands = 12 : i64, tpu.core_type = #tpu.core_type<sc_vector_subcore>, window_params = [{transform_indices = #map}, {transform_indices = #map1}, {transform_indices = #map}, {transform_indices = #map2}]} {
    %mul3A = arith.constant 16 : i32
    %mul3A_0 = arith.muli %arg0, %mul3A : i32
    %add3A = arith.addi %mul3A_0, %arg1 : i32
    %run_scoped3A = arith.constant 0 : i32
    "tpu.region"() ({
      %run_scoped3A_73 = tpu.sem_alloc : memref<!tpu.dma_semaphore, #tpu.memory_space<semaphore_mem>>
      %dma_start3A_74 = arith.constant 0 : i32
      %dma_start3A_75 = arith.constant 0 : i32
      %dma_start3A_76 = tpu.memref_slice %arg3[%run_scoped3A, %add3A, %dma_start3A_74, %dma_start3A_75] : memref<2x32x250x40xi32, #tpu.memory_space<hbm>> -> memref<1x1x250x40xi32, #tpu.memory_space<hbm>>
      %dma_start3A_77 = tpu.memref_squeeze %dma_start3A_76 : memref<1x1x250x40xi32, #tpu.memory_space<hbm>> -> memref<250x40xi32, #tpu.memory_space<hbm>>
      %dma_start3A_78 = arith.constant 0 : i32
      %dma_start3A_79 = arith.constant 0 : i32
      %dma_start3A_80 = tpu.memref_slice %arg3[%run_scoped3A, %add3A, %dma_start3A_78, %dma_start3A_79] : memref<2x32x250x40xi32, #tpu.memory_space<hbm>> -> memref<1x1x250x40xi32, #tpu.memory_space<hbm>>
      %dma_start3A_81 = tpu.memref_squeeze %dma_start3A_80 : memref<1x1x250x40xi32, #tpu.memory_space<hbm>> -> memref<250x40xi32, #tpu.memory_space<hbm>>
      tpu.enqueue_dma source(%dma_start3A_81 : memref<250x40xi32, #tpu.memory_space<hbm>>) target(%arg6 : memref<250x40xi32, #tpu.memory_space<vmem>>) target_semaphore(%run_scoped3A_73 : memref<!tpu.dma_semaphore, #tpu.memory_space<semaphore_mem>>)
      %dma_wait3A_82 = arith.constant 0 : i32
      %dma_wait3A_83 = arith.constant 0 : i32
      %dma_wait3A_84 = tpu.memref_slice %arg3[%run_scoped3A, %add3A, %dma_wait3A_82, %dma_wait3A_83] : memref<2x32x250x40xi32, #tpu.memory_space<hbm>> -> memref<1x1x250x40xi32, #tpu.memory_space<hbm>>
      %dma_wait3A_85 = tpu.memref_squeeze %dma_wait3A_84 : memref<1x1x250x40xi32, #tpu.memory_space<hbm>> -> memref<250x40xi32, #tpu.memory_space<hbm>>
      %dma_wait3A_86 = arith.constant 0 : i32
      %dma_wait3A_87 = arith.constant 0 : i32
      %dma_wait3A_88 = tpu.memref_slice %arg3[%run_scoped3A, %add3A, %dma_wait3A_86, %dma_wait3A_87] : memref<2x32x250x40xi32, #tpu.memory_space<hbm>> -> memref<1x1x250x40xi32, #tpu.memory_space<hbm>>
      %dma_wait3A_89 = tpu.memref_squeeze %dma_wait3A_88 : memref<1x1x250x40xi32, #tpu.memory_space<hbm>> -> memref<250x40xi32, #tpu.memory_space<hbm>>
      tpu.wait_dma2 semaphore(%run_scoped3A_73 : memref<!tpu.dma_semaphore, #tpu.memory_space<semaphore_mem>>) src(%dma_wait3A_89 : memref<250x40xi32, #tpu.memory_space<hbm>>) dst(%arg6 : memref<250x40xi32, #tpu.memory_space<vmem>>)
      tpu.yield
    }) : () -> ()
    %run_scoped3A_1 = arith.constant 1 : i32
    "tpu.region"() ({
      %run_scoped3A_73 = tpu.sem_alloc : memref<!tpu.dma_semaphore, #tpu.memory_space<semaphore_mem>>
      %dma_start3A_74 = arith.constant 0 : i32
      %dma_start3A_75 = arith.constant 0 : i32
      %dma_start3A_76 = tpu.memref_slice %arg3[%run_scoped3A_1, %add3A, %dma_start3A_74, %dma_start3A_75] : memref<2x32x250x40xi32, #tpu.memory_space<hbm>> -> memref<1x1x250x40xi32, #tpu.memory_space<hbm>>
      %dma_start3A_77 = tpu.memref_squeeze %dma_start3A_76 : memref<1x1x250x40xi32, #tpu.memory_space<hbm>> -> memref<250x40xi32, #tpu.memory_space<hbm>>
      %dma_start3A_78 = arith.constant 0 : i32
      %dma_start3A_79 = arith.constant 0 : i32
      %dma_start3A_80 = tpu.memref_slice %arg3[%run_scoped3A_1, %add3A, %dma_start3A_78, %dma_start3A_79] : memref<2x32x250x40xi32, #tpu.memory_space<hbm>> -> memref<1x1x250x40xi32, #tpu.memory_space<hbm>>
      %dma_start3A_81 = tpu.memref_squeeze %dma_start3A_80 : memref<1x1x250x40xi32, #tpu.memory_space<hbm>> -> memref<250x40xi32, #tpu.memory_space<hbm>>
      tpu.enqueue_dma source(%dma_start3A_81 : memref<250x40xi32, #tpu.memory_space<hbm>>) target(%arg7 : memref<250x40xi32, #tpu.memory_space<vmem>>) target_semaphore(%run_scoped3A_73 : memref<!tpu.dma_semaphore, #tpu.memory_space<semaphore_mem>>)
      %dma_wait3A_82 = arith.constant 0 : i32
      %dma_wait3A_83 = arith.constant 0 : i32
      %dma_wait3A_84 = tpu.memref_slice %arg3[%run_scoped3A_1, %add3A, %dma_wait3A_82, %dma_wait3A_83] : memref<2x32x250x40xi32, #tpu.memory_space<hbm>> -> memref<1x1x250x40xi32, #tpu.memory_space<hbm>>
      %dma_wait3A_85 = tpu.memref_squeeze %dma_wait3A_84 : memref<1x1x250x40xi32, #tpu.memory_space<hbm>> -> memref<250x40xi32, #tpu.memory_space<hbm>>
      %dma_wait3A_86 = arith.constant 0 : i32
      %dma_wait3A_87 = arith.constant 0 : i32
      %dma_wait3A_88 = tpu.memref_slice %arg3[%run_scoped3A_1, %add3A, %dma_wait3A_86, %dma_wait3A_87] : memref<2x32x250x40xi32, #tpu.memory_space<hbm>> -> memref<1x1x250x40xi32, #tpu.memory_space<hbm>>
      %dma_wait3A_89 = tpu.memref_squeeze %dma_wait3A_88 : memref<1x1x250x40xi32, #tpu.memory_space<hbm>> -> memref<250x40xi32, #tpu.memory_space<hbm>>
      tpu.wait_dma2 semaphore(%run_scoped3A_73 : memref<!tpu.dma_semaphore, #tpu.memory_space<semaphore_mem>>) src(%dma_wait3A_89 : memref<250x40xi32, #tpu.memory_space<hbm>>) dst(%arg7 : memref<250x40xi32, #tpu.memory_space<vmem>>)
      tpu.yield
    }) : () -> ()
    %mul3A_2 = arith.constant 624 : i32
    %mul3A_3 = arith.muli %arg1, %mul3A_2 : i32
    "tpu.region"() ({
      %run_scoped3A_73 = tpu.sem_alloc : memref<!tpu.dma_semaphore, #tpu.memory_space<semaphore_mem>>
      %dma_start3A_74 = arith.constant 0 : i32
      %dma_start3A_75 = tpu.memref_slice %arg17[%mul3A_3, %dma_start3A_74] : memref<10000x128xf32, #tpu.memory_space<vmem_shared>> -> memref<624x128xf32, #tpu.memory_space<vmem_shared>>
      %dma_start3A_76 = arith.constant 0 : i32
      %dma_start3A_77 = tpu.memref_slice %arg4[%mul3A_3, %dma_start3A_76] : memref<10000x128xf32, #tpu.memory_space<hbm>> -> memref<624x128xf32, #tpu.memory_space<hbm>>
      tpu.enqueue_dma source(%dma_start3A_77 : memref<624x128xf32, #tpu.memory_space<hbm>>) target(%dma_start3A_75 : memref<624x128xf32, #tpu.memory_space<vmem_shared>>) target_semaphore(%run_scoped3A_73 : memref<!tpu.dma_semaphore, #tpu.memory_space<semaphore_mem>>)
      %dma_wait3A_78 = arith.constant 0 : i32
      %dma_wait3A_79 = tpu.memref_slice %arg17[%mul3A_3, %dma_wait3A_78] : memref<10000x128xf32, #tpu.memory_space<vmem_shared>> -> memref<624x128xf32, #tpu.memory_space<vmem_shared>>
      %dma_wait3A_80 = arith.constant 0 : i32
      %dma_wait3A_81 = tpu.memref_slice %arg4[%mul3A_3, %dma_wait3A_80] : memref<10000x128xf32, #tpu.memory_space<hbm>> -> memref<624x128xf32, #tpu.memory_space<hbm>>
      tpu.wait_dma2 semaphore(%run_scoped3A_73 : memref<!tpu.dma_semaphore, #tpu.memory_space<semaphore_mem>>) src(%dma_wait3A_81 : memref<624x128xf32, #tpu.memory_space<hbm>>) dst(%dma_wait3A_79 : memref<624x128xf32, #tpu.memory_space<vmem_shared>>)
      tpu.yield
    }) : () -> ()
    %eq3A = arith.constant 15 : i32
    %eq3A_4 = arith.cmpi eq, %arg1, %eq3A : i32
    %convert_element_type3A = arith.extui %eq3A_4 : i1 to i32
    %cond3A = arith.constant 0 : i32
    %cond3A_5 = arith.cmpi ne, %convert_element_type3A, %cond3A : i32
    scf.if %cond3A_5 {
      "tpu.region"() ({
        %run_scoped3A_73 = tpu.sem_alloc : memref<!tpu.dma_semaphore, #tpu.memory_space<semaphore_mem>>
        %dma_start3A_74 = arith.constant 9984 : i32
        %dma_start3A_75 = arith.constant 0 : i32
        %dma_start3A_76 = tpu.memref_slice %arg17[%dma_start3A_74, %dma_start3A_75] : memref<10000x128xf32, #tpu.memory_space<vmem_shared>> -> memref<16x128xf32, #tpu.memory_space<vmem_shared>>
        %dma_start3A_77 = arith.constant 9984 : i32
        %dma_start3A_78 = arith.constant 0 : i32
        %dma_start3A_79 = tpu.memref_slice %arg4[%dma_start3A_77, %dma_start3A_78] : memref<10000x128xf32, #tpu.memory_space<hbm>> -> memref<16x128xf32, #tpu.memory_space<hbm>>
        tpu.enqueue_dma source(%dma_start3A_79 : memref<16x128xf32, #tpu.memory_space<hbm>>) target(%dma_start3A_76 : memref<16x128xf32, #tpu.memory_space<vmem_shared>>) target_semaphore(%run_scoped3A_73 : memref<!tpu.dma_semaphore, #tpu.memory_space<semaphore_mem>>)
        %dma_wait3A_80 = arith.constant 9984 : i32
        %dma_wait3A_81 = arith.constant 0 : i32
        %dma_wait3A_82 = tpu.memref_slice %arg17[%dma_wait3A_80, %dma_wait3A_81] : memref<10000x128xf32, #tpu.memory_space<vmem_shared>> -> memref<16x128xf32, #tpu.memory_space<vmem_shared>>
        %dma_wait3A_83 = arith.constant 9984 : i32
        %dma_wait3A_84 = arith.constant 0 : i32
        %dma_wait3A_85 = tpu.memref_slice %arg4[%dma_wait3A_83, %dma_wait3A_84] : memref<10000x128xf32, #tpu.memory_space<hbm>> -> memref<16x128xf32, #tpu.memory_space<hbm>>
        tpu.wait_dma2 semaphore(%run_scoped3A_73 : memref<!tpu.dma_semaphore, #tpu.memory_space<semaphore_mem>>) src(%dma_wait3A_85 : memref<16x128xf32, #tpu.memory_space<hbm>>) dst(%dma_wait3A_82 : memref<16x128xf32, #tpu.memory_space<vmem_shared>>)
        tpu.yield
      }) : () -> ()
    } else {
    }
    %barrier3A = arith.constant 0 : index
    tpu.barrier barrier_id(%barrier3A)
    %dma_start3A = arith.constant 0 : i32
    %dma_start3A_6 = arith.constant 0 : i32
    %dma_start3A_7 = tpu.memref_slice %arg6[%dma_start3A, %dma_start3A_6] : memref<250x40xi32, #tpu.memory_space<vmem>> -> memref<1x40xi32, #tpu.memory_space<vmem>>
    %dma_start3A_8 = tpu.memref_squeeze %dma_start3A_7 : memref<1x40xi32, #tpu.memory_space<vmem>> -> memref<40xi32, #tpu.memory_space<vmem>>
    %dma_start3A_9 = arith.constant 0 : i32
    %dma_start3A_10 = arith.constant 0 : i32
    %dma_start3A_11 = tpu.memref_slice %arg2[%dma_start3A_9, %dma_start3A_10] : memref<10000x128xf32, #tpu.memory_space<hbm>> -> memref<10000x128xf32, #tpu.memory_space<hbm>>
    tpu.enqueue_indirect_dma source(%dma_start3A_11 : memref<10000x128xf32, #tpu.memory_space<hbm>>) target(%arg8 : memref<40x128xf32, #tpu.memory_space<vmem>>) offsets(%dma_start3A_8 : memref<40xi32, #tpu.memory_space<vmem>>) semaphore(%arg11 : memref<!tpu.dma_semaphore, #tpu.memory_space<semaphore_mem>>)
    %dma_start3A_12 = arith.constant 1 : i32
    %dma_start3A_13 = arith.constant 0 : i32
    %dma_start3A_14 = tpu.memref_slice %arg6[%dma_start3A_12, %dma_start3A_13] : memref<250x40xi32, #tpu.memory_space<vmem>> -> memref<1x40xi32, #tpu.memory_space<vmem>>
    %dma_start3A_15 = tpu.memref_squeeze %dma_start3A_14 : memref<1x40xi32, #tpu.memory_space<vmem>> -> memref<40xi32, #tpu.memory_space<vmem>>
    %dma_start3A_16 = arith.constant 0 : i32
    %dma_start3A_17 = arith.constant 0 : i32
    %dma_start3A_18 = tpu.memref_slice %arg2[%dma_start3A_16, %dma_start3A_17] : memref<10000x128xf32, #tpu.memory_space<hbm>> -> memref<10000x128xf32, #tpu.memory_space<hbm>>
    tpu.enqueue_indirect_dma source(%dma_start3A_18 : memref<10000x128xf32, #tpu.memory_space<hbm>>) target(%arg9 : memref<40x128xf32, #tpu.memory_space<vmem>>) offsets(%dma_start3A_15 : memref<40xi32, #tpu.memory_space<vmem>>) semaphore(%arg12 : memref<!tpu.dma_semaphore, #tpu.memory_space<semaphore_mem>>)
    %dma_wait3A = arith.constant 0 : i32
    %dma_wait3A_19 = arith.constant 0 : i32
    %dma_wait3A_20 = tpu.memref_slice %arg6[%dma_wait3A, %dma_wait3A_19] : memref<250x40xi32, #tpu.memory_space<vmem>> -> memref<1x40xi32, #tpu.memory_space<vmem>>
    %dma_wait3A_21 = tpu.memref_squeeze %dma_wait3A_20 : memref<1x40xi32, #tpu.memory_space<vmem>> -> memref<40xi32, #tpu.memory_space<vmem>>
    %dma_wait3A_22 = arith.constant 0 : i32
    %dma_wait3A_23 = arith.constant 0 : i32
    %dma_wait3A_24 = tpu.memref_slice %arg2[%dma_wait3A_22, %dma_wait3A_23] : memref<10000x128xf32, #tpu.memory_space<hbm>> -> memref<10000x128xf32, #tpu.memory_space<hbm>>
    tpu.wait_indirect_dma semaphore(%arg11 : memref<!tpu.dma_semaphore, #tpu.memory_space<semaphore_mem>>) src(%dma_wait3A_24 : memref<10000x128xf32, #tpu.memory_space<hbm>>) dst(%arg8 : memref<40x128xf32, #tpu.memory_space<vmem>>)
    %dma_start3A_25 = arith.constant 0 : i32
    %dma_start3A_26 = arith.constant 0 : i32
    %dma_start3A_27 = tpu.memref_slice %arg7[%dma_start3A_25, %dma_start3A_26] : memref<250x40xi32, #tpu.memory_space<vmem>> -> memref<1x40xi32, #tpu.memory_space<vmem>>
    %dma_start3A_28 = tpu.memref_squeeze %dma_start3A_27 : memref<1x40xi32, #tpu.memory_space<vmem>> -> memref<40xi32, #tpu.memory_space<vmem>>
    %dma_start3A_29 = arith.constant 0 : i32
    %dma_start3A_30 = arith.constant 0 : i32
    %dma_start3A_31 = tpu.memref_slice %arg17[%dma_start3A_29, %dma_start3A_30] : memref<10000x128xf32, #tpu.memory_space<vmem_shared>> -> memref<10000x128xf32, #tpu.memory_space<vmem_shared>>
    tpu.enqueue_indirect_dma source(%arg8 : memref<40x128xf32, #tpu.memory_space<vmem>>) target(%dma_start3A_31 : memref<10000x128xf32, #tpu.memory_space<vmem_shared>>) offsets(%dma_start3A_28 : memref<40xi32, #tpu.memory_space<vmem>>) semaphore(%arg14 : memref<!tpu.dma_semaphore, #tpu.memory_space<semaphore_mem>>) {add = true}
    %dma_start3A_32 = arith.constant 2 : i32
    %dma_start3A_33 = arith.constant 0 : i32
    %dma_start3A_34 = tpu.memref_slice %arg6[%dma_start3A_32, %dma_start3A_33] : memref<250x40xi32, #tpu.memory_space<vmem>> -> memref<1x40xi32, #tpu.memory_space<vmem>>
    %dma_start3A_35 = tpu.memref_squeeze %dma_start3A_34 : memref<1x40xi32, #tpu.memory_space<vmem>> -> memref<40xi32, #tpu.memory_space<vmem>>
    %dma_start3A_36 = arith.constant 0 : i32
    %dma_start3A_37 = arith.constant 0 : i32
    %dma_start3A_38 = tpu.memref_slice %arg2[%dma_start3A_36, %dma_start3A_37] : memref<10000x128xf32, #tpu.memory_space<hbm>> -> memref<10000x128xf32, #tpu.memory_space<hbm>>
    tpu.enqueue_indirect_dma source(%dma_start3A_38 : memref<10000x128xf32, #tpu.memory_space<hbm>>) target(%arg10 : memref<40x128xf32, #tpu.memory_space<vmem>>) offsets(%dma_start3A_35 : memref<40xi32, #tpu.memory_space<vmem>>) semaphore(%arg13 : memref<!tpu.dma_semaphore, #tpu.memory_space<semaphore_mem>>)
    %scan3A = arith.constant 0 : i32
    %scan3A_39 = arith.constant 0 : i32
    %scan3A_40 = arith.constant 83 : i32
    %scan3A_41 = arith.addi %scan3A_39, %scan3A_40 : i32
    %scan3A_42 = arith.constant 1 : i32
    scf.for %scan3A_73 = %scan3A_39 to %scan3A_41 step %scan3A_42  : i32 {
      %mul3A_74 = arith.constant 3 : i32
      %mul3A_75 = arith.muli %mul3A_74, %scan3A_73 : i32
      %add3A_76 = arith.constant 1 : i32
      %add3A_77 = arith.addi %mul3A_75, %add3A_76 : i32
      %add3A_78 = arith.constant 0 : i32
      %add3A_79 = arith.addi %add3A_77, %add3A_78 : i32
      %dma_wait3A_80 = arith.constant 0 : i32
      %dma_wait3A_81 = arith.constant 0 : i32
      %dma_wait3A_82 = tpu.memref_slice %arg6[%dma_wait3A_80, %dma_wait3A_81] : memref<250x40xi32, #tpu.memory_space<vmem>> -> memref<1x40xi32, #tpu.memory_space<vmem>>
      %dma_wait3A_83 = tpu.memref_squeeze %dma_wait3A_82 : memref<1x40xi32, #tpu.memory_space<vmem>> -> memref<40xi32, #tpu.memory_space<vmem>>
      %dma_wait3A_84 = arith.constant 0 : i32
      %dma_wait3A_85 = arith.constant 0 : i32
      %dma_wait3A_86 = tpu.memref_slice %arg2[%dma_wait3A_84, %dma_wait3A_85] : memref<10000x128xf32, #tpu.memory_space<hbm>> -> memref<10000x128xf32, #tpu.memory_space<hbm>>
      tpu.wait_indirect_dma semaphore(%arg12 : memref<!tpu.dma_semaphore, #tpu.memory_space<semaphore_mem>>) src(%dma_wait3A_86 : memref<10000x128xf32, #tpu.memory_space<hbm>>) dst(%arg9 : memref<40x128xf32, #tpu.memory_space<vmem>>)
      %dma_start3A_87 = arith.constant 0 : i32
      %dma_start3A_88 = tpu.memref_slice %arg7[%add3A_79, %dma_start3A_87] : memref<250x40xi32, #tpu.memory_space<vmem>> -> memref<1x40xi32, #tpu.memory_space<vmem>>
      %dma_start3A_89 = tpu.memref_squeeze %dma_start3A_88 : memref<1x40xi32, #tpu.memory_space<vmem>> -> memref<40xi32, #tpu.memory_space<vmem>>
      %dma_start3A_90 = arith.constant 0 : i32
      %dma_start3A_91 = arith.constant 0 : i32
      %dma_start3A_92 = tpu.memref_slice %arg17[%dma_start3A_90, %dma_start3A_91] : memref<10000x128xf32, #tpu.memory_space<vmem_shared>> -> memref<10000x128xf32, #tpu.memory_space<vmem_shared>>
      tpu.enqueue_indirect_dma source(%arg9 : memref<40x128xf32, #tpu.memory_space<vmem>>) target(%dma_start3A_92 : memref<10000x128xf32, #tpu.memory_space<vmem_shared>>) offsets(%dma_start3A_89 : memref<40xi32, #tpu.memory_space<vmem>>) semaphore(%arg15 : memref<!tpu.dma_semaphore, #tpu.memory_space<semaphore_mem>>) {add = true}
      %add3A_93 = arith.constant 2 : i32
      %add3A_94 = arith.addi %add3A_79, %add3A_93 : i32
      %lt3A = arith.constant 250 : i32
      %lt3A_95 = arith.cmpi slt, %add3A_94, %lt3A : i32
      %convert_element_type3A_96 = arith.extui %lt3A_95 : i1 to i32
      %cond3A_97 = arith.constant 0 : i32
      %cond3A_98 = arith.cmpi ne, %convert_element_type3A_96, %cond3A_97 : i32
      scf.if %cond3A_98 {
        %dma_wait3A_151 = arith.constant 0 : i32
        %dma_wait3A_152 = arith.constant 0 : i32
        %dma_wait3A_153 = tpu.memref_slice %arg7[%dma_wait3A_151, %dma_wait3A_152] : memref<250x40xi32, #tpu.memory_space<vmem>> -> memref<1x40xi32, #tpu.memory_space<vmem>>
        %dma_wait3A_154 = tpu.memref_squeeze %dma_wait3A_153 : memref<1x40xi32, #tpu.memory_space<vmem>> -> memref<40xi32, #tpu.memory_space<vmem>>
        %dma_wait3A_155 = arith.constant 0 : i32
        %dma_wait3A_156 = arith.constant 0 : i32
        %dma_wait3A_157 = tpu.memref_slice %arg17[%dma_wait3A_155, %dma_wait3A_156] : memref<10000x128xf32, #tpu.memory_space<vmem_shared>> -> memref<10000x128xf32, #tpu.memory_space<vmem_shared>>
        tpu.wait_indirect_dma semaphore(%arg14 : memref<!tpu.dma_semaphore, #tpu.memory_space<semaphore_mem>>) src(%arg8 : memref<40x128xf32, #tpu.memory_space<vmem>>) dst(%dma_wait3A_157 : memref<10000x128xf32, #tpu.memory_space<vmem_shared>>)
        %add3A_158 = arith.constant 2 : i32
        %add3A_159 = arith.addi %add3A_79, %add3A_158 : i32
        %dma_start3A_160 = arith.constant 0 : i32
        %dma_start3A_161 = tpu.memref_slice %arg6[%add3A_159, %dma_start3A_160] : memref<250x40xi32, #tpu.memory_space<vmem>> -> memref<1x40xi32, #tpu.memory_space<vmem>>
        %dma_start3A_162 = tpu.memref_squeeze %dma_start3A_161 : memref<1x40xi32, #tpu.memory_space<vmem>> -> memref<40xi32, #tpu.memory_space<vmem>>
        %dma_start3A_163 = arith.constant 0 : i32
        %dma_start3A_164 = arith.constant 0 : i32
        %dma_start3A_165 = tpu.memref_slice %arg2[%dma_start3A_163, %dma_start3A_164] : memref<10000x128xf32, #tpu.memory_space<hbm>> -> memref<10000x128xf32, #tpu.memory_space<hbm>>
        tpu.enqueue_indirect_dma source(%dma_start3A_165 : memref<10000x128xf32, #tpu.memory_space<hbm>>) target(%arg8 : memref<40x128xf32, #tpu.memory_space<vmem>>) offsets(%dma_start3A_162 : memref<40xi32, #tpu.memory_space<vmem>>) semaphore(%arg11 : memref<!tpu.dma_semaphore, #tpu.memory_space<semaphore_mem>>)
      } else {
      }
      %mul3A_99 = arith.constant 3 : i32
      %mul3A_100 = arith.muli %mul3A_99, %scan3A_73 : i32
      %add3A_101 = arith.constant 1 : i32
      %add3A_102 = arith.addi %mul3A_100, %add3A_101 : i32
      %add3A_103 = arith.constant 1 : i32
      %add3A_104 = arith.addi %add3A_102, %add3A_103 : i32
      %dma_wait3A_105 = arith.constant 0 : i32
      %dma_wait3A_106 = arith.constant 0 : i32
      %dma_wait3A_107 = tpu.memref_slice %arg6[%dma_wait3A_105, %dma_wait3A_106] : memref<250x40xi32, #tpu.memory_space<vmem>> -> memref<1x40xi32, #tpu.memory_space<vmem>>
      %dma_wait3A_108 = tpu.memref_squeeze %dma_wait3A_107 : memref<1x40xi32, #tpu.memory_space<vmem>> -> memref<40xi32, #tpu.memory_space<vmem>>
      %dma_wait3A_109 = arith.constant 0 : i32
      %dma_wait3A_110 = arith.constant 0 : i32
      %dma_wait3A_111 = tpu.memref_slice %arg2[%dma_wait3A_109, %dma_wait3A_110] : memref<10000x128xf32, #tpu.memory_space<hbm>> -> memref<10000x128xf32, #tpu.memory_space<hbm>>
      tpu.wait_indirect_dma semaphore(%arg13 : memref<!tpu.dma_semaphore, #tpu.memory_space<semaphore_mem>>) src(%dma_wait3A_111 : memref<10000x128xf32, #tpu.memory_space<hbm>>) dst(%arg10 : memref<40x128xf32, #tpu.memory_space<vmem>>)
      %dma_start3A_112 = arith.constant 0 : i32
      %dma_start3A_113 = tpu.memref_slice %arg7[%add3A_104, %dma_start3A_112] : memref<250x40xi32, #tpu.memory_space<vmem>> -> memref<1x40xi32, #tpu.memory_space<vmem>>
      %dma_start3A_114 = tpu.memref_squeeze %dma_start3A_113 : memref<1x40xi32, #tpu.memory_space<vmem>> -> memref<40xi32, #tpu.memory_space<vmem>>
      %dma_start3A_115 = arith.constant 0 : i32
      %dma_start3A_116 = arith.constant 0 : i32
      %dma_start3A_117 = tpu.memref_slice %arg17[%dma_start3A_115, %dma_start3A_116] : memref<10000x128xf32, #tpu.memory_space<vmem_shared>> -> memref<10000x128xf32, #tpu.memory_space<vmem_shared>>
      tpu.enqueue_indirect_dma source(%arg10 : memref<40x128xf32, #tpu.memory_space<vmem>>) target(%dma_start3A_117 : memref<10000x128xf32, #tpu.memory_space<vmem_shared>>) offsets(%dma_start3A_114 : memref<40xi32, #tpu.memory_space<vmem>>) semaphore(%arg16 : memref<!tpu.dma_semaphore, #tpu.memory_space<semaphore_mem>>) {add = true}
      %add3A_118 = arith.constant 2 : i32
      %add3A_119 = arith.addi %add3A_104, %add3A_118 : i32
      %lt3A_120 = arith.constant 250 : i32
      %lt3A_121 = arith.cmpi slt, %add3A_119, %lt3A_120 : i32
      %convert_element_type3A_122 = arith.extui %lt3A_121 : i1 to i32
      %cond3A_123 = arith.constant 0 : i32
      %cond3A_124 = arith.cmpi ne, %convert_element_type3A_122, %cond3A_123 : i32
      scf.if %cond3A_124 {
        %dma_wait3A_151 = arith.constant 0 : i32
        %dma_wait3A_152 = arith.constant 0 : i32
        %dma_wait3A_153 = tpu.memref_slice %arg7[%dma_wait3A_151, %dma_wait3A_152] : memref<250x40xi32, #tpu.memory_space<vmem>> -> memref<1x40xi32, #tpu.memory_space<vmem>>
        %dma_wait3A_154 = tpu.memref_squeeze %dma_wait3A_153 : memref<1x40xi32, #tpu.memory_space<vmem>> -> memref<40xi32, #tpu.memory_space<vmem>>
        %dma_wait3A_155 = arith.constant 0 : i32
        %dma_wait3A_156 = arith.constant 0 : i32
        %dma_wait3A_157 = tpu.memref_slice %arg17[%dma_wait3A_155, %dma_wait3A_156] : memref<10000x128xf32, #tpu.memory_space<vmem_shared>> -> memref<10000x128xf32, #tpu.memory_space<vmem_shared>>
        tpu.wait_indirect_dma semaphore(%arg15 : memref<!tpu.dma_semaphore, #tpu.memory_space<semaphore_mem>>) src(%arg9 : memref<40x128xf32, #tpu.memory_space<vmem>>) dst(%dma_wait3A_157 : memref<10000x128xf32, #tpu.memory_space<vmem_shared>>)
        %add3A_158 = arith.constant 2 : i32
        %add3A_159 = arith.addi %add3A_104, %add3A_158 : i32
        %dma_start3A_160 = arith.constant 0 : i32
        %dma_start3A_161 = tpu.memref_slice %arg6[%add3A_159, %dma_start3A_160] : memref<250x40xi32, #tpu.memory_space<vmem>> -> memref<1x40xi32, #tpu.memory_space<vmem>>
        %dma_start3A_162 = tpu.memref_squeeze %dma_start3A_161 : memref<1x40xi32, #tpu.memory_space<vmem>> -> memref<40xi32, #tpu.memory_space<vmem>>
        %dma_start3A_163 = arith.constant 0 : i32
        %dma_start3A_164 = arith.constant 0 : i32
        %dma_start3A_165 = tpu.memref_slice %arg2[%dma_start3A_163, %dma_start3A_164] : memref<10000x128xf32, #tpu.memory_space<hbm>> -> memref<10000x128xf32, #tpu.memory_space<hbm>>
        tpu.enqueue_indirect_dma source(%dma_start3A_165 : memref<10000x128xf32, #tpu.memory_space<hbm>>) target(%arg9 : memref<40x128xf32, #tpu.memory_space<vmem>>) offsets(%dma_start3A_162 : memref<40xi32, #tpu.memory_space<vmem>>) semaphore(%arg12 : memref<!tpu.dma_semaphore, #tpu.memory_space<semaphore_mem>>)
      } else {
      }
      %mul3A_125 = arith.constant 3 : i32
      %mul3A_126 = arith.muli %mul3A_125, %scan3A_73 : i32
      %add3A_127 = arith.constant 1 : i32
      %add3A_128 = arith.addi %mul3A_126, %add3A_127 : i32
      %add3A_129 = arith.constant 2 : i32
      %add3A_130 = arith.addi %add3A_128, %add3A_129 : i32
      %dma_wait3A_131 = arith.constant 0 : i32
      %dma_wait3A_132 = arith.constant 0 : i32
      %dma_wait3A_133 = tpu.memref_slice %arg6[%dma_wait3A_131, %dma_wait3A_132] : memref<250x40xi32, #tpu.memory_space<vmem>> -> memref<1x40xi32, #tpu.memory_space<vmem>>
      %dma_wait3A_134 = tpu.memref_squeeze %dma_wait3A_133 : memref<1x40xi32, #tpu.memory_space<vmem>> -> memref<40xi32, #tpu.memory_space<vmem>>
      %dma_wait3A_135 = arith.constant 0 : i32
      %dma_wait3A_136 = arith.constant 0 : i32
      %dma_wait3A_137 = tpu.memref_slice %arg2[%dma_wait3A_135, %dma_wait3A_136] : memref<10000x128xf32, #tpu.memory_space<hbm>> -> memref<10000x128xf32, #tpu.memory_space<hbm>>
      tpu.wait_indirect_dma semaphore(%arg11 : memref<!tpu.dma_semaphore, #tpu.memory_space<semaphore_mem>>) src(%dma_wait3A_137 : memref<10000x128xf32, #tpu.memory_space<hbm>>) dst(%arg8 : memref<40x128xf32, #tpu.memory_space<vmem>>)
      %dma_start3A_138 = arith.constant 0 : i32
      %dma_start3A_139 = tpu.memref_slice %arg7[%add3A_130, %dma_start3A_138] : memref<250x40xi32, #tpu.memory_space<vmem>> -> memref<1x40xi32, #tpu.memory_space<vmem>>
      %dma_start3A_140 = tpu.memref_squeeze %dma_start3A_139 : memref<1x40xi32, #tpu.memory_space<vmem>> -> memref<40xi32, #tpu.memory_space<vmem>>
      %dma_start3A_141 = arith.constant 0 : i32
      %dma_start3A_142 = arith.constant 0 : i32
      %dma_start3A_143 = tpu.memref_slice %arg17[%dma_start3A_141, %dma_start3A_142] : memref<10000x128xf32, #tpu.memory_space<vmem_shared>> -> memref<10000x128xf32, #tpu.memory_space<vmem_shared>>
      tpu.enqueue_indirect_dma source(%arg8 : memref<40x128xf32, #tpu.memory_space<vmem>>) target(%dma_start3A_143 : memref<10000x128xf32, #tpu.memory_space<vmem_shared>>) offsets(%dma_start3A_140 : memref<40xi32, #tpu.memory_space<vmem>>) semaphore(%arg14 : memref<!tpu.dma_semaphore, #tpu.memory_space<semaphore_mem>>) {add = true}
      %add3A_144 = arith.constant 2 : i32
      %add3A_145 = arith.addi %add3A_130, %add3A_144 : i32
      %lt3A_146 = arith.constant 250 : i32
      %lt3A_147 = arith.cmpi slt, %add3A_145, %lt3A_146 : i32
      %convert_element_type3A_148 = arith.extui %lt3A_147 : i1 to i32
      %cond3A_149 = arith.constant 0 : i32
      %cond3A_150 = arith.cmpi ne, %convert_element_type3A_148, %cond3A_149 : i32
      scf.if %cond3A_150 {
        %dma_wait3A_151 = arith.constant 0 : i32
        %dma_wait3A_152 = arith.constant 0 : i32
        %dma_wait3A_153 = tpu.memref_slice %arg7[%dma_wait3A_151, %dma_wait3A_152] : memref<250x40xi32, #tpu.memory_space<vmem>> -> memref<1x40xi32, #tpu.memory_space<vmem>>
        %dma_wait3A_154 = tpu.memref_squeeze %dma_wait3A_153 : memref<1x40xi32, #tpu.memory_space<vmem>> -> memref<40xi32, #tpu.memory_space<vmem>>
        %dma_wait3A_155 = arith.constant 0 : i32
        %dma_wait3A_156 = arith.constant 0 : i32
        %dma_wait3A_157 = tpu.memref_slice %arg17[%dma_wait3A_155, %dma_wait3A_156] : memref<10000x128xf32, #tpu.memory_space<vmem_shared>> -> memref<10000x128xf32, #tpu.memory_space<vmem_shared>>
        tpu.wait_indirect_dma semaphore(%arg16 : memref<!tpu.dma_semaphore, #tpu.memory_space<semaphore_mem>>) src(%arg10 : memref<40x128xf32, #tpu.memory_space<vmem>>) dst(%dma_wait3A_157 : memref<10000x128xf32, #tpu.memory_space<vmem_shared>>)
        %add3A_158 = arith.constant 2 : i32
        %add3A_159 = arith.addi %add3A_130, %add3A_158 : i32
        %dma_start3A_160 = arith.constant 0 : i32
        %dma_start3A_161 = tpu.memref_slice %arg6[%add3A_159, %dma_start3A_160] : memref<250x40xi32, #tpu.memory_space<vmem>> -> memref<1x40xi32, #tpu.memory_space<vmem>>
        %dma_start3A_162 = tpu.memref_squeeze %dma_start3A_161 : memref<1x40xi32, #tpu.memory_space<vmem>> -> memref<40xi32, #tpu.memory_space<vmem>>
        %dma_start3A_163 = arith.constant 0 : i32
        %dma_start3A_164 = arith.constant 0 : i32
        %dma_start3A_165 = tpu.memref_slice %arg2[%dma_start3A_163, %dma_start3A_164] : memref<10000x128xf32, #tpu.memory_space<hbm>> -> memref<10000x128xf32, #tpu.memory_space<hbm>>
        tpu.enqueue_indirect_dma source(%dma_start3A_165 : memref<10000x128xf32, #tpu.memory_space<hbm>>) target(%arg10 : memref<40x128xf32, #tpu.memory_space<vmem>>) offsets(%dma_start3A_162 : memref<40xi32, #tpu.memory_space<vmem>>) semaphore(%arg13 : memref<!tpu.dma_semaphore, #tpu.memory_space<semaphore_mem>>)
      } else {
      }
    }
    %scan3A_43 = arith.constant 83 : i32
    %dma_wait3A_44 = arith.constant 0 : i32
    %dma_wait3A_45 = arith.constant 0 : i32
    %dma_wait3A_46 = tpu.memref_slice %arg7[%dma_wait3A_44, %dma_wait3A_45] : memref<250x40xi32, #tpu.memory_space<vmem>> -> memref<1x40xi32, #tpu.memory_space<vmem>>
    %dma_wait3A_47 = tpu.memref_squeeze %dma_wait3A_46 : memref<1x40xi32, #tpu.memory_space<vmem>> -> memref<40xi32, #tpu.memory_space<vmem>>
    %dma_wait3A_48 = arith.constant 0 : i32
    %dma_wait3A_49 = arith.constant 0 : i32
    %dma_wait3A_50 = tpu.memref_slice %arg17[%dma_wait3A_48, %dma_wait3A_49] : memref<10000x128xf32, #tpu.memory_space<vmem_shared>> -> memref<10000x128xf32, #tpu.memory_space<vmem_shared>>
    tpu.wait_indirect_dma semaphore(%arg14 : memref<!tpu.dma_semaphore, #tpu.memory_space<semaphore_mem>>) src(%arg8 : memref<40x128xf32, #tpu.memory_space<vmem>>) dst(%dma_wait3A_50 : memref<10000x128xf32, #tpu.memory_space<vmem_shared>>)
    %dma_wait3A_51 = arith.constant 0 : i32
    %dma_wait3A_52 = arith.constant 0 : i32
    %dma_wait3A_53 = tpu.memref_slice %arg7[%dma_wait3A_51, %dma_wait3A_52] : memref<250x40xi32, #tpu.memory_space<vmem>> -> memref<1x40xi32, #tpu.memory_space<vmem>>
    %dma_wait3A_54 = tpu.memref_squeeze %dma_wait3A_53 : memref<1x40xi32, #tpu.memory_space<vmem>> -> memref<40xi32, #tpu.memory_space<vmem>>
    %dma_wait3A_55 = arith.constant 0 : i32
    %dma_wait3A_56 = arith.constant 0 : i32
    %dma_wait3A_57 = tpu.memref_slice %arg17[%dma_wait3A_55, %dma_wait3A_56] : memref<10000x128xf32, #tpu.memory_space<vmem_shared>> -> memref<10000x128xf32, #tpu.memory_space<vmem_shared>>
    tpu.wait_indirect_dma semaphore(%arg15 : memref<!tpu.dma_semaphore, #tpu.memory_space<semaphore_mem>>) src(%arg9 : memref<40x128xf32, #tpu.memory_space<vmem>>) dst(%dma_wait3A_57 : memref<10000x128xf32, #tpu.memory_space<vmem_shared>>)
    %dma_wait3A_58 = arith.constant 0 : i32
    %dma_wait3A_59 = arith.constant 0 : i32
    %dma_wait3A_60 = tpu.memref_slice %arg7[%dma_wait3A_58, %dma_wait3A_59] : memref<250x40xi32, #tpu.memory_space<vmem>> -> memref<1x40xi32, #tpu.memory_space<vmem>>
    %dma_wait3A_61 = tpu.memref_squeeze %dma_wait3A_60 : memref<1x40xi32, #tpu.memory_space<vmem>> -> memref<40xi32, #tpu.memory_space<vmem>>
    %dma_wait3A_62 = arith.constant 0 : i32
    %dma_wait3A_63 = arith.constant 0 : i32
    %dma_wait3A_64 = tpu.memref_slice %arg17[%dma_wait3A_62, %dma_wait3A_63] : memref<10000x128xf32, #tpu.memory_space<vmem_shared>> -> memref<10000x128xf32, #tpu.memory_space<vmem_shared>>
    tpu.wait_indirect_dma semaphore(%arg16 : memref<!tpu.dma_semaphore, #tpu.memory_space<semaphore_mem>>) src(%arg10 : memref<40x128xf32, #tpu.memory_space<vmem>>) dst(%dma_wait3A_64 : memref<10000x128xf32, #tpu.memory_space<vmem_shared>>)
    %barrier3A_65 = arith.constant 0 : index
    tpu.barrier barrier_id(%barrier3A_65)
    %mul3A_66 = arith.constant 624 : i32
    %mul3A_67 = arith.muli %arg1, %mul3A_66 : i32
    "tpu.region"() ({
      %run_scoped3A_73 = tpu.sem_alloc : memref<!tpu.dma_semaphore, #tpu.memory_space<semaphore_mem>>
      %dma_start3A_74 = arith.constant 0 : i32
      %dma_start3A_75 = tpu.memref_slice %arg5[%arg0, %mul3A_67, %dma_start3A_74] : memref<2x10000x128xf32, #tpu.memory_space<hbm>> -> memref<1x624x128xf32, #tpu.memory_space<hbm>>
      %dma_start3A_76 = tpu.memref_squeeze %dma_start3A_75 : memref<1x624x128xf32, #tpu.memory_space<hbm>> -> memref<624x128xf32, #tpu.memory_space<hbm>>
      %dma_start3A_77 = arith.constant 0 : i32
      %dma_start3A_78 = tpu.memref_slice %arg17[%mul3A_67, %dma_start3A_77] : memref<10000x128xf32, #tpu.memory_space<vmem_shared>> -> memref<624x128xf32, #tpu.memory_space<vmem_shared>>
      tpu.enqueue_dma source(%dma_start3A_78 : memref<624x128xf32, #tpu.memory_space<vmem_shared>>) target(%dma_start3A_76 : memref<624x128xf32, #tpu.memory_space<hbm>>) target_semaphore(%run_scoped3A_73 : memref<!tpu.dma_semaphore, #tpu.memory_space<semaphore_mem>>)
      %dma_wait3A_79 = arith.constant 0 : i32
      %dma_wait3A_80 = tpu.memref_slice %arg5[%arg0, %mul3A_67, %dma_wait3A_79] : memref<2x10000x128xf32, #tpu.memory_space<hbm>> -> memref<1x624x128xf32, #tpu.memory_space<hbm>>
      %dma_wait3A_81 = tpu.memref_squeeze %dma_wait3A_80 : memref<1x624x128xf32, #tpu.memory_space<hbm>> -> memref<624x128xf32, #tpu.memory_space<hbm>>
      %dma_wait3A_82 = arith.constant 0 : i32
      %dma_wait3A_83 = tpu.memref_slice %arg17[%mul3A_67, %dma_wait3A_82] : memref<10000x128xf32, #tpu.memory_space<vmem_shared>> -> memref<624x128xf32, #tpu.memory_space<vmem_shared>>
      tpu.wait_dma2 semaphore(%run_scoped3A_73 : memref<!tpu.dma_semaphore, #tpu.memory_space<semaphore_mem>>) src(%dma_wait3A_83 : memref<624x128xf32, #tpu.memory_space<vmem_shared>>) dst(%dma_wait3A_81 : memref<624x128xf32, #tpu.memory_space<hbm>>)
      tpu.yield
    }) : () -> ()
    %eq3A_68 = arith.constant 15 : i32
    %eq3A_69 = arith.cmpi eq, %arg1, %eq3A_68 : i32
    %convert_element_type3A_70 = arith.extui %eq3A_69 : i1 to i32
    %cond3A_71 = arith.constant 0 : i32
    %cond3A_72 = arith.cmpi ne, %convert_element_type3A_70, %cond3A_71 : i32
    scf.if %cond3A_72 {
      "tpu.region"() ({
        %run_scoped3A_73 = tpu.sem_alloc : memref<!tpu.dma_semaphore, #tpu.memory_space<semaphore_mem>>
        %dma_start3A_74 = arith.constant 9984 : i32
        %dma_start3A_75 = arith.constant 0 : i32
        %dma_start3A_76 = tpu.memref_slice %arg5[%arg0, %dma_start3A_74, %dma_start3A_75] : memref<2x10000x128xf32, #tpu.memory_space<hbm>> -> memref<1x16x128xf32, #tpu.memory_space<hbm>>
        %dma_start3A_77 = tpu.memref_squeeze %dma_start3A_76 : memref<1x16x128xf32, #tpu.memory_space<hbm>> -> memref<16x128xf32, #tpu.memory_space<hbm>>
        %dma_start3A_78 = arith.constant 9984 : i32
        %dma_start3A_79 = arith.constant 0 : i32
        %dma_start3A_80 = tpu.memref_slice %arg17[%dma_start3A_78, %dma_start3A_79] : memref<10000x128xf32, #tpu.memory_space<vmem_shared>> -> memref<16x128xf32, #tpu.memory_space<vmem_shared>>
        tpu.enqueue_dma source(%dma_start3A_80 : memref<16x128xf32, #tpu.memory_space<vmem_shared>>) target(%dma_start3A_77 : memref<16x128xf32, #tpu.memory_space<hbm>>) target_semaphore(%run_scoped3A_73 : memref<!tpu.dma_semaphore, #tpu.memory_space<semaphore_mem>>)
        %dma_wait3A_81 = arith.constant 9984 : i32
        %dma_wait3A_82 = arith.constant 0 : i32
        %dma_wait3A_83 = tpu.memref_slice %arg5[%arg0, %dma_wait3A_81, %dma_wait3A_82] : memref<2x10000x128xf32, #tpu.memory_space<hbm>> -> memref<1x16x128xf32, #tpu.memory_space<hbm>>
        %dma_wait3A_84 = tpu.memref_squeeze %dma_wait3A_83 : memref<1x16x128xf32, #tpu.memory_space<hbm>> -> memref<16x128xf32, #tpu.memory_space<hbm>>
        %dma_wait3A_85 = arith.constant 9984 : i32
        %dma_wait3A_86 = arith.constant 0 : i32
        %dma_wait3A_87 = tpu.memref_slice %arg17[%dma_wait3A_85, %dma_wait3A_86] : memref<10000x128xf32, #tpu.memory_space<vmem_shared>> -> memref<16x128xf32, #tpu.memory_space<vmem_shared>>
        tpu.wait_dma2 semaphore(%run_scoped3A_73 : memref<!tpu.dma_semaphore, #tpu.memory_space<semaphore_mem>>) src(%dma_wait3A_87 : memref<16x128xf32, #tpu.memory_space<vmem_shared>>) dst(%dma_wait3A_84 : memref<16x128xf32, #tpu.memory_space<hbm>>)
        tpu.yield
      }) : () -> ()
    } else {
    }
    return
  }
}

#map = affine_map<(d0, d1) -> (0, 0)>
#map1 = affine_map<(d0, d1) -> (0, 0, 0, 0)>
#map2 = affine_map<(d0, d1) -> (0, 0, 0)>
module attributes {stable_mosaic.version = 14 : i64} {
  func.func @body(%arg0: i32, %arg1: i32, %arg2: memref<10000x128xf32, #tpu.memory_space<hbm>>, %arg3: memref<2x32x250x40xi32, #tpu.memory_space<hbm>>, %arg4: memref<10000x128xf32, #tpu.memory_space<hbm>>, %arg5: memref<2x10000x128xf32, #tpu.memory_space<hbm>>, %arg6: memref<250x40xi32, #tpu.memory_space<vmem>>, %arg7: memref<250x40xi32, #tpu.memory_space<vmem>>, %arg8: memref<40x128xf32, #tpu.memory_space<vmem>>, %arg9: memref<40x128xf32, #tpu.memory_space<vmem>>, %arg10: memref<40x128xf32, #tpu.memory_space<vmem>>, %arg11: memref<!tpu.dma_semaphore, #tpu.memory_space<semaphore_mem>>, %arg12: memref<!tpu.dma_semaphore, #tpu.memory_space<semaphore_mem>>, %arg13: memref<!tpu.dma_semaphore, #tpu.memory_space<semaphore_mem>>, %arg14: memref<!tpu.dma_semaphore, #tpu.memory_space<semaphore_mem>>, %arg15: memref<!tpu.dma_semaphore, #tpu.memory_space<semaphore_mem>>, %arg16: memref<!tpu.dma_semaphore, #tpu.memory_space<semaphore_mem>>, %arg17: memref<10000x128xf32, #tpu.memory_space<vmem_shared>>) attributes {dimension_semantics = [#tpu.dimension_semantics<core_parallel>, #tpu.dimension_semantics<subcore_parallel>], iteration_bounds = array<i64: 2, 16>, scalar_prefetch = 0 : i64, scratch_operands = 12 : i64, tpu.core_type = #tpu.core_type<sc_vector_subcore>, window_params = [{transform_indices = #map}, {transform_indices = #map1}, {transform_indices = #map}, {transform_indices = #map2}]} {
    %mul3A = arith.constant 16 : i32
    %mul3A_0 = arith.muli %arg0, %mul3A : i32
    %add3A = arith.addi %mul3A_0, %arg1 : i32
    %run_scoped3A = arith.constant 0 : i32
    "tpu.region"() ({
      %run_scoped3A_73 = tpu.sem_alloc : memref<!tpu.dma_semaphore, #tpu.memory_space<semaphore_mem>>
      %dma_start3A_74 = arith.constant 0 : i32
      %dma_start3A_75 = arith.constant 0 : i32
      %dma_start3A_76 = tpu.memref_slice %arg3[%run_scoped3A, %add3A, %dma_start3A_74, %dma_start3A_75] : memref<2x32x250x40xi32, #tpu.memory_space<hbm>> -> memref<1x1x250x40xi32, #tpu.memory_space<hbm>>
      %dma_start3A_77 = tpu.memref_squeeze %dma_start3A_76 : memref<1x1x250x40xi32, #tpu.memory_space<hbm>> -> memref<250x40xi32, #tpu.memory_space<hbm>>
      %dma_start3A_78 = arith.constant 0 : i32
      %dma_start3A_79 = arith.constant 0 : i32
      %dma_start3A_80 = tpu.memref_slice %arg3[%run_scoped3A, %add3A, %dma_start3A_78, %dma_start3A_79] : memref<2x32x250x40xi32, #tpu.memory_space<hbm>> -> memref<1x1x250x40xi32, #tpu.memory_space<hbm>>
      %dma_start3A_81 = tpu.memref_squeeze %dma_start3A_80 : memref<1x1x250x40xi32, #tpu.memory_space<hbm>> -> memref<250x40xi32, #tpu.memory_space<hbm>>
      tpu.enqueue_dma source(%dma_start3A_81 : memref<250x40xi32, #tpu.memory_space<hbm>>) target(%arg6 : memref<250x40xi32, #tpu.memory_space<vmem>>) target_semaphore(%run_scoped3A_73 : memref<!tpu.dma_semaphore, #tpu.memory_space<semaphore_mem>>)
      %dma_wait3A_82 = arith.constant 0 : i32
      %dma_wait3A_83 = arith.constant 0 : i32
      %dma_wait3A_84 = tpu.memref_slice %arg3[%run_scoped3A, %add3A, %dma_wait3A_82, %dma_wait3A_83] : memref<2x32x250x40xi32, #tpu.memory_space<hbm>> -> memref<1x1x250x40xi32, #tpu.memory_space<hbm>>
      %dma_wait3A_85 = tpu.memref_squeeze %dma_wait3A_84 : memref<1x1x250x40xi32, #tpu.memory_space<hbm>> -> memref<250x40xi32, #tpu.memory_space<hbm>>
      %dma_wait3A_86 = arith.constant 0 : i32
      %dma_wait3A_87 = arith.constant 0 : i32
      %dma_wait3A_88 = tpu.memref_slice %arg3[%run_scoped3A, %add3A, %dma_wait3A_86, %dma_wait3A_87] : memref<2x32x250x40xi32, #tpu.memory_space<hbm>> -> memref<1x1x250x40xi32, #tpu.memory_space<hbm>>
      %dma_wait3A_89 = tpu.memref_squeeze %dma_wait3A_88 : memref<1x1x250x40xi32, #tpu.memory_space<hbm>> -> memref<250x40xi32, #tpu.memory_space<hbm>>
      tpu.wait_dma2 semaphore(%run_scoped3A_73 : memref<!tpu.dma_semaphore, #tpu.memory_space<semaphore_mem>>) src(%dma_wait3A_89 : memref<250x40xi32, #tpu.memory_space<hbm>>) dst(%arg6 : memref<250x40xi32, #tpu.memory_space<vmem>>)
      tpu.yield
    }) : () -> ()
    %run_scoped3A_1 = arith.constant 1 : i32
    "tpu.region"() ({
      %run_scoped3A_73 = tpu.sem_alloc : memref<!tpu.dma_semaphore, #tpu.memory_space<semaphore_mem>>
      %dma_start3A_74 = arith.constant 0 : i32
      %dma_start3A_75 = arith.constant 0 : i32
      %dma_start3A_76 = tpu.memref_slice %arg3[%run_scoped3A_1, %add3A, %dma_start3A_74, %dma_start3A_75] : memref<2x32x250x40xi32, #tpu.memory_space<hbm>> -> memref<1x1x250x40xi32, #tpu.memory_space<hbm>>
      %dma_start3A_77 = tpu.memref_squeeze %dma_start3A_76 : memref<1x1x250x40xi32, #tpu.memory_space<hbm>> -> memref<250x40xi32, #tpu.memory_space<hbm>>
      %dma_start3A_78 = arith.constant 0 : i32
      %dma_start3A_79 = arith.constant 0 : i32
      %dma_start3A_80 = tpu.memref_slice %arg3[%run_scoped3A_1, %add3A, %dma_start3A_78, %dma_start3A_79] : memref<2x32x250x40xi32, #tpu.memory_space<hbm>> -> memref<1x1x250x40xi32, #tpu.memory_space<hbm>>
      %dma_start3A_81 = tpu.memref_squeeze %dma_start3A_80 : memref<1x1x250x40xi32, #tpu.memory_space<hbm>> -> memref<250x40xi32, #tpu.memory_space<hbm>>
      tpu.enqueue_dma source(%dma_start3A_81 : memref<250x40xi32, #tpu.memory_space<hbm>>) target(%arg7 : memref<250x40xi32, #tpu.memory_space<vmem>>) target_semaphore(%run_scoped3A_73 : memref<!tpu.dma_semaphore, #tpu.memory_space<semaphore_mem>>)
      %dma_wait3A_82 = arith.constant 0 : i32
      %dma_wait3A_83 = arith.constant 0 : i32
      %dma_wait3A_84 = tpu.memref_slice %arg3[%run_scoped3A_1, %add3A, %dma_wait3A_82, %dma_wait3A_83] : memref<2x32x250x40xi32, #tpu.memory_space<hbm>> -> memref<1x1x250x40xi32, #tpu.memory_space<hbm>>
      %dma_wait3A_85 = tpu.memref_squeeze %dma_wait3A_84 : memref<1x1x250x40xi32, #tpu.memory_space<hbm>> -> memref<250x40xi32, #tpu.memory_space<hbm>>
      %dma_wait3A_86 = arith.constant 0 : i32
      %dma_wait3A_87 = arith.constant 0 : i32
      %dma_wait3A_88 = tpu.memref_slice %arg3[%run_scoped3A_1, %add3A, %dma_wait3A_86, %dma_wait3A_87] : memref<2x32x250x40xi32, #tpu.memory_space<hbm>> -> memref<1x1x250x40xi32, #tpu.memory_space<hbm>>
      %dma_wait3A_89 = tpu.memref_squeeze %dma_wait3A_88 : memref<1x1x250x40xi32, #tpu.memory_space<hbm>> -> memref<250x40xi32, #tpu.memory_space<hbm>>
      tpu.wait_dma2 semaphore(%run_scoped3A_73 : memref<!tpu.dma_semaphore, #tpu.memory_space<semaphore_mem>>) src(%dma_wait3A_89 : memref<250x40xi32, #tpu.memory_space<hbm>>) dst(%arg7 : memref<250x40xi32, #tpu.memory_space<vmem>>)
      tpu.yield
    }) : () -> ()
    %mul3A_2 = arith.constant 624 : i32
    %mul3A_3 = arith.muli %arg1, %mul3A_2 : i32
    "tpu.region"() ({
      %run_scoped3A_73 = tpu.sem_alloc : memref<!tpu.dma_semaphore, #tpu.memory_space<semaphore_mem>>
      %dma_start3A_74 = arith.constant 0 : i32
      %dma_start3A_75 = tpu.memref_slice %arg17[%mul3A_3, %dma_start3A_74] : memref<10000x128xf32, #tpu.memory_space<vmem_shared>> -> memref<624x128xf32, #tpu.memory_space<vmem_shared>>
      %dma_start3A_76 = arith.constant 0 : i32
      %dma_start3A_77 = tpu.memref_slice %arg4[%mul3A_3, %dma_start3A_76] : memref<10000x128xf32, #tpu.memory_space<hbm>> -> memref<624x128xf32, #tpu.memory_space<hbm>>
      tpu.enqueue_dma source(%dma_start3A_77 : memref<624x128xf32, #tpu.memory_space<hbm>>) target(%dma_start3A_75 : memref<624x128xf32, #tpu.memory_space<vmem_shared>>) target_semaphore(%run_scoped3A_73 : memref<!tpu.dma_semaphore, #tpu.memory_space<semaphore_mem>>)
      %dma_wait3A_78 = arith.constant 0 : i32
      %dma_wait3A_79 = tpu.memref_slice %arg17[%mul3A_3, %dma_wait3A_78] : memref<10000x128xf32, #tpu.memory_space<vmem_shared>> -> memref<624x128xf32, #tpu.memory_space<vmem_shared>>
      %dma_wait3A_80 = arith.constant 0 : i32
      %dma_wait3A_81 = tpu.memref_slice %arg4[%mul3A_3, %dma_wait3A_80] : memref<10000x128xf32, #tpu.memory_space<hbm>> -> memref<624x128xf32, #tpu.memory_space<hbm>>
      tpu.wait_dma2 semaphore(%run_scoped3A_73 : memref<!tpu.dma_semaphore, #tpu.memory_space<semaphore_mem>>) src(%dma_wait3A_81 : memref<624x128xf32, #tpu.memory_space<hbm>>) dst(%dma_wait3A_79 : memref<624x128xf32, #tpu.memory_space<vmem_shared>>)
      tpu.yield
    }) : () -> ()
    %eq3A = arith.constant 15 : i32
    %eq3A_4 = arith.cmpi eq, %arg1, %eq3A : i32
    %convert_element_type3A = arith.extui %eq3A_4 : i1 to i32
    %cond3A = arith.constant 0 : i32
    %cond3A_5 = arith.cmpi ne, %convert_element_type3A, %cond3A : i32
    scf.if %cond3A_5 {
      "tpu.region"() ({
        %run_scoped3A_73 = tpu.sem_alloc : memref<!tpu.dma_semaphore, #tpu.memory_space<semaphore_mem>>
        %dma_start3A_74 = arith.constant 9984 : i32
        %dma_start3A_75 = arith.constant 0 : i32
        %dma_start3A_76 = tpu.memref_slice %arg17[%dma_start3A_74, %dma_start3A_75] : memref<10000x128xf32, #tpu.memory_space<vmem_shared>> -> memref<16x128xf32, #tpu.memory_space<vmem_shared>>
        %dma_start3A_77 = arith.constant 9984 : i32
        %dma_start3A_78 = arith.constant 0 : i32
        %dma_start3A_79 = tpu.memref_slice %arg4[%dma_start3A_77, %dma_start3A_78] : memref<10000x128xf32, #tpu.memory_space<hbm>> -> memref<16x128xf32, #tpu.memory_space<hbm>>
        tpu.enqueue_dma source(%dma_start3A_79 : memref<16x128xf32, #tpu.memory_space<hbm>>) target(%dma_start3A_76 : memref<16x128xf32, #tpu.memory_space<vmem_shared>>) target_semaphore(%run_scoped3A_73 : memref<!tpu.dma_semaphore, #tpu.memory_space<semaphore_mem>>)
        %dma_wait3A_80 = arith.constant 9984 : i32
        %dma_wait3A_81 = arith.constant 0 : i32
        %dma_wait3A_82 = tpu.memref_slice %arg17[%dma_wait3A_80, %dma_wait3A_81] : memref<10000x128xf32, #tpu.memory_space<vmem_shared>> -> memref<16x128xf32, #tpu.memory_space<vmem_shared>>
        %dma_wait3A_83 = arith.constant 9984 : i32
        %dma_wait3A_84 = arith.constant 0 : i32
        %dma_wait3A_85 = tpu.memref_slice %arg4[%dma_wait3A_83, %dma_wait3A_84] : memref<10000x128xf32, #tpu.memory_space<hbm>> -> memref<16x128xf32, #tpu.memory_space<hbm>>
        tpu.wait_dma2 semaphore(%run_scoped3A_73 : memref<!tpu.dma_semaphore, #tpu.memory_space<semaphore_mem>>) src(%dma_wait3A_85 : memref<16x128xf32, #tpu.memory_space<hbm>>) dst(%dma_wait3A_82 : memref<16x128xf32, #tpu.memory_space<vmem_shared>>)
        tpu.yield
      }) : () -> ()
    } else {
    }
    %barrier3A = arith.constant 0 : index
    tpu.barrier barrier_id(%barrier3A)
    %dma_start3A = arith.constant 0 : i32
    %dma_start3A_6 = arith.constant 0 : i32
    %dma_start3A_7 = tpu.memref_slice %arg6[%dma_start3A, %dma_start3A_6] : memref<250x40xi32, #tpu.memory_space<vmem>> -> memref<1x40xi32, #tpu.memory_space<vmem>>
    %dma_start3A_8 = tpu.memref_squeeze %dma_start3A_7 : memref<1x40xi32, #tpu.memory_space<vmem>> -> memref<40xi32, #tpu.memory_space<vmem>>
    %dma_start3A_9 = arith.constant 0 : i32
    %dma_start3A_10 = arith.constant 0 : i32
    %dma_start3A_11 = tpu.memref_slice %arg2[%dma_start3A_9, %dma_start3A_10] : memref<10000x128xf32, #tpu.memory_space<hbm>> -> memref<10000x128xf32, #tpu.memory_space<hbm>>
    tpu.enqueue_indirect_dma source(%dma_start3A_11 : memref<10000x128xf32, #tpu.memory_space<hbm>>) target(%arg8 : memref<40x128xf32, #tpu.memory_space<vmem>>) offsets(%dma_start3A_8 : memref<40xi32, #tpu.memory_space<vmem>>) semaphore(%arg11 : memref<!tpu.dma_semaphore, #tpu.memory_space<semaphore_mem>>)
    %dma_start3A_12 = arith.constant 1 : i32
    %dma_start3A_13 = arith.constant 0 : i32
    %dma_start3A_14 = tpu.memref_slice %arg6[%dma_start3A_12, %dma_start3A_13] : memref<250x40xi32, #tpu.memory_space<vmem>> -> memref<1x40xi32, #tpu.memory_space<vmem>>
    %dma_start3A_15 = tpu.memref_squeeze %dma_start3A_14 : memref<1x40xi32, #tpu.memory_space<vmem>> -> memref<40xi32, #tpu.memory_space<vmem>>
    %dma_start3A_16 = arith.constant 0 : i32
    %dma_start3A_17 = arith.constant 0 : i32
    %dma_start3A_18 = tpu.memref_slice %arg2[%dma_start3A_16, %dma_start3A_17] : memref<10000x128xf32, #tpu.memory_space<hbm>> -> memref<10000x128xf32, #tpu.memory_space<hbm>>
    tpu.enqueue_indirect_dma source(%dma_start3A_18 : memref<10000x128xf32, #tpu.memory_space<hbm>>) target(%arg9 : memref<40x128xf32, #tpu.memory_space<vmem>>) offsets(%dma_start3A_15 : memref<40xi32, #tpu.memory_space<vmem>>) semaphore(%arg12 : memref<!tpu.dma_semaphore, #tpu.memory_space<semaphore_mem>>)
    %dma_wait3A = arith.constant 0 : i32
    %dma_wait3A_19 = arith.constant 0 : i32
    %dma_wait3A_20 = tpu.memref_slice %arg6[%dma_wait3A, %dma_wait3A_19] : memref<250x40xi32, #tpu.memory_space<vmem>> -> memref<1x40xi32, #tpu.memory_space<vmem>>
    %dma_wait3A_21 = tpu.memref_squeeze %dma_wait3A_20 : memref<1x40xi32, #tpu.memory_space<vmem>> -> memref<40xi32, #tpu.memory_space<vmem>>
    %dma_wait3A_22 = arith.constant 0 : i32
    %dma_wait3A_23 = arith.constant 0 : i32
    %dma_wait3A_24 = tpu.memref_slice %arg2[%dma_wait3A_22, %dma_wait3A_23] : memref<10000x128xf32, #tpu.memory_space<hbm>> -> memref<10000x128xf32, #tpu.memory_space<hbm>>
    tpu.wait_indirect_dma semaphore(%arg11 : memref<!tpu.dma_semaphore, #tpu.memory_space<semaphore_mem>>) src(%dma_wait3A_24 : memref<10000x128xf32, #tpu.memory_space<hbm>>) dst(%arg8 : memref<40x128xf32, #tpu.memory_space<vmem>>)
    %dma_start3A_25 = arith.constant 0 : i32
    %dma_start3A_26 = arith.constant 0 : i32
    %dma_start3A_27 = tpu.memref_slice %arg7[%dma_start3A_25, %dma_start3A_26] : memref<250x40xi32, #tpu.memory_space<vmem>> -> memref<1x40xi32, #tpu.memory_space<vmem>>
    %dma_start3A_28 = tpu.memref_squeeze %dma_start3A_27 : memref<1x40xi32, #tpu.memory_space<vmem>> -> memref<40xi32, #tpu.memory_space<vmem>>
    %dma_start3A_29 = arith.constant 0 : i32
    %dma_start3A_30 = arith.constant 0 : i32
    %dma_start3A_31 = tpu.memref_slice %arg17[%dma_start3A_29, %dma_start3A_30] : memref<10000x128xf32, #tpu.memory_space<vmem_shared>> -> memref<10000x128xf32, #tpu.memory_space<vmem_shared>>
    tpu.enqueue_indirect_dma source(%arg8 : memref<40x128xf32, #tpu.memory_space<vmem>>) target(%dma_start3A_31 : memref<10000x128xf32, #tpu.memory_space<vmem_shared>>) offsets(%dma_start3A_28 : memref<40xi32, #tpu.memory_space<vmem>>) semaphore(%arg14 : memref<!tpu.dma_semaphore, #tpu.memory_space<semaphore_mem>>) {add = true}
    %dma_start3A_32 = arith.constant 2 : i32
    %dma_start3A_33 = arith.constant 0 : i32
    %dma_start3A_34 = tpu.memref_slice %arg6[%dma_start3A_32, %dma_start3A_33] : memref<250x40xi32, #tpu.memory_space<vmem>> -> memref<1x40xi32, #tpu.memory_space<vmem>>
    %dma_start3A_35 = tpu.memref_squeeze %dma_start3A_34 : memref<1x40xi32, #tpu.memory_space<vmem>> -> memref<40xi32, #tpu.memory_space<vmem>>
    %dma_start3A_36 = arith.constant 0 : i32
    %dma_start3A_37 = arith.constant 0 : i32
    %dma_start3A_38 = tpu.memref_slice %arg2[%dma_start3A_36, %dma_start3A_37] : memref<10000x128xf32, #tpu.memory_space<hbm>> -> memref<10000x128xf32, #tpu.memory_space<hbm>>
    tpu.enqueue_indirect_dma source(%dma_start3A_38 : memref<10000x128xf32, #tpu.memory_space<hbm>>) target(%arg10 : memref<40x128xf32, #tpu.memory_space<vmem>>) offsets(%dma_start3A_35 : memref<40xi32, #tpu.memory_space<vmem>>) semaphore(%arg13 : memref<!tpu.dma_semaphore, #tpu.memory_space<semaphore_mem>>)
    %scan3A = arith.constant 0 : i32
    %scan3A_39 = arith.constant 0 : i32
    %scan3A_40 = arith.constant 83 : i32
    %scan3A_41 = arith.addi %scan3A_39, %scan3A_40 : i32
    %scan3A_42 = arith.constant 1 : i32
    scf.for %scan3A_73 = %scan3A_39 to %scan3A_41 step %scan3A_42  : i32 {
      %mul3A_74 = arith.constant 3 : i32
      %mul3A_75 = arith.muli %mul3A_74, %scan3A_73 : i32
      %add3A_76 = arith.constant 1 : i32
      %add3A_77 = arith.addi %mul3A_75, %add3A_76 : i32
      %add3A_78 = arith.constant 0 : i32
      %add3A_79 = arith.addi %add3A_77, %add3A_78 : i32
      %dma_wait3A_80 = arith.constant 0 : i32
      %dma_wait3A_81 = arith.constant 0 : i32
      %dma_wait3A_82 = tpu.memref_slice %arg6[%dma_wait3A_80, %dma_wait3A_81] : memref<250x40xi32, #tpu.memory_space<vmem>> -> memref<1x40xi32, #tpu.memory_space<vmem>>
      %dma_wait3A_83 = tpu.memref_squeeze %dma_wait3A_82 : memref<1x40xi32, #tpu.memory_space<vmem>> -> memref<40xi32, #tpu.memory_space<vmem>>
      %dma_wait3A_84 = arith.constant 0 : i32
      %dma_wait3A_85 = arith.constant 0 : i32
      %dma_wait3A_86 = tpu.memref_slice %arg2[%dma_wait3A_84, %dma_wait3A_85] : memref<10000x128xf32, #tpu.memory_space<hbm>> -> memref<10000x128xf32, #tpu.memory_space<hbm>>
      tpu.wait_indirect_dma semaphore(%arg12 : memref<!tpu.dma_semaphore, #tpu.memory_space<semaphore_mem>>) src(%dma_wait3A_86 : memref<10000x128xf32, #tpu.memory_space<hbm>>) dst(%arg9 : memref<40x128xf32, #tpu.memory_space<vmem>>)
      %dma_start3A_87 = arith.constant 0 : i32
      %dma_start3A_88 = tpu.memref_slice %arg7[%add3A_79, %dma_start3A_87] : memref<250x40xi32, #tpu.memory_space<vmem>> -> memref<1x40xi32, #tpu.memory_space<vmem>>
      %dma_start3A_89 = tpu.memref_squeeze %dma_start3A_88 : memref<1x40xi32, #tpu.memory_space<vmem>> -> memref<40xi32, #tpu.memory_space<vmem>>
      %dma_start3A_90 = arith.constant 0 : i32
      %dma_start3A_91 = arith.constant 0 : i32
      %dma_start3A_92 = tpu.memref_slice %arg17[%dma_start3A_90, %dma_start3A_91] : memref<10000x128xf32, #tpu.memory_space<vmem_shared>> -> memref<10000x128xf32, #tpu.memory_space<vmem_shared>>
      tpu.enqueue_indirect_dma source(%arg9 : memref<40x128xf32, #tpu.memory_space<vmem>>) target(%dma_start3A_92 : memref<10000x128xf32, #tpu.memory_space<vmem_shared>>) offsets(%dma_start3A_89 : memref<40xi32, #tpu.memory_space<vmem>>) semaphore(%arg15 : memref<!tpu.dma_semaphore, #tpu.memory_space<semaphore_mem>>) {add = true}
      %add3A_93 = arith.constant 2 : i32
      %add3A_94 = arith.addi %add3A_79, %add3A_93 : i32
      %lt3A = arith.constant 250 : i32
      %lt3A_95 = arith.cmpi slt, %add3A_94, %lt3A : i32
      %convert_element_type3A_96 = arith.extui %lt3A_95 : i1 to i32
      %cond3A_97 = arith.constant 0 : i32
      %cond3A_98 = arith.cmpi ne, %convert_element_type3A_96, %cond3A_97 : i32
      scf.if %cond3A_98 {
        %dma_wait3A_151 = arith.constant 0 : i32
        %dma_wait3A_152 = arith.constant 0 : i32
        %dma_wait3A_153 = tpu.memref_slice %arg7[%dma_wait3A_151, %dma_wait3A_152] : memref<250x40xi32, #tpu.memory_space<vmem>> -> memref<1x40xi32, #tpu.memory_space<vmem>>
        %dma_wait3A_154 = tpu.memref_squeeze %dma_wait3A_153 : memref<1x40xi32, #tpu.memory_space<vmem>> -> memref<40xi32, #tpu.memory_space<vmem>>
        %dma_wait3A_155 = arith.constant 0 : i32
        %dma_wait3A_156 = arith.constant 0 : i32
        %dma_wait3A_157 = tpu.memref_slice %arg17[%dma_wait3A_155, %dma_wait3A_156] : memref<10000x128xf32, #tpu.memory_space<vmem_shared>> -> memref<10000x128xf32, #tpu.memory_space<vmem_shared>>
        tpu.wait_indirect_dma semaphore(%arg14 : memref<!tpu.dma_semaphore, #tpu.memory_space<semaphore_mem>>) src(%arg8 : memref<40x128xf32, #tpu.memory_space<vmem>>) dst(%dma_wait3A_157 : memref<10000x128xf32, #tpu.memory_space<vmem_shared>>)
        %add3A_158 = arith.constant 2 : i32
        %add3A_159 = arith.addi %add3A_79, %add3A_158 : i32
        %dma_start3A_160 = arith.constant 0 : i32
        %dma_start3A_161 = tpu.memref_slice %arg6[%add3A_159, %dma_start3A_160] : memref<250x40xi32, #tpu.memory_space<vmem>> -> memref<1x40xi32, #tpu.memory_space<vmem>>
        %dma_start3A_162 = tpu.memref_squeeze %dma_start3A_161 : memref<1x40xi32, #tpu.memory_space<vmem>> -> memref<40xi32, #tpu.memory_space<vmem>>
        %dma_start3A_163 = arith.constant 0 : i32
        %dma_start3A_164 = arith.constant 0 : i32
        %dma_start3A_165 = tpu.memref_slice %arg2[%dma_start3A_163, %dma_start3A_164] : memref<10000x128xf32, #tpu.memory_space<hbm>> -> memref<10000x128xf32, #tpu.memory_space<hbm>>
        tpu.enqueue_indirect_dma source(%dma_start3A_165 : memref<10000x128xf32, #tpu.memory_space<hbm>>) target(%arg8 : memref<40x128xf32, #tpu.memory_space<vmem>>) offsets(%dma_start3A_162 : memref<40xi32, #tpu.memory_space<vmem>>) semaphore(%arg11 : memref<!tpu.dma_semaphore, #tpu.memory_space<semaphore_mem>>)
      } else {
      }
      %mul3A_99 = arith.constant 3 : i32
      %mul3A_100 = arith.muli %mul3A_99, %scan3A_73 : i32
      %add3A_101 = arith.constant 1 : i32
      %add3A_102 = arith.addi %mul3A_100, %add3A_101 : i32
      %add3A_103 = arith.constant 1 : i32
      %add3A_104 = arith.addi %add3A_102, %add3A_103 : i32
      %dma_wait3A_105 = arith.constant 0 : i32
      %dma_wait3A_106 = arith.constant 0 : i32
      %dma_wait3A_107 = tpu.memref_slice %arg6[%dma_wait3A_105, %dma_wait3A_106] : memref<250x40xi32, #tpu.memory_space<vmem>> -> memref<1x40xi32, #tpu.memory_space<vmem>>
      %dma_wait3A_108 = tpu.memref_squeeze %dma_wait3A_107 : memref<1x40xi32, #tpu.memory_space<vmem>> -> memref<40xi32, #tpu.memory_space<vmem>>
      %dma_wait3A_109 = arith.constant 0 : i32
      %dma_wait3A_110 = arith.constant 0 : i32
      %dma_wait3A_111 = tpu.memref_slice %arg2[%dma_wait3A_109, %dma_wait3A_110] : memref<10000x128xf32, #tpu.memory_space<hbm>> -> memref<10000x128xf32, #tpu.memory_space<hbm>>
      tpu.wait_indirect_dma semaphore(%arg13 : memref<!tpu.dma_semaphore, #tpu.memory_space<semaphore_mem>>) src(%dma_wait3A_111 : memref<10000x128xf32, #tpu.memory_space<hbm>>) dst(%arg10 : memref<40x128xf32, #tpu.memory_space<vmem>>)
      %dma_start3A_112 = arith.constant 0 : i32
      %dma_start3A_113 = tpu.memref_slice %arg7[%add3A_104, %dma_start3A_112] : memref<250x40xi32, #tpu.memory_space<vmem>> -> memref<1x40xi32, #tpu.memory_space<vmem>>
      %dma_start3A_114 = tpu.memref_squeeze %dma_start3A_113 : memref<1x40xi32, #tpu.memory_space<vmem>> -> memref<40xi32, #tpu.memory_space<vmem>>
      %dma_start3A_115 = arith.constant 0 : i32
      %dma_start3A_116 = arith.constant 0 : i32
      %dma_start3A_117 = tpu.memref_slice %arg17[%dma_start3A_115, %dma_start3A_116] : memref<10000x128xf32, #tpu.memory_space<vmem_shared>> -> memref<10000x128xf32, #tpu.memory_space<vmem_shared>>
      tpu.enqueue_indirect_dma source(%arg10 : memref<40x128xf32, #tpu.memory_space<vmem>>) target(%dma_start3A_117 : memref<10000x128xf32, #tpu.memory_space<vmem_shared>>) offsets(%dma_start3A_114 : memref<40xi32, #tpu.memory_space<vmem>>) semaphore(%arg16 : memref<!tpu.dma_semaphore, #tpu.memory_space<semaphore_mem>>) {add = true}
      %add3A_118 = arith.constant 2 : i32
      %add3A_119 = arith.addi %add3A_104, %add3A_118 : i32
      %lt3A_120 = arith.constant 250 : i32
      %lt3A_121 = arith.cmpi slt, %add3A_119, %lt3A_120 : i32
      %convert_element_type3A_122 = arith.extui %lt3A_121 : i1 to i32
      %cond3A_123 = arith.constant 0 : i32
      %cond3A_124 = arith.cmpi ne, %convert_element_type3A_122, %cond3A_123 : i32
      scf.if %cond3A_124 {
        %dma_wait3A_151 = arith.constant 0 : i32
        %dma_wait3A_152 = arith.constant 0 : i32
        %dma_wait3A_153 = tpu.memref_slice %arg7[%dma_wait3A_151, %dma_wait3A_152] : memref<250x40xi32, #tpu.memory_space<vmem>> -> memref<1x40xi32, #tpu.memory_space<vmem>>
        %dma_wait3A_154 = tpu.memref_squeeze %dma_wait3A_153 : memref<1x40xi32, #tpu.memory_space<vmem>> -> memref<40xi32, #tpu.memory_space<vmem>>
        %dma_wait3A_155 = arith.constant 0 : i32
        %dma_wait3A_156 = arith.constant 0 : i32
        %dma_wait3A_157 = tpu.memref_slice %arg17[%dma_wait3A_155, %dma_wait3A_156] : memref<10000x128xf32, #tpu.memory_space<vmem_shared>> -> memref<10000x128xf32, #tpu.memory_space<vmem_shared>>
        tpu.wait_indirect_dma semaphore(%arg15 : memref<!tpu.dma_semaphore, #tpu.memory_space<semaphore_mem>>) src(%arg9 : memref<40x128xf32, #tpu.memory_space<vmem>>) dst(%dma_wait3A_157 : memref<10000x128xf32, #tpu.memory_space<vmem_shared>>)
        %add3A_158 = arith.constant 2 : i32
        %add3A_159 = arith.addi %add3A_104, %add3A_158 : i32
        %dma_start3A_160 = arith.constant 0 : i32
        %dma_start3A_161 = tpu.memref_slice %arg6[%add3A_159, %dma_start3A_160] : memref<250x40xi32, #tpu.memory_space<vmem>> -> memref<1x40xi32, #tpu.memory_space<vmem>>
        %dma_start3A_162 = tpu.memref_squeeze %dma_start3A_161 : memref<1x40xi32, #tpu.memory_space<vmem>> -> memref<40xi32, #tpu.memory_space<vmem>>
        %dma_start3A_163 = arith.constant 0 : i32
        %dma_start3A_164 = arith.constant 0 : i32
        %dma_start3A_165 = tpu.memref_slice %arg2[%dma_start3A_163, %dma_start3A_164] : memref<10000x128xf32, #tpu.memory_space<hbm>> -> memref<10000x128xf32, #tpu.memory_space<hbm>>
        tpu.enqueue_indirect_dma source(%dma_start3A_165 : memref<10000x128xf32, #tpu.memory_space<hbm>>) target(%arg9 : memref<40x128xf32, #tpu.memory_space<vmem>>) offsets(%dma_start3A_162 : memref<40xi32, #tpu.memory_space<vmem>>) semaphore(%arg12 : memref<!tpu.dma_semaphore, #tpu.memory_space<semaphore_mem>>)
      } else {
      }
      %mul3A_125 = arith.constant 3 : i32
      %mul3A_126 = arith.muli %mul3A_125, %scan3A_73 : i32
      %add3A_127 = arith.constant 1 : i32
      %add3A_128 = arith.addi %mul3A_126, %add3A_127 : i32
      %add3A_129 = arith.constant 2 : i32
      %add3A_130 = arith.addi %add3A_128, %add3A_129 : i32
      %dma_wait3A_131 = arith.constant 0 : i32
      %dma_wait3A_132 = arith.constant 0 : i32
      %dma_wait3A_133 = tpu.memref_slice %arg6[%dma_wait3A_131, %dma_wait3A_132] : memref<250x40xi32, #tpu.memory_space<vmem>> -> memref<1x40xi32, #tpu.memory_space<vmem>>
      %dma_wait3A_134 = tpu.memref_squeeze %dma_wait3A_133 : memref<1x40xi32, #tpu.memory_space<vmem>> -> memref<40xi32, #tpu.memory_space<vmem>>
      %dma_wait3A_135 = arith.constant 0 : i32
      %dma_wait3A_136 = arith.constant 0 : i32
      %dma_wait3A_137 = tpu.memref_slice %arg2[%dma_wait3A_135, %dma_wait3A_136] : memref<10000x128xf32, #tpu.memory_space<hbm>> -> memref<10000x128xf32, #tpu.memory_space<hbm>>
      tpu.wait_indirect_dma semaphore(%arg11 : memref<!tpu.dma_semaphore, #tpu.memory_space<semaphore_mem>>) src(%dma_wait3A_137 : memref<10000x128xf32, #tpu.memory_space<hbm>>) dst(%arg8 : memref<40x128xf32, #tpu.memory_space<vmem>>)
      %dma_start3A_138 = arith.constant 0 : i32
      %dma_start3A_139 = tpu.memref_slice %arg7[%add3A_130, %dma_start3A_138] : memref<250x40xi32, #tpu.memory_space<vmem>> -> memref<1x40xi32, #tpu.memory_space<vmem>>
      %dma_start3A_140 = tpu.memref_squeeze %dma_start3A_139 : memref<1x40xi32, #tpu.memory_space<vmem>> -> memref<40xi32, #tpu.memory_space<vmem>>
      %dma_start3A_141 = arith.constant 0 : i32
      %dma_start3A_142 = arith.constant 0 : i32
      %dma_start3A_143 = tpu.memref_slice %arg17[%dma_start3A_141, %dma_start3A_142] : memref<10000x128xf32, #tpu.memory_space<vmem_shared>> -> memref<10000x128xf32, #tpu.memory_space<vmem_shared>>
      tpu.enqueue_indirect_dma source(%arg8 : memref<40x128xf32, #tpu.memory_space<vmem>>) target(%dma_start3A_143 : memref<10000x128xf32, #tpu.memory_space<vmem_shared>>) offsets(%dma_start3A_140 : memref<40xi32, #tpu.memory_space<vmem>>) semaphore(%arg14 : memref<!tpu.dma_semaphore, #tpu.memory_space<semaphore_mem>>) {add = true}
      %add3A_144 = arith.constant 2 : i32
      %add3A_145 = arith.addi %add3A_130, %add3A_144 : i32
      %lt3A_146 = arith.constant 250 : i32
      %lt3A_147 = arith.cmpi slt, %add3A_145, %lt3A_146 : i32
      %convert_element_type3A_148 = arith.extui %lt3A_147 : i1 to i32
      %cond3A_149 = arith.constant 0 : i32
      %cond3A_150 = arith.cmpi ne, %convert_element_type3A_148, %cond3A_149 : i32
      scf.if %cond3A_150 {
        %dma_wait3A_151 = arith.constant 0 : i32
        %dma_wait3A_152 = arith.constant 0 : i32
        %dma_wait3A_153 = tpu.memref_slice %arg7[%dma_wait3A_151, %dma_wait3A_152] : memref<250x40xi32, #tpu.memory_space<vmem>> -> memref<1x40xi32, #tpu.memory_space<vmem>>
        %dma_wait3A_154 = tpu.memref_squeeze %dma_wait3A_153 : memref<1x40xi32, #tpu.memory_space<vmem>> -> memref<40xi32, #tpu.memory_space<vmem>>
        %dma_wait3A_155 = arith.constant 0 : i32
        %dma_wait3A_156 = arith.constant 0 : i32
        %dma_wait3A_157 = tpu.memref_slice %arg17[%dma_wait3A_155, %dma_wait3A_156] : memref<10000x128xf32, #tpu.memory_space<vmem_shared>> -> memref<10000x128xf32, #tpu.memory_space<vmem_shared>>
        tpu.wait_indirect_dma semaphore(%arg16 : memref<!tpu.dma_semaphore, #tpu.memory_space<semaphore_mem>>) src(%arg10 : memref<40x128xf32, #tpu.memory_space<vmem>>) dst(%dma_wait3A_157 : memref<10000x128xf32, #tpu.memory_space<vmem_shared>>)
        %add3A_158 = arith.constant 2 : i32
        %add3A_159 = arith.addi %add3A_130, %add3A_158 : i32
        %dma_start3A_160 = arith.constant 0 : i32
        %dma_start3A_161 = tpu.memref_slice %arg6[%add3A_159, %dma_start3A_160] : memref<250x40xi32, #tpu.memory_space<vmem>> -> memref<1x40xi32, #tpu.memory_space<vmem>>
        %dma_start3A_162 = tpu.memref_squeeze %dma_start3A_161 : memref<1x40xi32, #tpu.memory_space<vmem>> -> memref<40xi32, #tpu.memory_space<vmem>>
        %dma_start3A_163 = arith.constant 0 : i32
        %dma_start3A_164 = arith.constant 0 : i32
        %dma_start3A_165 = tpu.memref_slice %arg2[%dma_start3A_163, %dma_start3A_164] : memref<10000x128xf32, #tpu.memory_space<hbm>> -> memref<10000x128xf32, #tpu.memory_space<hbm>>
        tpu.enqueue_indirect_dma source(%dma_start3A_165 : memref<10000x128xf32, #tpu.memory_space<hbm>>) target(%arg10 : memref<40x128xf32, #tpu.memory_space<vmem>>) offsets(%dma_start3A_162 : memref<40xi32, #tpu.memory_space<vmem>>) semaphore(%arg13 : memref<!tpu.dma_semaphore, #tpu.memory_space<semaphore_mem>>)
      } else {
      }
    }
    %scan3A_43 = arith.constant 83 : i32
    %dma_wait3A_44 = arith.constant 0 : i32
    %dma_wait3A_45 = arith.constant 0 : i32
    %dma_wait3A_46 = tpu.memref_slice %arg7[%dma_wait3A_44, %dma_wait3A_45] : memref<250x40xi32, #tpu.memory_space<vmem>> -> memref<1x40xi32, #tpu.memory_space<vmem>>
    %dma_wait3A_47 = tpu.memref_squeeze %dma_wait3A_46 : memref<1x40xi32, #tpu.memory_space<vmem>> -> memref<40xi32, #tpu.memory_space<vmem>>
    %dma_wait3A_48 = arith.constant 0 : i32
    %dma_wait3A_49 = arith.constant 0 : i32
    %dma_wait3A_50 = tpu.memref_slice %arg17[%dma_wait3A_48, %dma_wait3A_49] : memref<10000x128xf32, #tpu.memory_space<vmem_shared>> -> memref<10000x128xf32, #tpu.memory_space<vmem_shared>>
    tpu.wait_indirect_dma semaphore(%arg14 : memref<!tpu.dma_semaphore, #tpu.memory_space<semaphore_mem>>) src(%arg8 : memref<40x128xf32, #tpu.memory_space<vmem>>) dst(%dma_wait3A_50 : memref<10000x128xf32, #tpu.memory_space<vmem_shared>>)
    %dma_wait3A_51 = arith.constant 0 : i32
    %dma_wait3A_52 = arith.constant 0 : i32
    %dma_wait3A_53 = tpu.memref_slice %arg7[%dma_wait3A_51, %dma_wait3A_52] : memref<250x40xi32, #tpu.memory_space<vmem>> -> memref<1x40xi32, #tpu.memory_space<vmem>>
    %dma_wait3A_54 = tpu.memref_squeeze %dma_wait3A_53 : memref<1x40xi32, #tpu.memory_space<vmem>> -> memref<40xi32, #tpu.memory_space<vmem>>
    %dma_wait3A_55 = arith.constant 0 : i32
    %dma_wait3A_56 = arith.constant 0 : i32
    %dma_wait3A_57 = tpu.memref_slice %arg17[%dma_wait3A_55, %dma_wait3A_56] : memref<10000x128xf32, #tpu.memory_space<vmem_shared>> -> memref<10000x128xf32, #tpu.memory_space<vmem_shared>>
    tpu.wait_indirect_dma semaphore(%arg15 : memref<!tpu.dma_semaphore, #tpu.memory_space<semaphore_mem>>) src(%arg9 : memref<40x128xf32, #tpu.memory_space<vmem>>) dst(%dma_wait3A_57 : memref<10000x128xf32, #tpu.memory_space<vmem_shared>>)
    %dma_wait3A_58 = arith.constant 0 : i32
    %dma_wait3A_59 = arith.constant 0 : i32
    %dma_wait3A_60 = tpu.memref_slice %arg7[%dma_wait3A_58, %dma_wait3A_59] : memref<250x40xi32, #tpu.memory_space<vmem>> -> memref<1x40xi32, #tpu.memory_space<vmem>>
    %dma_wait3A_61 = tpu.memref_squeeze %dma_wait3A_60 : memref<1x40xi32, #tpu.memory_space<vmem>> -> memref<40xi32, #tpu.memory_space<vmem>>
    %dma_wait3A_62 = arith.constant 0 : i32
    %dma_wait3A_63 = arith.constant 0 : i32
    %dma_wait3A_64 = tpu.memref_slice %arg17[%dma_wait3A_62, %dma_wait3A_63] : memref<10000x128xf32, #tpu.memory_space<vmem_shared>> -> memref<10000x128xf32, #tpu.memory_space<vmem_shared>>
    tpu.wait_indirect_dma semaphore(%arg16 : memref<!tpu.dma_semaphore, #tpu.memory_space<semaphore_mem>>) src(%arg10 : memref<40x128xf32, #tpu.memory_space<vmem>>) dst(%dma_wait3A_64 : memref<10000x128xf32, #tpu.memory_space<vmem_shared>>)
    %barrier3A_65 = arith.constant 0 : index
    tpu.barrier barrier_id(%barrier3A_65)
    %mul3A_66 = arith.constant 624 : i32
    %mul3A_67 = arith.muli %arg1, %mul3A_66 : i32
    "tpu.region"() ({
      %run_scoped3A_73 = tpu.sem_alloc : memref<!tpu.dma_semaphore, #tpu.memory_space<semaphore_mem>>
      %dma_start3A_74 = arith.constant 0 : i32
      %dma_start3A_75 = tpu.memref_slice %arg5[%arg0, %mul3A_67, %dma_start3A_74] : memref<2x10000x128xf32, #tpu.memory_space<hbm>> -> memref<1x624x128xf32, #tpu.memory_space<hbm>>
      %dma_start3A_76 = tpu.memref_squeeze %dma_start3A_75 : memref<1x624x128xf32, #tpu.memory_space<hbm>> -> memref<624x128xf32, #tpu.memory_space<hbm>>
      %dma_start3A_77 = arith.constant 0 : i32
      %dma_start3A_78 = tpu.memref_slice %arg17[%mul3A_67, %dma_start3A_77] : memref<10000x128xf32, #tpu.memory_space<vmem_shared>> -> memref<624x128xf32, #tpu.memory_space<vmem_shared>>
      tpu.enqueue_dma source(%dma_start3A_78 : memref<624x128xf32, #tpu.memory_space<vmem_shared>>) target(%dma_start3A_76 : memref<624x128xf32, #tpu.memory_space<hbm>>) target_semaphore(%run_scoped3A_73 : memref<!tpu.dma_semaphore, #tpu.memory_space<semaphore_mem>>)
      %dma_wait3A_79 = arith.constant 0 : i32
      %dma_wait3A_80 = tpu.memref_slice %arg5[%arg0, %mul3A_67, %dma_wait3A_79] : memref<2x10000x128xf32, #tpu.memory_space<hbm>> -> memref<1x624x128xf32, #tpu.memory_space<hbm>>
      %dma_wait3A_81 = tpu.memref_squeeze %dma_wait3A_80 : memref<1x624x128xf32, #tpu.memory_space<hbm>> -> memref<624x128xf32, #tpu.memory_space<hbm>>
      %dma_wait3A_82 = arith.constant 0 : i32
      %dma_wait3A_83 = tpu.memref_slice %arg17[%mul3A_67, %dma_wait3A_82] : memref<10000x128xf32, #tpu.memory_space<vmem_shared>> -> memref<624x128xf32, #tpu.memory_space<vmem_shared>>
      tpu.wait_dma2 semaphore(%run_scoped3A_73 : memref<!tpu.dma_semaphore, #tpu.memory_space<semaphore_mem>>) src(%dma_wait3A_83 : memref<624x128xf32, #tpu.memory_space<vmem_shared>>) dst(%dma_wait3A_81 : memref<624x128xf32, #tpu.memory_space<hbm>>)
      tpu.yield
    }) : () -> ()
    %eq3A_68 = arith.constant 15 : i32
    %eq3A_69 = arith.cmpi eq, %arg1, %eq3A_68 : i32
    %convert_element_type3A_70 = arith.extui %eq3A_69 : i1 to i32
    %cond3A_71 = arith.constant 0 : i32
    %cond3A_72 = arith.cmpi ne, %convert_element_type3A_70, %cond3A_71 : i32
    scf.if %cond3A_72 {
      "tpu.region"() ({
        %run_scoped3A_73 = tpu.sem_alloc : memref<!tpu.dma_semaphore, #tpu.memory_space<semaphore_mem>>
        %dma_start3A_74 = arith.constant 9984 : i32
        %dma_start3A_75 = arith.constant 0 : i32
        %dma_start3A_76 = tpu.memref_slice %arg5[%arg0, %dma_start3A_74, %dma_start3A_75] : memref<2x10000x128xf32, #tpu.memory_space<hbm>> -> memref<1x16x128xf32, #tpu.memory_space<hbm>>
        %dma_start3A_77 = tpu.memref_squeeze %dma_start3A_76 : memref<1x16x128xf32, #tpu.memory_space<hbm>> -> memref<16x128xf32, #tpu.memory_space<hbm>>
        %dma_start3A_78 = arith.constant 9984 : i32
        %dma_start3A_79 = arith.constant 0 : i32
        %dma_start3A_80 = tpu.memref_slice %arg17[%dma_start3A_78, %dma_start3A_79] : memref<10000x128xf32, #tpu.memory_space<vmem_shared>> -> memref<16x128xf32, #tpu.memory_space<vmem_shared>>
        tpu.enqueue_dma source(%dma_start3A_80 : memref<16x128xf32, #tpu.memory_space<vmem_shared>>) target(%dma_start3A_77 : memref<16x128xf32, #tpu.memory_space<hbm>>) target_semaphore(%run_scoped3A_73 : memref<!tpu.dma_semaphore, #tpu.memory_space<semaphore_mem>>)
        %dma_wait3A_81 = arith.constant 9984 : i32
        %dma_wait3A_82 = arith.constant 0 : i32
        %dma_wait3A_83 = tpu.memref_slice %arg5[%arg0, %dma_wait3A_81, %dma_wait3A_82] : memref<2x10000x128xf32, #tpu.memory_space<hbm>> -> memref<1x16x128xf32, #tpu.memory_space<hbm>>
        %dma_wait3A_84 = tpu.memref_squeeze %dma_wait3A_83 : memref<1x16x128xf32, #tpu.memory_space<hbm>> -> memref<16x128xf32, #tpu.memory_space<hbm>>
        %dma_wait3A_85 = arith.constant 9984 : i32
        %dma_wait3A_86 = arith.constant 0 : i32
        %dma_wait3A_87 = tpu.memref_slice %arg17[%dma_wait3A_85, %dma_wait3A_86] : memref<10000x128xf32, #tpu.memory_space<vmem_shared>> -> memref<16x128xf32, #tpu.memory_space<vmem_shared>>
        tpu.wait_dma2 semaphore(%run_scoped3A_73 : memref<!tpu.dma_semaphore, #tpu.memory_space<semaphore_mem>>) src(%dma_wait3A_87 : memref<16x128xf32, #tpu.memory_space<vmem_shared>>) dst(%dma_wait3A_84 : memref<16x128xf32, #tpu.memory_space<hbm>>)
        tpu.yield
      }) : () -> ()
    } else {
    }
    return
  }
}

module attributes {stable_mosaic.version = 14 : i64} {
  func.func @_enc_lt_body(%arg0: i32, %arg1: memref<1000x64xf32, #tpu.memory_space<vmem>>, %arg2: memref<1000x64xf32, #tpu.memory_space<vmem>>, %arg3: memref<64x128xf32, #tpu.memory_space<vmem>>, %arg4: memref<1x128xf32, #tpu.memory_space<vmem>>, %arg5: memref<64x128xf32, #tpu.memory_space<vmem>>, %arg6: memref<1x128xf32, #tpu.memory_space<vmem>>, %arg7: memref<1000x128xf32, #tpu.memory_space<vmem>>, %arg8: memref<1000x128xf32, #tpu.memory_space<vmem>>) attributes {dimension_semantics = [#tpu.dimension_semantics<arbitrary>], iteration_bounds = array<i64: 10>, scalar_prefetch = 0 : i64, scratch_operands = 0 : i64, tpu.core_type = #tpu.core_type<tc>, window_params = [{transform_indices = @transform_0, window_bounds = array<i64: 1000, 64>}, {transform_indices = @transform_1, window_bounds = array<i64: 1000, 64>}, {pipeline_mode = #tpu.pipeline_mode<synchronous>, transform_indices = @transform_2, window_bounds = array<i64: 64, 128>}, {pipeline_mode = #tpu.pipeline_mode<synchronous>, transform_indices = @transform_3, window_bounds = array<i64: 1, 128>}, {pipeline_mode = #tpu.pipeline_mode<synchronous>, transform_indices = @transform_4, window_bounds = array<i64: 64, 128>}, {pipeline_mode = #tpu.pipeline_mode<synchronous>, transform_indices = @transform_5, window_bounds = array<i64: 1, 128>}, {transform_indices = @transform_6, window_bounds = array<i64: 1000, 128>}, {transform_indices = @transform_7, window_bounds = array<i64: 1000, 128>}]} {
    %get3A = arith.constant 0 : index
    %get3A_0 = arith.constant 0 : index
    %get3A_1 = vector.load %arg1[%get3A, %get3A_0] : memref<1000x64xf32, #tpu.memory_space<vmem>>, vector<1000x64xf32>
    %get3A_2 = arith.constant 0 : index
    %get3A_3 = arith.constant 0 : index
    %get3A_4 = vector.load %arg3[%get3A_2, %get3A_3] : memref<64x128xf32, #tpu.memory_space<vmem>>, vector<64x128xf32>
    %dot_general3A = arith.constant dense<0.000000e+00> : vector<1000x128xf32>
    %dot_general3A_5 = tpu.matmul %get3A_1, %get3A_4, %dot_general3A {dimension_numbers = #tpu.dot_dimension_numbers<[1], [0], [0], [1], [0, 0, 1, 1], [], []>, transpose_lhs_hint = false} : vector<1000x64xf32>, vector<64x128xf32>, vector<1000x128xf32> -> vector<1000x128xf32>
    %get3A_6 = arith.constant 0 : index
    %get3A_7 = arith.constant 0 : index
    %get3A_8 = vector.load %arg4[%get3A_6, %get3A_7] : memref<1x128xf32, #tpu.memory_space<vmem>>, vector<1x128xf32>
    %add3A = vector.broadcast %get3A_8 : vector<1x128xf32> to vector<1000x128xf32>
    %add3A_9 = arith.addf %dot_general3A_5, %add3A : vector<1000x128xf32>
    %max3A = arith.constant 0.000000e+00 : f32
    %max3A_10 = vector.broadcast %max3A : f32 to vector<1000x128xf32>
    %max3A_11 = arith.maximumf %add3A_9, %max3A_10 : vector<1000x128xf32>
    %swap3A = arith.constant 0 : index
    %swap3A_12 = arith.constant 0 : index
    %swap3A_13 = vector.load %arg7[%swap3A, %swap3A_12] : memref<1000x128xf32, #tpu.memory_space<vmem>>, vector<1000x128xf32>
    tpu.vector_store %arg7[%swap3A, %swap3A_12], %max3A_11 {strides = array<i32>} : memref<1000x128xf32, #tpu.memory_space<vmem>>, vector<1000x128xf32>,
    %get3A_14 = arith.constant 0 : index
    %get3A_15 = arith.constant 0 : index
    %get3A_16 = vector.load %arg2[%get3A_14, %get3A_15] : memref<1000x64xf32, #tpu.memory_space<vmem>>, vector<1000x64xf32>
    %get3A_17 = arith.constant 0 : index
    %get3A_18 = arith.constant 0 : index
    %get3A_19 = vector.load %arg5[%get3A_17, %get3A_18] : memref<64x128xf32, #tpu.memory_space<vmem>>, vector<64x128xf32>
    %dot_general3A_20 = arith.constant dense<0.000000e+00> : vector<1000x128xf32>
    %dot_general3A_21 = tpu.matmul %get3A_16, %get3A_19, %dot_general3A_20 {dimension_numbers = #tpu.dot_dimension_numbers<[1], [0], [0], [1], [0, 0, 1, 1], [], []>, transpose_lhs_hint = false} : vector<1000x64xf32>, vector<64x128xf32>, vector<1000x128xf32> -> vector<1000x128xf32>
    %get3A_22 = arith.constant 0 : index
    %get3A_23 = arith.constant 0 : index
    %get3A_24 = vector.load %arg6[%get3A_22, %get3A_23] : memref<1x128xf32, #tpu.memory_space<vmem>>, vector<1x128xf32>
    %add3A_25 = vector.broadcast %get3A_24 : vector<1x128xf32> to vector<1000x128xf32>
    %add3A_26 = arith.addf %dot_general3A_21, %add3A_25 : vector<1000x128xf32>
    %max3A_27 = arith.constant 0.000000e+00 : f32
    %max3A_28 = vector.broadcast %max3A_27 : f32 to vector<1000x128xf32>
    %max3A_29 = arith.maximumf %add3A_26, %max3A_28 : vector<1000x128xf32>
    %swap3A_30 = arith.constant 0 : index
    %swap3A_31 = arith.constant 0 : index
    %swap3A_32 = vector.load %arg8[%swap3A_30, %swap3A_31] : memref<1000x128xf32, #tpu.memory_space<vmem>>, vector<1000x128xf32>
    tpu.vector_store %arg8[%swap3A_30, %swap3A_31], %max3A_29 {strides = array<i32>} : memref<1000x128xf32, #tpu.memory_space<vmem>>, vector<1000x128xf32>,
    return
  }
  func.func @transform_0(%arg0: i32) -> (i32, i32) {
    %c0_i32 = arith.constant 0 : i32
    %c0_i32_0 = arith.constant 0 : i32
    return %arg0, %c0_i32 : i32, i32
  }
  func.func @transform_1(%arg0: i32) -> (i32, i32) {
    %c0_i32 = arith.constant 0 : i32
    %c0_i32_0 = arith.constant 0 : i32
    return %arg0, %c0_i32 : i32, i32
  }
  func.func @transform_2(%arg0: i32) -> (i32, i32) {
    %c0_i32 = arith.constant 0 : i32
    %c0_i32_0 = arith.constant 0 : i32
    %c0_i32_1 = arith.constant 0 : i32
    return %c0_i32, %c0_i32_0 : i32, i32
  }
  func.func @transform_3(%arg0: i32) -> (i32, i32) {
    %c0_i32 = arith.constant 0 : i32
    %c0_i32_0 = arith.constant 0 : i32
    %c0_i32_1 = arith.constant 0 : i32
    return %c0_i32, %c0_i32_0 : i32, i32
  }
  func.func @transform_4(%arg0: i32) -> (i32, i32) {
    %c0_i32 = arith.constant 0 : i32
    %c0_i32_0 = arith.constant 0 : i32
    %c0_i32_1 = arith.constant 0 : i32
    return %c0_i32, %c0_i32_0 : i32, i32
  }
  func.func @transform_5(%arg0: i32) -> (i32, i32) {
    %c0_i32 = arith.constant 0 : i32
    %c0_i32_0 = arith.constant 0 : i32
    %c0_i32_1 = arith.constant 0 : i32
    return %c0_i32, %c0_i32_0 : i32, i32
  }
  func.func @transform_6(%arg0: i32) -> (i32, i32) {
    %c0_i32 = arith.constant 0 : i32
    %c0_i32_0 = arith.constant 0 : i32
    return %arg0, %c0_i32 : i32, i32
  }
  func.func @transform_7(%arg0: i32) -> (i32, i32) {
    %c0_i32 = arith.constant 0 : i32
    %c0_i32_0 = arith.constant 0 : i32
    return %arg0, %c0_i32 : i32, i32
  }
}

module attributes {stable_mosaic.version = 14 : i64} {
  func.func @_enc_m_body(%arg0: i32, %arg1: memref<1000x512xf32, #tpu.memory_space<vmem>>, %arg2: memref<512x128xf32, #tpu.memory_space<vmem>>, %arg3: memref<1x128xf32, #tpu.memory_space<vmem>>, %arg4: memref<1000x128xf32, #tpu.memory_space<vmem>>) attributes {dimension_semantics = [#tpu.dimension_semantics<arbitrary>], iteration_bounds = array<i64: 10>, scalar_prefetch = 0 : i64, scratch_operands = 0 : i64, tpu.core_type = #tpu.core_type<tc>, window_params = [{transform_indices = @transform_0, window_bounds = array<i64: 1000, 512>}, {pipeline_mode = #tpu.pipeline_mode<synchronous>, transform_indices = @transform_1, window_bounds = array<i64: 512, 128>}, {pipeline_mode = #tpu.pipeline_mode<synchronous>, transform_indices = @transform_2, window_bounds = array<i64: 1, 128>}, {transform_indices = @transform_3, window_bounds = array<i64: 1000, 128>}]} {
    %get3A = arith.constant 0 : index
    %get3A_0 = arith.constant 0 : index
    %get3A_1 = vector.load %arg1[%get3A, %get3A_0] : memref<1000x512xf32, #tpu.memory_space<vmem>>, vector<1000x512xf32>
    %get3A_2 = arith.constant 0 : index
    %get3A_3 = arith.constant 0 : index
    %get3A_4 = vector.load %arg2[%get3A_2, %get3A_3] : memref<512x128xf32, #tpu.memory_space<vmem>>, vector<512x128xf32>
    %dot_general3A = arith.constant dense<0.000000e+00> : vector<1000x128xf32>
    %dot_general3A_5 = tpu.matmul %get3A_1, %get3A_4, %dot_general3A {dimension_numbers = #tpu.dot_dimension_numbers<[1], [0], [0], [1], [0, 0, 1, 1], [], []>, transpose_lhs_hint = false} : vector<1000x512xf32>, vector<512x128xf32>, vector<1000x128xf32> -> vector<1000x128xf32>
    %get3A_6 = arith.constant 0 : index
    %get3A_7 = arith.constant 0 : index
    %get3A_8 = vector.load %arg3[%get3A_6, %get3A_7] : memref<1x128xf32, #tpu.memory_space<vmem>>, vector<1x128xf32>
    %add3A = vector.broadcast %get3A_8 : vector<1x128xf32> to vector<1000x128xf32>
    %add3A_9 = arith.addf %dot_general3A_5, %add3A : vector<1000x128xf32>
    %max3A = arith.constant 0.000000e+00 : f32
    %max3A_10 = vector.broadcast %max3A : f32 to vector<1000x128xf32>
    %max3A_11 = arith.maximumf %add3A_9, %max3A_10 : vector<1000x128xf32>
    %swap3A = arith.constant 0 : index
    %swap3A_12 = arith.constant 0 : index
    %swap3A_13 = vector.load %arg4[%swap3A, %swap3A_12] : memref<1000x128xf32, #tpu.memory_space<vmem>>, vector<1000x128xf32>
    tpu.vector_store %arg4[%swap3A, %swap3A_12], %max3A_11 {strides = array<i32>} : memref<1000x128xf32, #tpu.memory_space<vmem>>, vector<1000x128xf32>,
    return
  }
  func.func @transform_0(%arg0: i32) -> (i32, i32) {
    %c0_i32 = arith.constant 0 : i32
    %c0_i32_0 = arith.constant 0 : i32
    return %arg0, %c0_i32 : i32, i32
  }
  func.func @transform_1(%arg0: i32) -> (i32, i32) {
    %c0_i32 = arith.constant 0 : i32
    %c0_i32_0 = arith.constant 0 : i32
    %c0_i32_1 = arith.constant 0 : i32
    return %c0_i32, %c0_i32_0 : i32, i32
  }
  func.func @transform_2(%arg0: i32) -> (i32, i32) {
    %c0_i32 = arith.constant 0 : i32
    %c0_i32_0 = arith.constant 0 : i32
    %c0_i32_1 = arith.constant 0 : i32
    return %c0_i32, %c0_i32_0 : i32, i32
  }
  func.func @transform_3(%arg0: i32) -> (i32, i32) {
    %c0_i32 = arith.constant 0 : i32
    %c0_i32_0 = arith.constant 0 : i32
    return %arg0, %c0_i32 : i32, i32
  }
}

module attributes {stable_mosaic.version = 14 : i64} {
  func.func @_upd_body(%arg0: i32, %arg1: memref<2x1000x16xf32, #tpu.memory_space<vmem>>, %arg2: memref<2x128x128xf32, #tpu.memory_space<vmem>>, %arg3: memref<2x128x128xf32, #tpu.memory_space<vmem>>, %arg4: memref<2x128xf32, #tpu.memory_space<vmem>>, %arg5: memref<1000x128xf32, #tpu.memory_space<vmem>>, %arg6: memref<1000x128xf32, #tpu.memory_space<vmem>>, %arg7: memref<2x1000x128xf32, #tpu.memory_space<vmem>>, %arg8: memref<2x1000x128xf32, #tpu.memory_space<vmem>>, %arg9: memref<1000x128xf32, #tpu.memory_space<vmem>>, %arg10: memref<1000x128xf32, #tpu.memory_space<vmem>>) attributes {dimension_semantics = [#tpu.dimension_semantics<arbitrary>], iteration_bounds = array<i64: 10>, scalar_prefetch = 0 : i64, scratch_operands = 0 : i64, tpu.core_type = #tpu.core_type<tc>, window_params = [{transform_indices = @transform_0, window_bounds = array<i64: 2, 1000, 16>}, {pipeline_mode = #tpu.pipeline_mode<synchronous>, transform_indices = @transform_1, window_bounds = array<i64: 2, 128, 128>}, {pipeline_mode = #tpu.pipeline_mode<synchronous>, transform_indices = @transform_2, window_bounds = array<i64: 2, 128, 128>}, {pipeline_mode = #tpu.pipeline_mode<synchronous>, transform_indices = @transform_3, window_bounds = array<i64: 2, 128>}, {transform_indices = @transform_4, window_bounds = array<i64: 1000, 128>}, {transform_indices = @transform_5, window_bounds = array<i64: 1000, 128>}, {transform_indices = @transform_6, window_bounds = array<i64: 2, 1000, 128>}, {transform_indices = @transform_7, window_bounds = array<i64: 2, 1000, 128>}, {transform_indices = @transform_8, window_bounds = array<i64: 1000, 128>}, {transform_indices = @transform_9, window_bounds = array<i64: 1000, 128>}]} {
    %get3A = arith.constant 0 : index
    %get3A_0 = arith.constant 0 : index
    %get3A_1 = arith.constant 0 : index
    %get3A_2 = vector.load %arg1[%get3A, %get3A_0, %get3A_1] : memref<2x1000x16xf32, #tpu.memory_space<vmem>>, vector<1x1000x1xf32>
    %get3A_3 = vector.shape_cast %get3A_2 : vector<1x1000x1xf32> to vector<1000x1xf32>
    %get3A_4 = arith.constant 1 : index
    %get3A_5 = arith.constant 0 : index
    %get3A_6 = arith.constant 0 : index
    %get3A_7 = vector.load %arg1[%get3A_4, %get3A_5, %get3A_6] : memref<2x1000x16xf32, #tpu.memory_space<vmem>>, vector<1x1000x1xf32>
    %get3A_8 = vector.shape_cast %get3A_7 : vector<1x1000x1xf32> to vector<1000x1xf32>
    %add3A = arith.addf %get3A_3, %get3A_8 : vector<1000x1xf32>
    %max3A = arith.constant 1.000000e+00 : f32
    %max3A_9 = vector.broadcast %max3A : f32 to vector<1000x1xf32>
    %max3A_10 = arith.maximumf %add3A, %max3A_9 : vector<1000x1xf32>
    %div3A = arith.constant 1.000000e+00 : f32
    %div3A_11 = vector.broadcast %div3A : f32 to vector<1000x1xf32>
    %div3A_12 = arith.divf %div3A_11, %max3A_10 : vector<1000x1xf32>
    %get3A_13 = arith.constant 0 : index
    %get3A_14 = arith.constant 0 : index
    %get3A_15 = arith.constant 0 : index
    %get3A_16 = vector.load %arg7[%get3A_13, %get3A_14, %get3A_15] : memref<2x1000x128xf32, #tpu.memory_space<vmem>>, vector<1x1000x128xf32>
    %get3A_17 = vector.shape_cast %get3A_16 : vector<1x1000x128xf32> to vector<1000x128xf32>
    %get3A_18 = arith.constant 1 : index
    %get3A_19 = arith.constant 0 : index
    %get3A_20 = arith.constant 0 : index
    %get3A_21 = vector.load %arg7[%get3A_18, %get3A_19, %get3A_20] : memref<2x1000x128xf32, #tpu.memory_space<vmem>>, vector<1x1000x128xf32>
    %get3A_22 = vector.shape_cast %get3A_21 : vector<1x1000x128xf32> to vector<1000x128xf32>
    %add3A_23 = arith.addf %get3A_17, %get3A_22 : vector<1000x128xf32>
    %mul3A = vector.broadcast %div3A_12 : vector<1000x1xf32> to vector<1000x128xf32>
    %mul3A_24 = arith.mulf %add3A_23, %mul3A : vector<1000x128xf32>
    %get3A_25 = arith.constant 0 : index
    %get3A_26 = arith.constant 0 : index
    %get3A_27 = vector.load %arg5[%get3A_25, %get3A_26] : memref<1000x128xf32, #tpu.memory_space<vmem>>, vector<1000x128xf32>
    %get3A_28 = arith.constant 0 : index
    %get3A_29 = arith.constant 0 : index
    %get3A_30 = arith.constant 0 : index
    %get3A_31 = vector.load %arg2[%get3A_28, %get3A_29, %get3A_30] : memref<2x128x128xf32, #tpu.memory_space<vmem>>, vector<1x128x128xf32>
    %get3A_32 = vector.shape_cast %get3A_31 : vector<1x128x128xf32> to vector<128x128xf32>
    %dot_general3A = arith.constant dense<0.000000e+00> : vector<1000x128xf32>
    %dot_general3A_33 = tpu.matmul %get3A_27, %get3A_32, %dot_general3A {dimension_numbers = #tpu.dot_dimension_numbers<[1], [0], [0], [1], [0, 0, 1, 1], [], []>, transpose_lhs_hint = false} : vector<1000x128xf32>, vector<128x128xf32>, vector<1000x128xf32> -> vector<1000x128xf32>
    %get3A_34 = arith.constant 0 : index
    %get3A_35 = arith.constant 0 : index
    %get3A_36 = arith.constant 0 : index
    %get3A_37 = vector.load %arg3[%get3A_34, %get3A_35, %get3A_36] : memref<2x128x128xf32, #tpu.memory_space<vmem>>, vector<1x128x128xf32>
    %get3A_38 = vector.shape_cast %get3A_37 : vector<1x128x128xf32> to vector<128x128xf32>
    %dot_general3A_39 = arith.constant dense<0.000000e+00> : vector<1000x128xf32>
    %dot_general3A_40 = tpu.matmul %mul3A_24, %get3A_38, %dot_general3A_39 {dimension_numbers = #tpu.dot_dimension_numbers<[1], [0], [0], [1], [0, 0, 1, 1], [], []>, transpose_lhs_hint = false} : vector<1000x128xf32>, vector<128x128xf32>, vector<1000x128xf32> -> vector<1000x128xf32>
    %add3A_41 = arith.addf %dot_general3A_33, %dot_general3A_40 : vector<1000x128xf32>
    %get3A_42 = arith.constant 0 : index
    %get3A_43 = arith.constant 0 : index
    %get3A_44 = vector.load %arg4[%get3A_42, %get3A_43] : memref<2x128xf32, #tpu.memory_space<vmem>>, vector<1x128xf32>
    %get3A_45 = vector.shape_cast %get3A_44 : vector<1x128xf32> to vector<128xf32>
    %broadcast_in_dim3A = vector.shape_cast %get3A_45 : vector<128xf32> to vector<1x128xf32>
    %add3A_46 = vector.broadcast %broadcast_in_dim3A : vector<1x128xf32> to vector<1000x128xf32>
    %add3A_47 = arith.addf %add3A_41, %add3A_46 : vector<1000x128xf32>
    %max3A_48 = arith.constant 0.000000e+00 : f32
    %max3A_49 = vector.broadcast %max3A_48 : f32 to vector<1000x128xf32>
    %max3A_50 = arith.maximumf %add3A_47, %max3A_49 : vector<1000x128xf32>
    %swap3A = arith.constant 0 : index
    %swap3A_51 = arith.constant 0 : index
    %swap3A_52 = vector.load %arg9[%swap3A, %swap3A_51] : memref<1000x128xf32, #tpu.memory_space<vmem>>, vector<1000x128xf32>
    tpu.vector_store %arg9[%swap3A, %swap3A_51], %max3A_50 {strides = array<i32>} : memref<1000x128xf32, #tpu.memory_space<vmem>>, vector<1000x128xf32>,
    %get3A_53 = arith.constant 0 : index
    %get3A_54 = arith.constant 0 : index
    %get3A_55 = arith.constant 0 : index
    %get3A_56 = vector.load %arg8[%get3A_53, %get3A_54, %get3A_55] : memref<2x1000x128xf32, #tpu.memory_space<vmem>>, vector<1x1000x128xf32>
    %get3A_57 = vector.shape_cast %get3A_56 : vector<1x1000x128xf32> to vector<1000x128xf32>
    %get3A_58 = arith.constant 1 : index
    %get3A_59 = arith.constant 0 : index
    %get3A_60 = arith.constant 0 : index
    %get3A_61 = vector.load %arg8[%get3A_58, %get3A_59, %get3A_60] : memref<2x1000x128xf32, #tpu.memory_space<vmem>>, vector<1x1000x128xf32>
    %get3A_62 = vector.shape_cast %get3A_61 : vector<1x1000x128xf32> to vector<1000x128xf32>
    %add3A_63 = arith.addf %get3A_57, %get3A_62 : vector<1000x128xf32>
    %mul3A_64 = vector.broadcast %div3A_12 : vector<1000x1xf32> to vector<1000x128xf32>
    %mul3A_65 = arith.mulf %add3A_63, %mul3A_64 : vector<1000x128xf32>
    %get3A_66 = arith.constant 0 : index
    %get3A_67 = arith.constant 0 : index
    %get3A_68 = vector.load %arg6[%get3A_66, %get3A_67] : memref<1000x128xf32, #tpu.memory_space<vmem>>, vector<1000x128xf32>
    %get3A_69 = arith.constant 1 : index
    %get3A_70 = arith.constant 0 : index
    %get3A_71 = arith.constant 0 : index
    %get3A_72 = vector.load %arg2[%get3A_69, %get3A_70, %get3A_71] : memref<2x128x128xf32, #tpu.memory_space<vmem>>, vector<1x128x128xf32>
    %get3A_73 = vector.shape_cast %get3A_72 : vector<1x128x128xf32> to vector<128x128xf32>
    %dot_general3A_74 = arith.constant dense<0.000000e+00> : vector<1000x128xf32>
    %dot_general3A_75 = tpu.matmul %get3A_68, %get3A_73, %dot_general3A_74 {dimension_numbers = #tpu.dot_dimension_numbers<[1], [0], [0], [1], [0, 0, 1, 1], [], []>, transpose_lhs_hint = false} : vector<1000x128xf32>, vector<128x128xf32>, vector<1000x128xf32> -> vector<1000x128xf32>
    %get3A_76 = arith.constant 1 : index
    %get3A_77 = arith.constant 0 : index
    %get3A_78 = arith.constant 0 : index
    %get3A_79 = vector.load %arg3[%get3A_76, %get3A_77, %get3A_78] : memref<2x128x128xf32, #tpu.memory_space<vmem>>, vector<1x128x128xf32>
    %get3A_80 = vector.shape_cast %get3A_79 : vector<1x128x128xf32> to vector<128x128xf32>
    %dot_general3A_81 = arith.constant dense<0.000000e+00> : vector<1000x128xf32>
    %dot_general3A_82 = tpu.matmul %mul3A_65, %get3A_80, %dot_general3A_81 {dimension_numbers = #tpu.dot_dimension_numbers<[1], [0], [0], [1], [0, 0, 1, 1], [], []>, transpose_lhs_hint = false} : vector<1000x128xf32>, vector<128x128xf32>, vector<1000x128xf32> -> vector<1000x128xf32>
    %add3A_83 = arith.addf %dot_general3A_75, %dot_general3A_82 : vector<1000x128xf32>
    %get3A_84 = arith.constant 1 : index
    %get3A_85 = arith.constant 0 : index
    %get3A_86 = vector.load %arg4[%get3A_84, %get3A_85] : memref<2x128xf32, #tpu.memory_space<vmem>>, vector<1x128xf32>
    %get3A_87 = vector.shape_cast %get3A_86 : vector<1x128xf32> to vector<128xf32>
    %broadcast_in_dim3A_88 = vector.shape_cast %get3A_87 : vector<128xf32> to vector<1x128xf32>
    %add3A_89 = vector.broadcast %broadcast_in_dim3A_88 : vector<1x128xf32> to vector<1000x128xf32>
    %add3A_90 = arith.addf %add3A_83, %add3A_89 : vector<1000x128xf32>
    %max3A_91 = arith.constant 0.000000e+00 : f32
    %max3A_92 = vector.broadcast %max3A_91 : f32 to vector<1000x128xf32>
    %max3A_93 = arith.maximumf %add3A_90, %max3A_92 : vector<1000x128xf32>
    %swap3A_94 = arith.constant 0 : index
    %swap3A_95 = arith.constant 0 : index
    %swap3A_96 = vector.load %arg10[%swap3A_94, %swap3A_95] : memref<1000x128xf32, #tpu.memory_space<vmem>>, vector<1000x128xf32>
    tpu.vector_store %arg10[%swap3A_94, %swap3A_95], %max3A_93 {strides = array<i32>} : memref<1000x128xf32, #tpu.memory_space<vmem>>, vector<1000x128xf32>,
    return
  }
  func.func @transform_0(%arg0: i32) -> (i32, i32, i32) {
    %c0_i32 = arith.constant 0 : i32
    %c0_i32_0 = arith.constant 0 : i32
    %c0_i32_1 = arith.constant 0 : i32
    return %c0_i32, %arg0, %c0_i32_0 : i32, i32, i32
  }
  func.func @transform_1(%arg0: i32) -> (i32, i32, i32) {
    %c0_i32 = arith.constant 0 : i32
    %c0_i32_0 = arith.constant 0 : i32
    %c0_i32_1 = arith.constant 0 : i32
    %c0_i32_2 = arith.constant 0 : i32
    return %c0_i32, %c0_i32_0, %c0_i32_1 : i32, i32, i32
  }
  func.func @transform_2(%arg0: i32) -> (i32, i32, i32) {
    %c0_i32 = arith.constant 0 : i32
    %c0_i32_0 = arith.constant 0 : i32
    %c0_i32_1 = arith.constant 0 : i32
    %c0_i32_2 = arith.constant 0 : i32
    return %c0_i32, %c0_i32_0, %c0_i32_1 : i32, i32, i32
  }
  func.func @transform_3(%arg0: i32) -> (i32, i32) {
    %c0_i32 = arith.constant 0 : i32
    %c0_i32_0 = arith.constant 0 : i32
    %c0_i32_1 = arith.constant 0 : i32
    return %c0_i32, %c0_i32_0 : i32, i32
  }
  func.func @transform_4(%arg0: i32) -> (i32, i32) {
    %c0_i32 = arith.constant 0 : i32
    %c0_i32_0 = arith.constant 0 : i32
    return %arg0, %c0_i32 : i32, i32
  }
  func.func @transform_5(%arg0: i32) -> (i32, i32) {
    %c0_i32 = arith.constant 0 : i32
    %c0_i32_0 = arith.constant 0 : i32
    return %arg0, %c0_i32 : i32, i32
  }
  func.func @transform_6(%arg0: i32) -> (i32, i32, i32) {
    %c0_i32 = arith.constant 0 : i32
    %c0_i32_0 = arith.constant 0 : i32
    %c0_i32_1 = arith.constant 0 : i32
    return %c0_i32, %arg0, %c0_i32_0 : i32, i32, i32
  }
  func.func @transform_7(%arg0: i32) -> (i32, i32, i32) {
    %c0_i32 = arith.constant 0 : i32
    %c0_i32_0 = arith.constant 0 : i32
    %c0_i32_1 = arith.constant 0 : i32
    return %c0_i32, %arg0, %c0_i32_0 : i32, i32, i32
  }
  func.func @transform_8(%arg0: i32) -> (i32, i32) {
    %c0_i32 = arith.constant 0 : i32
    %c0_i32_0 = arith.constant 0 : i32
    return %arg0, %c0_i32 : i32, i32
  }
  func.func @transform_9(%arg0: i32) -> (i32, i32) {
    %c0_i32 = arith.constant 0 : i32
    %c0_i32_0 = arith.constant 0 : i32
    return %arg0, %c0_i32 : i32, i32
  }
}

module attributes {stable_mosaic.version = 14 : i64} {
  func.func @_upd_body(%arg0: i32, %arg1: memref<2x1000x16xf32, #tpu.memory_space<vmem>>, %arg2: memref<1x128x128xf32, #tpu.memory_space<vmem>>, %arg3: memref<1x128x128xf32, #tpu.memory_space<vmem>>, %arg4: memref<1x128xf32, #tpu.memory_space<vmem>>, %arg5: memref<1000x128xf32, #tpu.memory_space<vmem>>, %arg6: memref<2x1000x128xf32, #tpu.memory_space<vmem>>, %arg7: memref<1000x128xf32, #tpu.memory_space<vmem>>) attributes {dimension_semantics = [#tpu.dimension_semantics<arbitrary>], iteration_bounds = array<i64: 10>, scalar_prefetch = 0 : i64, scratch_operands = 0 : i64, tpu.core_type = #tpu.core_type<tc>, window_params = [{transform_indices = @transform_0, window_bounds = array<i64: 2, 1000, 16>}, {pipeline_mode = #tpu.pipeline_mode<synchronous>, transform_indices = @transform_1, window_bounds = array<i64: 1, 128, 128>}, {pipeline_mode = #tpu.pipeline_mode<synchronous>, transform_indices = @transform_2, window_bounds = array<i64: 1, 128, 128>}, {pipeline_mode = #tpu.pipeline_mode<synchronous>, transform_indices = @transform_3, window_bounds = array<i64: 1, 128>}, {transform_indices = @transform_4, window_bounds = array<i64: 1000, 128>}, {transform_indices = @transform_5, window_bounds = array<i64: 2, 1000, 128>}, {transform_indices = @transform_6, window_bounds = array<i64: 1000, 128>}]} {
    %get3A = arith.constant 0 : index
    %get3A_0 = arith.constant 0 : index
    %get3A_1 = arith.constant 0 : index
    %get3A_2 = vector.load %arg1[%get3A, %get3A_0, %get3A_1] : memref<2x1000x16xf32, #tpu.memory_space<vmem>>, vector<1x1000x1xf32>
    %get3A_3 = vector.shape_cast %get3A_2 : vector<1x1000x1xf32> to vector<1000x1xf32>
    %get3A_4 = arith.constant 1 : index
    %get3A_5 = arith.constant 0 : index
    %get3A_6 = arith.constant 0 : index
    %get3A_7 = vector.load %arg1[%get3A_4, %get3A_5, %get3A_6] : memref<2x1000x16xf32, #tpu.memory_space<vmem>>, vector<1x1000x1xf32>
    %get3A_8 = vector.shape_cast %get3A_7 : vector<1x1000x1xf32> to vector<1000x1xf32>
    %add3A = arith.addf %get3A_3, %get3A_8 : vector<1000x1xf32>
    %max3A = arith.constant 1.000000e+00 : f32
    %max3A_9 = vector.broadcast %max3A : f32 to vector<1000x1xf32>
    %max3A_10 = arith.maximumf %add3A, %max3A_9 : vector<1000x1xf32>
    %div3A = arith.constant 1.000000e+00 : f32
    %div3A_11 = vector.broadcast %div3A : f32 to vector<1000x1xf32>
    %div3A_12 = arith.divf %div3A_11, %max3A_10 : vector<1000x1xf32>
    %get3A_13 = arith.constant 0 : index
    %get3A_14 = arith.constant 0 : index
    %get3A_15 = arith.constant 0 : index
    %get3A_16 = vector.load %arg6[%get3A_13, %get3A_14, %get3A_15] : memref<2x1000x128xf32, #tpu.memory_space<vmem>>, vector<1x1000x128xf32>
    %get3A_17 = vector.shape_cast %get3A_16 : vector<1x1000x128xf32> to vector<1000x128xf32>
    %get3A_18 = arith.constant 1 : index
    %get3A_19 = arith.constant 0 : index
    %get3A_20 = arith.constant 0 : index
    %get3A_21 = vector.load %arg6[%get3A_18, %get3A_19, %get3A_20] : memref<2x1000x128xf32, #tpu.memory_space<vmem>>, vector<1x1000x128xf32>
    %get3A_22 = vector.shape_cast %get3A_21 : vector<1x1000x128xf32> to vector<1000x128xf32>
    %add3A_23 = arith.addf %get3A_17, %get3A_22 : vector<1000x128xf32>
    %mul3A = vector.broadcast %div3A_12 : vector<1000x1xf32> to vector<1000x128xf32>
    %mul3A_24 = arith.mulf %add3A_23, %mul3A : vector<1000x128xf32>
    %get3A_25 = arith.constant 0 : index
    %get3A_26 = arith.constant 0 : index
    %get3A_27 = vector.load %arg5[%get3A_25, %get3A_26] : memref<1000x128xf32, #tpu.memory_space<vmem>>, vector<1000x128xf32>
    %get3A_28 = arith.constant 0 : index
    %get3A_29 = arith.constant 0 : index
    %get3A_30 = arith.constant 0 : index
    %get3A_31 = vector.load %arg2[%get3A_28, %get3A_29, %get3A_30] : memref<1x128x128xf32, #tpu.memory_space<vmem>>, vector<1x128x128xf32>
    %get3A_32 = vector.shape_cast %get3A_31 : vector<1x128x128xf32> to vector<128x128xf32>
    %dot_general3A = arith.constant dense<0.000000e+00> : vector<1000x128xf32>
    %dot_general3A_33 = tpu.matmul %get3A_27, %get3A_32, %dot_general3A {dimension_numbers = #tpu.dot_dimension_numbers<[1], [0], [0], [1], [0, 0, 1, 1], [], []>, transpose_lhs_hint = false} : vector<1000x128xf32>, vector<128x128xf32>, vector<1000x128xf32> -> vector<1000x128xf32>
    %get3A_34 = arith.constant 0 : index
    %get3A_35 = arith.constant 0 : index
    %get3A_36 = arith.constant 0 : index
    %get3A_37 = vector.load %arg3[%get3A_34, %get3A_35, %get3A_36] : memref<1x128x128xf32, #tpu.memory_space<vmem>>, vector<1x128x128xf32>
    %get3A_38 = vector.shape_cast %get3A_37 : vector<1x128x128xf32> to vector<128x128xf32>
    %dot_general3A_39 = arith.constant dense<0.000000e+00> : vector<1000x128xf32>
    %dot_general3A_40 = tpu.matmul %mul3A_24, %get3A_38, %dot_general3A_39 {dimension_numbers = #tpu.dot_dimension_numbers<[1], [0], [0], [1], [0, 0, 1, 1], [], []>, transpose_lhs_hint = false} : vector<1000x128xf32>, vector<128x128xf32>, vector<1000x128xf32> -> vector<1000x128xf32>
    %add3A_41 = arith.addf %dot_general3A_33, %dot_general3A_40 : vector<1000x128xf32>
    %get3A_42 = arith.constant 0 : index
    %get3A_43 = arith.constant 0 : index
    %get3A_44 = vector.load %arg4[%get3A_42, %get3A_43] : memref<1x128xf32, #tpu.memory_space<vmem>>, vector<1x128xf32>
    %get3A_45 = vector.shape_cast %get3A_44 : vector<1x128xf32> to vector<128xf32>
    %broadcast_in_dim3A = vector.shape_cast %get3A_45 : vector<128xf32> to vector<1x128xf32>
    %add3A_46 = vector.broadcast %broadcast_in_dim3A : vector<1x128xf32> to vector<1000x128xf32>
    %add3A_47 = arith.addf %add3A_41, %add3A_46 : vector<1000x128xf32>
    %max3A_48 = arith.constant 0.000000e+00 : f32
    %max3A_49 = vector.broadcast %max3A_48 : f32 to vector<1000x128xf32>
    %max3A_50 = arith.maximumf %add3A_47, %max3A_49 : vector<1000x128xf32>
    %swap3A = arith.constant 0 : index
    %swap3A_51 = arith.constant 0 : index
    %swap3A_52 = vector.load %arg7[%swap3A, %swap3A_51] : memref<1000x128xf32, #tpu.memory_space<vmem>>, vector<1000x128xf32>
    tpu.vector_store %arg7[%swap3A, %swap3A_51], %max3A_50 {strides = array<i32>} : memref<1000x128xf32, #tpu.memory_space<vmem>>, vector<1000x128xf32>,
    return
  }
  func.func @transform_0(%arg0: i32) -> (i32, i32, i32) {
    %c0_i32 = arith.constant 0 : i32
    %c0_i32_0 = arith.constant 0 : i32
    %c0_i32_1 = arith.constant 0 : i32
    return %c0_i32, %arg0, %c0_i32_0 : i32, i32, i32
  }
  func.func @transform_1(%arg0: i32) -> (i32, i32, i32) {
    %c0_i32 = arith.constant 0 : i32
    %c0_i32_0 = arith.constant 0 : i32
    %c0_i32_1 = arith.constant 0 : i32
    %c0_i32_2 = arith.constant 0 : i32
    return %c0_i32, %c0_i32_0, %c0_i32_1 : i32, i32, i32
  }
  func.func @transform_2(%arg0: i32) -> (i32, i32, i32) {
    %c0_i32 = arith.constant 0 : i32
    %c0_i32_0 = arith.constant 0 : i32
    %c0_i32_1 = arith.constant 0 : i32
    %c0_i32_2 = arith.constant 0 : i32
    return %c0_i32, %c0_i32_0, %c0_i32_1 : i32, i32, i32
  }
  func.func @transform_3(%arg0: i32) -> (i32, i32) {
    %c0_i32 = arith.constant 0 : i32
    %c0_i32_0 = arith.constant 0 : i32
    %c0_i32_1 = arith.constant 0 : i32
    return %c0_i32, %c0_i32_0 : i32, i32
  }
  func.func @transform_4(%arg0: i32) -> (i32, i32) {
    %c0_i32 = arith.constant 0 : i32
    %c0_i32_0 = arith.constant 0 : i32
    return %arg0, %c0_i32 : i32, i32
  }
  func.func @transform_5(%arg0: i32) -> (i32, i32, i32) {
    %c0_i32 = arith.constant 0 : i32
    %c0_i32_0 = arith.constant 0 : i32
    %c0_i32_1 = arith.constant 0 : i32
    return %c0_i32, %arg0, %c0_i32_0 : i32, i32, i32
  }
  func.func @transform_6(%arg0: i32) -> (i32, i32) {
    %c0_i32 = arith.constant 0 : i32
    %c0_i32_0 = arith.constant 0 : i32
    return %arg0, %c0_i32 : i32, i32
  }
}

module attributes {stable_mosaic.version = 14 : i64} {
  func.func @_fusion_body(%arg0: i32, %arg1: memref<1000x128xf32, #tpu.memory_space<vmem>>, %arg2: memref<1000x128xf32, #tpu.memory_space<vmem>>, %arg3: memref<1000x128xf32, #tpu.memory_space<vmem>>, %arg4: memref<2x1000x128xf32, #tpu.memory_space<vmem>>, %arg5: memref<2x1000x16xf32, #tpu.memory_space<vmem>>, %arg6: memref<128x128xf32, #tpu.memory_space<vmem>>, %arg7: memref<128x128xf32, #tpu.memory_space<vmem>>, %arg8: memref<1x128xf32, #tpu.memory_space<vmem>>, %arg9: memref<128x64xf32, #tpu.memory_space<vmem>>, %arg10: memref<1x64xf32, #tpu.memory_space<vmem>>, %arg11: memref<128x128xf32, #tpu.memory_space<vmem>>, %arg12: memref<1x128xf32, #tpu.memory_space<vmem>>, %arg13: memref<128x128xf32, #tpu.memory_space<vmem>>, %arg14: memref<1x128xf32, #tpu.memory_space<vmem>>, %arg15: memref<128x128xf32, #tpu.memory_space<vmem>>, %arg16: memref<1x128xf32, #tpu.memory_space<vmem>>, %arg17: memref<128x128xf32, #tpu.memory_space<vmem>>, %arg18: memref<1x128xf32, #tpu.memory_space<vmem>>, %arg19: memref<1000x128xf32, #tpu.memory_space<vmem>>, %arg20: memref<1000x128xf32, #tpu.memory_space<vmem>>, %arg21: memref<1x128xf32, #tpu.memory_space<vmem>>, %arg22: memref<1x128xf32, #tpu.memory_space<vmem>>, %arg23: memref<8x128xf32, #tpu.memory_space<vmem>>) attributes {dimension_semantics = [#tpu.dimension_semantics<arbitrary>], iteration_bounds = array<i64: 10>, scalar_prefetch = 0 : i64, scratch_operands = 1 : i64, tpu.core_type = #tpu.core_type<tc>, window_params = [{transform_indices = @transform_0, window_bounds = array<i64: 1000, 128>}, {transform_indices = @transform_1, window_bounds = array<i64: 1000, 128>}, {transform_indices = @transform_2, window_bounds = array<i64: 1000, 128>}, {transform_indices = @transform_3, window_bounds = array<i64: 2, 1000, 128>}, {transform_indices = @transform_4, window_bounds = array<i64: 2, 1000, 16>}, {pipeline_mode = #tpu.pipeline_mode<synchronous>, transform_indices = @transform_5, window_bounds = array<i64: 128, 128>}, {pipeline_mode = #tpu.pipeline_mode<synchronous>, transform_indices = @transform_6, window_bounds = array<i64: 128, 128>}, {pipeline_mode = #tpu.pipeline_mode<synchronous>, transform_indices = @transform_7, window_bounds = array<i64: 1, 128>}, {pipeline_mode = #tpu.pipeline_mode<synchronous>, transform_indices = @transform_8, window_bounds = array<i64: 128, 64>}, {pipeline_mode = #tpu.pipeline_mode<synchronous>, transform_indices = @transform_9, window_bounds = array<i64: 1, 64>}, {pipeline_mode = #tpu.pipeline_mode<synchronous>, transform_indices = @transform_10, window_bounds = array<i64: 128, 128>}, {pipeline_mode = #tpu.pipeline_mode<synchronous>, transform_indices = @transform_11, window_bounds = array<i64: 1, 128>}, {pipeline_mode = #tpu.pipeline_mode<synchronous>, transform_indices = @transform_12, window_bounds = array<i64: 128, 128>}, {pipeline_mode = #tpu.pipeline_mode<synchronous>, transform_indices = @transform_13, window_bounds = array<i64: 1, 128>}, {pipeline_mode = #tpu.pipeline_mode<synchronous>, transform_indices = @transform_14, window_bounds = array<i64: 128, 128>}, {pipeline_mode = #tpu.pipeline_mode<synchronous>, transform_indices = @transform_15, window_bounds = array<i64: 1, 128>}, {pipeline_mode = #tpu.pipeline_mode<synchronous>, transform_indices = @transform_16, window_bounds = array<i64: 128, 128>}, {pipeline_mode = #tpu.pipeline_mode<synchronous>, transform_indices = @transform_17, window_bounds = array<i64: 1, 128>}, {transform_indices = @transform_18, window_bounds = array<i64: 1000, 128>}, {transform_indices = @transform_19, window_bounds = array<i64: 1000, 128>}, {pipeline_mode = #tpu.pipeline_mode<synchronous>, transform_indices = @transform_20, window_bounds = array<i64: 1, 128>}, {pipeline_mode = #tpu.pipeline_mode<synchronous>, transform_indices = @transform_21, window_bounds = array<i64: 1, 128>}]} {
    %eq3A = arith.constant 0 : i32
    %eq3A_0 = arith.cmpi eq, %arg0, %eq3A : i32
    %convert_element_type3A = arith.extui %eq3A_0 : i1 to i32
    %cond3A = arith.constant 0 : i32
    %cond3A_1 = arith.cmpi ne, %convert_element_type3A, %cond3A : i32
    scf.if %cond3A_1 {
      %broadcast_in_dim3A_174 = arith.constant 0.000000e+00 : f32
      %broadcast_in_dim3A_175 = vector.broadcast %broadcast_in_dim3A_174 : f32 to vector<8x128xf32>
      %swap3A_176 = arith.constant 0 : index
      %swap3A_177 = arith.constant 0 : index
      %swap3A_178 = vector.load %arg23[%swap3A_176, %swap3A_177] : memref<8x128xf32, #tpu.memory_space<vmem>>, vector<8x128xf32>
      tpu.vector_store %arg23[%swap3A_176, %swap3A_177], %broadcast_in_dim3A_175 {strides = array<i32>} : memref<8x128xf32, #tpu.memory_space<vmem>>, vector<8x128xf32>,
    } else {
    }
    %get3A = arith.constant 0 : index
    %get3A_2 = arith.constant 0 : index
    %get3A_3 = arith.constant 0 : index
    %get3A_4 = vector.load %arg5[%get3A, %get3A_2, %get3A_3] : memref<2x1000x16xf32, #tpu.memory_space<vmem>>, vector<1x1000x1xf32>
    %get3A_5 = vector.shape_cast %get3A_4 : vector<1x1000x1xf32> to vector<1000x1xf32>
    %get3A_6 = arith.constant 1 : index
    %get3A_7 = arith.constant 0 : index
    %get3A_8 = arith.constant 0 : index
    %get3A_9 = vector.load %arg5[%get3A_6, %get3A_7, %get3A_8] : memref<2x1000x16xf32, #tpu.memory_space<vmem>>, vector<1x1000x1xf32>
    %get3A_10 = vector.shape_cast %get3A_9 : vector<1x1000x1xf32> to vector<1000x1xf32>
    %add3A = arith.addf %get3A_5, %get3A_10 : vector<1000x1xf32>
    %max3A = arith.constant 1.000000e+00 : f32
    %max3A_11 = vector.broadcast %max3A : f32 to vector<1000x1xf32>
    %max3A_12 = arith.maximumf %add3A, %max3A_11 : vector<1000x1xf32>
    %div3A = arith.constant 1.000000e+00 : f32
    %div3A_13 = vector.broadcast %div3A : f32 to vector<1000x1xf32>
    %div3A_14 = arith.divf %div3A_13, %max3A_12 : vector<1000x1xf32>
    %get3A_15 = arith.constant 0 : index
    %get3A_16 = arith.constant 0 : index
    %get3A_17 = arith.constant 0 : index
    %get3A_18 = vector.load %arg4[%get3A_15, %get3A_16, %get3A_17] : memref<2x1000x128xf32, #tpu.memory_space<vmem>>, vector<1x1000x128xf32>
    %get3A_19 = vector.shape_cast %get3A_18 : vector<1x1000x128xf32> to vector<1000x128xf32>
    %get3A_20 = arith.constant 1 : index
    %get3A_21 = arith.constant 0 : index
    %get3A_22 = arith.constant 0 : index
    %get3A_23 = vector.load %arg4[%get3A_20, %get3A_21, %get3A_22] : memref<2x1000x128xf32, #tpu.memory_space<vmem>>, vector<1x1000x128xf32>
    %get3A_24 = vector.shape_cast %get3A_23 : vector<1x1000x128xf32> to vector<1000x128xf32>
    %add3A_25 = arith.addf %get3A_19, %get3A_24 : vector<1000x128xf32>
    %mul3A = vector.broadcast %div3A_14 : vector<1000x1xf32> to vector<1000x128xf32>
    %mul3A_26 = arith.mulf %add3A_25, %mul3A : vector<1000x128xf32>
    %get3A_27 = arith.constant 0 : index
    %get3A_28 = arith.constant 0 : index
    %get3A_29 = vector.load %arg1[%get3A_27, %get3A_28] : memref<1000x128xf32, #tpu.memory_space<vmem>>, vector<1000x128xf32>
    %get3A_30 = arith.constant 0 : index
    %get3A_31 = arith.constant 0 : index
    %get3A_32 = vector.load %arg6[%get3A_30, %get3A_31] : memref<128x128xf32, #tpu.memory_space<vmem>>, vector<128x128xf32>
    %dot_general3A = arith.constant dense<0.000000e+00> : vector<1000x128xf32>
    %dot_general3A_33 = tpu.matmul %get3A_29, %get3A_32, %dot_general3A {dimension_numbers = #tpu.dot_dimension_numbers<[1], [0], [0], [1], [0, 0, 1, 1], [], []>, transpose_lhs_hint = false} : vector<1000x128xf32>, vector<128x128xf32>, vector<1000x128xf32> -> vector<1000x128xf32>
    %get3A_34 = arith.constant 0 : index
    %get3A_35 = arith.constant 0 : index
    %get3A_36 = vector.load %arg7[%get3A_34, %get3A_35] : memref<128x128xf32, #tpu.memory_space<vmem>>, vector<128x128xf32>
    %dot_general3A_37 = arith.constant dense<0.000000e+00> : vector<1000x128xf32>
    %dot_general3A_38 = tpu.matmul %mul3A_26, %get3A_36, %dot_general3A_37 {dimension_numbers = #tpu.dot_dimension_numbers<[1], [0], [0], [1], [0, 0, 1, 1], [], []>, transpose_lhs_hint = false} : vector<1000x128xf32>, vector<128x128xf32>, vector<1000x128xf32> -> vector<1000x128xf32>
    %add3A_39 = arith.addf %dot_general3A_33, %dot_general3A_38 : vector<1000x128xf32>
    %get3A_40 = arith.constant 0 : index
    %get3A_41 = arith.constant 0 : index
    %get3A_42 = vector.load %arg8[%get3A_40, %get3A_41] : memref<1x128xf32, #tpu.memory_space<vmem>>, vector<1x128xf32>
    %add3A_43 = vector.broadcast %get3A_42 : vector<1x128xf32> to vector<1000x128xf32>
    %add3A_44 = arith.addf %add3A_39, %add3A_43 : vector<1000x128xf32>
    %max3A_45 = arith.constant 0.000000e+00 : f32
    %max3A_46 = vector.broadcast %max3A_45 : f32 to vector<1000x128xf32>
    %max3A_47 = arith.maximumf %add3A_44, %max3A_46 : vector<1000x128xf32>
    %get3A_48 = arith.constant 0 : index
    %get3A_49 = arith.constant 0 : index
    %get3A_50 = vector.load %arg2[%get3A_48, %get3A_49] : memref<1000x128xf32, #tpu.memory_space<vmem>>, vector<1000x128xf32>
    %get3A_51 = arith.constant 0 : index
    %get3A_52 = arith.constant 0 : index
    %get3A_53 = vector.load %arg3[%get3A_51, %get3A_52] : memref<1000x128xf32, #tpu.memory_space<vmem>>, vector<1000x128xf32>
    %get3A_54 = arith.constant 0 : index
    %get3A_55 = arith.constant 0 : index
    %get3A_56 = vector.load %arg23[%get3A_54, %get3A_55] : memref<8x128xf32, #tpu.memory_space<vmem>>, vector<1x128xf32>
    %reduce_sum3A = arith.constant dense<0.000000e+00> : vector<128xf32>
    %reduce_sum3A_57 = vector.multi_reduction <add>, %max3A_47, %reduce_sum3A [0] : vector<1000x128xf32> to vector<128xf32>
    %broadcast_in_dim3A = vector.shape_cast %reduce_sum3A_57 : vector<128xf32> to vector<1x128xf32>
    %add3A_58 = arith.addf %get3A_56, %broadcast_in_dim3A : vector<1x128xf32>
    %swap3A = arith.constant 0 : index
    %swap3A_59 = arith.constant 0 : index
    %swap3A_60 = vector.load %arg23[%swap3A, %swap3A_59] : memref<8x128xf32, #tpu.memory_space<vmem>>, vector<1x128xf32>
    tpu.vector_store %arg23[%swap3A, %swap3A_59], %add3A_58 {strides = array<i32>} : memref<8x128xf32, #tpu.memory_space<vmem>>, vector<1x128xf32>,
    %get3A_61 = arith.constant 1 : index
    %get3A_62 = arith.constant 0 : index
    %get3A_63 = vector.load %arg23[%get3A_61, %get3A_62] : memref<8x128xf32, #tpu.memory_space<vmem>>, vector<1x128xf32>
    %reduce_sum3A_64 = arith.constant dense<0.000000e+00> : vector<128xf32>
    %reduce_sum3A_65 = vector.multi_reduction <add>, %get3A_50, %reduce_sum3A_64 [0] : vector<1000x128xf32> to vector<128xf32>
    %broadcast_in_dim3A_66 = vector.shape_cast %reduce_sum3A_65 : vector<128xf32> to vector<1x128xf32>
    %add3A_67 = arith.addf %get3A_63, %broadcast_in_dim3A_66 : vector<1x128xf32>
    %swap3A_68 = arith.constant 1 : index
    %swap3A_69 = arith.constant 0 : index
    %swap3A_70 = vector.load %arg23[%swap3A_68, %swap3A_69] : memref<8x128xf32, #tpu.memory_space<vmem>>, vector<1x128xf32>
    tpu.vector_store %arg23[%swap3A_68, %swap3A_69], %add3A_67 {strides = array<i32>} : memref<8x128xf32, #tpu.memory_space<vmem>>, vector<1x128xf32>,
    %get3A_71 = arith.constant 2 : index
    %get3A_72 = arith.constant 0 : index
    %get3A_73 = vector.load %arg23[%get3A_71, %get3A_72] : memref<8x128xf32, #tpu.memory_space<vmem>>, vector<1x128xf32>
    %reduce_sum3A_74 = arith.constant dense<0.000000e+00> : vector<128xf32>
    %reduce_sum3A_75 = vector.multi_reduction <add>, %get3A_53, %reduce_sum3A_74 [0] : vector<1000x128xf32> to vector<128xf32>
    %broadcast_in_dim3A_76 = vector.shape_cast %reduce_sum3A_75 : vector<128xf32> to vector<1x128xf32>
    %add3A_77 = arith.addf %get3A_73, %broadcast_in_dim3A_76 : vector<1x128xf32>
    %swap3A_78 = arith.constant 2 : index
    %swap3A_79 = arith.constant 0 : index
    %swap3A_80 = vector.load %arg23[%swap3A_78, %swap3A_79] : memref<8x128xf32, #tpu.memory_space<vmem>>, vector<1x128xf32>
    tpu.vector_store %arg23[%swap3A_78, %swap3A_79], %add3A_77 {strides = array<i32>} : memref<8x128xf32, #tpu.memory_space<vmem>>, vector<1x128xf32>,
    %get3A_81 = arith.constant 0 : index
    %get3A_82 = arith.constant 0 : index
    %get3A_83 = vector.load %arg9[%get3A_81, %get3A_82] : memref<128x64xf32, #tpu.memory_space<vmem>>, vector<128x64xf32>
    %dot_general3A_84 = arith.constant dense<0.000000e+00> : vector<1000x64xf32>
    %dot_general3A_85 = tpu.matmul %max3A_47, %get3A_83, %dot_general3A_84 {dimension_numbers = #tpu.dot_dimension_numbers<[1], [0], [0], [1], [0, 0, 1, 1], [], []>, transpose_lhs_hint = false} : vector<1000x128xf32>, vector<128x64xf32>, vector<1000x64xf32> -> vector<1000x64xf32>
    %tanh3A = math.tanh %dot_general3A_85 : vector<1000x64xf32>
    %get3A_86 = arith.constant 0 : index
    %get3A_87 = arith.constant 0 : index
    %get3A_88 = vector.load %arg10[%get3A_86, %get3A_87] : memref<1x64xf32, #tpu.memory_space<vmem>>, vector<1x64xf32>
    %mul3A_89 = vector.broadcast %get3A_88 : vector<1x64xf32> to vector<1000x64xf32>
    %mul3A_90 = arith.mulf %tanh3A, %mul3A_89 : vector<1000x64xf32>
    %reduce_sum3A_91 = arith.constant dense<0.000000e+00> : vector<1000xf32>
    %reduce_sum3A_92 = vector.multi_reduction <add>, %mul3A_90, %reduce_sum3A_91 [1] : vector<1000x64xf32> to vector<1000xf32>
    %broadcast_in_dim3A_93 = vector.shape_cast %reduce_sum3A_92 : vector<1000xf32> to vector<1000x1xf32>
    %get3A_94 = arith.constant 0 : index
    %get3A_95 = arith.constant 0 : index
    %get3A_96 = vector.load %arg9[%get3A_94, %get3A_95] : memref<128x64xf32, #tpu.memory_space<vmem>>, vector<128x64xf32>
    %dot_general3A_97 = arith.constant dense<0.000000e+00> : vector<1000x64xf32>
    %dot_general3A_98 = tpu.matmul %get3A_50, %get3A_96, %dot_general3A_97 {dimension_numbers = #tpu.dot_dimension_numbers<[1], [0], [0], [1], [0, 0, 1, 1], [], []>, transpose_lhs_hint = false} : vector<1000x128xf32>, vector<128x64xf32>, vector<1000x64xf32> -> vector<1000x64xf32>
    %tanh3A_99 = math.tanh %dot_general3A_98 : vector<1000x64xf32>
    %get3A_100 = arith.constant 0 : index
    %get3A_101 = arith.constant 0 : index
    %get3A_102 = vector.load %arg10[%get3A_100, %get3A_101] : memref<1x64xf32, #tpu.memory_space<vmem>>, vector<1x64xf32>
    %mul3A_103 = vector.broadcast %get3A_102 : vector<1x64xf32> to vector<1000x64xf32>
    %mul3A_104 = arith.mulf %tanh3A_99, %mul3A_103 : vector<1000x64xf32>
    %reduce_sum3A_105 = arith.constant dense<0.000000e+00> : vector<1000xf32>
    %reduce_sum3A_106 = vector.multi_reduction <add>, %mul3A_104, %reduce_sum3A_105 [1] : vector<1000x64xf32> to vector<1000xf32>
    %broadcast_in_dim3A_107 = vector.shape_cast %reduce_sum3A_106 : vector<1000xf32> to vector<1000x1xf32>
    %get3A_108 = arith.constant 0 : index
    %get3A_109 = arith.constant 0 : index
    %get3A_110 = vector.load %arg9[%get3A_108, %get3A_109] : memref<128x64xf32, #tpu.memory_space<vmem>>, vector<128x64xf32>
    %dot_general3A_111 = arith.constant dense<0.000000e+00> : vector<1000x64xf32>
    %dot_general3A_112 = tpu.matmul %get3A_53, %get3A_110, %dot_general3A_111 {dimension_numbers = #tpu.dot_dimension_numbers<[1], [0], [0], [1], [0, 0, 1, 1], [], []>, transpose_lhs_hint = false} : vector<1000x128xf32>, vector<128x64xf32>, vector<1000x64xf32> -> vector<1000x64xf32>
    %tanh3A_113 = math.tanh %dot_general3A_112 : vector<1000x64xf32>
    %get3A_114 = arith.constant 0 : index
    %get3A_115 = arith.constant 0 : index
    %get3A_116 = vector.load %arg10[%get3A_114, %get3A_115] : memref<1x64xf32, #tpu.memory_space<vmem>>, vector<1x64xf32>
    %mul3A_117 = vector.broadcast %get3A_116 : vector<1x64xf32> to vector<1000x64xf32>
    %mul3A_118 = arith.mulf %tanh3A_113, %mul3A_117 : vector<1000x64xf32>
    %reduce_sum3A_119 = arith.constant dense<0.000000e+00> : vector<1000xf32>
    %reduce_sum3A_120 = vector.multi_reduction <add>, %mul3A_118, %reduce_sum3A_119 [1] : vector<1000x64xf32> to vector<1000xf32>
    %broadcast_in_dim3A_121 = vector.shape_cast %reduce_sum3A_120 : vector<1000xf32> to vector<1000x1xf32>
    %max3A_122 = arith.maximumf %broadcast_in_dim3A_93, %broadcast_in_dim3A_107 : vector<1000x1xf32>
    %max3A_123 = arith.maximumf %max3A_122, %broadcast_in_dim3A_121 : vector<1000x1xf32>
    %sub3A = arith.subf %broadcast_in_dim3A_93, %max3A_123 : vector<1000x1xf32>
    %exp3A = math.exp %sub3A : vector<1000x1xf32>
    %sub3A_124 = arith.subf %broadcast_in_dim3A_107, %max3A_123 : vector<1000x1xf32>
    %exp3A_125 = math.exp %sub3A_124 : vector<1000x1xf32>
    %sub3A_126 = arith.subf %broadcast_in_dim3A_121, %max3A_123 : vector<1000x1xf32>
    %exp3A_127 = math.exp %sub3A_126 : vector<1000x1xf32>
    %add3A_128 = arith.addf %exp3A, %exp3A_125 : vector<1000x1xf32>
    %add3A_129 = arith.addf %add3A_128, %exp3A_127 : vector<1000x1xf32>
    %mul3A_130 = vector.broadcast %exp3A : vector<1000x1xf32> to vector<1000x128xf32>
    %mul3A_131 = arith.mulf %mul3A_130, %max3A_47 : vector<1000x128xf32>
    %mul3A_132 = vector.broadcast %exp3A_125 : vector<1000x1xf32> to vector<1000x128xf32>
    %mul3A_133 = arith.mulf %mul3A_132, %get3A_50 : vector<1000x128xf32>
    %add3A_134 = arith.addf %mul3A_131, %mul3A_133 : vector<1000x128xf32>
    %mul3A_135 = vector.broadcast %exp3A_127 : vector<1000x1xf32> to vector<1000x128xf32>
    %mul3A_136 = arith.mulf %mul3A_135, %get3A_53 : vector<1000x128xf32>
    %add3A_137 = arith.addf %add3A_134, %mul3A_136 : vector<1000x128xf32>
    %div3A_138 = vector.broadcast %add3A_129 : vector<1000x1xf32> to vector<1000x128xf32>
    %div3A_139 = arith.divf %add3A_137, %div3A_138 : vector<1000x128xf32>
    %swap3A_140 = arith.constant 0 : index
    %swap3A_141 = arith.constant 0 : index
    %swap3A_142 = vector.load %arg19[%swap3A_140, %swap3A_141] : memref<1000x128xf32, #tpu.memory_space<vmem>>, vector<1000x128xf32>
    tpu.vector_store %arg19[%swap3A_140, %swap3A_141], %div3A_139 {strides = array<i32>} : memref<1000x128xf32, #tpu.memory_space<vmem>>, vector<1000x128xf32>,
    %get3A_143 = arith.constant 0 : index
    %get3A_144 = arith.constant 0 : index
    %get3A_145 = vector.load %arg15[%get3A_143, %get3A_144] : memref<128x128xf32, #tpu.memory_space<vmem>>, vector<128x128xf32>
    %dot_general3A_146 = arith.constant dense<0.000000e+00> : vector<1000x128xf32>
    %dot_general3A_147 = tpu.matmul %div3A_139, %get3A_145, %dot_general3A_146 {dimension_numbers = #tpu.dot_dimension_numbers<[1], [0], [0], [1], [0, 0, 1, 1], [], []>, transpose_lhs_hint = false} : vector<1000x128xf32>, vector<128x128xf32>, vector<1000x128xf32> -> vector<1000x128xf32>
    %get3A_148 = arith.constant 0 : index
    %get3A_149 = arith.constant 0 : index
    %get3A_150 = vector.load %arg16[%get3A_148, %get3A_149] : memref<1x128xf32, #tpu.memory_space<vmem>>, vector<1x128xf32>
    %add3A_151 = vector.broadcast %get3A_150 : vector<1x128xf32> to vector<1000x128xf32>
    %add3A_152 = arith.addf %dot_general3A_147, %add3A_151 : vector<1000x128xf32>
    %max3A_153 = arith.constant 0.000000e+00 : f32
    %max3A_154 = vector.broadcast %max3A_153 : f32 to vector<1000x128xf32>
    %max3A_155 = arith.maximumf %add3A_152, %max3A_154 : vector<1000x128xf32>
    %get3A_156 = arith.constant 0 : index
    %get3A_157 = arith.constant 0 : index
    %get3A_158 = vector.load %arg17[%get3A_156, %get3A_157] : memref<128x128xf32, #tpu.memory_space<vmem>>, vector<128x128xf32>
    %dot_general3A_159 = arith.constant dense<0.000000e+00> : vector<1000x128xf32>
    %dot_general3A_160 = tpu.matmul %max3A_155, %get3A_158, %dot_general3A_159 {dimension_numbers = #tpu.dot_dimension_numbers<[1], [0], [0], [1], [0, 0, 1, 1], [], []>, transpose_lhs_hint = false} : vector<1000x128xf32>, vector<128x128xf32>, vector<1000x128xf32> -> vector<1000x128xf32>
    %get3A_161 = arith.constant 0 : index
    %get3A_162 = arith.constant 0 : index
    %get3A_163 = vector.load %arg18[%get3A_161, %get3A_162] : memref<1x128xf32, #tpu.memory_space<vmem>>, vector<1x128xf32>
    %add3A_164 = vector.broadcast %get3A_163 : vector<1x128xf32> to vector<1000x128xf32>
    %add3A_165 = arith.addf %dot_general3A_160, %add3A_164 : vector<1000x128xf32>
    %swap3A_166 = arith.constant 0 : index
    %swap3A_167 = arith.constant 0 : index
    %swap3A_168 = vector.load %arg20[%swap3A_166, %swap3A_167] : memref<1000x128xf32, #tpu.memory_space<vmem>>, vector<1000x128xf32>
    tpu.vector_store %arg20[%swap3A_166, %swap3A_167], %add3A_165 {strides = array<i32>} : memref<1000x128xf32, #tpu.memory_space<vmem>>, vector<1000x128xf32>,
    %eq3A_169 = arith.constant 9 : i32
    %eq3A_170 = arith.cmpi eq, %arg0, %eq3A_169 : i32
    %convert_element_type3A_171 = arith.extui %eq3A_170 : i1 to i32
    %cond3A_172 = arith.constant 0 : i32
    %cond3A_173 = arith.cmpi ne, %convert_element_type3A_171, %cond3A_172 : i32
    scf.if %cond3A_173 {
      %get3A_174 = arith.constant 0 : index
      %get3A_175 = arith.constant 0 : index
      %get3A_176 = vector.load %arg23[%get3A_174, %get3A_175] : memref<8x128xf32, #tpu.memory_space<vmem>>, vector<3x128xf32>
      %mul3A_177 = arith.constant 9.99999974E-5 : f32
      %mul3A_178 = vector.broadcast %mul3A_177 : f32 to vector<3x128xf32>
      %mul3A_179 = arith.mulf %get3A_176, %mul3A_178 : vector<3x128xf32>
      %get3A_180 = arith.constant 0 : index
      %get3A_181 = arith.constant 0 : index
      %get3A_182 = vector.load %arg9[%get3A_180, %get3A_181] : memref<128x64xf32, #tpu.memory_space<vmem>>, vector<128x64xf32>
      %dot_general3A_183 = arith.constant dense<0.000000e+00> : vector<3x64xf32>
      %dot_general3A_184 = tpu.matmul %mul3A_179, %get3A_182, %dot_general3A_183 {dimension_numbers = #tpu.dot_dimension_numbers<[1], [0], [0], [1], [0, 0, 1, 1], [], []>, transpose_lhs_hint = false} : vector<3x128xf32>, vector<128x64xf32>, vector<3x64xf32> -> vector<3x64xf32>
      %tanh3A_185 = math.tanh %dot_general3A_184 : vector<3x64xf32>
      %get3A_186 = arith.constant 0 : index
      %get3A_187 = arith.constant 0 : index
      %get3A_188 = vector.load %arg10[%get3A_186, %get3A_187] : memref<1x64xf32, #tpu.memory_space<vmem>>, vector<1x64xf32>
      %mul3A_189 = vector.broadcast %get3A_188 : vector<1x64xf32> to vector<3x64xf32>
      %mul3A_190 = arith.mulf %tanh3A_185, %mul3A_189 : vector<3x64xf32>
      %reduce_sum3A_191 = arith.constant dense<0.000000e+00> : vector<3xf32>
      %reduce_sum3A_192 = vector.multi_reduction <add>, %mul3A_190, %reduce_sum3A_191 [1] : vector<3x64xf32> to vector<3xf32>
      %broadcast_in_dim3A_193 = vector.shape_cast %reduce_sum3A_192 : vector<3xf32> to vector<3x1xf32>
      %reduce_max3A = vector.shape_cast %broadcast_in_dim3A_193 : vector<3x1xf32> to vector<1x3x1xf32>
      %reduce_max3A_194 = arith.constant dense<0xFF800000> : vector<1xf32>
      %reduce_max3A_195 = vector.multi_reduction <maximumf>, %reduce_max3A, %reduce_max3A_194 [1, 2] : vector<1x3x1xf32> to vector<1xf32>
      %reduce_max3A_196 = vector.shape_cast %reduce_max3A_195 : vector<1xf32> to vector<1x1x1xf32>
      %reduce_max3A_197 = vector.extract %reduce_max3A_196[0, 0, 0] : f32 from vector<1x1x1xf32>
      %sub3A_198 = vector.broadcast %reduce_max3A_197 : f32 to vector<3x1xf32>
      %sub3A_199 = arith.subf %broadcast_in_dim3A_193, %sub3A_198 : vector<3x1xf32>
      %exp3A_200 = math.exp %sub3A_199 : vector<3x1xf32>
      %reduce_sum3A_201 = vector.shape_cast %exp3A_200 : vector<3x1xf32> to vector<1x3x1xf32>
      %reduce_sum3A_202 = arith.constant dense<0.000000e+00> : vector<1xf32>
      %reduce_sum3A_203 = vector.multi_reduction <add>, %reduce_sum3A_201, %reduce_sum3A_202 [1, 2] : vector<1x3x1xf32> to vector<1xf32>
      %reduce_sum3A_204 = vector.shape_cast %reduce_sum3A_203 : vector<1xf32> to vector<1x1x1xf32>
      %reduce_sum3A_205 = vector.extract %reduce_sum3A_204[0, 0, 0] : f32 from vector<1x1x1xf32>
      %div3A_206 = vector.broadcast %reduce_sum3A_205 : f32 to vector<3x1xf32>
      %div3A_207 = arith.divf %exp3A_200, %div3A_206 : vector<3x1xf32>
      %mul3A_208 = vector.broadcast %div3A_207 : vector<3x1xf32> to vector<3x128xf32>
      %mul3A_209 = arith.mulf %mul3A_208, %mul3A_179 : vector<3x128xf32>
      %reduce_sum3A_210 = arith.constant dense<0.000000e+00> : vector<128xf32>
      %reduce_sum3A_211 = vector.multi_reduction <add>, %mul3A_209, %reduce_sum3A_210 [0] : vector<3x128xf32> to vector<128xf32>
      %broadcast_in_dim3A_212 = vector.shape_cast %reduce_sum3A_211 : vector<128xf32> to vector<1x128xf32>
      %swap3A_213 = arith.constant 0 : index
      %swap3A_214 = arith.constant 0 : index
      %swap3A_215 = vector.load %arg21[%swap3A_213, %swap3A_214] : memref<1x128xf32, #tpu.memory_space<vmem>>, vector<1x128xf32>
      tpu.vector_store %arg21[%swap3A_213, %swap3A_214], %broadcast_in_dim3A_212 {strides = array<i32>} : memref<1x128xf32, #tpu.memory_space<vmem>>, vector<1x128xf32>,
      %get3A_216 = arith.constant 0 : index
      %get3A_217 = arith.constant 0 : index
      %get3A_218 = vector.load %arg11[%get3A_216, %get3A_217] : memref<128x128xf32, #tpu.memory_space<vmem>>, vector<128x128xf32>
      %dot_general3A_219 = arith.constant dense<0.000000e+00> : vector<1x128xf32>
      %dot_general3A_220 = tpu.matmul %broadcast_in_dim3A_212, %get3A_218, %dot_general3A_219 {dimension_numbers = #tpu.dot_dimension_numbers<[1], [0], [0], [1], [0, 0, 1, 1], [], []>, transpose_lhs_hint = false} : vector<1x128xf32>, vector<128x128xf32>, vector<1x128xf32> -> vector<1x128xf32>
      %get3A_221 = arith.constant 0 : index
      %get3A_222 = arith.constant 0 : index
      %get3A_223 = vector.load %arg12[%get3A_221, %get3A_222] : memref<1x128xf32, #tpu.memory_space<vmem>>, vector<1x128xf32>
      %add3A_224 = arith.addf %dot_general3A_220, %get3A_223 : vector<1x128xf32>
      %max3A_225 = arith.constant 0.000000e+00 : f32
      %max3A_226 = vector.broadcast %max3A_225 : f32 to vector<1x128xf32>
      %max3A_227 = arith.maximumf %add3A_224, %max3A_226 : vector<1x128xf32>
      %get3A_228 = arith.constant 0 : index
      %get3A_229 = arith.constant 0 : index
      %get3A_230 = vector.load %arg13[%get3A_228, %get3A_229] : memref<128x128xf32, #tpu.memory_space<vmem>>, vector<128x128xf32>
      %dot_general3A_231 = arith.constant dense<0.000000e+00> : vector<1x128xf32>
      %dot_general3A_232 = tpu.matmul %max3A_227, %get3A_230, %dot_general3A_231 {dimension_numbers = #tpu.dot_dimension_numbers<[1], [0], [0], [1], [0, 0, 1, 1], [], []>, transpose_lhs_hint = false} : vector<1x128xf32>, vector<128x128xf32>, vector<1x128xf32> -> vector<1x128xf32>
      %get3A_233 = arith.constant 0 : index
      %get3A_234 = arith.constant 0 : index
      %get3A_235 = vector.load %arg14[%get3A_233, %get3A_234] : memref<1x128xf32, #tpu.memory_space<vmem>>, vector<1x128xf32>
      %add3A_236 = arith.addf %dot_general3A_232, %get3A_235 : vector<1x128xf32>
      %swap3A_237 = arith.constant 0 : index
      %swap3A_238 = arith.constant 0 : index
      %swap3A_239 = vector.load %arg22[%swap3A_237, %swap3A_238] : memref<1x128xf32, #tpu.memory_space<vmem>>, vector<1x128xf32>
      tpu.vector_store %arg22[%swap3A_237, %swap3A_238], %add3A_236 {strides = array<i32>} : memref<1x128xf32, #tpu.memory_space<vmem>>, vector<1x128xf32>,
    } else {
    }
    return
  }
  func.func @transform_0(%arg0: i32) -> (i32, i32) {
    %c0_i32 = arith.constant 0 : i32
    %c0_i32_0 = arith.constant 0 : i32
    return %arg0, %c0_i32 : i32, i32
  }
  func.func @transform_1(%arg0: i32) -> (i32, i32) {
    %c0_i32 = arith.constant 0 : i32
    %c0_i32_0 = arith.constant 0 : i32
    return %arg0, %c0_i32 : i32, i32
  }
  func.func @transform_2(%arg0: i32) -> (i32, i32) {
    %c0_i32 = arith.constant 0 : i32
    %c0_i32_0 = arith.constant 0 : i32
    return %arg0, %c0_i32 : i32, i32
  }
  func.func @transform_3(%arg0: i32) -> (i32, i32, i32) {
    %c0_i32 = arith.constant 0 : i32
    %c0_i32_0 = arith.constant 0 : i32
    %c0_i32_1 = arith.constant 0 : i32
    return %c0_i32, %arg0, %c0_i32_0 : i32, i32, i32
  }
  func.func @transform_4(%arg0: i32) -> (i32, i32, i32) {
    %c0_i32 = arith.constant 0 : i32
    %c0_i32_0 = arith.constant 0 : i32
    %c0_i32_1 = arith.constant 0 : i32
    return %c0_i32, %arg0, %c0_i32_0 : i32, i32, i32
  }
  func.func @transform_5(%arg0: i32) -> (i32, i32) {
    %c0_i32 = arith.constant 0 : i32
    %c0_i32_0 = arith.constant 0 : i32
    %c0_i32_1 = arith.constant 0 : i32
    return %c0_i32, %c0_i32_0 : i32, i32
  }
  func.func @transform_6(%arg0: i32) -> (i32, i32) {
    %c0_i32 = arith.constant 0 : i32
    %c0_i32_0 = arith.constant 0 : i32
    %c0_i32_1 = arith.constant 0 : i32
    return %c0_i32, %c0_i32_0 : i32, i32
  }
  func.func @transform_7(%arg0: i32) -> (i32, i32) {
    %c0_i32 = arith.constant 0 : i32
    %c0_i32_0 = arith.constant 0 : i32
    %c0_i32_1 = arith.constant 0 : i32
    return %c0_i32, %c0_i32_0 : i32, i32
  }
  func.func @transform_8(%arg0: i32) -> (i32, i32) {
    %c0_i32 = arith.constant 0 : i32
    %c0_i32_0 = arith.constant 0 : i32
    %c0_i32_1 = arith.constant 0 : i32
    return %c0_i32, %c0_i32_0 : i32, i32
  }
  func.func @transform_9(%arg0: i32) -> (i32, i32) {
    %c0_i32 = arith.constant 0 : i32
    %c0_i32_0 = arith.constant 0 : i32
    %c0_i32_1 = arith.constant 0 : i32
    return %c0_i32, %c0_i32_0 : i32, i32
  }
  func.func @transform_10(%arg0: i32) -> (i32, i32) {
    %c0_i32 = arith.constant 0 : i32
    %c0_i32_0 = arith.constant 0 : i32
    %c0_i32_1 = arith.constant 0 : i32
    return %c0_i32, %c0_i32_0 : i32, i32
  }
  func.func @transform_11(%arg0: i32) -> (i32, i32) {
    %c0_i32 = arith.constant 0 : i32
    %c0_i32_0 = arith.constant 0 : i32
    %c0_i32_1 = arith.constant 0 : i32
    return %c0_i32, %c0_i32_0 : i32, i32
  }
  func.func @transform_12(%arg0: i32) -> (i32, i32) {
    %c0_i32 = arith.constant 0 : i32
    %c0_i32_0 = arith.constant 0 : i32
    %c0_i32_1 = arith.constant 0 : i32
    return %c0_i32, %c0_i32_0 : i32, i32
  }
  func.func @transform_13(%arg0: i32) -> (i32, i32) {
    %c0_i32 = arith.constant 0 : i32
    %c0_i32_0 = arith.constant 0 : i32
    %c0_i32_1 = arith.constant 0 : i32
    return %c0_i32, %c0_i32_0 : i32, i32
  }
  func.func @transform_14(%arg0: i32) -> (i32, i32) {
    %c0_i32 = arith.constant 0 : i32
    %c0_i32_0 = arith.constant 0 : i32
    %c0_i32_1 = arith.constant 0 : i32
    return %c0_i32, %c0_i32_0 : i32, i32
  }
  func.func @transform_15(%arg0: i32) -> (i32, i32) {
    %c0_i32 = arith.constant 0 : i32
    %c0_i32_0 = arith.constant 0 : i32
    %c0_i32_1 = arith.constant 0 : i32
    return %c0_i32, %c0_i32_0 : i32, i32
  }
  func.func @transform_16(%arg0: i32) -> (i32, i32) {
    %c0_i32 = arith.constant 0 : i32
    %c0_i32_0 = arith.constant 0 : i32
    %c0_i32_1 = arith.constant 0 : i32
    return %c0_i32, %c0_i32_0 : i32, i32
  }
  func.func @transform_17(%arg0: i32) -> (i32, i32) {
    %c0_i32 = arith.constant 0 : i32
    %c0_i32_0 = arith.constant 0 : i32
    %c0_i32_1 = arith.constant 0 : i32
    return %c0_i32, %c0_i32_0 : i32, i32
  }
  func.func @transform_18(%arg0: i32) -> (i32, i32) {
    %c0_i32 = arith.constant 0 : i32
    %c0_i32_0 = arith.constant 0 : i32
    return %arg0, %c0_i32 : i32, i32
  }
  func.func @transform_19(%arg0: i32) -> (i32, i32) {
    %c0_i32 = arith.constant 0 : i32
    %c0_i32_0 = arith.constant 0 : i32
    return %arg0, %c0_i32 : i32, i32
  }
  func.func @transform_20(%arg0: i32) -> (i32, i32) {
    %c0_i32 = arith.constant 0 : i32
    %c0_i32_0 = arith.constant 0 : i32
    %c0_i32_1 = arith.constant 0 : i32
    return %c0_i32, %c0_i32_0 : i32, i32
  }
  func.func @transform_21(%arg0: i32) -> (i32, i32) {
    %c0_i32 = arith.constant 0 : i32
    %c0_i32_0 = arith.constant 0 : i32
    %c0_i32_1 = arith.constant 0 : i32
    return %c0_i32, %c0_i32_0 : i32, i32
  }
}

</mosaic_0001>

<sc_bundles>
// kernel: kernel.13.cloned.1.call-start
scs
__scs_entry_jumppad:
0x0: {  	(pc) =	sbr.rel $0x88, $3  }
0x1: {  	(tag) =	ssettag $0x0;
	lr =	simm.s32 $0x1  }
0x2: {  	[smem:$0x3F8A] =	sst lr;
	_ =	strace $0xD0000000  }
0x3: {  	_ = 	snop  }
0x4: {  	_ = 	snop  }
0x5: {  	_ = 	snop  }
0x6: {  	_ = 	snop  }
0x7: {  	_ = 	snop  }
__scs_overlays_trampoline_lowered:
0x8: {  	[smem:$0x3F99] =	sst s0  }
0x9: {  	[smem:$0x3F9A] =	sst s1  }
0xa: {  	[smem:$0x3F9B] =	sst s2  }
0xb: {  	[smem:$0x3F9C] =	sst s3  }
0xc: {  	[smem:$0x3F9D] =	sst s4  }
0xd: {  	[smem:$0x3F9E] =	sst s5  }
0xe: {  	[smem:$0x3F9F] =	sst s6  }
0xf: {  	[smem:$0x3FA0] =	sst s7  }
0x10: {  	[smem:$0x3FA1] =	sst s8  }
0x11: {  	[smem:$0x3FA2] =	sst s9;
	s0 =	simm.s32 @!p0 $0x0  }
0x12: {  	s1 =	sld [smem:$0x3F88];
	s0 =	simm.s32 @p0 $0x1  }
0x13: {  	[smem:$0x3FA3] =	sst s0;
	s0 =	simm.s32 @!p1 $0x0  }
0x14: {  	s2 =	sld [smem:$0x3F87];
	s0 =	simm.s32 @p1 $0x1  }
0x15: {  	[smem:$0x3FA4] =	sst s0;
	s0 =	simm.s32 @!p2 $0x0  }
0x16: {  	s3 =	sld [smem:$0x3FDB];
	s0 =	simm.s32 @p2 $0x1  }
0x17: {  	s4 =	simm.s32 $0x1BF5;
	[smem:$0x3FA6] =	sst s0  }
0x18: {  	s0 =	sld [smem:$0x3F89];
	_ =	swait.ge [sflag:s4], $0x0  }
0x19: {  	s7 =	sld [smem:$0x3F8A]  }
0x1a: {  	s8 =	sadd.s32 $0xFFFFE003, lr  }
0x1b: {  	s9 =	sadd.s32 $0xFFFFFEF7, lr;
	s5 =	simm.s32 $0xFFFFFFFF;
	p2 =	slt.u32 s8, $0xFFFFF086  }
0x1c: {  	p1 =	slt.u32 s9, $0xF7A;
	s5 =	simm.s32 @!p2 $0x0  }
0x1d: {  	s5 =	simm.s32 @p1 $0x1;
	p0 =	seq.s32 s7, s2  }
0x1e: {  	s7 =	smul.u32 @!p0 $0xF7A, s2;
	p2 =	seq.s32 @!p0 s5, $0x0  }
0x1f: {  	s9 =	smul.u32 $0xF7A, s1;
	s8 =	simm.s32 @!p0 $0x1BF5;
	p2 =	por !p2, p0  }
0x20: {  	[sflag:s8] =	ssyncset.s32 @!p0 $0xFFFFF086;
	s6 =	sadd.s32 @!p0 s3, s7;
	s7 =	simm.s32 @!p0 $0x108  }
0x21: {  	s3 =	sadd.s32 s3, s9;
	s6 =	sadd.s32 @!p0 $0x88, s6;
	s7 =	simm.s32 @p2 $0x1082  }
0x22: {  	[simem:s7], [sflag:s8] =	dma.local @!p0 [hbm:s6], $0xF7A  }
0x23: {  	s9 =	sor.u32 $0xD0000000, s2;
	s6 =	simm.s32 $0x108;
	_ =	swait.ge @!p0 [sflag:s8], $0x0  }
0x24: {  	s3 =	sadd.s32 $0x88, s3;
	s6 =	simm.s32 @!p1 $0x1082;
	[sflag:s4] =	ssyncset.s32 $0xFFFFF086  }
0x25: {  	[simem:s6], [sflag:s4] =	dma.local [hbm:s3], $0xF7A  }
0x26: {  	[smem:$0x3F8A] =	sst s1;
	(tag) =	ssettag s2;
	_ =	strace s9  }
0x27: {  	s1 =	sld [smem:$0x3F9A]  }
0x28: {  	s2 =	sld [smem:$0x3F9B]  }
0x29: {  	s4 =	sld [smem:$0x3F9D]  }
0x2a: {  	p0 =	seq.s32 s5, $0x0;
	s5 =	sld [smem:$0x3F9E]  }
0x2b: {  	s6 =	sld [smem:$0x3F9F]  }
0x2c: {  	s7 =	sld [smem:$0x3FA0]  }
0x2d: {  	s3 =	simm.s32 $0x108;
	s8 =	sld [smem:$0x3FA1]  }
0x2e: {  	s3 =	simm.s32 @!p0 $0x1082;
	s9 =	sld [smem:$0x3FA2]  }
0x2f: {  	lr =	sadd.s32 s0, s3;
	s0 =	sld [smem:$0x3F99]  }
0x30: {  	s3 =	sld [smem:$0x3F9C]  }
0x31: {  	[smem:$0x3FA5] =	sst s10  }
0x32: {  	s10 =	sld [smem:$0x3FA3];
	_ =	sdelay $0x3  }
0x33: {  	p0 =	seq.s32 s10, $0x1;
	s10 =	sld [smem:$0x3FA5];
	_ =	sdelay $0x3  }
0x34: {  	[smem:$0x3FA5] =	sst s10  }
0x35: {  	s10 =	sld [smem:$0x3FA4];
	_ =	sdelay $0x3  }
0x36: {  	p1 =	seq.s32 s10, $0x1;
	s10 =	sld [smem:$0x3FA5];
	_ =	sdelay $0x3  }
0x37: {  	[smem:$0x3FA5] =	sst s10  }
0x38: {  	s10 =	sld [smem:$0x3FA6]  }
0x39: {  	_ = 	snop;
	(pc) =	sbr.ind lr, $3  }
0x3a: {  	_ = 	snop  }
0x3b: {  	_ = 	snop  }
0x3c: {  	p2 =	seq.s32 s10, $0x1;
	s10 =	sld [smem:$0x3FA5]  }
0x3d: {  	_ =	shalt  }
0x3e: {  	_ =	shalt  }
0x3f: {  	_ =	shalt  }
0x40: {  	_ =	shalt  }
0x41: {  	_ =	shalt  }
0x42: {  	_ =	shalt  }
0x43: {  	_ =	shalt  }
0x44: {  	_ =	shalt  }
0x45: {  	_ =	shalt  }
0x46: {  	_ =	shalt  }
0x47: {  	_ =	shalt  }
0x48: {  	_ =	shalt  }
0x49: {  	_ =	shalt  }
0x4a: {  	_ =	shalt  }
0x4b: {  	_ =	shalt  }
0x4c: {  	_ =	shalt  }
0x4d: {  	_ =	shalt  }
0x4e: {  	_ =	shalt  }
0x4f: {  	_ =	shalt  }
0x50: {  	_ =	shalt  }
0x51: {  	_ =	shalt  }
0x52: {  	_ =	shalt  }
0x53: {  	_ =	shalt  }
0x54: {  	_ =	shalt  }
0x55: {  	_ =	shalt  }
0x56: {  	_ =	shalt  }
0x57: {  	_ =	shalt  }
0x58: {  	_ =	shalt  }
0x59: {  	_ =	shalt  }
0x5a: {  	_ =	shalt  }
0x5b: {  	_ =	shalt  }
0x5c: {  	_ =	shalt  }
0x5d: {  	_ =	shalt  }
0x5e: {  	_ =	shalt  }
0x5f: {  	_ =	shalt  }
0x60: {  	_ =	shalt  }
0x61: {  	_ =	shalt  }
0x62: {  	_ =	shalt  }
0x63: {  	_ =	shalt  }
0x64: {  	_ =	shalt  }
0x65: {  	_ =	shalt  }
0x66: {  	_ =	shalt  }
0x67: {  	_ =	shalt  }
0x68: {  	_ =	shalt  }
0x69: {  	_ =	shalt  }
0x6a: {  	_ =	shalt  }
0x6b: {  	_ =	shalt  }
0x6c: {  	_ =	shalt  }
0x6d: {  	_ =	shalt  }
0x6e: {  	_ =	shalt  }
0x6f: {  	_ =	shalt  }
0x70: {  	_ =	shalt  }
0x71: {  	_ =	shalt  }
0x72: {  	_ =	shalt  }
0x73: {  	_ =	shalt  }
0x74: {  	_ =	shalt  }
0x75: {  	_ =	shalt  }
0x76: {  	_ =	shalt  }
0x77: {  	_ =	shalt  }
0x78: {  	_ =	shalt  }
0x79: {  	_ =	shalt  }
0x7a: {  	_ =	shalt  }
0x7b: {  	_ =	shalt  }
0x7c: {  	_ =	shalt  }
0x7d: {  	_ =	shalt  }
0x7e: {  	_ =	shalt  }
0x7f: {  	_ =	shalt  }
0x80: {  	_ =	shalt  }
0x81: {  	_ =	shalt  }
0x82: {  	_ =	shalt  }
0x83: {  	_ =	shalt  }
0x84: {  	_ =	shalt  }
0x85: {  	_ =	shalt  }
0x86: {  	_ =	shalt  }
0x87: {  	_ =	shalt  }
.Lfunc_end0:
.L_simem_size_0:
called_computation_lowered:
.L_overlay_start_0:
0x88: {  	s2 =	sld [smem:$0x3FD9]  }
0x89: {  	s3 =	sld [smem:$0x3FFE];
	_ =	sdelay $0x1  }
0x8a: {  	s1 =	srdreg.scid  }
0x8b: {  	s0 =	sand.u32 $0x1, s1  }
0x8c: {  	s16 =	sshll.u32 s0, $0xA;
	s2 =	sadd.s32 s3, s2  }
0x8d: {  	s2 =	sadd.s32 s2, s16  }
0x8e: {  	[smem:$0x3FB1] =	sst s2  }
0x8f: {  	_ = 	snop  }
0x90: {  	(tm) =	ssettm $0x1  }
0x91: {  	s17 =	sld [smem:$0x3FFB];
	_ =	sdelay $0x3  }
0x92: {  	_ =	strace s17  }
0x93: {  	s2 =	sld [smem:$0x3FFC];
	_ =	sdelay $0x3  }
0x94: {  	_ =	strace s2  }
0x95: {  	s2 =	sld [smem:$0x3FFD];
	_ =	sdelay $0x3  }
0x96: {  	_ =	strace s2  }
0x97: {  	_ =	strace $0x8FFFFFFF  }
0x98: {  	s18 =	sld [smem:$0x3FDB];
	_ =	sdelay $0x1  }
0x99: {  	s19 =	simm.s32 $_scs_section_size  }
0x9a: {  	s4 =	simm.s32 $_size__tile_overlayer_lowered;
	s5 =	simm.s32 $_tile_overlayer_lowered  }
0x9b: {  	s22 =	simm.s32 $0x1BFF;
	s21 =	sshll.u32 s5, $0x1;
	s2 =	sadd.s32 s19, s18  }
0x9c: {  	s6 =	simm.s32 $0x0;
	s20 =	sshll.u32 s4, $0x1;
	s4 =	sadd.s32 s21, s2  }
0x9d: {  	[timem:s6], [sflag:s22] =	dma.local [hbm:s4], s20  }
0x9e: {  	_ =	swait.ge [sflag:s22], s20  }
0x9f: {  	s3 =	ssub.s32 $0x0, s20;
	[sflag:s22] =	ssyncset.done $0x0  }
0xa0: {  	[sflag:s22] =	ssyncadd.s32 s3;
	_ =	sdelay $0x1  }
0xa1: {  	s23 =	simm.s32 $0x1B8B  }
0xa2: {  	_ =	swait.ge [sflag:s23], $0x1  }
0xa3: {  	[sflag:s23] =	ssyncset.done $0x0  }
0xa4: {  	s25 =	simm.s32 $0x1B8E;
	s24 =	sld [smem:$0x3FFE];
	[sflag:s23] =	ssyncadd.s32 $0xFFFFFFFF  }
0xa5: {  	s26 =	simm.s32 $execute0_lowered;
	[smem:$0x3FD2] =	sst s25  }
0xa6: {  	s4 =	sshll.u32 s26, $0x1;
	_ =	strace $0x80000046;
	[dreg:$0x1] =	wrdreg $0xFFFFFFFF  }
0xa7: {  	s28 =	simm.s32 $_size_execute0_lowered;
	s2 =	sadd.s32 s2, s4;
	[dreg:$0x0] =	wrdreg $0x0  }
0xa8: {  	s4 =	sshll.u32 s28, $0x1;
	[dreg:$0x2] =	wrdreg s2  }
0xa9: {  	[dreg:$0x3] =	wrdreg s4  }
0xaa: {  	[dreg:$0x4] =	wrdreg $0xC0  }
0xab: {  	_ =	task [dreg:s6], $0x5FFFF  }
0xac: {  	[dreg:$0x1] =	wrdreg $0xFFFFFFFF  }
0xad: {  	[dreg:$0x0] =	wrdreg $0x60  }
0xae: {  	[dreg:$0x2] =	wrdreg s24  }
0xaf: {  	[dreg:$0x3] =	wrdreg $0x29900  }
0xb0: {  	[dreg:$0x4] =	wrdreg $0xA  }
0xb1: {  	_ =	task.clear_ibuf [dreg:s6], $0x5FFFF;
	_ =	strace $0x90000046  }
0xb2: {  	s29 =	simm.s32 $0xA;
	_ =	strace $0x80000048  }
0xb3: {  	_ =	swait.ge [sflag:s29], $0x1  }
0xb4: {  	[sflag:s29] =	ssyncadd.s32 $0xFFFFFFFF  }
0xb5: {  	_ =	strace $0x90000048  }
0xb6: {  	_ =	sfence  }
0xb7: {  	s30 =	sld [smem:$0x0];
	_ =	sdelay $0x2  }
0xb8: {  	s31 =	sshll.u32 s1, $0xD;
	s1 =	sshrl.u32 s1, $0x2  }
0xb9: {  	s3 =	sand.u32 $0x4000, s31;
	s1 =	sadd.s32 s1, s30  }
0xba: {  	s0 =	sor.u32 s3, s0;
	s1 =	sshll.u32 s1, $0x11  }
0xbb: {  	s0 =	sor.u32 s1, s0  }
0xbc: {  	s0 =	sadd.s32 $0x8F2B, s0  }
0xbd: {  	[sflag:s0] =	ssyncadd.remote.s32 $0x1  }
0xbe: {  	_ =	sfence.sel $0xFFFF  }
0xbf: {  	[dreg:$0x0] =	wrdreg $0xFFFFFFFF;
	(pc) =	sbr.abs _section_cstart, $3  }
0xc0: {  	[dreg:$0x1] =	wrdreg $0xFFFFFFFF  }
0xc1: {  	_ =	task.clear_ibuf [dreg:s6], $0x2FFFF;
	_ =	strace $0x9FFFFFFF  }
0xc2: {  	(tm) =	ssettm $0x7FFFFFFF  }
0xc3: {  	_ =	shalt  }
tec
execute0_lowered:
.L_overlay_start_1:
0x0: {  	(tag) =	ssettag $0x1  }
0x1: {  	s1 =	srdreg.scid;
	s6 =	rddreg [dreg:$0x0]  }
0x2: {  	s0 =	stileid.u32;
	s2 =	rddreg [dreg:$0x1]  }
0x3: {  	s3 =	simm.s32 $0x0;
	s14 =	simm.s32 $0x28;
	s15 =	simm.s32 $0x2710  }
0x4: {  	s16 =	simm.s32 $0x0;
	s4 =	sand.u32 $0x1, s1;
	s1 =	rddreg [dreg:$0x2]  }
0x5: {  	s7 =	smul.u32 $0x2700, s0;
	[smem:$0x7FF] =	sst s3;
	s10 =	sadd.s32 $0x22200, s6  }
0x6: {  	s13 =	sadd.s32 $0x27000, s2;
	p0 =	sne.s32 s0, $0xF;
	s31 =	sshll.u32 s0, $0x6  }
0x7: {  	s5 =	sshll.u32 s4, $0x4;
	_ =	strace $0x80000047;
	s9 =	ssub.s32 $0x2, s4  }
0x8: {  	s29 =	smul.u32 $0x27100, s4;
	s13 =	sshrl.u32 @!p0 s13, $0x3;
	s5 =	sor.u32 s0, s5  }
0x9: {  	s8 =	sshrl.u32 s7, $0x3;
	s11 =	sshrl.u32 s9, $0x1;
	s12 =	sadd.s32 s7, s2  }
0xa: {  	s5 =	smul.u32 $0x2710, s5;
	s8 =	sadd.s32 s8, s6;
	s9 =	ssub.s32 s9, s11  }
0xb: {  	s7 =	sadd.s32 s7, s29;
	s30 =	sshrl.u32 s29, $0x3;
	s11 =	sor.u32 $0x1C01, s31  }
0xc: {  	s12 =	sshrl.u32 s12, $0x3;
	s7 =	sshrl.u32 s7, $0x3;
	s5 =	sshrl.u32 s5, $0x3  }
0xd: {  	s9 =	smax.u32 s9, $0x1;
	s7 =	sadd.s32 s10, s7;
	s5 =	sadd.s32 s6, s5  }
0xe: {  	s4 =	sadd.s32 $0x13440, s5;
	s5 =	sadd.s32 $0x1D200, s8;
	s8 =	sadd.s32 s10, s30  }
0xf: {  	v0 =	vimm.f32 $1.000000000e+00;
	s6 =	sadd.s32 $0x22000, s6;
	s10 =	simm.s32 $0x1;
	s8 =	sadd.s32 $0x4E00, s8  }
.LBB2_1:
0x10: {  	[tilespmem:s3], [sflag:$0x1] =	stream.linear.gather [hbm4b:s4+s3], $0x2710, $0x38;
	[tilespmem:$0x50A0] =	vst v63  }
0x11: {  	_ =	swait.ge [sflag:s10], $0x2710  }
0x12: {  	[sflag:s10] =	ssyncset.done $0x0  }
0x13: {  	[sflag:s10] =	ssyncadd.s32 $0xFFFFD8F0  }
0x14: {  	[spmem:s12], [sflag:s11] =	dma.local [hbm:s5], $0x4E0  }
0x15: {  	_ =	swait.ge [sflag:s10], $0x4E0  }
0x16: {  	[sflag:s10] =	ssyncset.done $0x0  }
0x17: {  	s17 =	simm.s32 @!p0 $0x1;
	[sflag:s10] =	ssyncadd.s32 $0xFFFFFB20  }
0x18: {  	[spmem:s13], [sflag:s11] =	dma.local @!p0 [hbm:s6], $0x20  }
0x19: {  	_ =	swait.ge @!p0 [sflag:s17], $0x20  }
0x1a: {  	[sflag:s17] =	ssyncset.done @!p0 $0x0  }
0x1b: {  	[sflag:s17] =	ssyncadd.s32 @!p0 $0xFFFFFFE0  }
0x1c: {  	[tilespmem:$0x2710] =	vst v0  }
0x1d: {  	[tilespmem:$0x2720] =	vst v0  }
0x1e: {  	[tilespmem:$0x2730] =	vst v0  }
0x1f: {  	[tilespmem:$0x2740] =	vst v0  }
0x20: {  	[tilespmem:$0x2750] =	vst v0  }
0x21: {  	[tilespmem:$0x2760] =	vst v0  }
0x22: {  	[tilespmem:$0x2770] =	vst v0  }
0x23: {  	[tilespmem:$0x2780] =	vst v0  }
0x24: {  	[tilespmem:$0x2790] =	vst v0  }
0x25: {  	[tilespmem:$0x27A0] =	vst v0  }
0x26: {  	[tilespmem:$0x27B0] =	vst v0  }
0x27: {  	[tilespmem:$0x27C0] =	vst v0  }
0x28: {  	[tilespmem:$0x27D0] =	vst v0  }
0x29: {  	[tilespmem:$0x27E0] =	vst v0  }
0x2a: {  	[tilespmem:$0x27F0] =	vst v0  }
0x2b: {  	[tilespmem:$0x2800] =	vst v0  }
0x2c: {  	[tilespmem:$0x2810] =	vst v0  }
0x2d: {  	[tilespmem:$0x2820] =	vst v0  }
0x2e: {  	[tilespmem:$0x2830] =	vst v0  }
0x2f: {  	[tilespmem:$0x2840] =	vst v0  }
0x30: {  	[tilespmem:$0x2850] =	vst v0  }
0x31: {  	[tilespmem:$0x2860] =	vst v0  }
0x32: {  	[tilespmem:$0x2870] =	vst v0  }
0x33: {  	[tilespmem:$0x2880] =	vst v0  }
0x34: {  	[tilespmem:$0x2890] =	vst v0  }
0x35: {  	[tilespmem:$0x28A0] =	vst v0  }
0x36: {  	[tilespmem:$0x28B0] =	vst v0  }
0x37: {  	[tilespmem:$0x28C0] =	vst v0  }
0x38: {  	[tilespmem:$0x28D0] =	vst v0  }
0x39: {  	[tilespmem:$0x28E0] =	vst v0  }
0x3a: {  	[tilespmem:$0x28F0] =	vst v0  }
0x3b: {  	[tilespmem:$0x2900] =	vst v0  }
0x3c: {  	[tilespmem:$0x2910] =	vst v0  }
0x3d: {  	[tilespmem:$0x2920] =	vst v0  }
0x3e: {  	[tilespmem:$0x2930] =	vst v0  }
0x3f: {  	[tilespmem:$0x2940] =	vst v0  }
0x40: {  	[tilespmem:$0x2950] =	vst v0  }
0x41: {  	[tilespmem:$0x2960] =	vst v0  }
0x42: {  	[tilespmem:$0x2970] =	vst v0  }
0x43: {  	[tilespmem:$0x2980] =	vst v0  }
0x44: {  	s31 =	simm.s32 $0x0;
	[bflag:$0x0] =	sbarrier.arrive $0xFFFF  }
0x45: {  	[spmem:s2] =	stream.indirect.scatter.add.f32 [tilespmem:s15], [sflag:$0x1], $0x10, s31, s14, $0xb8;
	[tilespmem:$0x50A0] =	vst v63  }
0x46: {  	_ =	swait.ge [sflag:s10], $0x280  }
0x47: {  	s17 =	simm.s32 $0xA0;
	[sflag:s10] =	ssyncset.done $0x0  }
.LBB2_2:
0x48: {  	s18 =	sshra.s32 s17, $0x2;
	[sflag:s10] =	ssyncadd.s32 $0xFFFFFD80;
	p1 =	sne.s32 s17, $0x9BA0  }
0x49: {  	[spmem:s2] =	stream.indirect.scatter.add.f32 [tilespmem:s15], [sflag:$0x1], $0x10, s18, s14, $0xb8;
	[tilespmem:$0x50A0] =	vst v63  }
.Ltmp0:
0x4a: {  	_ = 	snop;
	(pc) =	sbr.rel @p1 .LBB2_2-.Ltmp0, $4  }
0x4b: {  	_ = 	snop  }
0x4c: {  	s17 =	sadd.s32 $0xA0, s17  }
0x4d: {  	_ =	swait.ge [sflag:s10], $0x280  }
0x4e: {  	[sflag:s10] =	ssyncset.done $0x0  }
0x4f: {  	[sflag:s10] =	ssyncadd.s32 $0xFFFFFD80  }
0x50: {  	[bflag:$0x0] =	sbarrier.arrive $0xFFFF  }
0x51: {  	[hbm:s7], [sflag:s11] =	dma.local [spmem:s12], $0x4E0  }
0x52: {  	s16 =	sadd.s32 $0x1, s16;
	_ =	swait.ge [sflag:s10], $0x4E0  }
0x53: {  	p1 =	sne.s32 s16, s9;
	[sflag:s10] =	ssyncset.done $0x0  }
.Ltmp1:
0x54: {  	s17 =	simm.s32 @!p0 $0x1;
	[sflag:s10] =	ssyncadd.s32 $0xFFFFFB20;
	(pc) =	sbr.rel @p1 .LBB2_1-.Ltmp1, $4  }
0x55: {  	[hbm:s8], [sflag:s11] =	dma.local @!p0 [spmem:s13], $0x20  }
0x56: {  	_ =	swait.ge @!p0 [sflag:s17], $0x20  }
0x57: {  	[sflag:s17] =	ssyncset.done @!p0 $0x0  }
0x58: {  	[sflag:s17] =	ssyncadd.s32 @!p0 $0xFFFFFFE0  }
0x59: {  	_ =	sfence.sel $0x180000  }
0x5a: {  	[bflag:$0x0] =	sbarrier.arrive $0xFFFF  }
0x5b: {  	p0 =	sne.s32 s0, $0x0;
	_ =	strace $0x90000047  }
0x5c: {  	s0 =	sadd.s32 @!p0 $0x100000, s1;
	[bflag:$0x2] =	sbarrier.arrive $0xFFFF  }
0x5d: {  	[sflag:s0] =	ssyncadd.tile.s32 @!p0 $0x1;
	_ =	shalt  }
.Lfunc_end2:
_tile_overlayer_lowered:
.L_overlay_start_2:
0x5e: {  	(tag) =	ssettag $0x2  }
0x5f: {  	s0 =	rddreg [dreg:$0x0];
	s2 =	stileid.u32  }
0x60: {  	s1 =	rddreg [dreg:$0x1];
	p0 =	sne.s32 s2, $0x0  }
0x61: {  	s3 =	rddreg [dreg:$0x2];
	[bflag:$0x3] =	sbarrier.arrive $0xFFFF;
	s2 =	simm.s32 @!p0 $0x1C01  }
0x62: {  	[timem:s3], [sflag:s2] =	dma.local @!p0 [hbm:s0], s1  }
0x63: {  	s0 =	simm.s32 @!p0 $0x1  }
0x64: {  	_ =	swait.ge @!p0 [sflag:s0], s1  }
0x65: {  	s1 =	ssub.s32 @!p0 $0x0, s1;
	[sflag:s0] =	ssyncset.done @!p0 $0x0  }
0x66: {  	[sflag:s0] =	ssyncadd.s32 @!p0 s1  }
0x67: {  	[bflag:$0x3] =	sbarrier.arrive $0xFFFF  }
0x68: {  	_ =	shalt  }

// kernel: kernel.16.cloned.1.call-start
scs
__scs_entry_jumppad:
0x0: {  	(pc) =	sbr.rel $0x88, $3  }
0x1: {  	(tag) =	ssettag $0x0;
	lr =	simm.s32 $0x1  }
0x2: {  	[smem:$0x3F8A] =	sst lr;
	_ =	strace $0xD0000000  }
0x3: {  	_ = 	snop  }
0x4: {  	_ = 	snop  }
0x5: {  	_ = 	snop  }
0x6: {  	_ = 	snop  }
0x7: {  	_ = 	snop  }
__scs_overlays_trampoline_lowered:
0x8: {  	[smem:$0x3F99] =	sst s0  }
0x9: {  	[smem:$0x3F9A] =	sst s1  }
0xa: {  	[smem:$0x3F9B] =	sst s2  }
0xb: {  	[smem:$0x3F9C] =	sst s3  }
0xc: {  	[smem:$0x3F9D] =	sst s4  }
0xd: {  	[smem:$0x3F9E] =	sst s5  }
0xe: {  	[smem:$0x3F9F] =	sst s6  }
0xf: {  	[smem:$0x3FA0] =	sst s7  }
0x10: {  	[smem:$0x3FA1] =	sst s8  }
0x11: {  	[smem:$0x3FA2] =	sst s9;
	s0 =	simm.s32 @!p0 $0x0  }
0x12: {  	s1 =	sld [smem:$0x3F88];
	s0 =	simm.s32 @p0 $0x1  }
0x13: {  	[smem:$0x3FA3] =	sst s0;
	s0 =	simm.s32 @!p1 $0x0  }
0x14: {  	s2 =	sld [smem:$0x3F87];
	s0 =	simm.s32 @p1 $0x1  }
0x15: {  	[smem:$0x3FA4] =	sst s0;
	s0 =	simm.s32 @!p2 $0x0  }
0x16: {  	s3 =	sld [smem:$0x3FDB];
	s0 =	simm.s32 @p2 $0x1  }
0x17: {  	s4 =	simm.s32 $0x1BF5;
	[smem:$0x3FA6] =	sst s0  }
0x18: {  	s0 =	sld [smem:$0x3F89];
	_ =	swait.ge [sflag:s4], $0x0  }
0x19: {  	s7 =	sld [smem:$0x3F8A]  }
0x1a: {  	s8 =	sadd.s32 $0xFFFFE003, lr  }
0x1b: {  	s9 =	sadd.s32 $0xFFFFFEF7, lr;
	s5 =	simm.s32 $0xFFFFFFFF;
	p2 =	slt.u32 s8, $0xFFFFF086  }
0x1c: {  	p1 =	slt.u32 s9, $0xF7A;
	s5 =	simm.s32 @!p2 $0x0  }
0x1d: {  	s5 =	simm.s32 @p1 $0x1;
	p0 =	seq.s32 s7, s2  }
0x1e: {  	s7 =	smul.u32 @!p0 $0xF7A, s2;
	p2 =	seq.s32 @!p0 s5, $0x0  }
0x1f: {  	s9 =	smul.u32 $0xF7A, s1;
	s8 =	simm.s32 @!p0 $0x1BF5;
	p2 =	por !p2, p0  }
0x20: {  	[sflag:s8] =	ssyncset.s32 @!p0 $0xFFFFF086;
	s6 =	sadd.s32 @!p0 s3, s7;
	s7 =	simm.s32 @!p0 $0x108  }
0x21: {  	s3 =	sadd.s32 s3, s9;
	s6 =	sadd.s32 @!p0 $0x88, s6;
	s7 =	simm.s32 @p2 $0x1082  }
0x22: {  	[simem:s7], [sflag:s8] =	dma.local @!p0 [hbm:s6], $0xF7A  }
0x23: {  	s9 =	sor.u32 $0xD0000000, s2;
	s6 =	simm.s32 $0x108;
	_ =	swait.ge @!p0 [sflag:s8], $0x0  }
0x24: {  	s3 =	sadd.s32 $0x88, s3;
	s6 =	simm.s32 @!p1 $0x1082;
	[sflag:s4] =	ssyncset.s32 $0xFFFFF086  }
0x25: {  	[simem:s6], [sflag:s4] =	dma.local [hbm:s3], $0xF7A  }
0x26: {  	[smem:$0x3F8A] =	sst s1;
	(tag) =	ssettag s2;
	_ =	strace s9  }
0x27: {  	s1 =	sld [smem:$0x3F9A]  }
0x28: {  	s2 =	sld [smem:$0x3F9B]  }
0x29: {  	s4 =	sld [smem:$0x3F9D]  }
0x2a: {  	p0 =	seq.s32 s5, $0x0;
	s5 =	sld [smem:$0x3F9E]  }
0x2b: {  	s6 =	sld [smem:$0x3F9F]  }
0x2c: {  	s7 =	sld [smem:$0x3FA0]  }
0x2d: {  	s3 =	simm.s32 $0x108;
	s8 =	sld [smem:$0x3FA1]  }
0x2e: {  	s3 =	simm.s32 @!p0 $0x1082;
	s9 =	sld [smem:$0x3FA2]  }
0x2f: {  	lr =	sadd.s32 s0, s3;
	s0 =	sld [smem:$0x3F99]  }
0x30: {  	s3 =	sld [smem:$0x3F9C]  }
0x31: {  	[smem:$0x3FA5] =	sst s10  }
0x32: {  	s10 =	sld [smem:$0x3FA3];
	_ =	sdelay $0x3  }
0x33: {  	p0 =	seq.s32 s10, $0x1;
	s10 =	sld [smem:$0x3FA5];
	_ =	sdelay $0x3  }
0x34: {  	[smem:$0x3FA5] =	sst s10  }
0x35: {  	s10 =	sld [smem:$0x3FA4];
	_ =	sdelay $0x3  }
0x36: {  	p1 =	seq.s32 s10, $0x1;
	s10 =	sld [smem:$0x3FA5];
	_ =	sdelay $0x3  }
0x37: {  	[smem:$0x3FA5] =	sst s10  }
0x38: {  	s10 =	sld [smem:$0x3FA6]  }
0x39: {  	_ = 	snop;
	(pc) =	sbr.ind lr, $3  }
0x3a: {  	_ = 	snop  }
0x3b: {  	_ = 	snop  }
0x3c: {  	p2 =	seq.s32 s10, $0x1;
	s10 =	sld [smem:$0x3FA5]  }
0x3d: {  	_ =	shalt  }
0x3e: {  	_ =	shalt  }
0x3f: {  	_ =	shalt  }
0x40: {  	_ =	shalt  }
0x41: {  	_ =	shalt  }
0x42: {  	_ =	shalt  }
0x43: {  	_ =	shalt  }
0x44: {  	_ =	shalt  }
0x45: {  	_ =	shalt  }
0x46: {  	_ =	shalt  }
0x47: {  	_ =	shalt  }
0x48: {  	_ =	shalt  }
0x49: {  	_ =	shalt  }
0x4a: {  	_ =	shalt  }
0x4b: {  	_ =	shalt  }
0x4c: {  	_ =	shalt  }
0x4d: {  	_ =	shalt  }
0x4e: {  	_ =	shalt  }
0x4f: {  	_ =	shalt  }
0x50: {  	_ =	shalt  }
0x51: {  	_ =	shalt  }
0x52: {  	_ =	shalt  }
0x53: {  	_ =	shalt  }
0x54: {  	_ =	shalt  }
0x55: {  	_ =	shalt  }
0x56: {  	_ =	shalt  }
0x57: {  	_ =	shalt  }
0x58: {  	_ =	shalt  }
0x59: {  	_ =	shalt  }
0x5a: {  	_ =	shalt  }
0x5b: {  	_ =	shalt  }
0x5c: {  	_ =	shalt  }
0x5d: {  	_ =	shalt  }
0x5e: {  	_ =	shalt  }
0x5f: {  	_ =	shalt  }
0x60: {  	_ =	shalt  }
0x61: {  	_ =	shalt  }
0x62: {  	_ =	shalt  }
0x63: {  	_ =	shalt  }
0x64: {  	_ =	shalt  }
0x65: {  	_ =	shalt  }
0x66: {  	_ =	shalt  }
0x67: {  	_ =	shalt  }
0x68: {  	_ =	shalt  }
0x69: {  	_ =	shalt  }
0x6a: {  	_ =	shalt  }
0x6b: {  	_ =	shalt  }
0x6c: {  	_ =	shalt  }
0x6d: {  	_ =	shalt  }
0x6e: {  	_ =	shalt  }
0x6f: {  	_ =	shalt  }
0x70: {  	_ =	shalt  }
0x71: {  	_ =	shalt  }
0x72: {  	_ =	shalt  }
0x73: {  	_ =	shalt  }
0x74: {  	_ =	shalt  }
0x75: {  	_ =	shalt  }
0x76: {  	_ =	shalt  }
0x77: {  	_ =	shalt  }
0x78: {  	_ =	shalt  }
0x79: {  	_ =	shalt  }
0x7a: {  	_ =	shalt  }
0x7b: {  	_ =	shalt  }
0x7c: {  	_ =	shalt  }
0x7d: {  	_ =	shalt  }
0x7e: {  	_ =	shalt  }
0x7f: {  	_ =	shalt  }
0x80: {  	_ =	shalt  }
0x81: {  	_ =	shalt  }
0x82: {  	_ =	shalt  }
0x83: {  	_ =	shalt  }
0x84: {  	_ =	shalt  }
0x85: {  	_ =	shalt  }
0x86: {  	_ =	shalt  }
0x87: {  	_ =	shalt  }
.Lfunc_end0:
.L_simem_size_0:
called_computation.1_lowered:
.L_overlay_start_0:
0x88: {  	s2 =	sld [smem:$0x3FD9]  }
0x89: {  	s3 =	sld [smem:$0x3FFE];
	_ =	sdelay $0x1  }
0x8a: {  	s1 =	srdreg.scid  }
0x8b: {  	s0 =	sand.u32 $0x1, s1  }
0x8c: {  	s17 =	sshll.u32 s0, $0xA;
	s2 =	sadd.s32 s3, s2  }
0x8d: {  	s2 =	sadd.s32 s2, s17  }
0x8e: {  	[smem:$0x3FB1] =	sst s2  }
0x8f: {  	_ = 	snop  }
0x90: {  	(tm) =	ssettm $0x1  }
0x91: {  	s18 =	sld [smem:$0x3FFB];
	_ =	sdelay $0x3  }
0x92: {  	_ =	strace s18  }
0x93: {  	s2 =	sld [smem:$0x3FFC];
	_ =	sdelay $0x3  }
0x94: {  	_ =	strace s2  }
0x95: {  	s2 =	sld [smem:$0x3FFD];
	_ =	sdelay $0x3  }
0x96: {  	_ =	strace s2  }
0x97: {  	_ =	strace $0x8FFFFFFF  }
0x98: {  	s19 =	sld [smem:$0x3FDB];
	_ =	sdelay $0x1  }
0x99: {  	s20 =	simm.s32 $_scs_section_size  }
0x9a: {  	s4 =	simm.s32 $_size__tile_overlayer_lowered;
	s5 =	simm.s32 $_tile_overlayer_lowered  }
0x9b: {  	s6 =	simm.s32 $0x1BFF;
	s21 =	sshll.u32 s5, $0x1;
	s3 =	sadd.s32 s20, s19  }
0x9c: {  	s22 =	simm.s32 $0x0;
	s4 =	sshll.u32 s4, $0x1;
	s5 =	sadd.s32 s21, s3  }
0x9d: {  	[timem:s22], [sflag:s6] =	dma.local [hbm:s5], s4  }
0x9e: {  	_ =	swait.ge [sflag:s6], s4  }
0x9f: {  	s4 =	ssub.s32 $0x0, s4;
	[sflag:s6] =	ssyncset.done $0x0  }
0xa0: {  	[sflag:s6] =	ssyncadd.s32 s4;
	_ =	sdelay $0x1  }
0xa1: {  	s23 =	simm.s32 $0x1B8B  }
0xa2: {  	_ =	swait.ge [sflag:s23], $0x1  }
0xa3: {  	[sflag:s23] =	ssyncset.done $0x0  }
0xa4: {  	[sflag:s23] =	ssyncadd.s32 $0xFFFFFFFF  }
0xa5: {  	s4 =	sld [smem:$0x0]  }
0xa6: {  	s5 =	sand.u32 $0xFFFFFFFE, s1  }
0xa7: {  	p0 =	sne.s32 s1, s5  }
0xa8: {  	s5 =	sshll.u32 @p0 s5, $0xE  }
0xa9: {  	s5 =	sadd.s32 @p0 $0x11B8D, s5;
	s6 =	sshll.u32 @p0 s4, $0x11  }
0xaa: {  	s5 =	sor.u32 @p0 s6, s5  }
0xab: {  	[sflag:s5] =	ssyncadd.remote.s32 @p0 $0x1;
	_ =	sdelay $0x1  }
0xac: {  	s5 =	simm.s32 @p0 $0x1B8D  }
0xad: {  	_ =	swait.eq @p0 [sflag:s5], $0x1  }
0xae: {  	[sflag:s5] =	ssyncadd.s32 @p0 $0xFFFFFFFF  }
0xaf: {  	s6 =	sshll.u32 @!p0 s1, $0xE  }
0xb0: {  	s6 =	sor.u32 @!p0 $0x4000, s6;
	s5 =	simm.s32 @!p0 $0x1B8D  }
0xb1: {  	s4 =	sshll.u32 @!p0 s4, $0x11;
	s6 =	sadd.s32 @!p0 $0x11B8D, s6;
	_ =	swait.eq @!p0 [sflag:s5], $0x1  }
0xb2: {  	s4 =	sor.u32 @!p0 s4, s6;
	[sflag:s5] =	ssyncadd.s32 @!p0 $0xFFFFFFFF  }
0xb3: {  	s25 =	simm.s32 $0x1B8E;
	s24 =	sld [smem:$0x3FFE];
	[sflag:s4] =	ssyncadd.remote.s32 @!p0 $0x1  }
0xb4: {  	s26 =	simm.s32 $execute0_lowered;
	[smem:$0x3FD2] =	sst s25  }
0xb5: {  	s5 =	sshll.u32 s26, $0x1;
	_ =	strace $0x80000049;
	[dreg:$0x1] =	wrdreg $0xFFFFFFFF  }
0xb6: {  	s28 =	simm.s32 $_size_execute0_lowered;
	s3 =	sadd.s32 s3, s5;
	[dreg:$0x0] =	wrdreg $0x0  }
0xb7: {  	s5 =	sshll.u32 s28, $0x1;
	[dreg:$0x2] =	wrdreg s3  }
0xb8: {  	[dreg:$0x3] =	wrdreg s5  }
0xb9: {  	[dreg:$0x4] =	wrdreg $0xC0  }
0xba: {  	_ =	task [dreg:s22], $0x5FFFF  }
0xbb: {  	[dreg:$0x1] =	wrdreg $0xFFFFFFFF  }
0xbc: {  	[dreg:$0x0] =	wrdreg $0x60  }
0xbd: {  	[dreg:$0x2] =	wrdreg s24  }
0xbe: {  	[dreg:$0x3] =	wrdreg $0x8A200  }
0xbf: {  	[dreg:$0x4] =	wrdreg $0xB  }
0xc0: {  	_ =	task.clear_ibuf [dreg:s22], $0x5FFFF;
	_ =	strace $0x90000049  }
0xc1: {  	s29 =	simm.s32 $0xB;
	_ =	strace $0x8000004B  }
0xc2: {  	_ =	swait.ge [sflag:s29], $0x1  }
0xc3: {  	[sflag:s29] =	ssyncadd.s32 $0xFFFFFFFF  }
0xc4: {  	_ =	strace $0x9000004B  }
0xc5: {  	_ =	sfence  }
0xc6: {  	s30 =	sld [smem:$0x0];
	_ =	sdelay $0x2  }
0xc7: {  	s31 =	sshll.u32 s1, $0xD;
	s1 =	sshrl.u32 s1, $0x2  }
0xc8: {  	s4 =	sand.u32 $0x4000, s31;
	s1 =	sadd.s32 s1, s30  }
0xc9: {  	s0 =	sor.u32 s4, s0;
	s1 =	sshll.u32 s1, $0x11  }
0xca: {  	s0 =	sor.u32 s1, s0  }
0xcb: {  	s0 =	sadd.s32 $0x8F2B, s0  }
0xcc: {  	[sflag:s0] =	ssyncadd.remote.s32 $0x1  }
0xcd: {  	_ =	sfence.sel $0xFFFF  }
0xce: {  	[dreg:$0x0] =	wrdreg $0xFFFFFFFF;
	(pc) =	sbr.abs _section_cstart, $3  }
0xcf: {  	[dreg:$0x1] =	wrdreg $0xFFFFFFFF  }
0xd0: {  	_ =	task.clear_ibuf [dreg:s22], $0x2FFFF;
	_ =	strace $0x9FFFFFFF  }
0xd1: {  	(tm) =	ssettm $0x7FFFFFFF  }
tec
execute0_lowered:
.L_overlay_start_1:
0x0: {  	(tag) =	ssettag $0x1  }
0x1: {  	s0 =	srdreg.scid;
	s1 =	rddreg [dreg:$0x0]  }
0x2: {  	s13 =	stileid.u32;
	s2 =	rddreg [dreg:$0x1];
	s16 =	simm.s32 $0x7  }
0x3: {  	s17 =	simm.s32 $0x2710;
	s20 =	simm.s32 $0x28;
	s28 =	simm.s32 $0x4  }
0x4: {  	s29 =	simm.s32 $0x3;
	s30 =	simm.s32 $0x5;
	s31 =	simm.s32 $0x6  }
0x5: {  	s0 =	sand.u32 $0x1, s0;
	s7 =	smul.u32 $0x13800, s13;
	s5 =	sadd.s32 $0x2C000, s1  }
0x6: {  	s11 =	sadd.s32 $0xA1600, s1;
	s12 =	sadd.s32 $0xEF800, s1;
	s23 =	sadd.s32 $0x138000, s2  }
0x7: {  	p0 =	sne.s32 s13, $0xF;
	s26 =	sshll.u32 s13, $0x6;
	s3 =	sshll.u32 s0, $0x4  }
0x8: {  	s9 =	ssub.s32 $0x2, s0;
	s0 =	smul.u32 $0x138800, s0;
	s18 =	sor.u32 $0x1C07, s26  }
0x9: {  	s26 =	simm.s32 $0x2;
	s4 =	sor.u32 s13, s3;
	s3 =	simm.s32 $0x0  }
0xa: {  	s8 =	sshrl.u32 s7, $0x3;
	s10 =	sshrl.u32 s9, $0x1;
	s22 =	sadd.s32 s7, s2  }
0xb: {  	s6 =	smul.u32 $0x2710, s4;
	[smem:$0x7FF] =	sst s3;
	s4 =	sadd.s32 $0x53200, s1  }
0xc: {  	s8 =	sadd.s32 s8, s1;
	s9 =	ssub.s32 s9, s10;
	s7 =	sadd.s32 s7, s0  }
0xd: {  	s0 =	sshrl.u32 s0, $0x3;
	s10 =	sadd.s32 $0xA1400, s1;
	s19 =	sshrl.u32 s22, $0x3  }
0xe: {  	s22 =	simm.s32 $0x6220;
	_ =	strace $0x8000004A;
	s8 =	sadd.s32 $0x7A400, s8  }
0xf: {  	[dreg:$0x5] =	wrdreg s23;
	s24 =	sshrl.u32 s7, $0x3;
	s0 =	sadd.s32 $0x27000, s0  }
0x10: {  	s15 =	smax.u32 s9, $0x1;
	s23 =	simm.s32 $0x1;
	s7 =	sadd.s32 s11, s24  }
0x11: {  	s9 =	simm.s32 $0x0;
	s25 =	sadd.s32 s11, s0;
	[dreg:$0x6] =	wrdreg s7  }
0x12: {  	s6 =	sshrl.u32 s6, $0x3;
	s0 =	sadd.s32 s12, s0;
	[dreg:$0x7] =	wrdreg s25  }
0x13: {  	s6 =	sadd.s32 s6, s1;
	s1 =	sadd.s32 s12, s24;
	[dreg:$0x9] =	wrdreg s0  }
0x14: {  	s24 =	simm.s32 $0x50;
	s25 =	simm.s32 $0x7620;
	s0 =	simm.s32 $0x26E8  }
0x15: {  	s7 =	simm.s32 $0x4DF8;
	s21 =	sadd.s32 $0x9800, s6;
	[dreg:$0x8] =	wrdreg s1  }
0x16: {  	s6 =	sadd.s32 $0x13440, s6;
	s1 =	simm.s32 $0x4DA8;
	[dreg:$0x3] =	wrdreg s21  }
0x17: {  	[dreg:$0x4] =	wrdreg s6;
	s21 =	simm.s32 $0x4E20;
	s6 =	simm.s32 $0x4DD0  }
.LBB2_1:
0x18: {  	s11 =	rddreg [dreg:$0x3]  }
0x19: {  	[tilespmem:s3], [sflag:$0x7] =	stream.linear.gather [hbm4b:s11+s3], $0x2710, $0x38;
	[tilespmem:$0x1C2A0] =	vst v63  }
0x1a: {  	_ =	swait.ge [sflag:s16], $0x2710  }
0x1b: {  	[sflag:s16] =	ssyncset.done $0x0  }
0x1c: {  	s13 =	rddreg [dreg:$0x4];
	[sflag:s16] =	ssyncadd.s32 $0xFFFFD8F0  }
0x1d: {  	[tilespmem:s17], [sflag:$0x7] =	stream.linear.gather [hbm4b:s13+s3], $0x2710, $0x38;
	[tilespmem:$0x1C2A0] =	vst v63  }
0x1e: {  	_ =	swait.ge [sflag:s16], $0x2710  }
0x1f: {  	[sflag:s16] =	ssyncset.done $0x0  }
0x20: {  	[sflag:s16] =	ssyncadd.s32 $0xFFFFD8F0  }
0x21: {  	[spmem:s19], [sflag:s18] =	dma.local [hbm:s8], $0x2700  }
0x22: {  	_ =	swait.ge [sflag:s16], $0x2700  }
0x23: {  	[sflag:s16] =	ssyncset.done $0x0;
	s11 =	rddreg [dreg:$0x5]  }
0x24: {  	s12 =	simm.s32 @!p0 $0x7;
	[sflag:s16] =	ssyncadd.s32 $0xFFFFD900;
	s11 =	sshrl.u32 @!p0 s11, $0x3  }
0x25: {  	[spmem:s11], [sflag:s18] =	dma.local @!p0 [hbm:s10], $0x100  }
0x26: {  	_ =	swait.ge @!p0 [sflag:s12], $0x100  }
0x27: {  	[sflag:s12] =	ssyncset.done @!p0 $0x0  }
0x28: {  	[sflag:s12] =	ssyncadd.s32 @!p0 $0xFFFFFF00  }
0x29: {  	[bflag:$0x0] =	sbarrier.arrive $0xFFFF  }
0x2a: {  	[tilespmem:s21], [sflag:$0x1] =	stream.indirect.gather [hbm4b:s4+s20], $0x80, s3, s20, $0xb8;
	[tilespmem:$0x1C2A0] =	vst v63  }
0x2b: {  	_ = 	snop  }
0x2c: {  	[tilespmem:s22], [sflag:$0x2] =	stream.indirect.gather [hbm4b:s4+s20], $0x80, s20, s20, $0xb8;
	[tilespmem:$0x1C2A0] =	vst v63  }
0x2d: {  	_ =	swait.ge [sflag:s23], $0x1400  }
0x2e: {  	[sflag:s23] =	ssyncset.done $0x0  }
0x2f: {  	[sflag:s23] =	ssyncadd.s32 $0xFFFFEC00  }
0x30: {  	[spmem:s2] =	stream.indirect.scatter.add.f32 [tilespmem:s21], [sflag:$0x4], $0x80, s17, s20, $0xb8;
	[tilespmem:$0x1C2A0] =	vst v63  }
0x31: {  	_ = 	snop  }
0x32: {  	[tilespmem:s25], [sflag:$0x3] =	stream.indirect.gather [hbm4b:s4+s20], $0x80, s24, s20, $0xb8;
	[tilespmem:$0x1C2A0] =	vst v63  }
0x33: {  	_ =	swait.ge [sflag:s26], $0x1400  }
0x34: {  	[sflag:s26] =	ssyncset.done $0x0  }
0x35: {  	s14 =	simm.s32 $0x2738;
	[sflag:s26] =	ssyncadd.s32 $0xFFFFEC00  }
0x36: {  	[spmem:s2] =	stream.indirect.scatter.add.f32 [tilespmem:s22], [sflag:$0x5], $0x80, s14, s20, $0xb8;
	[tilespmem:$0x1C2A0] =	vst v63  }
0x37: {  	_ =	swait.ge [sflag:s28], $0x1400  }
0x38: {  	[sflag:s28] =	ssyncset.done $0x0  }
0x39: {  	s13 =	simm.s32 $0x78;
	[sflag:s28] =	ssyncadd.s32 $0xFFFFEC00  }
0x3a: {  	[tilespmem:s21], [sflag:$0x1] =	stream.indirect.gather [hbm4b:s4+s20], $0x80, s13, s20, $0xb8;
	[tilespmem:$0x1C2A0] =	vst v63  }
0x3b: {  	_ =	swait.ge [sflag:s29], $0x1400  }
0x3c: {  	[sflag:s29] =	ssyncset.done $0x0  }
0x3d: {  	s14 =	simm.s32 $0x2760;
	[sflag:s29] =	ssyncadd.s32 $0xFFFFEC00  }
0x3e: {  	[spmem:s2] =	stream.indirect.scatter.add.f32 [tilespmem:s25], [sflag:$0x6], $0x80, s14, s20, $0xb8;
	[tilespmem:$0x1C2A0] =	vst v63  }
0x3f: {  	_ =	swait.ge [sflag:s30], $0x1400  }
0x40: {  	[sflag:s30] =	ssyncset.done $0x0  }
0x41: {  	s13 =	simm.s32 $0xA0;
	[sflag:s30] =	ssyncadd.s32 $0xFFFFEC00  }
0x42: {  	[tilespmem:s22], [sflag:$0x2] =	stream.indirect.gather [hbm4b:s4+s20], $0x80, s13, s20, $0xb8;
	[tilespmem:$0x1C2A0] =	vst v63  }
0x43: {  	_ =	swait.ge [sflag:s23], $0x1400  }
0x44: {  	[sflag:s23] =	ssyncset.done $0x0  }
0x45: {  	s14 =	simm.s32 $0x2788;
	[sflag:s23] =	ssyncadd.s32 $0xFFFFEC00  }
0x46: {  	[spmem:s2] =	stream.indirect.scatter.add.f32 [tilespmem:s21], [sflag:$0x4], $0x80, s14, s20, $0xb8;
	[tilespmem:$0x1C2A0] =	vst v63  }
0x47: {  	_ =	swait.ge [sflag:s31], $0x1400  }
0x48: {  	[sflag:s31] =	ssyncset.done $0x0  }
0x49: {  	s12 =	simm.s32 $0x1E0;
	s13 =	simm.s32 $0xC8;
	[sflag:s31] =	ssyncadd.s32 $0xFFFFEC00  }
.LBB2_2:
0x4a: {  	[tilespmem:s25], [sflag:$0x3] =	stream.indirect.gather [hbm4b:s4+s20], $0x80, s13, s20, $0xb8;
	[tilespmem:$0x1C2A0] =	vst v63  }
0x4b: {  	s13 =	smov.u32 s12  }
0x4c: {  	p1 =	sne.s32 s12, $0x97E0;
	s12 =	sadd.s32 $0x1E0, s12;
	_ =	swait.ge [sflag:s26], $0x1400  }
0x4d: {  	s13 =	sshra.s32 s13, $0x2;
	[sflag:s26] =	ssyncset.done $0x0  }
0x4e: {  	s14 =	sadd.s32 $0x2738, s13;
	[sflag:s26] =	ssyncadd.s32 $0xFFFFEC00  }
0x4f: {  	[spmem:s2] =	stream.indirect.scatter.add.f32 [tilespmem:s22], [sflag:$0x5], $0x80, s14, s20, $0xb8;
	[tilespmem:$0x1C2A0] =	vst v63  }
0x50: {  	_ =	swait.ge [sflag:s28], $0x1400  }
0x51: {  	[sflag:s28] =	ssyncset.done $0x0  }
0x52: {  	s14 =	sadd.s32 $0x78, s13;
	[sflag:s28] =	ssyncadd.s32 $0xFFFFEC00  }
0x53: {  	[tilespmem:s21], [sflag:$0x1] =	stream.indirect.gather [hbm4b:s4+s20], $0x80, s14, s20, $0xb8;
	[tilespmem:$0x1C2A0] =	vst v63  }
0x54: {  	_ =	swait.ge [sflag:s29], $0x1400  }
0x55: {  	[sflag:s29] =	ssyncset.done $0x0  }
0x56: {  	s14 =	sadd.s32 $0x2760, s13;
	[sflag:s29] =	ssyncadd.s32 $0xFFFFEC00  }
0x57: {  	[spmem:s2] =	stream.indirect.scatter.add.f32 [tilespmem:s25], [sflag:$0x6], $0x80, s14, s20, $0xb8;
	[tilespmem:$0x1C2A0] =	vst v63  }
0x58: {  	_ =	swait.ge [sflag:s30], $0x1400  }
0x59: {  	[sflag:s30] =	ssyncset.done $0x0  }
0x5a: {  	s14 =	sadd.s32 $0xA0, s13;
	[sflag:s30] =	ssyncadd.s32 $0xFFFFEC00  }
0x5b: {  	[tilespmem:s22], [sflag:$0x2] =	stream.indirect.gather [hbm4b:s4+s20], $0x80, s14, s20, $0xb8;
	[tilespmem:$0x1C2A0] =	vst v63  }
0x5c: {  	_ =	swait.ge [sflag:s23], $0x1400  }
0x5d: {  	[sflag:s23] =	ssyncset.done $0x0  }
.Ltmp0:
0x5e: {  	s14 =	sadd.s32 $0x2788, s13;
	[sflag:s23] =	ssyncadd.s32 $0xFFFFEC00;
	(pc) =	sbr.rel @p1 .LBB2_2-.Ltmp0, $4  }
0x5f: {  	[spmem:s2] =	stream.indirect.scatter.add.f32 [tilespmem:s21], [sflag:$0x4], $0x80, s14, s20, $0xb8;
	[tilespmem:$0x1C2A0] =	vst v63  }
0x60: {  	_ =	swait.ge [sflag:s31], $0x1400  }
0x61: {  	[sflag:s31] =	ssyncset.done $0x0  }
0x62: {  	s13 =	sadd.s32 $0xC8, s13;
	[sflag:s31] =	ssyncadd.s32 $0xFFFFEC00  }
0x63: {  	[tilespmem:s25], [sflag:$0x3] =	stream.indirect.gather [hbm4b:s4+s20], $0x80, s13, s20, $0xb8;
	[tilespmem:$0x1C2A0] =	vst v63  }
0x64: {  	_ =	swait.ge [sflag:s26], $0x1400  }
0x65: {  	[sflag:s26] =	ssyncset.done $0x0  }
0x66: {  	[sflag:s26] =	ssyncadd.s32 $0xFFFFEC00  }
0x67: {  	[spmem:s2] =	stream.indirect.scatter.add.f32 [tilespmem:s22], [sflag:$0x5], $0x80, s1, s20, $0xb8;
	[tilespmem:$0x1C2A0] =	vst v63  }
0x68: {  	_ =	swait.ge [sflag:s28], $0x1400  }
0x69: {  	[sflag:s28] =	ssyncset.done $0x0  }
0x6a: {  	[sflag:s28] =	ssyncadd.s32 $0xFFFFEC00  }
0x6b: {  	[tilespmem:s21], [sflag:$0x1] =	stream.indirect.gather [hbm4b:s4+s20], $0x80, s0, s20, $0xb8;
	[tilespmem:$0x1C2A0] =	vst v63  }
0x6c: {  	_ =	swait.ge [sflag:s29], $0x1400  }
0x6d: {  	[sflag:s29] =	ssyncset.done $0x0  }
0x6e: {  	[sflag:s29] =	ssyncadd.s32 $0xFFFFEC00  }
0x6f: {  	[spmem:s2] =	stream.indirect.scatter.add.f32 [tilespmem:s25], [sflag:$0x6], $0x80, s6, s20, $0xb8;
	[tilespmem:$0x1C2A0] =	vst v63  }
0x70: {  	_ =	swait.ge [sflag:s23], $0x1400  }
0x71: {  	[sflag:s23] =	ssyncset.done $0x0  }
0x72: {  	[sflag:s23] =	ssyncadd.s32 $0xFFFFEC00  }
0x73: {  	[spmem:s2] =	stream.indirect.scatter.add.f32 [tilespmem:s21], [sflag:$0x4], $0x80, s7, s20, $0xb8;
	[tilespmem:$0x1C2A0] =	vst v63  }
0x74: {  	_ =	swait.ge [sflag:s28], $0x1400  }
0x75: {  	[sflag:s28] =	ssyncset.done $0x0  }
0x76: {  	[sflag:s28] =	ssyncadd.s32 $0xFFFFEC00  }
0x77: {  	_ =	swait.ge [sflag:s30], $0x1400  }
0x78: {  	[sflag:s30] =	ssyncset.done $0x0  }
0x79: {  	[sflag:s30] =	ssyncadd.s32 $0xFFFFEC00  }
0x7a: {  	_ =	swait.ge [sflag:s31], $0x1400  }
0x7b: {  	[sflag:s31] =	ssyncset.done $0x0  }
0x7c: {  	[sflag:s31] =	ssyncadd.s32 $0xFFFFEC00  }
0x7d: {  	[bflag:$0x0] =	sbarrier.arrive $0xFFFF  }
0x7e: {  	s12 =	rddreg [dreg:$0x6]  }
0x7f: {  	[hbm:s12], [sflag:s18] =	dma.local [spmem:s19], $0x2700  }
0x80: {  	_ =	swait.ge [sflag:s16], $0x2700  }
0x81: {  	[sflag:s16] =	ssyncset.done $0x0  }
0x82: {  	[sflag:s16] =	ssyncadd.s32 $0xFFFFD900  }
0x83: {  	[spmem:s19], [sflag:s18] =	dma.local [hbm:s8], $0x2700  }
0x84: {  	_ =	swait.ge [sflag:s16], $0x2700  }
0x85: {  	[sflag:s16] =	ssyncset.done $0x0  }
0x86: {  	s12 =	rddreg [dreg:$0x7];
	[sflag:s16] =	ssyncadd.s32 $0xFFFFD900  }
0x87: {  	[hbm:s12], [sflag:s18] =	dma.local @!p0 [spmem:s11], $0x100  }
0x88: {  	s12 =	simm.s32 @!p0 $0x7  }
0x89: {  	_ =	swait.ge @!p0 [sflag:s12], $0x100  }
0x8a: {  	[sflag:s12] =	ssyncset.done @!p0 $0x0  }
0x8b: {  	[sflag:s12] =	ssyncadd.s32 @!p0 $0xFFFFFF00  }
0x8c: {  	[spmem:s11], [sflag:s18] =	dma.local @!p0 [hbm:s10], $0x100  }
0x8d: {  	_ =	swait.ge @!p0 [sflag:s12], $0x100  }
0x8e: {  	[sflag:s12] =	ssyncset.done @!p0 $0x0  }
0x8f: {  	[sflag:s12] =	ssyncadd.s32 @!p0 $0xFFFFFF00  }
0x90: {  	s13 =	simm.s32 $0x0;
	[bflag:$0x0] =	sbarrier.arrive $0xFFFF  }
0x91: {  	[tilespmem:s21], [sflag:$0x1] =	stream.indirect.gather [hbm4b:s5+s20], $0x80, s13, s20, $0xb8;
	[tilespmem:$0x1C2A0] =	vst v63  }
0x92: {  	_ = 	snop  }
0x93: {  	[tilespmem:s22], [sflag:$0x2] =	stream.indirect.gather [hbm4b:s5+s20], $0x80, s20, s20, $0xb8;
	[tilespmem:$0x1C2A0] =	vst v63  }
0x94: {  	_ =	swait.ge [sflag:s23], $0x1400  }
0x95: {  	[sflag:s23] =	ssyncset.done $0x0  }
0x96: {  	[sflag:s23] =	ssyncadd.s32 $0xFFFFEC00  }
0x97: {  	[spmem:s2] =	stream.indirect.scatter.add.f32 [tilespmem:s21], [sflag:$0x4], $0x80, s17, s20, $0xb8;
	[tilespmem:$0x1C2A0] =	vst v63  }
0x98: {  	_ = 	snop  }
0x99: {  	[tilespmem:s25], [sflag:$0x3] =	stream.indirect.gather [hbm4b:s5+s20], $0x80, s24, s20, $0xb8;
	[tilespmem:$0x1C2A0] =	vst v63  }
0x9a: {  	_ =	swait.ge [sflag:s26], $0x1400  }
0x9b: {  	[sflag:s26] =	ssyncset.done $0x0  }
0x9c: {  	s14 =	simm.s32 $0x2738;
	[sflag:s26] =	ssyncadd.s32 $0xFFFFEC00  }
0x9d: {  	[spmem:s2] =	stream.indirect.scatter.add.f32 [tilespmem:s22], [sflag:$0x5], $0x80, s14, s20, $0xb8;
	[tilespmem:$0x1C2A0] =	vst v63  }
0x9e: {  	_ =	swait.ge [sflag:s28], $0x1400  }
0x9f: {  	[sflag:s28] =	ssyncset.done $0x0  }
0xa0: {  	s13 =	simm.s32 $0x78;
	[sflag:s28] =	ssyncadd.s32 $0xFFFFEC00  }
0xa1: {  	[tilespmem:s21], [sflag:$0x1] =	stream.indirect.gather [hbm4b:s5+s20], $0x80, s13, s20, $0xb8;
	[tilespmem:$0x1C2A0] =	vst v63  }
0xa2: {  	_ =	swait.ge [sflag:s29], $0x1400  }
0xa3: {  	[sflag:s29] =	ssyncset.done $0x0  }
0xa4: {  	s14 =	simm.s32 $0x2760;
	[sflag:s29] =	ssyncadd.s32 $0xFFFFEC00  }
0xa5: {  	[spmem:s2] =	stream.indirect.scatter.add.f32 [tilespmem:s25], [sflag:$0x6], $0x80, s14, s20, $0xb8;
	[tilespmem:$0x1C2A0] =	vst v63  }
0xa6: {  	_ =	swait.ge [sflag:s30], $0x1400  }
0xa7: {  	[sflag:s30] =	ssyncset.done $0x0  }
0xa8: {  	s13 =	simm.s32 $0xA0;
	[sflag:s30] =	ssyncadd.s32 $0xFFFFEC00  }
0xa9: {  	[tilespmem:s22], [sflag:$0x2] =	stream.indirect.gather [hbm4b:s5+s20], $0x80, s13, s20, $0xb8;
	[tilespmem:$0x1C2A0] =	vst v63  }
0xaa: {  	_ =	swait.ge [sflag:s23], $0x1400  }
0xab: {  	[sflag:s23] =	ssyncset.done $0x0  }
0xac: {  	s14 =	simm.s32 $0x2788;
	[sflag:s23] =	ssyncadd.s32 $0xFFFFEC00  }
0xad: {  	[spmem:s2] =	stream.indirect.scatter.add.f32 [tilespmem:s21], [sflag:$0x4], $0x80, s14, s20, $0xb8;
	[tilespmem:$0x1C2A0] =	vst v63  }
0xae: {  	_ =	swait.ge [sflag:s31], $0x1400  }
0xaf: {  	[sflag:s31] =	ssyncset.done $0x0  }
0xb0: {  	s12 =	simm.s32 $0x1E0;
	s13 =	simm.s32 $0xC8;
	[sflag:s31] =	ssyncadd.s32 $0xFFFFEC00  }
.LBB2_4:
0xb1: {  	[tilespmem:s25], [sflag:$0x3] =	stream.indirect.gather [hbm4b:s5+s20], $0x80, s13, s20, $0xb8;
	[tilespmem:$0x1C2A0] =	vst v63  }
0xb2: {  	s13 =	smov.u32 s12  }
0xb3: {  	p1 =	sne.s32 s12, $0x97E0;
	s12 =	sadd.s32 $0x1E0, s12;
	_ =	swait.ge [sflag:s26], $0x1400  }
0xb4: {  	s13 =	sshra.s32 s13, $0x2;
	[sflag:s26] =	ssyncset.done $0x0  }
0xb5: {  	s14 =	sadd.s32 $0x2738, s13;
	[sflag:s26] =	ssyncadd.s32 $0xFFFFEC00  }
0xb6: {  	[spmem:s2] =	stream.indirect.scatter.add.f32 [tilespmem:s22], [sflag:$0x5], $0x80, s14, s20, $0xb8;
	[tilespmem:$0x1C2A0] =	vst v63  }
0xb7: {  	_ =	swait.ge [sflag:s28], $0x1400  }
0xb8: {  	[sflag:s28] =	ssyncset.done $0x0  }
0xb9: {  	s14 =	sadd.s32 $0x78, s13;
	[sflag:s28] =	ssyncadd.s32 $0xFFFFEC00  }
0xba: {  	[tilespmem:s21], [sflag:$0x1] =	stream.indirect.gather [hbm4b:s5+s20], $0x80, s14, s20, $0xb8;
	[tilespmem:$0x1C2A0] =	vst v63  }
0xbb: {  	_ =	swait.ge [sflag:s29], $0x1400  }
0xbc: {  	[sflag:s29] =	ssyncset.done $0x0  }
0xbd: {  	s14 =	sadd.s32 $0x2760, s13;
	[sflag:s29] =	ssyncadd.s32 $0xFFFFEC00  }
0xbe: {  	[spmem:s2] =	stream.indirect.scatter.add.f32 [tilespmem:s25], [sflag:$0x6], $0x80, s14, s20, $0xb8;
	[tilespmem:$0x1C2A0] =	vst v63  }
0xbf: {  	_ =	swait.ge [sflag:s30], $0x1400  }
0xc0: {  	[sflag:s30] =	ssyncset.done $0x0  }
0xc1: {  	s14 =	sadd.s32 $0xA0, s13;
	[sflag:s30] =	ssyncadd.s32 $0xFFFFEC00  }
0xc2: {  	[tilespmem:s22], [sflag:$0x2] =	stream.indirect.gather [hbm4b:s5+s20], $0x80, s14, s20, $0xb8;
	[tilespmem:$0x1C2A0] =	vst v63  }
0xc3: {  	_ =	swait.ge [sflag:s23], $0x1400  }
0xc4: {  	[sflag:s23] =	ssyncset.done $0x0  }
.Ltmp1:
0xc5: {  	s14 =	sadd.s32 $0x2788, s13;
	[sflag:s23] =	ssyncadd.s32 $0xFFFFEC00;
	(pc) =	sbr.rel @p1 .LBB2_4-.Ltmp1, $4  }
0xc6: {  	[spmem:s2] =	stream.indirect.scatter.add.f32 [tilespmem:s21], [sflag:$0x4], $0x80, s14, s20, $0xb8;
	[tilespmem:$0x1C2A0] =	vst v63  }
0xc7: {  	_ =	swait.ge [sflag:s31], $0x1400  }
0xc8: {  	[sflag:s31] =	ssyncset.done $0x0  }
0xc9: {  	s13 =	sadd.s32 $0xC8, s13;
	[sflag:s31] =	ssyncadd.s32 $0xFFFFEC00  }
0xca: {  	[tilespmem:s25], [sflag:$0x3] =	stream.indirect.gather [hbm4b:s5+s20], $0x80, s13, s20, $0xb8;
	[tilespmem:$0x1C2A0] =	vst v63  }
0xcb: {  	_ =	swait.ge [sflag:s26], $0x1400  }
0xcc: {  	[sflag:s26] =	ssyncset.done $0x0  }
0xcd: {  	[sflag:s26] =	ssyncadd.s32 $0xFFFFEC00  }
0xce: {  	[spmem:s2] =	stream.indirect.scatter.add.f32 [tilespmem:s22], [sflag:$0x5], $0x80, s1, s20, $0xb8;
	[tilespmem:$0x1C2A0] =	vst v63  }
0xcf: {  	_ =	swait.ge [sflag:s28], $0x1400  }
0xd0: {  	[sflag:s28] =	ssyncset.done $0x0  }
0xd1: {  	[sflag:s28] =	ssyncadd.s32 $0xFFFFEC00  }
0xd2: {  	[tilespmem:s21], [sflag:$0x1] =	stream.indirect.gather [hbm4b:s5+s20], $0x80, s0, s20, $0xb8;
	[tilespmem:$0x1C2A0] =	vst v63  }
0xd3: {  	_ =	swait.ge [sflag:s29], $0x1400  }
0xd4: {  	[sflag:s29] =	ssyncset.done $0x0  }
0xd5: {  	[sflag:s29] =	ssyncadd.s32 $0xFFFFEC00  }
0xd6: {  	[spmem:s2] =	stream.indirect.scatter.add.f32 [tilespmem:s25], [sflag:$0x6], $0x80, s6, s20, $0xb8;
	[tilespmem:$0x1C2A0] =	vst v63  }
0xd7: {  	_ =	swait.ge [sflag:s23], $0x1400  }
0xd8: {  	[sflag:s23] =	ssyncset.done $0x0  }
0xd9: {  	[sflag:s23] =	ssyncadd.s32 $0xFFFFEC00  }
0xda: {  	[spmem:s2] =	stream.indirect.scatter.add.f32 [tilespmem:s21], [sflag:$0x4], $0x80, s7, s20, $0xb8;
	[tilespmem:$0x1C2A0] =	vst v63  }
0xdb: {  	_ =	swait.ge [sflag:s28], $0x1400  }
0xdc: {  	[sflag:s28] =	ssyncset.done $0x0  }
0xdd: {  	[sflag:s28] =	ssyncadd.s32 $0xFFFFEC00  }
0xde: {  	_ =	swait.ge [sflag:s30], $0x1400  }
0xdf: {  	[sflag:s30] =	ssyncset.done $0x0  }
0xe0: {  	[sflag:s30] =	ssyncadd.s32 $0xFFFFEC00  }
0xe1: {  	_ =	swait.ge [sflag:s31], $0x1400  }
0xe2: {  	[sflag:s31] =	ssyncset.done $0x0  }
0xe3: {  	[sflag:s31] =	ssyncadd.s32 $0xFFFFEC00  }
0xe4: {  	[bflag:$0x0] =	sbarrier.arrive $0xFFFF  }
0xe5: {  	s12 =	rddreg [dreg:$0x8]  }
0xe6: {  	[hbm:s12], [sflag:s18] =	dma.local [spmem:s19], $0x2700  }
0xe7: {  	_ =	swait.ge [sflag:s16], $0x2700  }
0xe8: {  	s9 =	sadd.s32 $0x1, s9;
	[sflag:s16] =	ssyncset.done $0x0  }
0xe9: {  	p1 =	sne.s32 s9, s15;
	s12 =	rddreg [dreg:$0x9];
	[sflag:s16] =	ssyncadd.s32 $0xFFFFD900  }
0xea: {  	[hbm:s12], [sflag:s18] =	dma.local @!p0 [spmem:s11], $0x100  }
.Ltmp2:
0xeb: {  	_ = 	snop;
	(pc) =	sbr.rel @p1 .LBB2_1-.Ltmp2, $4  }
0xec: {  	s11 =	simm.s32 @!p0 $0x7  }
0xed: {  	_ =	swait.ge @!p0 [sflag:s11], $0x100  }
0xee: {  	[sflag:s11] =	ssyncset.done @!p0 $0x0  }
0xef: {  	[sflag:s11] =	ssyncadd.s32 @!p0 $0xFFFFFF00  }
0xf0: {  	_ =	sfence.sel $0x180000  }
0xf1: {  	[bflag:$0x0] =	sbarrier.arrive $0xFFFF  }
0xf2: {  	_ =	strace $0x9000004A  }
0xf3: {  	s0 =	stileid.u32;
	[bflag:$0x2] =	sbarrier.arrive $0xFFFF  }
0xf4: {  	p0 =	sne.s32 s0, $0x0;
	s0 =	rddreg [dreg:$0x2]  }
0xf5: {  	s0 =	sadd.s32 @!p0 $0x100000, s0  }
0xf6: {  	[sflag:s0] =	ssyncadd.tile.s32 @!p0 $0x1;
	_ =	shalt  }
.Lfunc_end2:
_tile_overlayer_lowered:
.L_overlay_start_2:
0xf7: {  	(tag) =	ssettag $0x2  }
0xf8: {  	s0 =	rddreg [dreg:$0x0];
	s2 =	stileid.u32  }
0xf9: {  	s1 =	rddreg [dreg:$0x1];
	p0 =	sne.s32 s2, $0x0  }
0xfa: {  	s3 =	rddreg [dreg:$0x2];
	[bflag:$0x3] =	sbarrier.arrive $0xFFFF;
	s2 =	simm.s32 @!p0 $0x1C07  }
0xfb: {  	[timem:s3], [sflag:s2] =	dma.local @!p0 [hbm:s0], s1  }
0xfc: {  	s0 =	simm.s32 @!p0 $0x7  }
0xfd: {  	_ =	swait.ge @!p0 [sflag:s0], s1  }
0xfe: {  	s1 =	ssub.s32 @!p0 $0x0, s1;
	[sflag:s0] =	ssyncset.done @!p0 $0x0  }
0xff: {  	[sflag:s0] =	ssyncadd.s32 @!p0 s1  }
0x100: {  	[bflag:$0x3] =	sbarrier.arrive $0xFFFF  }
0x101: {  	_ =	shalt  }

// kernel: kernel.19.cloned.1.call-start
scs
__scs_entry_jumppad:
0x0: {  	(pc) =	sbr.rel $0x88, $3  }
0x1: {  	(tag) =	ssettag $0x0;
	lr =	simm.s32 $0x1  }
0x2: {  	[smem:$0x3F8A] =	sst lr;
	_ =	strace $0xD0000000  }
0x3: {  	_ = 	snop  }
0x4: {  	_ = 	snop  }
0x5: {  	_ = 	snop  }
0x6: {  	_ = 	snop  }
0x7: {  	_ = 	snop  }
__scs_overlays_trampoline_lowered:
0x8: {  	[smem:$0x3F99] =	sst s0  }
0x9: {  	[smem:$0x3F9A] =	sst s1  }
0xa: {  	[smem:$0x3F9B] =	sst s2  }
0xb: {  	[smem:$0x3F9C] =	sst s3  }
0xc: {  	[smem:$0x3F9D] =	sst s4  }
0xd: {  	[smem:$0x3F9E] =	sst s5  }
0xe: {  	[smem:$0x3F9F] =	sst s6  }
0xf: {  	[smem:$0x3FA0] =	sst s7  }
0x10: {  	[smem:$0x3FA1] =	sst s8  }
0x11: {  	[smem:$0x3FA2] =	sst s9;
	s0 =	simm.s32 @!p0 $0x0  }
0x12: {  	s1 =	sld [smem:$0x3F88];
	s0 =	simm.s32 @p0 $0x1  }
0x13: {  	[smem:$0x3FA3] =	sst s0;
	s0 =	simm.s32 @!p1 $0x0  }
0x14: {  	s2 =	sld [smem:$0x3F87];
	s0 =	simm.s32 @p1 $0x1  }
0x15: {  	[smem:$0x3FA4] =	sst s0;
	s0 =	simm.s32 @!p2 $0x0  }
0x16: {  	s3 =	sld [smem:$0x3FDB];
	s0 =	simm.s32 @p2 $0x1  }
0x17: {  	s4 =	simm.s32 $0x1BF5;
	[smem:$0x3FA6] =	sst s0  }
0x18: {  	s0 =	sld [smem:$0x3F89];
	_ =	swait.ge [sflag:s4], $0x0  }
0x19: {  	s7 =	sld [smem:$0x3F8A]  }
0x1a: {  	s8 =	sadd.s32 $0xFFFFE003, lr  }
0x1b: {  	s9 =	sadd.s32 $0xFFFFFEF7, lr;
	s5 =	simm.s32 $0xFFFFFFFF;
	p2 =	slt.u32 s8, $0xFFFFF086  }
0x1c: {  	p1 =	slt.u32 s9, $0xF7A;
	s5 =	simm.s32 @!p2 $0x0  }
0x1d: {  	s5 =	simm.s32 @p1 $0x1;
	p0 =	seq.s32 s7, s2  }
0x1e: {  	s7 =	smul.u32 @!p0 $0xF7A, s2;
	p2 =	seq.s32 @!p0 s5, $0x0  }
0x1f: {  	s9 =	smul.u32 $0xF7A, s1;
	s8 =	simm.s32 @!p0 $0x1BF5;
	p2 =	por !p2, p0  }
0x20: {  	[sflag:s8] =	ssyncset.s32 @!p0 $0xFFFFF086;
	s6 =	sadd.s32 @!p0 s3, s7;
	s7 =	simm.s32 @!p0 $0x108  }
0x21: {  	s3 =	sadd.s32 s3, s9;
	s6 =	sadd.s32 @!p0 $0x88, s6;
	s7 =	simm.s32 @p2 $0x1082  }
0x22: {  	[simem:s7], [sflag:s8] =	dma.local @!p0 [hbm:s6], $0xF7A  }
0x23: {  	s9 =	sor.u32 $0xD0000000, s2;
	s6 =	simm.s32 $0x108;
	_ =	swait.ge @!p0 [sflag:s8], $0x0  }
0x24: {  	s3 =	sadd.s32 $0x88, s3;
	s6 =	simm.s32 @!p1 $0x1082;
	[sflag:s4] =	ssyncset.s32 $0xFFFFF086  }
0x25: {  	[simem:s6], [sflag:s4] =	dma.local [hbm:s3], $0xF7A  }
0x26: {  	[smem:$0x3F8A] =	sst s1;
	(tag) =	ssettag s2;
	_ =	strace s9  }
0x27: {  	s1 =	sld [smem:$0x3F9A]  }
0x28: {  	s2 =	sld [smem:$0x3F9B]  }
0x29: {  	s4 =	sld [smem:$0x3F9D]  }
0x2a: {  	p0 =	seq.s32 s5, $0x0;
	s5 =	sld [smem:$0x3F9E]  }
0x2b: {  	s6 =	sld [smem:$0x3F9F]  }
0x2c: {  	s7 =	sld [smem:$0x3FA0]  }
0x2d: {  	s3 =	simm.s32 $0x108;
	s8 =	sld [smem:$0x3FA1]  }
0x2e: {  	s3 =	simm.s32 @!p0 $0x1082;
	s9 =	sld [smem:$0x3FA2]  }
0x2f: {  	lr =	sadd.s32 s0, s3;
	s0 =	sld [smem:$0x3F99]  }
0x30: {  	s3 =	sld [smem:$0x3F9C]  }
0x31: {  	[smem:$0x3FA5] =	sst s10  }
0x32: {  	s10 =	sld [smem:$0x3FA3];
	_ =	sdelay $0x3  }
0x33: {  	p0 =	seq.s32 s10, $0x1;
	s10 =	sld [smem:$0x3FA5];
	_ =	sdelay $0x3  }
0x34: {  	[smem:$0x3FA5] =	sst s10  }
0x35: {  	s10 =	sld [smem:$0x3FA4];
	_ =	sdelay $0x3  }
0x36: {  	p1 =	seq.s32 s10, $0x1;
	s10 =	sld [smem:$0x3FA5];
	_ =	sdelay $0x3  }
0x37: {  	[smem:$0x3FA5] =	sst s10  }
0x38: {  	s10 =	sld [smem:$0x3FA6]  }
0x39: {  	_ = 	snop;
	(pc) =	sbr.ind lr, $3  }
0x3a: {  	_ = 	snop  }
0x3b: {  	_ = 	snop  }
0x3c: {  	p2 =	seq.s32 s10, $0x1;
	s10 =	sld [smem:$0x3FA5]  }
0x3d: {  	_ =	shalt  }
0x3e: {  	_ =	shalt  }
0x3f: {  	_ =	shalt  }
0x40: {  	_ =	shalt  }
0x41: {  	_ =	shalt  }
0x42: {  	_ =	shalt  }
0x43: {  	_ =	shalt  }
0x44: {  	_ =	shalt  }
0x45: {  	_ =	shalt  }
0x46: {  	_ =	shalt  }
0x47: {  	_ =	shalt  }
0x48: {  	_ =	shalt  }
0x49: {  	_ =	shalt  }
0x4a: {  	_ =	shalt  }
0x4b: {  	_ =	shalt  }
0x4c: {  	_ =	shalt  }
0x4d: {  	_ =	shalt  }
0x4e: {  	_ =	shalt  }
0x4f: {  	_ =	shalt  }
0x50: {  	_ =	shalt  }
0x51: {  	_ =	shalt  }
0x52: {  	_ =	shalt  }
0x53: {  	_ =	shalt  }
0x54: {  	_ =	shalt  }
0x55: {  	_ =	shalt  }
0x56: {  	_ =	shalt  }
0x57: {  	_ =	shalt  }
0x58: {  	_ =	shalt  }
0x59: {  	_ =	shalt  }
0x5a: {  	_ =	shalt  }
0x5b: {  	_ =	shalt  }
0x5c: {  	_ =	shalt  }
0x5d: {  	_ =	shalt  }
0x5e: {  	_ =	shalt  }
0x5f: {  	_ =	shalt  }
0x60: {  	_ =	shalt  }
0x61: {  	_ =	shalt  }
0x62: {  	_ =	shalt  }
0x63: {  	_ =	shalt  }
0x64: {  	_ =	shalt  }
0x65: {  	_ =	shalt  }
0x66: {  	_ =	shalt  }
0x67: {  	_ =	shalt  }
0x68: {  	_ =	shalt  }
0x69: {  	_ =	shalt  }
0x6a: {  	_ =	shalt  }
0x6b: {  	_ =	shalt  }
0x6c: {  	_ =	shalt  }
0x6d: {  	_ =	shalt  }
0x6e: {  	_ =	shalt  }
0x6f: {  	_ =	shalt  }
0x70: {  	_ =	shalt  }
0x71: {  	_ =	shalt  }
0x72: {  	_ =	shalt  }
0x73: {  	_ =	shalt  }
0x74: {  	_ =	shalt  }
0x75: {  	_ =	shalt  }
0x76: {  	_ =	shalt  }
0x77: {  	_ =	shalt  }
0x78: {  	_ =	shalt  }
0x79: {  	_ =	shalt  }
0x7a: {  	_ =	shalt  }
0x7b: {  	_ =	shalt  }
0x7c: {  	_ =	shalt  }
0x7d: {  	_ =	shalt  }
0x7e: {  	_ =	shalt  }
0x7f: {  	_ =	shalt  }
0x80: {  	_ =	shalt  }
0x81: {  	_ =	shalt  }
0x82: {  	_ =	shalt  }
0x83: {  	_ =	shalt  }
0x84: {  	_ =	shalt  }
0x85: {  	_ =	shalt  }
0x86: {  	_ =	shalt  }
0x87: {  	_ =	shalt  }
.Lfunc_end0:
.L_simem_size_0:
called_computation.2_lowered:
.L_overlay_start_0:
0x88: {  	s2 =	sld [smem:$0x3FD9]  }
0x89: {  	s3 =	sld [smem:$0x3FFE];
	_ =	sdelay $0x1  }
0x8a: {  	s1 =	srdreg.scid  }
0x8b: {  	s0 =	sand.u32 $0x1, s1  }
0x8c: {  	s15 =	sshll.u32 s0, $0xA;
	s2 =	sadd.s32 s3, s2  }
0x8d: {  	s2 =	sadd.s32 s2, s15  }
0x8e: {  	[smem:$0x3FB1] =	sst s2  }
0x8f: {  	_ = 	snop  }
0x90: {  	s2 =	sld [smem:$0x3FD0];
	_ =	sdelay $0x2  }
0x91: {  	s16 =	simm.s32 $0xC;
	s4 =	simm.s32 $0x10  }
0x92: {  	[smem:s4], [sflag:s16] =	dma.local [hbm:s2], $0x1  }
0x93: {  	_ =	swait.eq [sflag:s16], $0x1  }
0x94: {  	[sflag:s16] =	ssyncset.done $0x0  }
0x95: {  	[sflag:s16] =	ssyncadd.s32 $0xFFFFFFFF  }
0x96: {  	s17 =	sld [smem:$0x13];
	(tm) =	ssettm $0x1  }
0x97: {  	s18 =	sld [smem:$0x3FFB];
	_ =	sdelay $0x3  }
0x98: {  	_ =	strace s18  }
0x99: {  	s2 =	sld [smem:$0x3FFC];
	_ =	sdelay $0x3  }
0x9a: {  	_ =	strace s2  }
0x9b: {  	s2 =	sld [smem:$0x3FFD];
	_ =	sdelay $0x3  }
0x9c: {  	_ =	strace s2  }
0x9d: {  	_ =	strace $0x8FFFFFFF  }
0x9e: {  	s19 =	sld [smem:$0x3FDB];
	_ =	sdelay $0x1  }
0x9f: {  	s20 =	simm.s32 $_scs_section_size  }
0xa0: {  	s5 =	simm.s32 $_size__tile_overlayer_lowered;
	s6 =	simm.s32 $_tile_overlayer_lowered  }
0xa1: {  	s7 =	simm.s32 $0x1BFF;
	s21 =	sshll.u32 s6, $0x1;
	s4 =	sadd.s32 s20, s19  }
0xa2: {  	s22 =	simm.s32 $0x0;
	s5 =	sshll.u32 s5, $0x1;
	s6 =	sadd.s32 s21, s4  }
0xa3: {  	[timem:s22], [sflag:s7] =	dma.local [hbm:s6], s5  }
0xa4: {  	_ =	swait.ge [sflag:s7], s5  }
0xa5: {  	s5 =	ssub.s32 $0x0, s5;
	[sflag:s7] =	ssyncset.done $0x0  }
0xa6: {  	[sflag:s7] =	ssyncadd.s32 s5;
	_ =	sdelay $0x1  }
0xa7: {  	s23 =	simm.s32 $0x1B8B  }
0xa8: {  	_ =	swait.ge [sflag:s23], $0x1  }
0xa9: {  	[sflag:s23] =	ssyncset.done $0x0  }
0xaa: {  	[sflag:s23] =	ssyncadd.s32 $0xFFFFFFFF  }
0xab: {  	s5 =	sld [smem:$0x0]  }
0xac: {  	s6 =	sand.u32 $0xFFFFFFFE, s1  }
0xad: {  	p0 =	sne.s32 s1, s6  }
0xae: {  	s6 =	sshll.u32 @p0 s6, $0xE  }
0xaf: {  	s6 =	sadd.s32 @p0 $0x11B8D, s6;
	s7 =	sshll.u32 @p0 s5, $0x11  }
0xb0: {  	s6 =	sor.u32 @p0 s7, s6  }
0xb1: {  	[sflag:s6] =	ssyncadd.remote.s32 @p0 $0x1;
	_ =	sdelay $0x1  }
0xb2: {  	s6 =	simm.s32 @p0 $0x1B8D  }
0xb3: {  	_ =	swait.eq @p0 [sflag:s6], $0x1  }
0xb4: {  	[sflag:s6] =	ssyncadd.s32 @p0 $0xFFFFFFFF  }
0xb5: {  	s7 =	sshll.u32 @!p0 s1, $0xE  }
0xb6: {  	s7 =	sor.u32 @!p0 $0x4000, s7;
	s6 =	simm.s32 @!p0 $0x1B8D  }
0xb7: {  	s5 =	sshll.u32 @!p0 s5, $0x11;
	s7 =	sadd.s32 @!p0 $0x11B8D, s7;
	_ =	swait.eq @!p0 [sflag:s6], $0x1  }
0xb8: {  	s5 =	sor.u32 @!p0 s5, s7;
	[sflag:s6] =	ssyncadd.s32 @!p0 $0xFFFFFFFF  }
0xb9: {  	s25 =	simm.s32 $0x1B8E;
	s24 =	sld [smem:$0x3FFE];
	[sflag:s5] =	ssyncadd.remote.s32 @!p0 $0x1  }
0xba: {  	s26 =	simm.s32 $execute0_lowered;
	[smem:$0x3FD2] =	sst s25  }
0xbb: {  	s6 =	sshll.u32 s26, $0x1;
	_ =	strace $0x8000004C;
	[dreg:$0x1] =	wrdreg $0xFFFFFFFF  }
0xbc: {  	s28 =	simm.s32 $_size_execute0_lowered;
	s4 =	sadd.s32 s4, s6;
	[dreg:$0x0] =	wrdreg $0x0  }
0xbd: {  	s6 =	sshll.u32 s28, $0x1;
	[dreg:$0x2] =	wrdreg s4  }
0xbe: {  	[dreg:$0x3] =	wrdreg s6  }
0xbf: {  	[dreg:$0x4] =	wrdreg $0xC0  }
0xc0: {  	_ =	task [dreg:s22], $0x5FFFF  }
0xc1: {  	[dreg:$0x1] =	wrdreg $0xFFFFFFFF  }
0xc2: {  	[dreg:$0x0] =	wrdreg $0x60  }
0xc3: {  	[dreg:$0x2] =	wrdreg s17  }
0xc4: {  	[dreg:$0x3] =	wrdreg s24  }
0xc5: {  	[dreg:$0x4] =	wrdreg $0x8A200  }
0xc6: {  	[dreg:$0x5] =	wrdreg $0x9  }
0xc7: {  	_ =	task.clear_ibuf [dreg:s22], $0x6FFFF;
	_ =	strace $0x9000004C  }
0xc8: {  	s29 =	simm.s32 $0x9;
	_ =	strace $0x8000004E  }
0xc9: {  	_ =	swait.ge [sflag:s29], $0x1  }
0xca: {  	[sflag:s29] =	ssyncadd.s32 $0xFFFFFFFF  }
0xcb: {  	_ =	strace $0x9000004E  }
0xcc: {  	_ =	sfence  }
0xcd: {  	s30 =	sld [smem:$0x0];
	_ =	sdelay $0x2  }
0xce: {  	s31 =	sshll.u32 s1, $0xD;
	s1 =	sshrl.u32 s1, $0x2  }
0xcf: {  	s4 =	sand.u32 $0x4000, s31;
	s1 =	sadd.s32 s1, s30  }
0xd0: {  	s0 =	sor.u32 s4, s0;
	s1 =	sshll.u32 s1, $0x11  }
0xd1: {  	s0 =	sor.u32 s1, s0  }
0xd2: {  	s0 =	sadd.s32 $0x8F2B, s0  }
0xd3: {  	[sflag:s0] =	ssyncadd.remote.s32 $0x1  }
0xd4: {  	_ =	sfence.sel $0xFFFF  }
0xd5: {  	[dreg:$0x0] =	wrdreg $0xFFFFFFFF;
	(pc) =	sbr.abs _section_cstart, $3  }
0xd6: {  	[dreg:$0x1] =	wrdreg $0xFFFFFFFF  }
0xd7: {  	_ =	task.clear_ibuf [dreg:s22], $0x2FFFF;
	_ =	strace $0x9FFFFFFF  }
0xd8: {  	(tm) =	ssettm $0x7FFFFFFF  }
0xd9: {  	_ =	shalt  }
tec
execute0_lowered:
.L_overlay_start_1:
0x0: {  	(tag) =	ssettag $0x1  }
0x1: {  	s0 =	srdreg.scid;
	s1 =	rddreg [dreg:$0x0]  }
0x2: {  	s2 =	rddreg [dreg:$0x1];
	s13 =	stileid.u32  }
0x3: {  	s3 =	rddreg [dreg:$0x2];
	s17 =	simm.s32 $0x28;
	s18 =	simm.s32 $0x4E20  }
0x4: {  	s19 =	simm.s32 $0x6220;
	s20 =	simm.s32 $0x1;
	s22 =	simm.s32 $0x7620  }
0x5: {  	s23 =	simm.s32 $0x2;
	s24 =	simm.s32 $0x4;
	s25 =	simm.s32 $0x3  }
0x6: {  	s28 =	simm.s32 $0x6;
	s31 =	simm.s32 $0x4DD0;
	s0 =	sand.u32 $0x1, s0  }
0x7: {  	s8 =	smul.u32 $0x13800, s13;
	s11 =	sadd.s32 $0x13DA00, s2;
	s16 =	sadd.s32 $0x138000, s3  }
0x8: {  	p0 =	sne.s32 s13, $0xF;
	s30 =	sshll.u32 s13, $0x6;
	s4 =	sshll.u32 s0, $0x4  }
0x9: {  	s7 =	ssub.s32 $0x2, s0;
	s0 =	smul.u32 $0x138800, s0;
	s14 =	sor.u32 $0x1C07, s30  }
0xa: {  	s16 =	sshrl.u32 @!p0 s16, $0x3;
	s5 =	sor.u32 s13, s4;
	s4 =	simm.s32 $0x0  }
0xb: {  	s6 =	sshrl.u32 s8, $0x3;
	s26 =	sshrl.u32 s7, $0x1;
	s15 =	sadd.s32 s8, s3  }
0xc: {  	s13 =	simm.s32 $0x2710;
	s5 =	smul.u32 $0x2710, s5;
	[smem:$0x7FF] =	sst s4  }
0xd: {  	s10 =	sadd.s32 s6, s2;
	s12 =	ssub.s32 s7, s26;
	s8 =	sadd.s32 s8, s0  }
0xe: {  	s0 =	sshrl.u32 s0, $0x3;
	s15 =	sshrl.u32 s15, $0x3;
	s26 =	simm.s32 $0x5  }
0xf: {  	_ =	strace $0x8000004D;
	s7 =	sadd.s32 $0x7A400, s10;
	s29 =	sshrl.u32 s8, $0x3  }
0x10: {  	s0 =	sadd.s32 s11, s0;
	s8 =	sadd.s32 $0xA1400, s2;
	s5 =	sshrl.u32 s5, $0x3  }
0x11: {  	s10 =	sadd.s32 $0x27000, s0;
	s0 =	simm.s32 $0x0;
	s9 =	sadd.s32 s5, s2  }
0x12: {  	s2 =	simm.s32 $0x4DF8;
	s5 =	sadd.s32 $0x9800, s9;
	s6 =	sadd.s32 $0x13440, s9  }
0x13: {  	s9 =	sadd.s32 s11, s29;
	s11 =	smax.u32 s12, $0x1;
	s12 =	simm.s32 $0x7  }
.LBB2_1:
0x14: {  	[tilespmem:s4], [sflag:$0x7] =	stream.linear.gather [hbm4b:s5+s4], $0x2710, $0x38;
	[tilespmem:$0x1C2A0] =	vst v63  }
0x15: {  	_ =	swait.ge [sflag:s12], $0x2710  }
0x16: {  	[sflag:s12] =	ssyncset.done $0x0  }
0x17: {  	[sflag:s12] =	ssyncadd.s32 $0xFFFFD8F0  }
0x18: {  	[tilespmem:s13], [sflag:$0x7] =	stream.linear.gather [hbm4b:s6+s4], $0x2710, $0x38;
	[tilespmem:$0x1C2A0] =	vst v63  }
0x19: {  	_ =	swait.ge [sflag:s12], $0x2710  }
0x1a: {  	[sflag:s12] =	ssyncset.done $0x0  }
0x1b: {  	[sflag:s12] =	ssyncadd.s32 $0xFFFFD8F0  }
0x1c: {  	[spmem:s15], [sflag:s14] =	dma.local [hbm:s7], $0x2700  }
0x1d: {  	_ =	swait.ge [sflag:s12], $0x2700  }
0x1e: {  	[sflag:s12] =	ssyncset.done $0x0  }
0x1f: {  	s21 =	simm.s32 @!p0 $0x7;
	[sflag:s12] =	ssyncadd.s32 $0xFFFFD900  }
0x20: {  	[spmem:s16], [sflag:s14] =	dma.local @!p0 [hbm:s8], $0x100  }
0x21: {  	_ =	swait.ge @!p0 [sflag:s21], $0x100  }
0x22: {  	[sflag:s21] =	ssyncset.done @!p0 $0x0  }
0x23: {  	[sflag:s21] =	ssyncadd.s32 @!p0 $0xFFFFFF00  }
0x24: {  	[bflag:$0x0] =	sbarrier.arrive $0xFFFF  }
0x25: {  	[tilespmem:s18], [sflag:$0x1] =	stream.indirect.gather [hbm4b:s1+s17], $0x80, s4, s17, $0xb8;
	[tilespmem:$0x1C2A0] =	vst v63  }
0x26: {  	_ = 	snop  }
0x27: {  	[tilespmem:s19], [sflag:$0x2] =	stream.indirect.gather [hbm4b:s1+s17], $0x80, s17, s17, $0xb8;
	[tilespmem:$0x1C2A0] =	vst v63  }
0x28: {  	_ =	swait.ge [sflag:s20], $0x1400  }
0x29: {  	[sflag:s20] =	ssyncset.done $0x0  }
0x2a: {  	[sflag:s20] =	ssyncadd.s32 $0xFFFFEC00  }
0x2b: {  	[spmem:s3] =	stream.indirect.scatter.add.f32 [tilespmem:s18], [sflag:$0x4], $0x80, s13, s17, $0xb8;
	[tilespmem:$0x1C2A0] =	vst v63  }
0x2c: {  	s30 =	simm.s32 $0x50  }
0x2d: {  	[tilespmem:s22], [sflag:$0x3] =	stream.indirect.gather [hbm4b:s1+s17], $0x80, s30, s17, $0xb8;
	[tilespmem:$0x1C2A0] =	vst v63  }
0x2e: {  	_ =	swait.ge [sflag:s23], $0x1400  }
0x2f: {  	[sflag:s23] =	ssyncset.done $0x0  }
0x30: {  	s30 =	simm.s32 $0x2738;
	[sflag:s23] =	ssyncadd.s32 $0xFFFFEC00  }
0x31: {  	[spmem:s3] =	stream.indirect.scatter.add.f32 [tilespmem:s19], [sflag:$0x5], $0x80, s30, s17, $0xb8;
	[tilespmem:$0x1C2A0] =	vst v63  }
0x32: {  	_ =	swait.ge [sflag:s24], $0x1400  }
0x33: {  	[sflag:s24] =	ssyncset.done $0x0  }
0x34: {  	s30 =	simm.s32 $0x78;
	[sflag:s24] =	ssyncadd.s32 $0xFFFFEC00  }
0x35: {  	[tilespmem:s18], [sflag:$0x1] =	stream.indirect.gather [hbm4b:s1+s17], $0x80, s30, s17, $0xb8;
	[tilespmem:$0x1C2A0] =	vst v63  }
0x36: {  	_ =	swait.ge [sflag:s25], $0x1400  }
0x37: {  	[sflag:s25] =	ssyncset.done $0x0  }
0x38: {  	s30 =	simm.s32 $0x2760;
	[sflag:s25] =	ssyncadd.s32 $0xFFFFEC00  }
0x39: {  	[spmem:s3] =	stream.indirect.scatter.add.f32 [tilespmem:s22], [sflag:$0x6], $0x80, s30, s17, $0xb8;
	[tilespmem:$0x1C2A0] =	vst v63  }
0x3a: {  	_ =	swait.ge [sflag:s26], $0x1400  }
0x3b: {  	[sflag:s26] =	ssyncset.done $0x0  }
0x3c: {  	s30 =	simm.s32 $0xA0;
	[sflag:s26] =	ssyncadd.s32 $0xFFFFEC00  }
0x3d: {  	[tilespmem:s19], [sflag:$0x2] =	stream.indirect.gather [hbm4b:s1+s17], $0x80, s30, s17, $0xb8;
	[tilespmem:$0x1C2A0] =	vst v63  }
0x3e: {  	_ =	swait.ge [sflag:s20], $0x1400  }
0x3f: {  	[sflag:s20] =	ssyncset.done $0x0  }
0x40: {  	s30 =	simm.s32 $0x2788;
	[sflag:s20] =	ssyncadd.s32 $0xFFFFEC00  }
0x41: {  	[spmem:s3] =	stream.indirect.scatter.add.f32 [tilespmem:s18], [sflag:$0x4], $0x80, s30, s17, $0xb8;
	[tilespmem:$0x1C2A0] =	vst v63  }
0x42: {  	_ =	swait.ge [sflag:s28], $0x1400  }
0x43: {  	[sflag:s28] =	ssyncset.done $0x0  }
0x44: {  	s29 =	simm.s32 $0xC8;
	s21 =	simm.s32 $0x1E0;
	[sflag:s28] =	ssyncadd.s32 $0xFFFFEC00  }
.LBB2_2:
0x45: {  	[tilespmem:s22], [sflag:$0x3] =	stream.indirect.gather [hbm4b:s1+s17], $0x80, s29, s17, $0xb8;
	[tilespmem:$0x1C2A0] =	vst v63  }
0x46: {  	s29 =	smov.u32 s21  }
0x47: {  	p1 =	sne.s32 s21, $0x97E0;
	s21 =	sadd.s32 $0x1E0, s21;
	_ =	swait.ge [sflag:s23], $0x1400  }
0x48: {  	s29 =	sshra.s32 s29, $0x2;
	[sflag:s23] =	ssyncset.done $0x0  }
0x49: {  	s30 =	sadd.s32 $0x2738, s29;
	[sflag:s23] =	ssyncadd.s32 $0xFFFFEC00  }
0x4a: {  	[spmem:s3] =	stream.indirect.scatter.add.f32 [tilespmem:s19], [sflag:$0x5], $0x80, s30, s17, $0xb8;
	[tilespmem:$0x1C2A0] =	vst v63  }
0x4b: {  	_ =	swait.ge [sflag:s24], $0x1400  }
0x4c: {  	[sflag:s24] =	ssyncset.done $0x0  }
0x4d: {  	s30 =	sadd.s32 $0x78, s29;
	[sflag:s24] =	ssyncadd.s32 $0xFFFFEC00  }
0x4e: {  	[tilespmem:s18], [sflag:$0x1] =	stream.indirect.gather [hbm4b:s1+s17], $0x80, s30, s17, $0xb8;
	[tilespmem:$0x1C2A0] =	vst v63  }
0x4f: {  	_ =	swait.ge [sflag:s25], $0x1400  }
0x50: {  	[sflag:s25] =	ssyncset.done $0x0  }
0x51: {  	s30 =	sadd.s32 $0x2760, s29;
	[sflag:s25] =	ssyncadd.s32 $0xFFFFEC00  }
0x52: {  	[spmem:s3] =	stream.indirect.scatter.add.f32 [tilespmem:s22], [sflag:$0x6], $0x80, s30, s17, $0xb8;
	[tilespmem:$0x1C2A0] =	vst v63  }
0x53: {  	_ =	swait.ge [sflag:s26], $0x1400  }
0x54: {  	[sflag:s26] =	ssyncset.done $0x0  }
0x55: {  	s30 =	sadd.s32 $0xA0, s29;
	[sflag:s26] =	ssyncadd.s32 $0xFFFFEC00  }
0x56: {  	[tilespmem:s19], [sflag:$0x2] =	stream.indirect.gather [hbm4b:s1+s17], $0x80, s30, s17, $0xb8;
	[tilespmem:$0x1C2A0] =	vst v63  }
0x57: {  	_ =	swait.ge [sflag:s20], $0x1400  }
0x58: {  	[sflag:s20] =	ssyncset.done $0x0  }
.Ltmp0:
0x59: {  	s30 =	sadd.s32 $0x2788, s29;
	[sflag:s20] =	ssyncadd.s32 $0xFFFFEC00;
	(pc) =	sbr.rel @p1 .LBB2_2-.Ltmp0, $4  }
0x5a: {  	[spmem:s3] =	stream.indirect.scatter.add.f32 [tilespmem:s18], [sflag:$0x4], $0x80, s30, s17, $0xb8;
	[tilespmem:$0x1C2A0] =	vst v63  }
0x5b: {  	_ =	swait.ge [sflag:s28], $0x1400  }
0x5c: {  	[sflag:s28] =	ssyncset.done $0x0  }
0x5d: {  	s29 =	sadd.s32 $0xC8, s29;
	[sflag:s28] =	ssyncadd.s32 $0xFFFFEC00  }
0x5e: {  	[tilespmem:s22], [sflag:$0x3] =	stream.indirect.gather [hbm4b:s1+s17], $0x80, s29, s17, $0xb8;
	[tilespmem:$0x1C2A0] =	vst v63  }
0x5f: {  	_ =	swait.ge [sflag:s23], $0x1400  }
0x60: {  	[sflag:s23] =	ssyncset.done $0x0  }
0x61: {  	s21 =	simm.s32 $0x4DA8;
	[sflag:s23] =	ssyncadd.s32 $0xFFFFEC00  }
0x62: {  	[spmem:s3] =	stream.indirect.scatter.add.f32 [tilespmem:s19], [sflag:$0x5], $0x80, s21, s17, $0xb8;
	[tilespmem:$0x1C2A0] =	vst v63  }
0x63: {  	_ =	swait.ge [sflag:s24], $0x1400  }
0x64: {  	[sflag:s24] =	ssyncset.done $0x0  }
0x65: {  	s30 =	simm.s32 $0x26E8;
	[sflag:s24] =	ssyncadd.s32 $0xFFFFEC00  }
0x66: {  	[tilespmem:s18], [sflag:$0x1] =	stream.indirect.gather [hbm4b:s1+s17], $0x80, s30, s17, $0xb8;
	[tilespmem:$0x1C2A0] =	vst v63  }
0x67: {  	_ =	swait.ge [sflag:s25], $0x1400  }
0x68: {  	[sflag:s25] =	ssyncset.done $0x0  }
0x69: {  	[sflag:s25] =	ssyncadd.s32 $0xFFFFEC00  }
0x6a: {  	[spmem:s3] =	stream.indirect.scatter.add.f32 [tilespmem:s22], [sflag:$0x6], $0x80, s31, s17, $0xb8;
	[tilespmem:$0x1C2A0] =	vst v63  }
0x6b: {  	_ =	swait.ge [sflag:s20], $0x1400  }
0x6c: {  	[sflag:s20] =	ssyncset.done $0x0  }
0x6d: {  	[sflag:s20] =	ssyncadd.s32 $0xFFFFEC00  }
0x6e: {  	[spmem:s3] =	stream.indirect.scatter.add.f32 [tilespmem:s18], [sflag:$0x4], $0x80, s2, s17, $0xb8;
	[tilespmem:$0x1C2A0] =	vst v63  }
0x6f: {  	_ =	swait.ge [sflag:s24], $0x1400  }
0x70: {  	[sflag:s24] =	ssyncset.done $0x0  }
0x71: {  	[sflag:s24] =	ssyncadd.s32 $0xFFFFEC00  }
0x72: {  	_ =	swait.ge [sflag:s26], $0x1400  }
0x73: {  	[sflag:s26] =	ssyncset.done $0x0  }
0x74: {  	[sflag:s26] =	ssyncadd.s32 $0xFFFFEC00  }
0x75: {  	_ =	swait.ge [sflag:s28], $0x1400  }
0x76: {  	[sflag:s28] =	ssyncset.done $0x0  }
0x77: {  	[sflag:s28] =	ssyncadd.s32 $0xFFFFEC00  }
0x78: {  	[bflag:$0x0] =	sbarrier.arrive $0xFFFF  }
0x79: {  	[hbm:s9], [sflag:s14] =	dma.local [spmem:s15], $0x2700  }
0x7a: {  	s0 =	sadd.s32 $0x1, s0;
	_ =	swait.ge [sflag:s12], $0x2700  }
0x7b: {  	p1 =	sne.s32 s0, s11;
	[sflag:s12] =	ssyncset.done $0x0  }
.Ltmp1:
0x7c: {  	s21 =	simm.s32 @!p0 $0x7;
	[sflag:s12] =	ssyncadd.s32 $0xFFFFD900;
	(pc) =	sbr.rel @p1 .LBB2_1-.Ltmp1, $4  }
0x7d: {  	[hbm:s10], [sflag:s14] =	dma.local @!p0 [spmem:s16], $0x100  }
0x7e: {  	_ =	swait.ge @!p0 [sflag:s21], $0x100  }
0x7f: {  	[sflag:s21] =	ssyncset.done @!p0 $0x0  }
0x80: {  	[sflag:s21] =	ssyncadd.s32 @!p0 $0xFFFFFF00  }
0x81: {  	_ =	sfence.sel $0x180000  }
0x82: {  	[bflag:$0x0] =	sbarrier.arrive $0xFFFF  }
0x83: {  	_ =	strace $0x9000004D  }
0x84: {  	s0 =	stileid.u32;
	[bflag:$0x2] =	sbarrier.arrive $0xFFFF  }
0x85: {  	p0 =	sne.s32 s0, $0x0;
	s0 =	rddreg [dreg:$0x3]  }
0x86: {  	s0 =	sadd.s32 @!p0 $0x100000, s0  }
0x87: {  	[sflag:s0] =	ssyncadd.tile.s32 @!p0 $0x1;
	_ =	shalt  }
.Lfunc_end2:
_tile_overlayer_lowered:
.L_overlay_start_2:
0x88: {  	(tag) =	ssettag $0x2  }
0x89: {  	s0 =	rddreg [dreg:$0x0];
	s2 =	stileid.u32  }
0x8a: {  	s1 =	rddreg [dreg:$0x1];
	p0 =	sne.s32 s2, $0x0  }
0x8b: {  	s3 =	rddreg [dreg:$0x2];
	[bflag:$0x3] =	sbarrier.arrive $0xFFFF;
	s2 =	simm.s32 @!p0 $0x1C07  }
0x8c: {  	[timem:s3], [sflag:s2] =	dma.local @!p0 [hbm:s0], s1  }
0x8d: {  	s0 =	simm.s32 @!p0 $0x7  }
0x8e: {  	_ =	swait.ge @!p0 [sflag:s0], s1  }
0x8f: {  	s1 =	ssub.s32 @!p0 $0x0, s1;
	[sflag:s0] =	ssyncset.done @!p0 $0x0  }
0x90: {  	[sflag:s0] =	ssyncadd.s32 @!p0 s1  }
0x91: {  	[bflag:$0x3] =	sbarrier.arrive $0xFFFF  }
0x92: {  	_ =	shalt  }

// kernel: kernel.22.cloned.1.call-start
scs
__scs_entry_jumppad:
0x0: {  	(pc) =	sbr.rel $0x88, $3  }
0x1: {  	(tag) =	ssettag $0x0;
	lr =	simm.s32 $0x1  }
0x2: {  	[smem:$0x3F8A] =	sst lr;
	_ =	strace $0xD0000000  }
0x3: {  	_ = 	snop  }
0x4: {  	_ = 	snop  }
0x5: {  	_ = 	snop  }
0x6: {  	_ = 	snop  }
0x7: {  	_ = 	snop  }
__scs_overlays_trampoline_lowered:
0x8: {  	[smem:$0x3F99] =	sst s0  }
0x9: {  	[smem:$0x3F9A] =	sst s1  }
0xa: {  	[smem:$0x3F9B] =	sst s2  }
0xb: {  	[smem:$0x3F9C] =	sst s3  }
0xc: {  	[smem:$0x3F9D] =	sst s4  }
0xd: {  	[smem:$0x3F9E] =	sst s5  }
0xe: {  	[smem:$0x3F9F] =	sst s6  }
0xf: {  	[smem:$0x3FA0] =	sst s7  }
0x10: {  	[smem:$0x3FA1] =	sst s8  }
0x11: {  	[smem:$0x3FA2] =	sst s9;
	s0 =	simm.s32 @!p0 $0x0  }
0x12: {  	s1 =	sld [smem:$0x3F88];
	s0 =	simm.s32 @p0 $0x1  }
0x13: {  	[smem:$0x3FA3] =	sst s0;
	s0 =	simm.s32 @!p1 $0x0  }
0x14: {  	s2 =	sld [smem:$0x3F87];
	s0 =	simm.s32 @p1 $0x1  }
0x15: {  	[smem:$0x3FA4] =	sst s0;
	s0 =	simm.s32 @!p2 $0x0  }
0x16: {  	s3 =	sld [smem:$0x3FDB];
	s0 =	simm.s32 @p2 $0x1  }
0x17: {  	s4 =	simm.s32 $0x1BF5;
	[smem:$0x3FA6] =	sst s0  }
0x18: {  	s0 =	sld [smem:$0x3F89];
	_ =	swait.ge [sflag:s4], $0x0  }
0x19: {  	s7 =	sld [smem:$0x3F8A]  }
0x1a: {  	s8 =	sadd.s32 $0xFFFFE003, lr  }
0x1b: {  	s9 =	sadd.s32 $0xFFFFFEF7, lr;
	s5 =	simm.s32 $0xFFFFFFFF;
	p2 =	slt.u32 s8, $0xFFFFF086  }
0x1c: {  	p1 =	slt.u32 s9, $0xF7A;
	s5 =	simm.s32 @!p2 $0x0  }
0x1d: {  	s5 =	simm.s32 @p1 $0x1;
	p0 =	seq.s32 s7, s2  }
0x1e: {  	s7 =	smul.u32 @!p0 $0xF7A, s2;
	p2 =	seq.s32 @!p0 s5, $0x0  }
0x1f: {  	s9 =	smul.u32 $0xF7A, s1;
	s8 =	simm.s32 @!p0 $0x1BF5;
	p2 =	por !p2, p0  }
0x20: {  	[sflag:s8] =	ssyncset.s32 @!p0 $0xFFFFF086;
	s6 =	sadd.s32 @!p0 s3, s7;
	s7 =	simm.s32 @!p0 $0x108  }
0x21: {  	s3 =	sadd.s32 s3, s9;
	s6 =	sadd.s32 @!p0 $0x88, s6;
	s7 =	simm.s32 @p2 $0x1082  }
0x22: {  	[simem:s7], [sflag:s8] =	dma.local @!p0 [hbm:s6], $0xF7A  }
0x23: {  	s9 =	sor.u32 $0xD0000000, s2;
	s6 =	simm.s32 $0x108;
	_ =	swait.ge @!p0 [sflag:s8], $0x0  }
0x24: {  	s3 =	sadd.s32 $0x88, s3;
	s6 =	simm.s32 @!p1 $0x1082;
	[sflag:s4] =	ssyncset.s32 $0xFFFFF086  }
0x25: {  	[simem:s6], [sflag:s4] =	dma.local [hbm:s3], $0xF7A  }
0x26: {  	[smem:$0x3F8A] =	sst s1;
	(tag) =	ssettag s2;
	_ =	strace s9  }
0x27: {  	s1 =	sld [smem:$0x3F9A]  }
0x28: {  	s2 =	sld [smem:$0x3F9B]  }
0x29: {  	s4 =	sld [smem:$0x3F9D]  }
0x2a: {  	p0 =	seq.s32 s5, $0x0;
	s5 =	sld [smem:$0x3F9E]  }
0x2b: {  	s6 =	sld [smem:$0x3F9F]  }
0x2c: {  	s7 =	sld [smem:$0x3FA0]  }
0x2d: {  	s3 =	simm.s32 $0x108;
	s8 =	sld [smem:$0x3FA1]  }
0x2e: {  	s3 =	simm.s32 @!p0 $0x1082;
	s9 =	sld [smem:$0x3FA2]  }
0x2f: {  	lr =	sadd.s32 s0, s3;
	s0 =	sld [smem:$0x3F99]  }
0x30: {  	s3 =	sld [smem:$0x3F9C]  }
0x31: {  	[smem:$0x3FA5] =	sst s10  }
0x32: {  	s10 =	sld [smem:$0x3FA3];
	_ =	sdelay $0x3  }
0x33: {  	p0 =	seq.s32 s10, $0x1;
	s10 =	sld [smem:$0x3FA5];
	_ =	sdelay $0x3  }
0x34: {  	[smem:$0x3FA5] =	sst s10  }
0x35: {  	s10 =	sld [smem:$0x3FA4];
	_ =	sdelay $0x3  }
0x36: {  	p1 =	seq.s32 s10, $0x1;
	s10 =	sld [smem:$0x3FA5];
	_ =	sdelay $0x3  }
0x37: {  	[smem:$0x3FA5] =	sst s10  }
0x38: {  	s10 =	sld [smem:$0x3FA6]  }
0x39: {  	_ = 	snop;
	(pc) =	sbr.ind lr, $3  }
0x3a: {  	_ = 	snop  }
0x3b: {  	_ = 	snop  }
0x3c: {  	p2 =	seq.s32 s10, $0x1;
	s10 =	sld [smem:$0x3FA5]  }
0x3d: {  	_ =	shalt  }
0x3e: {  	_ =	shalt  }
0x3f: {  	_ =	shalt  }
0x40: {  	_ =	shalt  }
0x41: {  	_ =	shalt  }
0x42: {  	_ =	shalt  }
0x43: {  	_ =	shalt  }
0x44: {  	_ =	shalt  }
0x45: {  	_ =	shalt  }
0x46: {  	_ =	shalt  }
0x47: {  	_ =	shalt  }
0x48: {  	_ =	shalt  }
0x49: {  	_ =	shalt  }
0x4a: {  	_ =	shalt  }
0x4b: {  	_ =	shalt  }
0x4c: {  	_ =	shalt  }
0x4d: {  	_ =	shalt  }
0x4e: {  	_ =	shalt  }
0x4f: {  	_ =	shalt  }
0x50: {  	_ =	shalt  }
0x51: {  	_ =	shalt  }
0x52: {  	_ =	shalt  }
0x53: {  	_ =	shalt  }
0x54: {  	_ =	shalt  }
0x55: {  	_ =	shalt  }
0x56: {  	_ =	shalt  }
0x57: {  	_ =	shalt  }
0x58: {  	_ =	shalt  }
0x59: {  	_ =	shalt  }
0x5a: {  	_ =	shalt  }
0x5b: {  	_ =	shalt  }
0x5c: {  	_ =	shalt  }
0x5d: {  	_ =	shalt  }
0x5e: {  	_ =	shalt  }
0x5f: {  	_ =	shalt  }
0x60: {  	_ =	shalt  }
0x61: {  	_ =	shalt  }
0x62: {  	_ =	shalt  }
0x63: {  	_ =	shalt  }
0x64: {  	_ =	shalt  }
0x65: {  	_ =	shalt  }
0x66: {  	_ =	shalt  }
0x67: {  	_ =	shalt  }
0x68: {  	_ =	shalt  }
0x69: {  	_ =	shalt  }
0x6a: {  	_ =	shalt  }
0x6b: {  	_ =	shalt  }
0x6c: {  	_ =	shalt  }
0x6d: {  	_ =	shalt  }
0x6e: {  	_ =	shalt  }
0x6f: {  	_ =	shalt  }
0x70: {  	_ =	shalt  }
0x71: {  	_ =	shalt  }
0x72: {  	_ =	shalt  }
0x73: {  	_ =	shalt  }
0x74: {  	_ =	shalt  }
0x75: {  	_ =	shalt  }
0x76: {  	_ =	shalt  }
0x77: {  	_ =	shalt  }
0x78: {  	_ =	shalt  }
0x79: {  	_ =	shalt  }
0x7a: {  	_ =	shalt  }
0x7b: {  	_ =	shalt  }
0x7c: {  	_ =	shalt  }
0x7d: {  	_ =	shalt  }
0x7e: {  	_ =	shalt  }
0x7f: {  	_ =	shalt  }
0x80: {  	_ =	shalt  }
0x81: {  	_ =	shalt  }
0x82: {  	_ =	shalt  }
0x83: {  	_ =	shalt  }
0x84: {  	_ =	shalt  }
0x85: {  	_ =	shalt  }
0x86: {  	_ =	shalt  }
0x87: {  	_ =	shalt  }
.Lfunc_end0:
.L_simem_size_0:
called_computation.3_lowered:
.L_overlay_start_0:
0x88: {  	s2 =	sld [smem:$0x3FD9]  }
0x89: {  	s3 =	sld [smem:$0x3FFE];
	_ =	sdelay $0x1  }
0x8a: {  	s1 =	srdreg.scid  }
0x8b: {  	s0 =	sand.u32 $0x1, s1  }
0x8c: {  	s17 =	sshll.u32 s0, $0xA;
	s2 =	sadd.s32 s3, s2  }
0x8d: {  	s2 =	sadd.s32 s2, s17  }
0x8e: {  	[smem:$0x3FB1] =	sst s2  }
0x8f: {  	_ = 	snop  }
0x90: {  	(tm) =	ssettm $0x1  }
0x91: {  	s18 =	sld [smem:$0x3FFB];
	_ =	sdelay $0x3  }
0x92: {  	_ =	strace s18  }
0x93: {  	s2 =	sld [smem:$0x3FFC];
	_ =	sdelay $0x3  }
0x94: {  	_ =	strace s2  }
0x95: {  	s2 =	sld [smem:$0x3FFD];
	_ =	sdelay $0x3  }
0x96: {  	_ =	strace s2  }
0x97: {  	_ =	strace $0x8FFFFFFF  }
0x98: {  	s19 =	sld [smem:$0x3FDB];
	_ =	sdelay $0x1  }
0x99: {  	s20 =	simm.s32 $_scs_section_size  }
0x9a: {  	s4 =	simm.s32 $_size__tile_overlayer_lowered;
	s5 =	simm.s32 $_tile_overlayer_lowered  }
0x9b: {  	s6 =	simm.s32 $0x1BFF;
	s21 =	sshll.u32 s5, $0x1;
	s3 =	sadd.s32 s20, s19  }
0x9c: {  	s22 =	simm.s32 $0x0;
	s4 =	sshll.u32 s4, $0x1;
	s5 =	sadd.s32 s21, s3  }
0x9d: {  	[timem:s22], [sflag:s6] =	dma.local [hbm:s5], s4  }
0x9e: {  	_ =	swait.ge [sflag:s6], s4  }
0x9f: {  	s4 =	ssub.s32 $0x0, s4;
	[sflag:s6] =	ssyncset.done $0x0  }
0xa0: {  	[sflag:s6] =	ssyncadd.s32 s4;
	_ =	sdelay $0x1  }
0xa1: {  	s23 =	simm.s32 $0x1B8B  }
0xa2: {  	_ =	swait.ge [sflag:s23], $0x1  }
0xa3: {  	[sflag:s23] =	ssyncset.done $0x0  }
0xa4: {  	[sflag:s23] =	ssyncadd.s32 $0xFFFFFFFF  }
0xa5: {  	s4 =	sld [smem:$0x0]  }
0xa6: {  	s5 =	sand.u32 $0xFFFFFFFE, s1  }
0xa7: {  	p0 =	sne.s32 s1, s5  }
0xa8: {  	s5 =	sshll.u32 @p0 s5, $0xE  }
0xa9: {  	s5 =	sadd.s32 @p0 $0x11B8D, s5;
	s6 =	sshll.u32 @p0 s4, $0x11  }
0xaa: {  	s5 =	sor.u32 @p0 s6, s5  }
0xab: {  	[sflag:s5] =	ssyncadd.remote.s32 @p0 $0x1;
	_ =	sdelay $0x1  }
0xac: {  	s5 =	simm.s32 @p0 $0x1B8D  }
0xad: {  	_ =	swait.eq @p0 [sflag:s5], $0x1  }
0xae: {  	[sflag:s5] =	ssyncadd.s32 @p0 $0xFFFFFFFF  }
0xaf: {  	s6 =	sshll.u32 @!p0 s1, $0xE  }
0xb0: {  	s6 =	sor.u32 @!p0 $0x4000, s6;
	s5 =	simm.s32 @!p0 $0x1B8D  }
0xb1: {  	s4 =	sshll.u32 @!p0 s4, $0x11;
	s6 =	sadd.s32 @!p0 $0x11B8D, s6;
	_ =	swait.eq @!p0 [sflag:s5], $0x1  }
0xb2: {  	s4 =	sor.u32 @!p0 s4, s6;
	[sflag:s5] =	ssyncadd.s32 @!p0 $0xFFFFFFFF  }
0xb3: {  	s25 =	simm.s32 $0x1B8E;
	s24 =	sld [smem:$0x3FFE];
	[sflag:s4] =	ssyncadd.remote.s32 @!p0 $0x1  }
0xb4: {  	s26 =	simm.s32 $execute0_lowered;
	[smem:$0x3FD2] =	sst s25  }
0xb5: {  	s5 =	sshll.u32 s26, $0x1;
	_ =	strace $0x8000004F;
	[dreg:$0x1] =	wrdreg $0xFFFFFFFF  }
0xb6: {  	s28 =	simm.s32 $_size_execute0_lowered;
	s3 =	sadd.s32 s3, s5;
	[dreg:$0x0] =	wrdreg $0x0  }
0xb7: {  	s5 =	sshll.u32 s28, $0x1;
	[dreg:$0x2] =	wrdreg s3  }
0xb8: {  	[dreg:$0x3] =	wrdreg s5  }
0xb9: {  	[dreg:$0x4] =	wrdreg $0xC0  }
0xba: {  	_ =	task [dreg:s22], $0x5FFFF  }
0xbb: {  	[dreg:$0x1] =	wrdreg $0xFFFFFFFF  }
0xbc: {  	[dreg:$0x0] =	wrdreg $0x60  }
0xbd: {  	[dreg:$0x2] =	wrdreg s24  }
0xbe: {  	[dreg:$0x3] =	wrdreg $0x8A200  }
0xbf: {  	[dreg:$0x4] =	wrdreg $0xA  }
0xc0: {  	_ =	task.clear_ibuf [dreg:s22], $0x5FFFF;
	_ =	strace $0x9000004F  }
0xc1: {  	s29 =	simm.s32 $0xA;
	_ =	strace $0x80000051  }
0xc2: {  	_ =	swait.ge [sflag:s29], $0x1  }
0xc3: {  	[sflag:s29] =	ssyncadd.s32 $0xFFFFFFFF  }
0xc4: {  	_ =	strace $0x90000051  }
0xc5: {  	_ =	sfence  }
0xc6: {  	s30 =	sld [smem:$0x0];
	_ =	sdelay $0x2  }
0xc7: {  	s31 =	sshll.u32 s1, $0xD;
	s1 =	sshrl.u32 s1, $0x2  }
0xc8: {  	s4 =	sand.u32 $0x4000, s31;
	s1 =	sadd.s32 s1, s30  }
0xc9: {  	s0 =	sor.u32 s4, s0;
	s1 =	sshll.u32 s1, $0x11  }
0xca: {  	s0 =	sor.u32 s1, s0  }
0xcb: {  	s0 =	sadd.s32 $0x8F2B, s0  }
0xcc: {  	[sflag:s0] =	ssyncadd.remote.s32 $0x1  }
0xcd: {  	_ =	sfence.sel $0xFFFF  }
0xce: {  	[dreg:$0x0] =	wrdreg $0xFFFFFFFF;
	(pc) =	sbr.abs _section_cstart, $3  }
0xcf: {  	[dreg:$0x1] =	wrdreg $0xFFFFFFFF  }
0xd0: {  	_ =	task.clear_ibuf [dreg:s22], $0x2FFFF;
	_ =	strace $0x9FFFFFFF  }
0xd1: {  	(tm) =	ssettm $0x7FFFFFFF  }
tec
execute0_lowered:
.L_overlay_start_1:
0x0: {  	(tag) =	ssettag $0x1  }
0x1: {  	s0 =	srdreg.scid;
	s1 =	rddreg [dreg:$0x0]  }
0x2: {  	s13 =	stileid.u32;
	s2 =	rddreg [dreg:$0x1];
	s16 =	simm.s32 $0x7  }
0x3: {  	s17 =	simm.s32 $0x2710;
	s20 =	simm.s32 $0x28;
	s28 =	simm.s32 $0x4  }
0x4: {  	s29 =	simm.s32 $0x3;
	s30 =	simm.s32 $0x5;
	s31 =	simm.s32 $0x6  }
0x5: {  	s0 =	sand.u32 $0x1, s0;
	s7 =	smul.u32 $0x13800, s13;
	s5 =	sadd.s32 $0x44400, s1  }
0x6: {  	s11 =	sadd.s32 $0xA1600, s1;
	s12 =	sadd.s32 $0xEF800, s1;
	s23 =	sadd.s32 $0x138000, s2  }
0x7: {  	p0 =	sne.s32 s13, $0xF;
	s26 =	sshll.u32 s13, $0x6;
	s3 =	sshll.u32 s0, $0x4  }
0x8: {  	s9 =	ssub.s32 $0x2, s0;
	s0 =	smul.u32 $0x138800, s0;
	s18 =	sor.u32 $0x1C07, s26  }
0x9: {  	s26 =	simm.s32 $0x2;
	s4 =	sor.u32 s13, s3;
	s3 =	simm.s32 $0x0  }
0xa: {  	s8 =	sshrl.u32 s7, $0x3;
	s10 =	sshrl.u32 s9, $0x1;
	s22 =	sadd.s32 s7, s2  }
0xb: {  	s6 =	smul.u32 $0x2710, s4;
	[smem:$0x7FF] =	sst s3;
	s4 =	sadd.s32 $0x1D200, s1  }
0xc: {  	s8 =	sadd.s32 s8, s1;
	s9 =	ssub.s32 s9, s10;
	s7 =	sadd.s32 s7, s0  }
0xd: {  	s0 =	sshrl.u32 s0, $0x3;
	s10 =	sadd.s32 $0xA1400, s1;
	s19 =	sshrl.u32 s22, $0x3  }
0xe: {  	s22 =	simm.s32 $0x6220;
	_ =	strace $0x80000050;
	s8 =	sadd.s32 $0x7A400, s8  }
0xf: {  	[dreg:$0x5] =	wrdreg s23;
	s24 =	sshrl.u32 s7, $0x3;
	s0 =	sadd.s32 $0x27000, s0  }
0x10: {  	s15 =	smax.u32 s9, $0x1;
	s23 =	simm.s32 $0x1;
	s7 =	sadd.s32 s11, s24  }
0x11: {  	s9 =	simm.s32 $0x0;
	s25 =	sadd.s32 s11, s0;
	[dreg:$0x6] =	wrdreg s7  }
0x12: {  	s6 =	sshrl.u32 s6, $0x3;
	s0 =	sadd.s32 s12, s0;
	[dreg:$0x7] =	wrdreg s25  }
0x13: {  	s6 =	sadd.s32 s6, s1;
	s1 =	sadd.s32 s12, s24;
	[dreg:$0x9] =	wrdreg s0  }
0x14: {  	s24 =	simm.s32 $0x50;
	s25 =	simm.s32 $0x7620;
	s0 =	simm.s32 $0x26E8  }
0x15: {  	s7 =	simm.s32 $0x4DF8;
	s21 =	sadd.s32 $0x9800, s6;
	[dreg:$0x8] =	wrdreg s1  }
0x16: {  	s6 =	sadd.s32 $0x13440, s6;
	s1 =	simm.s32 $0x4DA8;
	[dreg:$0x3] =	wrdreg s21  }
0x17: {  	[dreg:$0x4] =	wrdreg s6;
	s21 =	simm.s32 $0x4E20;
	s6 =	simm.s32 $0x4DD0  }
.LBB2_1:
0x18: {  	s11 =	rddreg [dreg:$0x3]  }
0x19: {  	[tilespmem:s3], [sflag:$0x7] =	stream.linear.gather [hbm4b:s11+s3], $0x2710, $0x38;
	[tilespmem:$0x1C2A0] =	vst v63  }
0x1a: {  	_ =	swait.ge [sflag:s16], $0x2710  }
0x1b: {  	[sflag:s16] =	ssyncset.done $0x0  }
0x1c: {  	s13 =	rddreg [dreg:$0x4];
	[sflag:s16] =	ssyncadd.s32 $0xFFFFD8F0  }
0x1d: {  	[tilespmem:s17], [sflag:$0x7] =	stream.linear.gather [hbm4b:s13+s3], $0x2710, $0x38;
	[tilespmem:$0x1C2A0] =	vst v63  }
0x1e: {  	_ =	swait.ge [sflag:s16], $0x2710  }
0x1f: {  	[sflag:s16] =	ssyncset.done $0x0  }
0x20: {  	[sflag:s16] =	ssyncadd.s32 $0xFFFFD8F0  }
0x21: {  	[spmem:s19], [sflag:s18] =	dma.local [hbm:s8], $0x2700  }
0x22: {  	_ =	swait.ge [sflag:s16], $0x2700  }
0x23: {  	[sflag:s16] =	ssyncset.done $0x0;
	s11 =	rddreg [dreg:$0x5]  }
0x24: {  	s12 =	simm.s32 @!p0 $0x7;
	[sflag:s16] =	ssyncadd.s32 $0xFFFFD900;
	s11 =	sshrl.u32 @!p0 s11, $0x3  }
0x25: {  	[spmem:s11], [sflag:s18] =	dma.local @!p0 [hbm:s10], $0x100  }
0x26: {  	_ =	swait.ge @!p0 [sflag:s12], $0x100  }
0x27: {  	[sflag:s12] =	ssyncset.done @!p0 $0x0  }
0x28: {  	[sflag:s12] =	ssyncadd.s32 @!p0 $0xFFFFFF00  }
0x29: {  	[bflag:$0x0] =	sbarrier.arrive $0xFFFF  }
0x2a: {  	[tilespmem:s21], [sflag:$0x1] =	stream.indirect.gather [hbm4b:s4+s20], $0x80, s3, s20, $0xb8;
	[tilespmem:$0x1C2A0] =	vst v63  }
0x2b: {  	_ = 	snop  }
0x2c: {  	[tilespmem:s22], [sflag:$0x2] =	stream.indirect.gather [hbm4b:s4+s20], $0x80, s20, s20, $0xb8;
	[tilespmem:$0x1C2A0] =	vst v63  }
0x2d: {  	_ =	swait.ge [sflag:s23], $0x1400  }
0x2e: {  	[sflag:s23] =	ssyncset.done $0x0  }
0x2f: {  	[sflag:s23] =	ssyncadd.s32 $0xFFFFEC00  }
0x30: {  	[spmem:s2] =	stream.indirect.scatter.add.f32 [tilespmem:s21], [sflag:$0x4], $0x80, s17, s20, $0xb8;
	[tilespmem:$0x1C2A0] =	vst v63  }
0x31: {  	_ = 	snop  }
0x32: {  	[tilespmem:s25], [sflag:$0x3] =	stream.indirect.gather [hbm4b:s4+s20], $0x80, s24, s20, $0xb8;
	[tilespmem:$0x1C2A0] =	vst v63  }
0x33: {  	_ =	swait.ge [sflag:s26], $0x1400  }
0x34: {  	[sflag:s26] =	ssyncset.done $0x0  }
0x35: {  	s14 =	simm.s32 $0x2738;
	[sflag:s26] =	ssyncadd.s32 $0xFFFFEC00  }
0x36: {  	[spmem:s2] =	stream.indirect.scatter.add.f32 [tilespmem:s22], [sflag:$0x5], $0x80, s14, s20, $0xb8;
	[tilespmem:$0x1C2A0] =	vst v63  }
0x37: {  	_ =	swait.ge [sflag:s28], $0x1400  }
0x38: {  	[sflag:s28] =	ssyncset.done $0x0  }
0x39: {  	s13 =	simm.s32 $0x78;
	[sflag:s28] =	ssyncadd.s32 $0xFFFFEC00  }
0x3a: {  	[tilespmem:s21], [sflag:$0x1] =	stream.indirect.gather [hbm4b:s4+s20], $0x80, s13, s20, $0xb8;
	[tilespmem:$0x1C2A0] =	vst v63  }
0x3b: {  	_ =	swait.ge [sflag:s29], $0x1400  }
0x3c: {  	[sflag:s29] =	ssyncset.done $0x0  }
0x3d: {  	s14 =	simm.s32 $0x2760;
	[sflag:s29] =	ssyncadd.s32 $0xFFFFEC00  }
0x3e: {  	[spmem:s2] =	stream.indirect.scatter.add.f32 [tilespmem:s25], [sflag:$0x6], $0x80, s14, s20, $0xb8;
	[tilespmem:$0x1C2A0] =	vst v63  }
0x3f: {  	_ =	swait.ge [sflag:s30], $0x1400  }
0x40: {  	[sflag:s30] =	ssyncset.done $0x0  }
0x41: {  	s13 =	simm.s32 $0xA0;
	[sflag:s30] =	ssyncadd.s32 $0xFFFFEC00  }
0x42: {  	[tilespmem:s22], [sflag:$0x2] =	stream.indirect.gather [hbm4b:s4+s20], $0x80, s13, s20, $0xb8;
	[tilespmem:$0x1C2A0] =	vst v63  }
0x43: {  	_ =	swait.ge [sflag:s23], $0x1400  }
0x44: {  	[sflag:s23] =	ssyncset.done $0x0  }
0x45: {  	s14 =	simm.s32 $0x2788;
	[sflag:s23] =	ssyncadd.s32 $0xFFFFEC00  }
0x46: {  	[spmem:s2] =	stream.indirect.scatter.add.f32 [tilespmem:s21], [sflag:$0x4], $0x80, s14, s20, $0xb8;
	[tilespmem:$0x1C2A0] =	vst v63  }
0x47: {  	_ =	swait.ge [sflag:s31], $0x1400  }
0x48: {  	[sflag:s31] =	ssyncset.done $0x0  }
0x49: {  	s12 =	simm.s32 $0x1E0;
	s13 =	simm.s32 $0xC8;
	[sflag:s31] =	ssyncadd.s32 $0xFFFFEC00  }
.LBB2_2:
0x4a: {  	[tilespmem:s25], [sflag:$0x3] =	stream.indirect.gather [hbm4b:s4+s20], $0x80, s13, s20, $0xb8;
	[tilespmem:$0x1C2A0] =	vst v63  }
0x4b: {  	s13 =	smov.u32 s12  }
0x4c: {  	p1 =	sne.s32 s12, $0x97E0;
	s12 =	sadd.s32 $0x1E0, s12;
	_ =	swait.ge [sflag:s26], $0x1400  }
0x4d: {  	s13 =	sshra.s32 s13, $0x2;
	[sflag:s26] =	ssyncset.done $0x0  }
0x4e: {  	s14 =	sadd.s32 $0x2738, s13;
	[sflag:s26] =	ssyncadd.s32 $0xFFFFEC00  }
0x4f: {  	[spmem:s2] =	stream.indirect.scatter.add.f32 [tilespmem:s22], [sflag:$0x5], $0x80, s14, s20, $0xb8;
	[tilespmem:$0x1C2A0] =	vst v63  }
0x50: {  	_ =	swait.ge [sflag:s28], $0x1400  }
0x51: {  	[sflag:s28] =	ssyncset.done $0x0  }
0x52: {  	s14 =	sadd.s32 $0x78, s13;
	[sflag:s28] =	ssyncadd.s32 $0xFFFFEC00  }
0x53: {  	[tilespmem:s21], [sflag:$0x1] =	stream.indirect.gather [hbm4b:s4+s20], $0x80, s14, s20, $0xb8;
	[tilespmem:$0x1C2A0] =	vst v63  }
0x54: {  	_ =	swait.ge [sflag:s29], $0x1400  }
0x55: {  	[sflag:s29] =	ssyncset.done $0x0  }
0x56: {  	s14 =	sadd.s32 $0x2760, s13;
	[sflag:s29] =	ssyncadd.s32 $0xFFFFEC00  }
0x57: {  	[spmem:s2] =	stream.indirect.scatter.add.f32 [tilespmem:s25], [sflag:$0x6], $0x80, s14, s20, $0xb8;
	[tilespmem:$0x1C2A0] =	vst v63  }
0x58: {  	_ =	swait.ge [sflag:s30], $0x1400  }
0x59: {  	[sflag:s30] =	ssyncset.done $0x0  }
0x5a: {  	s14 =	sadd.s32 $0xA0, s13;
	[sflag:s30] =	ssyncadd.s32 $0xFFFFEC00  }
0x5b: {  	[tilespmem:s22], [sflag:$0x2] =	stream.indirect.gather [hbm4b:s4+s20], $0x80, s14, s20, $0xb8;
	[tilespmem:$0x1C2A0] =	vst v63  }
0x5c: {  	_ =	swait.ge [sflag:s23], $0x1400  }
0x5d: {  	[sflag:s23] =	ssyncset.done $0x0  }
.Ltmp0:
0x5e: {  	s14 =	sadd.s32 $0x2788, s13;
	[sflag:s23] =	ssyncadd.s32 $0xFFFFEC00;
	(pc) =	sbr.rel @p1 .LBB2_2-.Ltmp0, $4  }
0x5f: {  	[spmem:s2] =	stream.indirect.scatter.add.f32 [tilespmem:s21], [sflag:$0x4], $0x80, s14, s20, $0xb8;
	[tilespmem:$0x1C2A0] =	vst v63  }
0x60: {  	_ =	swait.ge [sflag:s31], $0x1400  }
0x61: {  	[sflag:s31] =	ssyncset.done $0x0  }
0x62: {  	s13 =	sadd.s32 $0xC8, s13;
	[sflag:s31] =	ssyncadd.s32 $0xFFFFEC00  }
0x63: {  	[tilespmem:s25], [sflag:$0x3] =	stream.indirect.gather [hbm4b:s4+s20], $0x80, s13, s20, $0xb8;
	[tilespmem:$0x1C2A0] =	vst v63  }
0x64: {  	_ =	swait.ge [sflag:s26], $0x1400  }
0x65: {  	[sflag:s26] =	ssyncset.done $0x0  }
0x66: {  	[sflag:s26] =	ssyncadd.s32 $0xFFFFEC00  }
0x67: {  	[spmem:s2] =	stream.indirect.scatter.add.f32 [tilespmem:s22], [sflag:$0x5], $0x80, s1, s20, $0xb8;
	[tilespmem:$0x1C2A0] =	vst v63  }
0x68: {  	_ =	swait.ge [sflag:s28], $0x1400  }
0x69: {  	[sflag:s28] =	ssyncset.done $0x0  }
0x6a: {  	[sflag:s28] =	ssyncadd.s32 $0xFFFFEC00  }
0x6b: {  	[tilespmem:s21], [sflag:$0x1] =	stream.indirect.gather [hbm4b:s4+s20], $0x80, s0, s20, $0xb8;
	[tilespmem:$0x1C2A0] =	vst v63  }
0x6c: {  	_ =	swait.ge [sflag:s29], $0x1400  }
0x6d: {  	[sflag:s29] =	ssyncset.done $0x0  }
0x6e: {  	[sflag:s29] =	ssyncadd.s32 $0xFFFFEC00  }
0x6f: {  	[spmem:s2] =	stream.indirect.scatter.add.f32 [tilespmem:s25], [sflag:$0x6], $0x80, s6, s20, $0xb8;
	[tilespmem:$0x1C2A0] =	vst v63  }
0x70: {  	_ =	swait.ge [sflag:s23], $0x1400  }
0x71: {  	[sflag:s23] =	ssyncset.done $0x0  }
0x72: {  	[sflag:s23] =	ssyncadd.s32 $0xFFFFEC00  }
0x73: {  	[spmem:s2] =	stream.indirect.scatter.add.f32 [tilespmem:s21], [sflag:$0x4], $0x80, s7, s20, $0xb8;
	[tilespmem:$0x1C2A0] =	vst v63  }
0x74: {  	_ =	swait.ge [sflag:s28], $0x1400  }
0x75: {  	[sflag:s28] =	ssyncset.done $0x0  }
0x76: {  	[sflag:s28] =	ssyncadd.s32 $0xFFFFEC00  }
0x77: {  	_ =	swait.ge [sflag:s30], $0x1400  }
0x78: {  	[sflag:s30] =	ssyncset.done $0x0  }
0x79: {  	[sflag:s30] =	ssyncadd.s32 $0xFFFFEC00  }
0x7a: {  	_ =	swait.ge [sflag:s31], $0x1400  }
0x7b: {  	[sflag:s31] =	ssyncset.done $0x0  }
0x7c: {  	[sflag:s31] =	ssyncadd.s32 $0xFFFFEC00  }
0x7d: {  	[bflag:$0x0] =	sbarrier.arrive $0xFFFF  }
0x7e: {  	s12 =	rddreg [dreg:$0x6]  }
0x7f: {  	[hbm:s12], [sflag:s18] =	dma.local [spmem:s19], $0x2700  }
0x80: {  	_ =	swait.ge [sflag:s16], $0x2700  }
0x81: {  	[sflag:s16] =	ssyncset.done $0x0  }
0x82: {  	[sflag:s16] =	ssyncadd.s32 $0xFFFFD900  }
0x83: {  	[spmem:s19], [sflag:s18] =	dma.local [hbm:s8], $0x2700  }
0x84: {  	_ =	swait.ge [sflag:s16], $0x2700  }
0x85: {  	[sflag:s16] =	ssyncset.done $0x0  }
0x86: {  	s12 =	rddreg [dreg:$0x7];
	[sflag:s16] =	ssyncadd.s32 $0xFFFFD900  }
0x87: {  	[hbm:s12], [sflag:s18] =	dma.local @!p0 [spmem:s11], $0x100  }
0x88: {  	s12 =	simm.s32 @!p0 $0x7  }
0x89: {  	_ =	swait.ge @!p0 [sflag:s12], $0x100  }
0x8a: {  	[sflag:s12] =	ssyncset.done @!p0 $0x0  }
0x8b: {  	[sflag:s12] =	ssyncadd.s32 @!p0 $0xFFFFFF00  }
0x8c: {  	[spmem:s11], [sflag:s18] =	dma.local @!p0 [hbm:s10], $0x100  }
0x8d: {  	_ =	swait.ge @!p0 [sflag:s12], $0x100  }
0x8e: {  	[sflag:s12] =	ssyncset.done @!p0 $0x0  }
0x8f: {  	[sflag:s12] =	ssyncadd.s32 @!p0 $0xFFFFFF00  }
0x90: {  	s13 =	simm.s32 $0x0;
	[bflag:$0x0] =	sbarrier.arrive $0xFFFF  }
0x91: {  	[tilespmem:s21], [sflag:$0x1] =	stream.indirect.gather [hbm4b:s5+s20], $0x80, s13, s20, $0xb8;
	[tilespmem:$0x1C2A0] =	vst v63  }
0x92: {  	_ = 	snop  }
0x93: {  	[tilespmem:s22], [sflag:$0x2] =	stream.indirect.gather [hbm4b:s5+s20], $0x80, s20, s20, $0xb8;
	[tilespmem:$0x1C2A0] =	vst v63  }
0x94: {  	_ =	swait.ge [sflag:s23], $0x1400  }
0x95: {  	[sflag:s23] =	ssyncset.done $0x0  }
0x96: {  	[sflag:s23] =	ssyncadd.s32 $0xFFFFEC00  }
0x97: {  	[spmem:s2] =	stream.indirect.scatter.add.f32 [tilespmem:s21], [sflag:$0x4], $0x80, s17, s20, $0xb8;
	[tilespmem:$0x1C2A0] =	vst v63  }
0x98: {  	_ = 	snop  }
0x99: {  	[tilespmem:s25], [sflag:$0x3] =	stream.indirect.gather [hbm4b:s5+s20], $0x80, s24, s20, $0xb8;
	[tilespmem:$0x1C2A0] =	vst v63  }
0x9a: {  	_ =	swait.ge [sflag:s26], $0x1400  }
0x9b: {  	[sflag:s26] =	ssyncset.done $0x0  }
0x9c: {  	s14 =	simm.s32 $0x2738;
	[sflag:s26] =	ssyncadd.s32 $0xFFFFEC00  }
0x9d: {  	[spmem:s2] =	stream.indirect.scatter.add.f32 [tilespmem:s22], [sflag:$0x5], $0x80, s14, s20, $0xb8;
	[tilespmem:$0x1C2A0] =	vst v63  }
0x9e: {  	_ =	swait.ge [sflag:s28], $0x1400  }
0x9f: {  	[sflag:s28] =	ssyncset.done $0x0  }
0xa0: {  	s13 =	simm.s32 $0x78;
	[sflag:s28] =	ssyncadd.s32 $0xFFFFEC00  }
0xa1: {  	[tilespmem:s21], [sflag:$0x1] =	stream.indirect.gather [hbm4b:s5+s20], $0x80, s13, s20, $0xb8;
	[tilespmem:$0x1C2A0] =	vst v63  }
0xa2: {  	_ =	swait.ge [sflag:s29], $0x1400  }
0xa3: {  	[sflag:s29] =	ssyncset.done $0x0  }
0xa4: {  	s14 =	simm.s32 $0x2760;
	[sflag:s29] =	ssyncadd.s32 $0xFFFFEC00  }
0xa5: {  	[spmem:s2] =	stream.indirect.scatter.add.f32 [tilespmem:s25], [sflag:$0x6], $0x80, s14, s20, $0xb8;
	[tilespmem:$0x1C2A0] =	vst v63  }
0xa6: {  	_ =	swait.ge [sflag:s30], $0x1400  }
0xa7: {  	[sflag:s30] =	ssyncset.done $0x0  }
0xa8: {  	s13 =	simm.s32 $0xA0;
	[sflag:s30] =	ssyncadd.s32 $0xFFFFEC00  }
0xa9: {  	[tilespmem:s22], [sflag:$0x2] =	stream.indirect.gather [hbm4b:s5+s20], $0x80, s13, s20, $0xb8;
	[tilespmem:$0x1C2A0] =	vst v63  }
0xaa: {  	_ =	swait.ge [sflag:s23], $0x1400  }
0xab: {  	[sflag:s23] =	ssyncset.done $0x0  }
0xac: {  	s14 =	simm.s32 $0x2788;
	[sflag:s23] =	ssyncadd.s32 $0xFFFFEC00  }
0xad: {  	[spmem:s2] =	stream.indirect.scatter.add.f32 [tilespmem:s21], [sflag:$0x4], $0x80, s14, s20, $0xb8;
	[tilespmem:$0x1C2A0] =	vst v63  }
0xae: {  	_ =	swait.ge [sflag:s31], $0x1400  }
0xaf: {  	[sflag:s31] =	ssyncset.done $0x0  }
0xb0: {  	s12 =	simm.s32 $0x1E0;
	s13 =	simm.s32 $0xC8;
	[sflag:s31] =	ssyncadd.s32 $0xFFFFEC00  }
.LBB2_4:
0xb1: {  	[tilespmem:s25], [sflag:$0x3] =	stream.indirect.gather [hbm4b:s5+s20], $0x80, s13, s20, $0xb8;
	[tilespmem:$0x1C2A0] =	vst v63  }
0xb2: {  	s13 =	smov.u32 s12  }
0xb3: {  	p1 =	sne.s32 s12, $0x97E0;
	s12 =	sadd.s32 $0x1E0, s12;
	_ =	swait.ge [sflag:s26], $0x1400  }
0xb4: {  	s13 =	sshra.s32 s13, $0x2;
	[sflag:s26] =	ssyncset.done $0x0  }
0xb5: {  	s14 =	sadd.s32 $0x2738, s13;
	[sflag:s26] =	ssyncadd.s32 $0xFFFFEC00  }
0xb6: {  	[spmem:s2] =	stream.indirect.scatter.add.f32 [tilespmem:s22], [sflag:$0x5], $0x80, s14, s20, $0xb8;
	[tilespmem:$0x1C2A0] =	vst v63  }
0xb7: {  	_ =	swait.ge [sflag:s28], $0x1400  }
0xb8: {  	[sflag:s28] =	ssyncset.done $0x0  }
0xb9: {  	s14 =	sadd.s32 $0x78, s13;
	[sflag:s28] =	ssyncadd.s32 $0xFFFFEC00  }
0xba: {  	[tilespmem:s21], [sflag:$0x1] =	stream.indirect.gather [hbm4b:s5+s20], $0x80, s14, s20, $0xb8;
	[tilespmem:$0x1C2A0] =	vst v63  }
0xbb: {  	_ =	swait.ge [sflag:s29], $0x1400  }
0xbc: {  	[sflag:s29] =	ssyncset.done $0x0  }
0xbd: {  	s14 =	sadd.s32 $0x2760, s13;
	[sflag:s29] =	ssyncadd.s32 $0xFFFFEC00  }
0xbe: {  	[spmem:s2] =	stream.indirect.scatter.add.f32 [tilespmem:s25], [sflag:$0x6], $0x80, s14, s20, $0xb8;
	[tilespmem:$0x1C2A0] =	vst v63  }
0xbf: {  	_ =	swait.ge [sflag:s30], $0x1400  }
0xc0: {  	[sflag:s30] =	ssyncset.done $0x0  }
0xc1: {  	s14 =	sadd.s32 $0xA0, s13;
	[sflag:s30] =	ssyncadd.s32 $0xFFFFEC00  }
0xc2: {  	[tilespmem:s22], [sflag:$0x2] =	stream.indirect.gather [hbm4b:s5+s20], $0x80, s14, s20, $0xb8;
	[tilespmem:$0x1C2A0] =	vst v63  }
0xc3: {  	_ =	swait.ge [sflag:s23], $0x1400  }
0xc4: {  	[sflag:s23] =	ssyncset.done $0x0  }
.Ltmp1:
0xc5: {  	s14 =	sadd.s32 $0x2788, s13;
	[sflag:s23] =	ssyncadd.s32 $0xFFFFEC00;
	(pc) =	sbr.rel @p1 .LBB2_4-.Ltmp1, $4  }
0xc6: {  	[spmem:s2] =	stream.indirect.scatter.add.f32 [tilespmem:s21], [sflag:$0x4], $0x80, s14, s20, $0xb8;
	[tilespmem:$0x1C2A0] =	vst v63  }
0xc7: {  	_ =	swait.ge [sflag:s31], $0x1400  }
0xc8: {  	[sflag:s31] =	ssyncset.done $0x0  }
0xc9: {  	s13 =	sadd.s32 $0xC8, s13;
	[sflag:s31] =	ssyncadd.s32 $0xFFFFEC00  }
0xca: {  	[tilespmem:s25], [sflag:$0x3] =	stream.indirect.gather [hbm4b:s5+s20], $0x80, s13, s20, $0xb8;
	[tilespmem:$0x1C2A0] =	vst v63  }
0xcb: {  	_ =	swait.ge [sflag:s26], $0x1400  }
0xcc: {  	[sflag:s26] =	ssyncset.done $0x0  }
0xcd: {  	[sflag:s26] =	ssyncadd.s32 $0xFFFFEC00  }
0xce: {  	[spmem:s2] =	stream.indirect.scatter.add.f32 [tilespmem:s22], [sflag:$0x5], $0x80, s1, s20, $0xb8;
	[tilespmem:$0x1C2A0] =	vst v63  }
0xcf: {  	_ =	swait.ge [sflag:s28], $0x1400  }
0xd0: {  	[sflag:s28] =	ssyncset.done $0x0  }
0xd1: {  	[sflag:s28] =	ssyncadd.s32 $0xFFFFEC00  }
0xd2: {  	[tilespmem:s21], [sflag:$0x1] =	stream.indirect.gather [hbm4b:s5+s20], $0x80, s0, s20, $0xb8;
	[tilespmem:$0x1C2A0] =	vst v63  }
0xd3: {  	_ =	swait.ge [sflag:s29], $0x1400  }
0xd4: {  	[sflag:s29] =	ssyncset.done $0x0  }
0xd5: {  	[sflag:s29] =	ssyncadd.s32 $0xFFFFEC00  }
0xd6: {  	[spmem:s2] =	stream.indirect.scatter.add.f32 [tilespmem:s25], [sflag:$0x6], $0x80, s6, s20, $0xb8;
	[tilespmem:$0x1C2A0] =	vst v63  }
0xd7: {  	_ =	swait.ge [sflag:s23], $0x1400  }
0xd8: {  	[sflag:s23] =	ssyncset.done $0x0  }
0xd9: {  	[sflag:s23] =	ssyncadd.s32 $0xFFFFEC00  }
0xda: {  	[spmem:s2] =	stream.indirect.scatter.add.f32 [tilespmem:s21], [sflag:$0x4], $0x80, s7, s20, $0xb8;
	[tilespmem:$0x1C2A0] =	vst v63  }
0xdb: {  	_ =	swait.ge [sflag:s28], $0x1400  }
0xdc: {  	[sflag:s28] =	ssyncset.done $0x0  }
0xdd: {  	[sflag:s28] =	ssyncadd.s32 $0xFFFFEC00  }
0xde: {  	_ =	swait.ge [sflag:s30], $0x1400  }
0xdf: {  	[sflag:s30] =	ssyncset.done $0x0  }
0xe0: {  	[sflag:s30] =	ssyncadd.s32 $0xFFFFEC00  }
0xe1: {  	_ =	swait.ge [sflag:s31], $0x1400  }
0xe2: {  	[sflag:s31] =	ssyncset.done $0x0  }
0xe3: {  	[sflag:s31] =	ssyncadd.s32 $0xFFFFEC00  }
0xe4: {  	[bflag:$0x0] =	sbarrier.arrive $0xFFFF  }
0xe5: {  	s12 =	rddreg [dreg:$0x8]  }
0xe6: {  	[hbm:s12], [sflag:s18] =	dma.local [spmem:s19], $0x2700  }
0xe7: {  	_ =	swait.ge [sflag:s16], $0x2700  }
0xe8: {  	s9 =	sadd.s32 $0x1, s9;
	[sflag:s16] =	ssyncset.done $0x0  }
0xe9: {  	p1 =	sne.s32 s9, s15;
	s12 =	rddreg [dreg:$0x9];
	[sflag:s16] =	ssyncadd.s32 $0xFFFFD900  }
0xea: {  	[hbm:s12], [sflag:s18] =	dma.local @!p0 [spmem:s11], $0x100  }
.Ltmp2:
0xeb: {  	_ = 	snop;
	(pc) =	sbr.rel @p1 .LBB2_1-.Ltmp2, $4  }
0xec: {  	s11 =	simm.s32 @!p0 $0x7  }
0xed: {  	_ =	swait.ge @!p0 [sflag:s11], $0x100  }
0xee: {  	[sflag:s11] =	ssyncset.done @!p0 $0x0  }
0xef: {  	[sflag:s11] =	ssyncadd.s32 @!p0 $0xFFFFFF00  }
0xf0: {  	_ =	sfence.sel $0x180000  }
0xf1: {  	[bflag:$0x0] =	sbarrier.arrive $0xFFFF  }
0xf2: {  	_ =	strace $0x90000050  }
0xf3: {  	s0 =	stileid.u32;
	[bflag:$0x2] =	sbarrier.arrive $0xFFFF  }
0xf4: {  	p0 =	sne.s32 s0, $0x0;
	s0 =	rddreg [dreg:$0x2]  }
0xf5: {  	s0 =	sadd.s32 @!p0 $0x100000, s0  }
0xf6: {  	[sflag:s0] =	ssyncadd.tile.s32 @!p0 $0x1;
	_ =	shalt  }
.Lfunc_end2:
_tile_overlayer_lowered:
.L_overlay_start_2:
0xf7: {  	(tag) =	ssettag $0x2  }
0xf8: {  	s0 =	rddreg [dreg:$0x0];
	s2 =	stileid.u32  }
0xf9: {  	s1 =	rddreg [dreg:$0x1];
	p0 =	sne.s32 s2, $0x0  }
0xfa: {  	s3 =	rddreg [dreg:$0x2];
	[bflag:$0x3] =	sbarrier.arrive $0xFFFF;
	s2 =	simm.s32 @!p0 $0x1C07  }
0xfb: {  	[timem:s3], [sflag:s2] =	dma.local @!p0 [hbm:s0], s1  }
0xfc: {  	s0 =	simm.s32 @!p0 $0x7  }
0xfd: {  	_ =	swait.ge @!p0 [sflag:s0], s1  }
0xfe: {  	s1 =	ssub.s32 @!p0 $0x0, s1;
	[sflag:s0] =	ssyncset.done @!p0 $0x0  }
0xff: {  	[sflag:s0] =	ssyncadd.s32 @!p0 s1  }
0x100: {  	[bflag:$0x3] =	sbarrier.arrive $0xFFFF  }
0x101: {  	_ =	shalt  }

// kernel: kernel.25.cloned.1.call-start
scs
__scs_entry_jumppad:
0x0: {  	(pc) =	sbr.rel $0x88, $3  }
0x1: {  	(tag) =	ssettag $0x0;
	lr =	simm.s32 $0x1  }
0x2: {  	[smem:$0x3F8A] =	sst lr;
	_ =	strace $0xD0000000  }
0x3: {  	_ = 	snop  }
0x4: {  	_ = 	snop  }
0x5: {  	_ = 	snop  }
0x6: {  	_ = 	snop  }
0x7: {  	_ = 	snop  }
__scs_overlays_trampoline_lowered:
0x8: {  	[smem:$0x3F99] =	sst s0  }
0x9: {  	[smem:$0x3F9A] =	sst s1  }
0xa: {  	[smem:$0x3F9B] =	sst s2  }
0xb: {  	[smem:$0x3F9C] =	sst s3  }
0xc: {  	[smem:$0x3F9D] =	sst s4  }
0xd: {  	[smem:$0x3F9E] =	sst s5  }
0xe: {  	[smem:$0x3F9F] =	sst s6  }
0xf: {  	[smem:$0x3FA0] =	sst s7  }
0x10: {  	[smem:$0x3FA1] =	sst s8  }
0x11: {  	[smem:$0x3FA2] =	sst s9;
	s0 =	simm.s32 @!p0 $0x0  }
0x12: {  	s1 =	sld [smem:$0x3F88];
	s0 =	simm.s32 @p0 $0x1  }
0x13: {  	[smem:$0x3FA3] =	sst s0;
	s0 =	simm.s32 @!p1 $0x0  }
0x14: {  	s2 =	sld [smem:$0x3F87];
	s0 =	simm.s32 @p1 $0x1  }
0x15: {  	[smem:$0x3FA4] =	sst s0;
	s0 =	simm.s32 @!p2 $0x0  }
0x16: {  	s3 =	sld [smem:$0x3FDB];
	s0 =	simm.s32 @p2 $0x1  }
0x17: {  	s4 =	simm.s32 $0x1BF5;
	[smem:$0x3FA6] =	sst s0  }
0x18: {  	s0 =	sld [smem:$0x3F89];
	_ =	swait.ge [sflag:s4], $0x0  }
0x19: {  	s7 =	sld [smem:$0x3F8A]  }
0x1a: {  	s8 =	sadd.s32 $0xFFFFE003, lr  }
0x1b: {  	s9 =	sadd.s32 $0xFFFFFEF7, lr;
	s5 =	simm.s32 $0xFFFFFFFF;
	p2 =	slt.u32 s8, $0xFFFFF086  }
0x1c: {  	p1 =	slt.u32 s9, $0xF7A;
	s5 =	simm.s32 @!p2 $0x0  }
0x1d: {  	s5 =	simm.s32 @p1 $0x1;
	p0 =	seq.s32 s7, s2  }
0x1e: {  	s7 =	smul.u32 @!p0 $0xF7A, s2;
	p2 =	seq.s32 @!p0 s5, $0x0  }
0x1f: {  	s9 =	smul.u32 $0xF7A, s1;
	s8 =	simm.s32 @!p0 $0x1BF5;
	p2 =	por !p2, p0  }
0x20: {  	[sflag:s8] =	ssyncset.s32 @!p0 $0xFFFFF086;
	s6 =	sadd.s32 @!p0 s3, s7;
	s7 =	simm.s32 @!p0 $0x108  }
0x21: {  	s3 =	sadd.s32 s3, s9;
	s6 =	sadd.s32 @!p0 $0x88, s6;
	s7 =	simm.s32 @p2 $0x1082  }
0x22: {  	[simem:s7], [sflag:s8] =	dma.local @!p0 [hbm:s6], $0xF7A  }
0x23: {  	s9 =	sor.u32 $0xD0000000, s2;
	s6 =	simm.s32 $0x108;
	_ =	swait.ge @!p0 [sflag:s8], $0x0  }
0x24: {  	s3 =	sadd.s32 $0x88, s3;
	s6 =	simm.s32 @!p1 $0x1082;
	[sflag:s4] =	ssyncset.s32 $0xFFFFF086  }
0x25: {  	[simem:s6], [sflag:s4] =	dma.local [hbm:s3], $0xF7A  }
0x26: {  	[smem:$0x3F8A] =	sst s1;
	(tag) =	ssettag s2;
	_ =	strace s9  }
0x27: {  	s1 =	sld [smem:$0x3F9A]  }
0x28: {  	s2 =	sld [smem:$0x3F9B]  }
0x29: {  	s4 =	sld [smem:$0x3F9D]  }
0x2a: {  	p0 =	seq.s32 s5, $0x0;
	s5 =	sld [smem:$0x3F9E]  }
0x2b: {  	s6 =	sld [smem:$0x3F9F]  }
0x2c: {  	s7 =	sld [smem:$0x3FA0]  }
0x2d: {  	s3 =	simm.s32 $0x108;
	s8 =	sld [smem:$0x3FA1]  }
0x2e: {  	s3 =	simm.s32 @!p0 $0x1082;
	s9 =	sld [smem:$0x3FA2]  }
0x2f: {  	lr =	sadd.s32 s0, s3;
	s0 =	sld [smem:$0x3F99]  }
0x30: {  	s3 =	sld [smem:$0x3F9C]  }
0x31: {  	[smem:$0x3FA5] =	sst s10  }
0x32: {  	s10 =	sld [smem:$0x3FA3];
	_ =	sdelay $0x3  }
0x33: {  	p0 =	seq.s32 s10, $0x1;
	s10 =	sld [smem:$0x3FA5];
	_ =	sdelay $0x3  }
0x34: {  	[smem:$0x3FA5] =	sst s10  }
0x35: {  	s10 =	sld [smem:$0x3FA4];
	_ =	sdelay $0x3  }
0x36: {  	p1 =	seq.s32 s10, $0x1;
	s10 =	sld [smem:$0x3FA5];
	_ =	sdelay $0x3  }
0x37: {  	[smem:$0x3FA5] =	sst s10  }
0x38: {  	s10 =	sld [smem:$0x3FA6]  }
0x39: {  	_ = 	snop;
	(pc) =	sbr.ind lr, $3  }
0x3a: {  	_ = 	snop  }
0x3b: {  	_ = 	snop  }
0x3c: {  	p2 =	seq.s32 s10, $0x1;
	s10 =	sld [smem:$0x3FA5]  }
0x3d: {  	_ =	shalt  }
0x3e: {  	_ =	shalt  }
0x3f: {  	_ =	shalt  }
0x40: {  	_ =	shalt  }
0x41: {  	_ =	shalt  }
0x42: {  	_ =	shalt  }
0x43: {  	_ =	shalt  }
0x44: {  	_ =	shalt  }
0x45: {  	_ =	shalt  }
0x46: {  	_ =	shalt  }
0x47: {  	_ =	shalt  }
0x48: {  	_ =	shalt  }
0x49: {  	_ =	shalt  }
0x4a: {  	_ =	shalt  }
0x4b: {  	_ =	shalt  }
0x4c: {  	_ =	shalt  }
0x4d: {  	_ =	shalt  }
0x4e: {  	_ =	shalt  }
0x4f: {  	_ =	shalt  }
0x50: {  	_ =	shalt  }
0x51: {  	_ =	shalt  }
0x52: {  	_ =	shalt  }
0x53: {  	_ =	shalt  }
0x54: {  	_ =	shalt  }
0x55: {  	_ =	shalt  }
0x56: {  	_ =	shalt  }
0x57: {  	_ =	shalt  }
0x58: {  	_ =	shalt  }
0x59: {  	_ =	shalt  }
0x5a: {  	_ =	shalt  }
0x5b: {  	_ =	shalt  }
0x5c: {  	_ =	shalt  }
0x5d: {  	_ =	shalt  }
0x5e: {  	_ =	shalt  }
0x5f: {  	_ =	shalt  }
0x60: {  	_ =	shalt  }
0x61: {  	_ =	shalt  }
0x62: {  	_ =	shalt  }
0x63: {  	_ =	shalt  }
0x64: {  	_ =	shalt  }
0x65: {  	_ =	shalt  }
0x66: {  	_ =	shalt  }
0x67: {  	_ =	shalt  }
0x68: {  	_ =	shalt  }
0x69: {  	_ =	shalt  }
0x6a: {  	_ =	shalt  }
0x6b: {  	_ =	shalt  }
0x6c: {  	_ =	shalt  }
0x6d: {  	_ =	shalt  }
0x6e: {  	_ =	shalt  }
0x6f: {  	_ =	shalt  }
0x70: {  	_ =	shalt  }
0x71: {  	_ =	shalt  }
0x72: {  	_ =	shalt  }
0x73: {  	_ =	shalt  }
0x74: {  	_ =	shalt  }
0x75: {  	_ =	shalt  }
0x76: {  	_ =	shalt  }
0x77: {  	_ =	shalt  }
0x78: {  	_ =	shalt  }
0x79: {  	_ =	shalt  }
0x7a: {  	_ =	shalt  }
0x7b: {  	_ =	shalt  }
0x7c: {  	_ =	shalt  }
0x7d: {  	_ =	shalt  }
0x7e: {  	_ =	shalt  }
0x7f: {  	_ =	shalt  }
0x80: {  	_ =	shalt  }
0x81: {  	_ =	shalt  }
0x82: {  	_ =	shalt  }
0x83: {  	_ =	shalt  }
0x84: {  	_ =	shalt  }
0x85: {  	_ =	shalt  }
0x86: {  	_ =	shalt  }
0x87: {  	_ =	shalt  }
.Lfunc_end0:
.L_simem_size_0:
called_computation.4_lowered:
.L_overlay_start_0:
0x88: {  	s2 =	sld [smem:$0x3FD9]  }
0x89: {  	s3 =	sld [smem:$0x3FFE];
	_ =	sdelay $0x1  }
0x8a: {  	s1 =	srdreg.scid  }
0x8b: {  	s0 =	sand.u32 $0x1, s1  }
0x8c: {  	s15 =	sshll.u32 s0, $0xA;
	s2 =	sadd.s32 s3, s2  }
0x8d: {  	s2 =	sadd.s32 s2, s15  }
0x8e: {  	[smem:$0x3FB1] =	sst s2  }
0x8f: {  	_ = 	snop  }
0x90: {  	s2 =	sld [smem:$0x3FD0];
	_ =	sdelay $0x2  }
0x91: {  	s16 =	simm.s32 $0xC;
	s4 =	simm.s32 $0x10  }
0x92: {  	[smem:s4], [sflag:s16] =	dma.local [hbm:s2], $0x1  }
0x93: {  	_ =	swait.eq [sflag:s16], $0x1  }
0x94: {  	[sflag:s16] =	ssyncset.done $0x0  }
0x95: {  	[sflag:s16] =	ssyncadd.s32 $0xFFFFFFFF  }
0x96: {  	s17 =	sld [smem:$0x13];
	(tm) =	ssettm $0x1  }
0x97: {  	s18 =	sld [smem:$0x3FFB];
	_ =	sdelay $0x3  }
0x98: {  	_ =	strace s18  }
0x99: {  	s2 =	sld [smem:$0x3FFC];
	_ =	sdelay $0x3  }
0x9a: {  	_ =	strace s2  }
0x9b: {  	s2 =	sld [smem:$0x3FFD];
	_ =	sdelay $0x3  }
0x9c: {  	_ =	strace s2  }
0x9d: {  	_ =	strace $0x8FFFFFFF  }
0x9e: {  	s19 =	sld [smem:$0x3FDB];
	_ =	sdelay $0x1  }
0x9f: {  	s20 =	simm.s32 $_scs_section_size  }
0xa0: {  	s5 =	simm.s32 $_size__tile_overlayer_lowered;
	s6 =	simm.s32 $_tile_overlayer_lowered  }
0xa1: {  	s7 =	simm.s32 $0x1BFF;
	s21 =	sshll.u32 s6, $0x1;
	s4 =	sadd.s32 s20, s19  }
0xa2: {  	s22 =	simm.s32 $0x0;
	s5 =	sshll.u32 s5, $0x1;
	s6 =	sadd.s32 s21, s4  }
0xa3: {  	[timem:s22], [sflag:s7] =	dma.local [hbm:s6], s5  }
0xa4: {  	_ =	swait.ge [sflag:s7], s5  }
0xa5: {  	s5 =	ssub.s32 $0x0, s5;
	[sflag:s7] =	ssyncset.done $0x0  }
0xa6: {  	[sflag:s7] =	ssyncadd.s32 s5;
	_ =	sdelay $0x1  }
0xa7: {  	s23 =	simm.s32 $0x1B8B  }
0xa8: {  	_ =	swait.ge [sflag:s23], $0x1  }
0xa9: {  	[sflag:s23] =	ssyncset.done $0x0  }
0xaa: {  	[sflag:s23] =	ssyncadd.s32 $0xFFFFFFFF  }
0xab: {  	s5 =	sld [smem:$0x0]  }
0xac: {  	s6 =	sand.u32 $0xFFFFFFFE, s1  }
0xad: {  	p0 =	sne.s32 s1, s6  }
0xae: {  	s6 =	sshll.u32 @p0 s6, $0xE  }
0xaf: {  	s6 =	sadd.s32 @p0 $0x11B8D, s6;
	s7 =	sshll.u32 @p0 s5, $0x11  }
0xb0: {  	s6 =	sor.u32 @p0 s7, s6  }
0xb1: {  	[sflag:s6] =	ssyncadd.remote.s32 @p0 $0x1;
	_ =	sdelay $0x1  }
0xb2: {  	s6 =	simm.s32 @p0 $0x1B8D  }
0xb3: {  	_ =	swait.eq @p0 [sflag:s6], $0x1  }
0xb4: {  	[sflag:s6] =	ssyncadd.s32 @p0 $0xFFFFFFFF  }
0xb5: {  	s7 =	sshll.u32 @!p0 s1, $0xE  }
0xb6: {  	s7 =	sor.u32 @!p0 $0x4000, s7;
	s6 =	simm.s32 @!p0 $0x1B8D  }
0xb7: {  	s5 =	sshll.u32 @!p0 s5, $0x11;
	s7 =	sadd.s32 @!p0 $0x11B8D, s7;
	_ =	swait.eq @!p0 [sflag:s6], $0x1  }
0xb8: {  	s5 =	sor.u32 @!p0 s5, s7;
	[sflag:s6] =	ssyncadd.s32 @!p0 $0xFFFFFFFF  }
0xb9: {  	s25 =	simm.s32 $0x1B8E;
	s24 =	sld [smem:$0x3FFE];
	[sflag:s5] =	ssyncadd.remote.s32 @!p0 $0x1  }
0xba: {  	s26 =	simm.s32 $execute0_lowered;
	[smem:$0x3FD2] =	sst s25  }
0xbb: {  	s6 =	sshll.u32 s26, $0x1;
	_ =	strace $0x80000052;
	[dreg:$0x1] =	wrdreg $0xFFFFFFFF  }
0xbc: {  	s28 =	simm.s32 $_size_execute0_lowered;
	s4 =	sadd.s32 s4, s6;
	[dreg:$0x0] =	wrdreg $0x0  }
0xbd: {  	s6 =	sshll.u32 s28, $0x1;
	[dreg:$0x2] =	wrdreg s4  }
0xbe: {  	[dreg:$0x3] =	wrdreg s6  }
0xbf: {  	[dreg:$0x4] =	wrdreg $0xC0  }
0xc0: {  	_ =	task [dreg:s22], $0x5FFFF  }
0xc1: {  	[dreg:$0x1] =	wrdreg $0xFFFFFFFF  }
0xc2: {  	[dreg:$0x0] =	wrdreg $0x60  }
0xc3: {  	[dreg:$0x2] =	wrdreg s17  }
0xc4: {  	[dreg:$0x3] =	wrdreg s24  }
0xc5: {  	[dreg:$0x4] =	wrdreg $0x8A200  }
0xc6: {  	[dreg:$0x5] =	wrdreg $0x9  }
0xc7: {  	_ =	task.clear_ibuf [dreg:s22], $0x6FFFF;
	_ =	strace $0x90000052  }
0xc8: {  	s29 =	simm.s32 $0x9;
	_ =	strace $0x80000054  }
0xc9: {  	_ =	swait.ge [sflag:s29], $0x1  }
0xca: {  	[sflag:s29] =	ssyncadd.s32 $0xFFFFFFFF  }
0xcb: {  	_ =	strace $0x90000054  }
0xcc: {  	_ =	sfence  }
0xcd: {  	s30 =	sld [smem:$0x0];
	_ =	sdelay $0x2  }
0xce: {  	s31 =	sshll.u32 s1, $0xD;
	s1 =	sshrl.u32 s1, $0x2  }
0xcf: {  	s4 =	sand.u32 $0x4000, s31;
	s1 =	sadd.s32 s1, s30  }
0xd0: {  	s0 =	sor.u32 s4, s0;
	s1 =	sshll.u32 s1, $0x11  }
0xd1: {  	s0 =	sor.u32 s1, s0  }
0xd2: {  	s0 =	sadd.s32 $0x8F2B, s0  }
0xd3: {  	[sflag:s0] =	ssyncadd.remote.s32 $0x1  }
0xd4: {  	_ =	sfence.sel $0xFFFF  }
0xd5: {  	[dreg:$0x0] =	wrdreg $0xFFFFFFFF;
	(pc) =	sbr.abs _section_cstart, $3  }
0xd6: {  	[dreg:$0x1] =	wrdreg $0xFFFFFFFF  }
0xd7: {  	_ =	task.clear_ibuf [dreg:s22], $0x2FFFF;
	_ =	strace $0x9FFFFFFF  }
0xd8: {  	(tm) =	ssettm $0x7FFFFFFF  }
0xd9: {  	_ =	shalt  }
tec
execute0_lowered:
.L_overlay_start_1:
0x0: {  	(tag) =	ssettag $0x1  }
0x1: {  	s0 =	srdreg.scid;
	s1 =	rddreg [dreg:$0x0]  }
0x2: {  	s2 =	rddreg [dreg:$0x1];
	s13 =	stileid.u32  }
0x3: {  	s3 =	rddreg [dreg:$0x2];
	s17 =	simm.s32 $0x28;
	s18 =	simm.s32 $0x4E20  }
0x4: {  	s19 =	simm.s32 $0x6220;
	s20 =	simm.s32 $0x1;
	s22 =	simm.s32 $0x7620  }
0x5: {  	s23 =	simm.s32 $0x2;
	s24 =	simm.s32 $0x4;
	s25 =	simm.s32 $0x3  }
0x6: {  	s28 =	simm.s32 $0x6;
	s31 =	simm.s32 $0x4DD0;
	s0 =	sand.u32 $0x1, s0  }
0x7: {  	s8 =	smul.u32 $0x13800, s13;
	s11 =	sadd.s32 $0x13DA00, s2;
	s16 =	sadd.s32 $0x138000, s3  }
0x8: {  	p0 =	sne.s32 s13, $0xF;
	s30 =	sshll.u32 s13, $0x6;
	s4 =	sshll.u32 s0, $0x4  }
0x9: {  	s7 =	ssub.s32 $0x2, s0;
	s0 =	smul.u32 $0x138800, s0;
	s14 =	sor.u32 $0x1C07, s30  }
0xa: {  	s16 =	sshrl.u32 @!p0 s16, $0x3;
	s5 =	sor.u32 s13, s4;
	s4 =	simm.s32 $0x0  }
0xb: {  	s6 =	sshrl.u32 s8, $0x3;
	s26 =	sshrl.u32 s7, $0x1;
	s15 =	sadd.s32 s8, s3  }
0xc: {  	s13 =	simm.s32 $0x2710;
	s5 =	smul.u32 $0x2710, s5;
	[smem:$0x7FF] =	sst s4  }
0xd: {  	s10 =	sadd.s32 s6, s2;
	s12 =	ssub.s32 s7, s26;
	s8 =	sadd.s32 s8, s0  }
0xe: {  	s0 =	sshrl.u32 s0, $0x3;
	s15 =	sshrl.u32 s15, $0x3;
	s26 =	simm.s32 $0x5  }
0xf: {  	_ =	strace $0x80000053;
	s7 =	sadd.s32 $0x7A400, s10;
	s29 =	sshrl.u32 s8, $0x3  }
0x10: {  	s0 =	sadd.s32 s11, s0;
	s8 =	sadd.s32 $0xA1400, s2;
	s5 =	sshrl.u32 s5, $0x3  }
0x11: {  	s10 =	sadd.s32 $0x27000, s0;
	s0 =	simm.s32 $0x0;
	s9 =	sadd.s32 s5, s2  }
0x12: {  	s2 =	simm.s32 $0x4DF8;
	s5 =	sadd.s32 $0x9800, s9;
	s6 =	sadd.s32 $0x13440, s9  }
0x13: {  	s9 =	sadd.s32 s11, s29;
	s11 =	smax.u32 s12, $0x1;
	s12 =	simm.s32 $0x7  }
.LBB2_1:
0x14: {  	[tilespmem:s4], [sflag:$0x7] =	stream.linear.gather [hbm4b:s5+s4], $0x2710, $0x38;
	[tilespmem:$0x1C2A0] =	vst v63  }
0x15: {  	_ =	swait.ge [sflag:s12], $0x2710  }
0x16: {  	[sflag:s12] =	ssyncset.done $0x0  }
0x17: {  	[sflag:s12] =	ssyncadd.s32 $0xFFFFD8F0  }
0x18: {  	[tilespmem:s13], [sflag:$0x7] =	stream.linear.gather [hbm4b:s6+s4], $0x2710, $0x38;
	[tilespmem:$0x1C2A0] =	vst v63  }
0x19: {  	_ =	swait.ge [sflag:s12], $0x2710  }
0x1a: {  	[sflag:s12] =	ssyncset.done $0x0  }
0x1b: {  	[sflag:s12] =	ssyncadd.s32 $0xFFFFD8F0  }
0x1c: {  	[spmem:s15], [sflag:s14] =	dma.local [hbm:s7], $0x2700  }
0x1d: {  	_ =	swait.ge [sflag:s12], $0x2700  }
0x1e: {  	[sflag:s12] =	ssyncset.done $0x0  }
0x1f: {  	s21 =	simm.s32 @!p0 $0x7;
	[sflag:s12] =	ssyncadd.s32 $0xFFFFD900  }
0x20: {  	[spmem:s16], [sflag:s14] =	dma.local @!p0 [hbm:s8], $0x100  }
0x21: {  	_ =	swait.ge @!p0 [sflag:s21], $0x100  }
0x22: {  	[sflag:s21] =	ssyncset.done @!p0 $0x0  }
0x23: {  	[sflag:s21] =	ssyncadd.s32 @!p0 $0xFFFFFF00  }
0x24: {  	[bflag:$0x0] =	sbarrier.arrive $0xFFFF  }
0x25: {  	[tilespmem:s18], [sflag:$0x1] =	stream.indirect.gather [hbm4b:s1+s17], $0x80, s4, s17, $0xb8;
	[tilespmem:$0x1C2A0] =	vst v63  }
0x26: {  	_ = 	snop  }
0x27: {  	[tilespmem:s19], [sflag:$0x2] =	stream.indirect.gather [hbm4b:s1+s17], $0x80, s17, s17, $0xb8;
	[tilespmem:$0x1C2A0] =	vst v63  }
0x28: {  	_ =	swait.ge [sflag:s20], $0x1400  }
0x29: {  	[sflag:s20] =	ssyncset.done $0x0  }
0x2a: {  	[sflag:s20] =	ssyncadd.s32 $0xFFFFEC00  }
0x2b: {  	[spmem:s3] =	stream.indirect.scatter.add.f32 [tilespmem:s18], [sflag:$0x4], $0x80, s13, s17, $0xb8;
	[tilespmem:$0x1C2A0] =	vst v63  }
0x2c: {  	s30 =	simm.s32 $0x50  }
0x2d: {  	[tilespmem:s22], [sflag:$0x3] =	stream.indirect.gather [hbm4b:s1+s17], $0x80, s30, s17, $0xb8;
	[tilespmem:$0x1C2A0] =	vst v63  }
0x2e: {  	_ =	swait.ge [sflag:s23], $0x1400  }
0x2f: {  	[sflag:s23] =	ssyncset.done $0x0  }
0x30: {  	s30 =	simm.s32 $0x2738;
	[sflag:s23] =	ssyncadd.s32 $0xFFFFEC00  }
0x31: {  	[spmem:s3] =	stream.indirect.scatter.add.f32 [tilespmem:s19], [sflag:$0x5], $0x80, s30, s17, $0xb8;
	[tilespmem:$0x1C2A0] =	vst v63  }
0x32: {  	_ =	swait.ge [sflag:s24], $0x1400  }
0x33: {  	[sflag:s24] =	ssyncset.done $0x0  }
0x34: {  	s30 =	simm.s32 $0x78;
	[sflag:s24] =	ssyncadd.s32 $0xFFFFEC00  }
0x35: {  	[tilespmem:s18], [sflag:$0x1] =	stream.indirect.gather [hbm4b:s1+s17], $0x80, s30, s17, $0xb8;
	[tilespmem:$0x1C2A0] =	vst v63  }
0x36: {  	_ =	swait.ge [sflag:s25], $0x1400  }
0x37: {  	[sflag:s25] =	ssyncset.done $0x0  }
0x38: {  	s30 =	simm.s32 $0x2760;
	[sflag:s25] =	ssyncadd.s32 $0xFFFFEC00  }
0x39: {  	[spmem:s3] =	stream.indirect.scatter.add.f32 [tilespmem:s22], [sflag:$0x6], $0x80, s30, s17, $0xb8;
	[tilespmem:$0x1C2A0] =	vst v63  }
0x3a: {  	_ =	swait.ge [sflag:s26], $0x1400  }
0x3b: {  	[sflag:s26] =	ssyncset.done $0x0  }
0x3c: {  	s30 =	simm.s32 $0xA0;
	[sflag:s26] =	ssyncadd.s32 $0xFFFFEC00  }
0x3d: {  	[tilespmem:s19], [sflag:$0x2] =	stream.indirect.gather [hbm4b:s1+s17], $0x80, s30, s17, $0xb8;
	[tilespmem:$0x1C2A0] =	vst v63  }
0x3e: {  	_ =	swait.ge [sflag:s20], $0x1400  }
0x3f: {  	[sflag:s20] =	ssyncset.done $0x0  }
0x40: {  	s30 =	simm.s32 $0x2788;
	[sflag:s20] =	ssyncadd.s32 $0xFFFFEC00  }
0x41: {  	[spmem:s3] =	stream.indirect.scatter.add.f32 [tilespmem:s18], [sflag:$0x4], $0x80, s30, s17, $0xb8;
	[tilespmem:$0x1C2A0] =	vst v63  }
0x42: {  	_ =	swait.ge [sflag:s28], $0x1400  }
0x43: {  	[sflag:s28] =	ssyncset.done $0x0  }
0x44: {  	s29 =	simm.s32 $0xC8;
	s21 =	simm.s32 $0x1E0;
	[sflag:s28] =	ssyncadd.s32 $0xFFFFEC00  }
.LBB2_2:
0x45: {  	[tilespmem:s22], [sflag:$0x3] =	stream.indirect.gather [hbm4b:s1+s17], $0x80, s29, s17, $0xb8;
	[tilespmem:$0x1C2A0] =	vst v63  }
0x46: {  	s29 =	smov.u32 s21  }
0x47: {  	p1 =	sne.s32 s21, $0x97E0;
	s21 =	sadd.s32 $0x1E0, s21;
	_ =	swait.ge [sflag:s23], $0x1400  }
0x48: {  	s29 =	sshra.s32 s29, $0x2;
	[sflag:s23] =	ssyncset.done $0x0  }
0x49: {  	s30 =	sadd.s32 $0x2738, s29;
	[sflag:s23] =	ssyncadd.s32 $0xFFFFEC00  }
0x4a: {  	[spmem:s3] =	stream.indirect.scatter.add.f32 [tilespmem:s19], [sflag:$0x5], $0x80, s30, s17, $0xb8;
	[tilespmem:$0x1C2A0] =	vst v63  }
0x4b: {  	_ =	swait.ge [sflag:s24], $0x1400  }
0x4c: {  	[sflag:s24] =	ssyncset.done $0x0  }
0x4d: {  	s30 =	sadd.s32 $0x78, s29;
	[sflag:s24] =	ssyncadd.s32 $0xFFFFEC00  }
0x4e: {  	[tilespmem:s18], [sflag:$0x1] =	stream.indirect.gather [hbm4b:s1+s17], $0x80, s30, s17, $0xb8;
	[tilespmem:$0x1C2A0] =	vst v63  }
0x4f: {  	_ =	swait.ge [sflag:s25], $0x1400  }
0x50: {  	[sflag:s25] =	ssyncset.done $0x0  }
0x51: {  	s30 =	sadd.s32 $0x2760, s29;
	[sflag:s25] =	ssyncadd.s32 $0xFFFFEC00  }
0x52: {  	[spmem:s3] =	stream.indirect.scatter.add.f32 [tilespmem:s22], [sflag:$0x6], $0x80, s30, s17, $0xb8;
	[tilespmem:$0x1C2A0] =	vst v63  }
0x53: {  	_ =	swait.ge [sflag:s26], $0x1400  }
0x54: {  	[sflag:s26] =	ssyncset.done $0x0  }
0x55: {  	s30 =	sadd.s32 $0xA0, s29;
	[sflag:s26] =	ssyncadd.s32 $0xFFFFEC00  }
0x56: {  	[tilespmem:s19], [sflag:$0x2] =	stream.indirect.gather [hbm4b:s1+s17], $0x80, s30, s17, $0xb8;
	[tilespmem:$0x1C2A0] =	vst v63  }
0x57: {  	_ =	swait.ge [sflag:s20], $0x1400  }
0x58: {  	[sflag:s20] =	ssyncset.done $0x0  }
.Ltmp0:
0x59: {  	s30 =	sadd.s32 $0x2788, s29;
	[sflag:s20] =	ssyncadd.s32 $0xFFFFEC00;
	(pc) =	sbr.rel @p1 .LBB2_2-.Ltmp0, $4  }
0x5a: {  	[spmem:s3] =	stream.indirect.scatter.add.f32 [tilespmem:s18], [sflag:$0x4], $0x80, s30, s17, $0xb8;
	[tilespmem:$0x1C2A0] =	vst v63  }
0x5b: {  	_ =	swait.ge [sflag:s28], $0x1400  }
0x5c: {  	[sflag:s28] =	ssyncset.done $0x0  }
0x5d: {  	s29 =	sadd.s32 $0xC8, s29;
	[sflag:s28] =	ssyncadd.s32 $0xFFFFEC00  }
0x5e: {  	[tilespmem:s22], [sflag:$0x3] =	stream.indirect.gather [hbm4b:s1+s17], $0x80, s29, s17, $0xb8;
	[tilespmem:$0x1C2A0] =	vst v63  }
0x5f: {  	_ =	swait.ge [sflag:s23], $0x1400  }
0x60: {  	[sflag:s23] =	ssyncset.done $0x0  }
0x61: {  	s21 =	simm.s32 $0x4DA8;
	[sflag:s23] =	ssyncadd.s32 $0xFFFFEC00  }
0x62: {  	[spmem:s3] =	stream.indirect.scatter.add.f32 [tilespmem:s19], [sflag:$0x5], $0x80, s21, s17, $0xb8;
	[tilespmem:$0x1C2A0] =	vst v63  }
0x63: {  	_ =	swait.ge [sflag:s24], $0x1400  }
0x64: {  	[sflag:s24] =	ssyncset.done $0x0  }
0x65: {  	s30 =	simm.s32 $0x26E8;
	[sflag:s24] =	ssyncadd.s32 $0xFFFFEC00  }
0x66: {  	[tilespmem:s18], [sflag:$0x1] =	stream.indirect.gather [hbm4b:s1+s17], $0x80, s30, s17, $0xb8;
	[tilespmem:$0x1C2A0] =	vst v63  }
0x67: {  	_ =	swait.ge [sflag:s25], $0x1400  }
0x68: {  	[sflag:s25] =	ssyncset.done $0x0  }
0x69: {  	[sflag:s25] =	ssyncadd.s32 $0xFFFFEC00  }
0x6a: {  	[spmem:s3] =	stream.indirect.scatter.add.f32 [tilespmem:s22], [sflag:$0x6], $0x80, s31, s17, $0xb8;
	[tilespmem:$0x1C2A0] =	vst v63  }
0x6b: {  	_ =	swait.ge [sflag:s20], $0x1400  }
0x6c: {  	[sflag:s20] =	ssyncset.done $0x0  }
0x6d: {  	[sflag:s20] =	ssyncadd.s32 $0xFFFFEC00  }
0x6e: {  	[spmem:s3] =	stream.indirect.scatter.add.f32 [tilespmem:s18], [sflag:$0x4], $0x80, s2, s17, $0xb8;
	[tilespmem:$0x1C2A0] =	vst v63  }
0x6f: {  	_ =	swait.ge [sflag:s24], $0x1400  }
0x70: {  	[sflag:s24] =	ssyncset.done $0x0  }
0x71: {  	[sflag:s24] =	ssyncadd.s32 $0xFFFFEC00  }
0x72: {  	_ =	swait.ge [sflag:s26], $0x1400  }
0x73: {  	[sflag:s26] =	ssyncset.done $0x0  }
0x74: {  	[sflag:s26] =	ssyncadd.s32 $0xFFFFEC00  }
0x75: {  	_ =	swait.ge [sflag:s28], $0x1400  }
0x76: {  	[sflag:s28] =	ssyncset.done $0x0  }
0x77: {  	[sflag:s28] =	ssyncadd.s32 $0xFFFFEC00  }
0x78: {  	[bflag:$0x0] =	sbarrier.arrive $0xFFFF  }
0x79: {  	[hbm:s9], [sflag:s14] =	dma.local [spmem:s15], $0x2700  }
0x7a: {  	s0 =	sadd.s32 $0x1, s0;
	_ =	swait.ge [sflag:s12], $0x2700  }
0x7b: {  	p1 =	sne.s32 s0, s11;
	[sflag:s12] =	ssyncset.done $0x0  }
.Ltmp1:
0x7c: {  	s21 =	simm.s32 @!p0 $0x7;
	[sflag:s12] =	ssyncadd.s32 $0xFFFFD900;
	(pc) =	sbr.rel @p1 .LBB2_1-.Ltmp1, $4  }
0x7d: {  	[hbm:s10], [sflag:s14] =	dma.local @!p0 [spmem:s16], $0x100  }
0x7e: {  	_ =	swait.ge @!p0 [sflag:s21], $0x100  }
0x7f: {  	[sflag:s21] =	ssyncset.done @!p0 $0x0  }
0x80: {  	[sflag:s21] =	ssyncadd.s32 @!p0 $0xFFFFFF00  }
0x81: {  	_ =	sfence.sel $0x180000  }
0x82: {  	[bflag:$0x0] =	sbarrier.arrive $0xFFFF  }
0x83: {  	_ =	strace $0x90000053  }
0x84: {  	s0 =	stileid.u32;
	[bflag:$0x2] =	sbarrier.arrive $0xFFFF  }
0x85: {  	p0 =	sne.s32 s0, $0x0;
	s0 =	rddreg [dreg:$0x3]  }
0x86: {  	s0 =	sadd.s32 @!p0 $0x100000, s0  }
0x87: {  	[sflag:s0] =	ssyncadd.tile.s32 @!p0 $0x1;
	_ =	shalt  }
.Lfunc_end2:
_tile_overlayer_lowered:
.L_overlay_start_2:
0x88: {  	(tag) =	ssettag $0x2  }
0x89: {  	s0 =	rddreg [dreg:$0x0];
	s2 =	stileid.u32  }
0x8a: {  	s1 =	rddreg [dreg:$0x1];
	p0 =	sne.s32 s2, $0x0  }
0x8b: {  	s3 =	rddreg [dreg:$0x2];
	[bflag:$0x3] =	sbarrier.arrive $0xFFFF;
	s2 =	simm.s32 @!p0 $0x1C07  }
0x8c: {  	[timem:s3], [sflag:s2] =	dma.local @!p0 [hbm:s0], s1  }
0x8d: {  	s0 =	simm.s32 @!p0 $0x7  }
0x8e: {  	_ =	swait.ge @!p0 [sflag:s0], s1  }
0x8f: {  	s1 =	ssub.s32 @!p0 $0x0, s1;
	[sflag:s0] =	ssyncset.done @!p0 $0x0  }
0x90: {  	[sflag:s0] =	ssyncadd.s32 @!p0 s1  }
0x91: {  	[bflag:$0x3] =	sbarrier.arrive $0xFFFF  }
0x92: {  	_ =	shalt  }

</sc_bundles>
